<compile_context>
chip_gen: v7x
topology: tpu7x:2x2x1
jax: 0.10.2.dev20260603
libtpu: 0.0.44.dev20260713+nightly
codegen_flags: <defaults>
</compile_context>

<pallas_src>
import functools
import jax
import jax.numpy as jnp
from jax import lax
from jax.experimental import pallas as pl
from jax.experimental.pallas import tpu as pltpu
from jax.experimental.pallas import tpu_sc as plsc

N = 10000
D = 128
E = 320000

NC = 2
NS = 16
NW = NC * NS
CHUNK = 32
E_PAD = 327680
EPW = E_PAD // NW
N_CHUNKS = EPW // CHUNK
N_PAD = 10240
ROWS_PER_TILE = N_PAD // NS

_sc_mesh = plsc.VectorSubcoreMesh(core_axis_name="c", subcore_axis_name="s")

NBUF = 8
GROUPS = N_CHUNKS // NBUF

_scratch = [pltpu.VMEM((EPW,), jnp.int32)]
for _ in range(NBUF):
    _scratch.append(pltpu.VMEM((CHUNK,), jnp.int32))
    _scratch.append(pltpu.VMEM((CHUNK, D), jnp.float32))
_scratch.append(pltpu.VMEM_SHARED((N_PAD, D), jnp.float32))
_scratch.extend([pltpu.SemaphoreType.DMA] * (3 * NBUF + 1))


@functools.partial(
    pl.kernel,
    out_type=jax.ShapeDtypeStruct((NC, N_PAD, D), jnp.float32),
    mesh=_sc_mesh,
    scratch_types=_scratch,
)
def _sc_segment_sum(g_hbm, src_hbm, dst_hbm, zeros_hbm, out_hbm, *scr):
    srcv = scr[0]
    dstb = [scr[1 + 2 * b] for b in range(NBUF)]
    rows = [scr[2 + 2 * b] for b in range(NBUF)]
    acc = scr[1 + 2 * NBUF]
    sems = scr[2 + 2 * NBUF:]
    dsem = sems[0:NBUF]
    gsem = sems[NBUF:2 * NBUF]
    ssem = sems[2 * NBUF:3 * NBUF]
    isem = sems[3 * NBUF]
    c = lax.axis_index("c")
    s = lax.axis_index("s")
    wid = s * NC + c
    base = wid * EPW

    pltpu.async_copy(src_hbm.at[pl.ds(base, EPW)], srcv, isem)
    for b in range(NBUF):
        pltpu.async_copy(dst_hbm.at[pl.ds(base + b * CHUNK, CHUNK)],
                         dstb[b], dsem[b])
    pltpu.sync_copy(zeros_hbm, rows[0])
    for k in range(ROWS_PER_TILE // CHUNK):
        b = k % NBUF
        if k >= NBUF:
            pltpu.make_async_copy(
                rows[0], acc.at[pl.ds(s * ROWS_PER_TILE, CHUNK)], ssem[b]).wait()
        pltpu.async_copy(rows[0],
                         acc.at[pl.ds(s * ROWS_PER_TILE + k * CHUNK, CHUNK)],
                         ssem[b])
    for b in range(NBUF):
        pltpu.make_async_copy(
            rows[0], acc.at[pl.ds(s * ROWS_PER_TILE, CHUNK)], ssem[b]).wait()
    plsc.subcore_barrier()

    pltpu.make_async_copy(src_hbm.at[pl.ds(base, EPW)], srcv, isem).wait()
    for b in range(NBUF):
        pltpu.async_copy(g_hbm.at[srcv.at[pl.ds(b * CHUNK, CHUNK)]],
                         rows[b], gsem[b])

    def _group(base_ch, refill):
        for b in range(NBUF):
            pltpu.make_async_copy(g_hbm.at[srcv.at[pl.ds(b * CHUNK, CHUNK)]],
                                  rows[b], gsem[b]).wait()
            pltpu.make_async_copy(dst_hbm.at[pl.ds(base, CHUNK)], dstb[b],
                                  dsem[b]).wait()
            pltpu.async_copy(rows[b], acc.at[dstb[b]], ssem[b], add=True)
        for b in range(NBUF):
            pltpu.make_async_copy(rows[b], acc.at[dstb[b]], ssem[b]).wait()
            if refill:
                nxt = base_ch + NBUF + b
                pltpu.async_copy(dst_hbm.at[pl.ds(base + nxt * CHUNK, CHUNK)],
                                 dstb[b], dsem[b])
                pltpu.async_copy(g_hbm.at[srcv.at[pl.ds(nxt * CHUNK, CHUNK)]],
                                 rows[b], gsem[b])

    @pl.loop(0, GROUPS - 1)
    def _(grp):
        _group(grp * NBUF, refill=True)

    _group((GROUPS - 1) * NBUF, refill=False)

    plsc.subcore_barrier()

    pltpu.sync_copy(acc.at[pl.ds(s * ROWS_PER_TILE, ROWS_PER_TILE)],
                    out_hbm.at[c, pl.ds(s * ROWS_PER_TILE, ROWS_PER_TILE)])


ROW_BLK = 2000


def _tc_head(h, wlT, wcT, bias):
    def body(h_ref, wl_ref, wc_ref, b_ref, g_ref, d_ref):
        hb = h_ref[...]
        g_ref[...] = jnp.dot(hb, wl_ref[...], preferred_element_type=jnp.float32)
        d_ref[...] = jnp.dot(hb, wc_ref[...], preferred_element_type=jnp.float32) + b_ref[...]

    return pl.pallas_call(
        body,
        grid=(N // ROW_BLK,),
        in_specs=[
            pl.BlockSpec((ROW_BLK, D), lambda i: (i, 0)),
            pl.BlockSpec((D, D), lambda i: (0, 0)),
            pl.BlockSpec((D, D), lambda i: (0, 0)),
            pl.BlockSpec((1, D), lambda i: (0, 0)),
        ],
        out_specs=[
            pl.BlockSpec((ROW_BLK, D), lambda i: (i, 0)),
            pl.BlockSpec((ROW_BLK, D), lambda i: (i, 0)),
        ],
        out_shape=[
            jax.ShapeDtypeStruct((N, D), jnp.float32),
            jax.ShapeDtypeStruct((N, D), jnp.float32),
        ],
    )(h, wlT, wcT, bias)


def _tc_mid(p, d, wlT, wcT, bias):
    def body(p_ref, d_ref, wl_ref, wc_ref, b_ref, g_ref, d2_ref):
        hb = jnp.maximum(p_ref[0] + p_ref[1] + d_ref[...], 0.0)
        g_ref[...] = jnp.dot(hb, wl_ref[...], preferred_element_type=jnp.float32)
        d2_ref[...] = jnp.dot(hb, wc_ref[...], preferred_element_type=jnp.float32) + b_ref[...]

    return pl.pallas_call(
        body,
        grid=(N // ROW_BLK,),
        in_specs=[
            pl.BlockSpec((NC, ROW_BLK, D), lambda i: (0, i, 0)),
            pl.BlockSpec((ROW_BLK, D), lambda i: (i, 0)),
            pl.BlockSpec((D, D), lambda i: (0, 0)),
            pl.BlockSpec((D, D), lambda i: (0, 0)),
            pl.BlockSpec((1, D), lambda i: (0, 0)),
        ],
        out_specs=[
            pl.BlockSpec((ROW_BLK, D), lambda i: (i, 0)),
            pl.BlockSpec((ROW_BLK, D), lambda i: (i, 0)),
        ],
        out_shape=[
            jax.ShapeDtypeStruct((N, D), jnp.float32),
            jax.ShapeDtypeStruct((N, D), jnp.float32),
        ],
    )(p, d, wlT, wcT, bias)


def _tc_tail(p, d, owT, ob):
    def body(p_ref, d_ref, ow_ref, ob_ref, o_ref):
        hb = jnp.maximum(p_ref[0] + p_ref[1] + d_ref[...], 0.0)
        o_ref[...] = jnp.dot(hb, ow_ref[...], preferred_element_type=jnp.float32) + ob_ref[...]

    return pl.pallas_call(
        body,
        grid=(N // ROW_BLK,),
        in_specs=[
            pl.BlockSpec((NC, ROW_BLK, D), lambda i: (0, i, 0)),
            pl.BlockSpec((ROW_BLK, D), lambda i: (i, 0)),
            pl.BlockSpec((D, D), lambda i: (0, 0)),
            pl.BlockSpec((1, D), lambda i: (0, 0)),
        ],
        out_specs=pl.BlockSpec((ROW_BLK, D), lambda i: (i, 0)),
        out_shape=jax.ShapeDtypeStruct((N, D), jnp.float32),
    )(p, d, owT, ob)


def _pad_edges(ei):
    pad = jnp.arange(E_PAD - E, dtype=jnp.int32)
    src = jnp.concatenate([ei[1], pad % N])
    dst = jnp.concatenate([ei[0], N + pad % (N_PAD - N)])
    return src, dst


def kernel(x, edge_index_r0, edge_index_r1,
           l0_w0_w, l0_w0_b, l0_wl_w, l0_wl_b, l0_w1_w, l0_w1_b,
           l1_w0_w, l1_w0_b, l1_wl_w, l1_wl_b, l1_w1_w, l1_w1_b,
           out_w, out_b):
    wl1T = l1_wl_w.T
    wc1T = (l1_w0_w + l1_w1_w).T
    b1 = (l1_wl_b + l1_w0_b + l1_w1_b).reshape(1, D)
    wl0T = l0_wl_w.T
    wc0T = (l0_w0_w + l0_w1_w).T
    b0 = (l0_wl_b + l0_w0_b + l0_w1_b).reshape(1, D)
    owT = out_w.T
    ob = out_b.reshape(1, D)

    src1, dst1 = _pad_edges(edge_index_r1)
    src0, dst0 = _pad_edges(edge_index_r0)
    zeros = jnp.zeros((CHUNK, D), jnp.float32)

    g1, d1 = _tc_head(x, wl1T, wc1T, b1)
    p1 = _sc_segment_sum(g1, src1, dst1, zeros)
    g2, d2 = _tc_mid(p1, d1, wl0T, wc0T, b0)
    p2 = _sc_segment_sum(g2, src0, dst0, zeros)
    return _tc_tail(p2, d2, owT, ob)

# --- scband reference (transcript-rebuilt; emitter-appended) ---
"""Pipeline reference for scband-meta-path-gnn-12945031430847 (READ-ONLY COPY).

The authoritative reference and input builder live on the scoring server;
editing this copy changes nothing except your own understanding.
"""

import jax, jax.numpy as jnp
import numpy as np

N = 10000
E = 320000
D = 128

def _linear(x, w, b):
    return x @ w.T + b

def _layer(x, h, ei, w0w, w0b, wlw, wlb, w1w, w1b):
    # MessagePassing(aggr='add', flow='target_to_source'):
    # messages are x_j = h[edge_index[1]] aggregated (sum) at edge_index[0]
    msgs = jnp.take(h, ei[1], axis=0)
    agg = jax.ops.segment_sum(msgs, ei[0], num_segments=h.shape[0])
    return _linear(agg, wlw, wlb) + _linear(h, w0w, w0b) + _linear(x, w1w, w1b)

def setup_inputs(seed: int = 0):
    key = jax.random.key(seed)
    ks = jax.random.split(key, 18)
    inp = {}
    inp['x'] = jax.random.normal(ks[0], (N, D), dtype=jnp.float32)
    inp['edge_index_r0'] = jax.random.randint(ks[1], (2, E), 0, N, dtype=jnp.int32)
    inp['edge_index_r1'] = jax.random.randint(ks[2], (2, E), 0, N, dtype=jnp.int32)
    names = ['l0_w0', 'l0_wl', 'l0_w1', 'l1_w0', 'l1_wl', 'l1_w1']
    for i, nm in enumerate(names):
        inp[nm + '_w'] = jax.random.normal(ks[3 + 2 * i], (D, D), dtype=jnp.float32) * 0.05
        inp[nm + '_b'] = jax.random.normal(ks[4 + 2 * i], (D,), dtype=jnp.float32) * 0.05
    inp['out_w'] = jax.random.normal(ks[15], (D, D), dtype=jnp.float32) * 0.05
    inp['out_b'] = jax.random.normal(ks[16], (D,), dtype=jnp.float32) * 0.05
    return inp

def reference(x, edge_index_r0, edge_index_r1, l0_w0_w, l0_w0_b, l0_wl_w, l0_wl_b, l0_w1_w, l0_w1_b, l1_w0_w, l1_w0_b, l1_wl_w, l1_wl_b, l1_w1_w, l1_w1_b, out_w, out_b):
    # metapath = [(A,r0,A), (A,r1,A)]; forward iterates reversed(metapath):
    # i=0 -> relation r1 with conv_idx = 1 (layers[1]); i=1 -> relation r0 with conv_idx = 0 (layers[0])
    # single node type 'A', so x and h passed to each layer are the same tensor (faithful to source)
    h = x
    h = jax.nn.relu(_layer(h, h, edge_index_r1, l1_w0_w, l1_w0_b, l1_wl_w, l1_wl_b, l1_w1_w, l1_w1_b))
    h = jax.nn.relu(_layer(h, h, edge_index_r0, l0_w0_w, l0_w0_b, l0_wl_w, l0_wl_b, l0_w1_w, l0_w1_b))
    return _linear(h, out_w, out_b)

if __name__ == "__main__":
    import jax
    _d = setup_inputs()
    print(jax.jit(kernel)(*tuple(_d.values())))

</pallas_src>

<mosaic_0001>
#map = affine_map<(d0, d1) -> (0, 0)>
#map1 = affine_map<(d0, d1) -> (0)>
#map2 = affine_map<(d0, d1) -> (0, 0, 0)>
module attributes {stable_mosaic.version = 14 : i64} {
  func.func @_sc_segment_sum(%arg0: i32, %arg1: i32, %arg2: memref<10000x128xf32, #tpu.memory_space<hbm>>, %arg3: memref<327680xi32, #tpu.memory_space<hbm>>, %arg4: memref<327680xi32, #tpu.memory_space<hbm>>, %arg5: memref<32x128xf32, #tpu.memory_space<hbm>>, %arg6: memref<2x10240x128xf32, #tpu.memory_space<hbm>>, %arg7: memref<10240xi32, #tpu.memory_space<vmem>>, %arg8: memref<32xi32, #tpu.memory_space<vmem>>, %arg9: memref<32x128xf32, #tpu.memory_space<vmem>>, %arg10: memref<32xi32, #tpu.memory_space<vmem>>, %arg11: memref<32x128xf32, #tpu.memory_space<vmem>>, %arg12: memref<32xi32, #tpu.memory_space<vmem>>, %arg13: memref<32x128xf32, #tpu.memory_space<vmem>>, %arg14: memref<32xi32, #tpu.memory_space<vmem>>, %arg15: memref<32x128xf32, #tpu.memory_space<vmem>>, %arg16: memref<32xi32, #tpu.memory_space<vmem>>, %arg17: memref<32x128xf32, #tpu.memory_space<vmem>>, %arg18: memref<32xi32, #tpu.memory_space<vmem>>, %arg19: memref<32x128xf32, #tpu.memory_space<vmem>>, %arg20: memref<32xi32, #tpu.memory_space<vmem>>, %arg21: memref<32x128xf32, #tpu.memory_space<vmem>>, %arg22: memref<32xi32, #tpu.memory_space<vmem>>, %arg23: memref<32x128xf32, #tpu.memory_space<vmem>>, %arg24: memref<10240x128xf32, #tpu.memory_space<vmem_shared>>, %arg25: memref<!tpu.dma_semaphore, #tpu.memory_space<semaphore_mem>>, %arg26: memref<!tpu.dma_semaphore, #tpu.memory_space<semaphore_mem>>, %arg27: memref<!tpu.dma_semaphore, #tpu.memory_space<semaphore_mem>>, %arg28: memref<!tpu.dma_semaphore, #tpu.memory_space<semaphore_mem>>, %arg29: memref<!tpu.dma_semaphore, #tpu.memory_space<semaphore_mem>>, %arg30: memref<!tpu.dma_semaphore, #tpu.memory_space<semaphore_mem>>, %arg31: memref<!tpu.dma_semaphore, #tpu.memory_space<semaphore_mem>>, %arg32: memref<!tpu.dma_semaphore, #tpu.memory_space<semaphore_mem>>, %arg33: memref<!tpu.dma_semaphore, #tpu.memory_space<semaphore_mem>>, %arg34: memref<!tpu.dma_semaphore, #tpu.memory_space<semaphore_mem>>, %arg35: memref<!tpu.dma_semaphore, #tpu.memory_space<semaphore_mem>>, %arg36: memref<!tpu.dma_semaphore, #tpu.memory_space<semaphore_mem>>, %arg37: memref<!tpu.dma_semaphore, #tpu.memory_space<semaphore_mem>>, %arg38: memref<!tpu.dma_semaphore, #tpu.memory_space<semaphore_mem>>, %arg39: memref<!tpu.dma_semaphore, #tpu.memory_space<semaphore_mem>>, %arg40: memref<!tpu.dma_semaphore, #tpu.memory_space<semaphore_mem>>, %arg41: memref<!tpu.dma_semaphore, #tpu.memory_space<semaphore_mem>>, %arg42: memref<!tpu.dma_semaphore, #tpu.memory_space<semaphore_mem>>, %arg43: memref<!tpu.dma_semaphore, #tpu.memory_space<semaphore_mem>>, %arg44: memref<!tpu.dma_semaphore, #tpu.memory_space<semaphore_mem>>, %arg45: memref<!tpu.dma_semaphore, #tpu.memory_space<semaphore_mem>>, %arg46: memref<!tpu.dma_semaphore, #tpu.memory_space<semaphore_mem>>, %arg47: memref<!tpu.dma_semaphore, #tpu.memory_space<semaphore_mem>>, %arg48: memref<!tpu.dma_semaphore, #tpu.memory_space<semaphore_mem>>, %arg49: memref<!tpu.dma_semaphore, #tpu.memory_space<semaphore_mem>>) attributes {dimension_semantics = [#tpu.dimension_semantics<core_parallel>, #tpu.dimension_semantics<subcore_parallel>], iteration_bounds = array<i64: 2, 16>, scalar_prefetch = 0 : i64, scratch_operands = 43 : i64, tpu.core_type = #tpu.core_type<sc_vector_subcore>, window_params = [{transform_indices = #map}, {transform_indices = #map1}, {transform_indices = #map1}, {transform_indices = #map}, {transform_indices = #map2}]} {
    %mul3A = arith.constant 2 : i32
    %mul3A_0 = arith.muli %arg1, %mul3A : i32
    %add3A = arith.addi %mul3A_0, %arg0 : i32
    %mul3A_1 = arith.constant 10240 : i32
    %mul3A_2 = arith.muli %add3A, %mul3A_1 : i32
    %dma_start3A = tpu.memref_slice %arg3[%mul3A_2] : memref<327680xi32, #tpu.memory_space<hbm>> -> memref<10240xi32, #tpu.memory_space<hbm>>
    %dma_start3A_3 = tpu.memref_slice %arg3[%mul3A_2] : memref<327680xi32, #tpu.memory_space<hbm>> -> memref<10240xi32, #tpu.memory_space<hbm>>
    tpu.enqueue_dma source(%dma_start3A_3 : memref<10240xi32, #tpu.memory_space<hbm>>) target(%arg7 : memref<10240xi32, #tpu.memory_space<vmem>>) target_semaphore(%arg49 : memref<!tpu.dma_semaphore, #tpu.memory_space<semaphore_mem>>)
    %add3A_4 = arith.constant 0 : i32
    %add3A_5 = arith.addi %mul3A_2, %add3A_4 : i32
    %dma_start3A_6 = tpu.memref_slice %arg4[%add3A_5] : memref<327680xi32, #tpu.memory_space<hbm>> -> memref<32xi32, #tpu.memory_space<hbm>>
    %dma_start3A_7 = tpu.memref_slice %arg4[%add3A_5] : memref<327680xi32, #tpu.memory_space<hbm>> -> memref<32xi32, #tpu.memory_space<hbm>>
    tpu.enqueue_dma source(%dma_start3A_7 : memref<32xi32, #tpu.memory_space<hbm>>) target(%arg8 : memref<32xi32, #tpu.memory_space<vmem>>) target_semaphore(%arg25 : memref<!tpu.dma_semaphore, #tpu.memory_space<semaphore_mem>>)
    %add3A_8 = arith.constant 32 : i32
    %add3A_9 = arith.addi %mul3A_2, %add3A_8 : i32
    %dma_start3A_10 = tpu.memref_slice %arg4[%add3A_9] : memref<327680xi32, #tpu.memory_space<hbm>> -> memref<32xi32, #tpu.memory_space<hbm>>
    %dma_start3A_11 = tpu.memref_slice %arg4[%add3A_9] : memref<327680xi32, #tpu.memory_space<hbm>> -> memref<32xi32, #tpu.memory_space<hbm>>
    tpu.enqueue_dma source(%dma_start3A_11 : memref<32xi32, #tpu.memory_space<hbm>>) target(%arg10 : memref<32xi32, #tpu.memory_space<vmem>>) target_semaphore(%arg26 : memref<!tpu.dma_semaphore, #tpu.memory_space<semaphore_mem>>)
    %add3A_12 = arith.constant 64 : i32
    %add3A_13 = arith.addi %mul3A_2, %add3A_12 : i32
    %dma_start3A_14 = tpu.memref_slice %arg4[%add3A_13] : memref<327680xi32, #tpu.memory_space<hbm>> -> memref<32xi32, #tpu.memory_space<hbm>>
    %dma_start3A_15 = tpu.memref_slice %arg4[%add3A_13] : memref<327680xi32, #tpu.memory_space<hbm>> -> memref<32xi32, #tpu.memory_space<hbm>>
    tpu.enqueue_dma source(%dma_start3A_15 : memref<32xi32, #tpu.memory_space<hbm>>) target(%arg12 : memref<32xi32, #tpu.memory_space<vmem>>) target_semaphore(%arg27 : memref<!tpu.dma_semaphore, #tpu.memory_space<semaphore_mem>>)
    %add3A_16 = arith.constant 96 : i32
    %add3A_17 = arith.addi %mul3A_2, %add3A_16 : i32
    %dma_start3A_18 = tpu.memref_slice %arg4[%add3A_17] : memref<327680xi32, #tpu.memory_space<hbm>> -> memref<32xi32, #tpu.memory_space<hbm>>
    %dma_start3A_19 = tpu.memref_slice %arg4[%add3A_17] : memref<327680xi32, #tpu.memory_space<hbm>> -> memref<32xi32, #tpu.memory_space<hbm>>
    tpu.enqueue_dma source(%dma_start3A_19 : memref<32xi32, #tpu.memory_space<hbm>>) target(%arg14 : memref<32xi32, #tpu.memory_space<vmem>>) target_semaphore(%arg28 : memref<!tpu.dma_semaphore, #tpu.memory_space<semaphore_mem>>)
    %add3A_20 = arith.constant 128 : i32
    %add3A_21 = arith.addi %mul3A_2, %add3A_20 : i32
    %dma_start3A_22 = tpu.memref_slice %arg4[%add3A_21] : memref<327680xi32, #tpu.memory_space<hbm>> -> memref<32xi32, #tpu.memory_space<hbm>>
    %dma_start3A_23 = tpu.memref_slice %arg4[%add3A_21] : memref<327680xi32, #tpu.memory_space<hbm>> -> memref<32xi32, #tpu.memory_space<hbm>>
    tpu.enqueue_dma source(%dma_start3A_23 : memref<32xi32, #tpu.memory_space<hbm>>) target(%arg16 : memref<32xi32, #tpu.memory_space<vmem>>) target_semaphore(%arg29 : memref<!tpu.dma_semaphore, #tpu.memory_space<semaphore_mem>>)
    %add3A_24 = arith.constant 160 : i32
    %add3A_25 = arith.addi %mul3A_2, %add3A_24 : i32
    %dma_start3A_26 = tpu.memref_slice %arg4[%add3A_25] : memref<327680xi32, #tpu.memory_space<hbm>> -> memref<32xi32, #tpu.memory_space<hbm>>
    %dma_start3A_27 = tpu.memref_slice %arg4[%add3A_25] : memref<327680xi32, #tpu.memory_space<hbm>> -> memref<32xi32, #tpu.memory_space<hbm>>
    tpu.enqueue_dma source(%dma_start3A_27 : memref<32xi32, #tpu.memory_space<hbm>>) target(%arg18 : memref<32xi32, #tpu.memory_space<vmem>>) target_semaphore(%arg30 : memref<!tpu.dma_semaphore, #tpu.memory_space<semaphore_mem>>)
    %add3A_28 = arith.constant 192 : i32
    %add3A_29 = arith.addi %mul3A_2, %add3A_28 : i32
    %dma_start3A_30 = tpu.memref_slice %arg4[%add3A_29] : memref<327680xi32, #tpu.memory_space<hbm>> -> memref<32xi32, #tpu.memory_space<hbm>>
    %dma_start3A_31 = tpu.memref_slice %arg4[%add3A_29] : memref<327680xi32, #tpu.memory_space<hbm>> -> memref<32xi32, #tpu.memory_space<hbm>>
    tpu.enqueue_dma source(%dma_start3A_31 : memref<32xi32, #tpu.memory_space<hbm>>) target(%arg20 : memref<32xi32, #tpu.memory_space<vmem>>) target_semaphore(%arg31 : memref<!tpu.dma_semaphore, #tpu.memory_space<semaphore_mem>>)
    %add3A_32 = arith.constant 224 : i32
    %add3A_33 = arith.addi %mul3A_2, %add3A_32 : i32
    %dma_start3A_34 = tpu.memref_slice %arg4[%add3A_33] : memref<327680xi32, #tpu.memory_space<hbm>> -> memref<32xi32, #tpu.memory_space<hbm>>
    %dma_start3A_35 = tpu.memref_slice %arg4[%add3A_33] : memref<327680xi32, #tpu.memory_space<hbm>> -> memref<32xi32, #tpu.memory_space<hbm>>
    tpu.enqueue_dma source(%dma_start3A_35 : memref<32xi32, #tpu.memory_space<hbm>>) target(%arg22 : memref<32xi32, #tpu.memory_space<vmem>>) target_semaphore(%arg32 : memref<!tpu.dma_semaphore, #tpu.memory_space<semaphore_mem>>)
    "tpu.region"() ({
      %run_scoped3A = tpu.sem_alloc : memref<!tpu.dma_semaphore, #tpu.memory_space<semaphore_mem>>
      tpu.enqueue_dma source(%arg5 : memref<32x128xf32, #tpu.memory_space<hbm>>) target(%arg9 : memref<32x128xf32, #tpu.memory_space<vmem>>) target_semaphore(%run_scoped3A : memref<!tpu.dma_semaphore, #tpu.memory_space<semaphore_mem>>)
      tpu.wait_dma2 semaphore(%run_scoped3A : memref<!tpu.dma_semaphore, #tpu.memory_space<semaphore_mem>>) src(%arg5 : memref<32x128xf32, #tpu.memory_space<hbm>>) dst(%arg9 : memref<32x128xf32, #tpu.memory_space<vmem>>)
      tpu.yield
    }) : () -> ()
    %mul3A_36 = arith.constant 640 : i32
    %mul3A_37 = arith.muli %arg1, %mul3A_36 : i32
    %add3A_38 = arith.constant 0 : i32
    %add3A_39 = arith.addi %mul3A_37, %add3A_38 : i32
    %dma_start3A_40 = arith.constant 0 : i32
    %dma_start3A_41 = tpu.memref_slice %arg24[%add3A_39, %dma_start3A_40] : memref<10240x128xf32, #tpu.memory_space<vmem_shared>> -> memref<32x128xf32, #tpu.memory_space<vmem_shared>>
    %dma_start3A_42 = arith.constant 0 : i32
    %dma_start3A_43 = tpu.memref_slice %arg24[%add3A_39, %dma_start3A_42] : memref<10240x128xf32, #tpu.memory_space<vmem_shared>> -> memref<32x128xf32, #tpu.memory_space<vmem_shared>>
    tpu.enqueue_dma source(%arg9 : memref<32x128xf32, #tpu.memory_space<vmem>>) target(%dma_start3A_43 : memref<32x128xf32, #tpu.memory_space<vmem_shared>>) target_semaphore(%arg41 : memref<!tpu.dma_semaphore, #tpu.memory_space<semaphore_mem>>)
    %mul3A_44 = arith.constant 640 : i32
    %mul3A_45 = arith.muli %arg1, %mul3A_44 : i32
    %add3A_46 = arith.constant 32 : i32
    %add3A_47 = arith.addi %mul3A_45, %add3A_46 : i32
    %dma_start3A_48 = arith.constant 0 : i32
    %dma_start3A_49 = tpu.memref_slice %arg24[%add3A_47, %dma_start3A_48] : memref<10240x128xf32, #tpu.memory_space<vmem_shared>> -> memref<32x128xf32, #tpu.memory_space<vmem_shared>>
    %dma_start3A_50 = arith.constant 0 : i32
    %dma_start3A_51 = tpu.memref_slice %arg24[%add3A_47, %dma_start3A_50] : memref<10240x128xf32, #tpu.memory_space<vmem_shared>> -> memref<32x128xf32, #tpu.memory_space<vmem_shared>>
    tpu.enqueue_dma source(%arg9 : memref<32x128xf32, #tpu.memory_space<vmem>>) target(%dma_start3A_51 : memref<32x128xf32, #tpu.memory_space<vmem_shared>>) target_semaphore(%arg42 : memref<!tpu.dma_semaphore, #tpu.memory_space<semaphore_mem>>)
    %mul3A_52 = arith.constant 640 : i32
    %mul3A_53 = arith.muli %arg1, %mul3A_52 : i32
    %add3A_54 = arith.constant 64 : i32
    %add3A_55 = arith.addi %mul3A_53, %add3A_54 : i32
    %dma_start3A_56 = arith.constant 0 : i32
    %dma_start3A_57 = tpu.memref_slice %arg24[%add3A_55, %dma_start3A_56] : memref<10240x128xf32, #tpu.memory_space<vmem_shared>> -> memref<32x128xf32, #tpu.memory_space<vmem_shared>>
    %dma_start3A_58 = arith.constant 0 : i32
    %dma_start3A_59 = tpu.memref_slice %arg24[%add3A_55, %dma_start3A_58] : memref<10240x128xf32, #tpu.memory_space<vmem_shared>> -> memref<32x128xf32, #tpu.memory_space<vmem_shared>>
    tpu.enqueue_dma source(%arg9 : memref<32x128xf32, #tpu.memory_space<vmem>>) target(%dma_start3A_59 : memref<32x128xf32, #tpu.memory_space<vmem_shared>>) target_semaphore(%arg43 : memref<!tpu.dma_semaphore, #tpu.memory_space<semaphore_mem>>)
    %mul3A_60 = arith.constant 640 : i32
    %mul3A_61 = arith.muli %arg1, %mul3A_60 : i32
    %add3A_62 = arith.constant 96 : i32
    %add3A_63 = arith.addi %mul3A_61, %add3A_62 : i32
    %dma_start3A_64 = arith.constant 0 : i32
    %dma_start3A_65 = tpu.memref_slice %arg24[%add3A_63, %dma_start3A_64] : memref<10240x128xf32, #tpu.memory_space<vmem_shared>> -> memref<32x128xf32, #tpu.memory_space<vmem_shared>>
    %dma_start3A_66 = arith.constant 0 : i32
    %dma_start3A_67 = tpu.memref_slice %arg24[%add3A_63, %dma_start3A_66] : memref<10240x128xf32, #tpu.memory_space<vmem_shared>> -> memref<32x128xf32, #tpu.memory_space<vmem_shared>>
    tpu.enqueue_dma source(%arg9 : memref<32x128xf32, #tpu.memory_space<vmem>>) target(%dma_start3A_67 : memref<32x128xf32, #tpu.memory_space<vmem_shared>>) target_semaphore(%arg44 : memref<!tpu.dma_semaphore, #tpu.memory_space<semaphore_mem>>)
    %mul3A_68 = arith.constant 640 : i32
    %mul3A_69 = arith.muli %arg1, %mul3A_68 : i32
    %add3A_70 = arith.constant 128 : i32
    %add3A_71 = arith.addi %mul3A_69, %add3A_70 : i32
    %dma_start3A_72 = arith.constant 0 : i32
    %dma_start3A_73 = tpu.memref_slice %arg24[%add3A_71, %dma_start3A_72] : memref<10240x128xf32, #tpu.memory_space<vmem_shared>> -> memref<32x128xf32, #tpu.memory_space<vmem_shared>>
    %dma_start3A_74 = arith.constant 0 : i32
    %dma_start3A_75 = tpu.memref_slice %arg24[%add3A_71, %dma_start3A_74] : memref<10240x128xf32, #tpu.memory_space<vmem_shared>> -> memref<32x128xf32, #tpu.memory_space<vmem_shared>>
    tpu.enqueue_dma source(%arg9 : memref<32x128xf32, #tpu.memory_space<vmem>>) target(%dma_start3A_75 : memref<32x128xf32, #tpu.memory_space<vmem_shared>>) target_semaphore(%arg45 : memref<!tpu.dma_semaphore, #tpu.memory_space<semaphore_mem>>)
    %mul3A_76 = arith.constant 640 : i32
    %mul3A_77 = arith.muli %arg1, %mul3A_76 : i32
    %add3A_78 = arith.constant 160 : i32
    %add3A_79 = arith.addi %mul3A_77, %add3A_78 : i32
    %dma_start3A_80 = arith.constant 0 : i32
    %dma_start3A_81 = tpu.memref_slice %arg24[%add3A_79, %dma_start3A_80] : memref<10240x128xf32, #tpu.memory_space<vmem_shared>> -> memref<32x128xf32, #tpu.memory_space<vmem_shared>>
    %dma_start3A_82 = arith.constant 0 : i32
    %dma_start3A_83 = tpu.memref_slice %arg24[%add3A_79, %dma_start3A_82] : memref<10240x128xf32, #tpu.memory_space<vmem_shared>> -> memref<32x128xf32, #tpu.memory_space<vmem_shared>>
    tpu.enqueue_dma source(%arg9 : memref<32x128xf32, #tpu.memory_space<vmem>>) target(%dma_start3A_83 : memref<32x128xf32, #tpu.memory_space<vmem_shared>>) target_semaphore(%arg46 : memref<!tpu.dma_semaphore, #tpu.memory_space<semaphore_mem>>)
    %mul3A_84 = arith.constant 640 : i32
    %mul3A_85 = arith.muli %arg1, %mul3A_84 : i32
    %add3A_86 = arith.constant 192 : i32
    %add3A_87 = arith.addi %mul3A_85, %add3A_86 : i32
    %dma_start3A_88 = arith.constant 0 : i32
    %dma_start3A_89 = tpu.memref_slice %arg24[%add3A_87, %dma_start3A_88] : memref<10240x128xf32, #tpu.memory_space<vmem_shared>> -> memref<32x128xf32, #tpu.memory_space<vmem_shared>>
    %dma_start3A_90 = arith.constant 0 : i32
    %dma_start3A_91 = tpu.memref_slice %arg24[%add3A_87, %dma_start3A_90] : memref<10240x128xf32, #tpu.memory_space<vmem_shared>> -> memref<32x128xf32, #tpu.memory_space<vmem_shared>>
    tpu.enqueue_dma source(%arg9 : memref<32x128xf32, #tpu.memory_space<vmem>>) target(%dma_start3A_91 : memref<32x128xf32, #tpu.memory_space<vmem_shared>>) target_semaphore(%arg47 : memref<!tpu.dma_semaphore, #tpu.memory_space<semaphore_mem>>)
    %mul3A_92 = arith.constant 640 : i32
    %mul3A_93 = arith.muli %arg1, %mul3A_92 : i32
    %add3A_94 = arith.constant 224 : i32
    %add3A_95 = arith.addi %mul3A_93, %add3A_94 : i32
    %dma_start3A_96 = arith.constant 0 : i32
    %dma_start3A_97 = tpu.memref_slice %arg24[%add3A_95, %dma_start3A_96] : memref<10240x128xf32, #tpu.memory_space<vmem_shared>> -> memref<32x128xf32, #tpu.memory_space<vmem_shared>>
    %dma_start3A_98 = arith.constant 0 : i32
    %dma_start3A_99 = tpu.memref_slice %arg24[%add3A_95, %dma_start3A_98] : memref<10240x128xf32, #tpu.memory_space<vmem_shared>> -> memref<32x128xf32, #tpu.memory_space<vmem_shared>>
    tpu.enqueue_dma source(%arg9 : memref<32x128xf32, #tpu.memory_space<vmem>>) target(%dma_start3A_99 : memref<32x128xf32, #tpu.memory_space<vmem_shared>>) target_semaphore(%arg48 : memref<!tpu.dma_semaphore, #tpu.memory_space<semaphore_mem>>)
    %mul3A_100 = arith.constant 640 : i32
    %mul3A_101 = arith.muli %arg1, %mul3A_100 : i32
    %dma_wait3A = arith.constant 0 : i32
    %dma_wait3A_102 = tpu.memref_slice %arg24[%mul3A_101, %dma_wait3A] : memref<10240x128xf32, #tpu.memory_space<vmem_shared>> -> memref<32x128xf32, #tpu.memory_space<vmem_shared>>
    %dma_wait3A_103 = arith.constant 0 : i32
    %dma_wait3A_104 = tpu.memref_slice %arg24[%mul3A_101, %dma_wait3A_103] : memref<10240x128xf32, #tpu.memory_space<vmem_shared>> -> memref<32x128xf32, #tpu.memory_space<vmem_shared>>
    tpu.wait_dma2 semaphore(%arg41 : memref<!tpu.dma_semaphore, #tpu.memory_space<semaphore_mem>>) src(%arg9 : memref<32x128xf32, #tpu.memory_space<vmem>>) dst(%dma_wait3A_104 : memref<32x128xf32, #tpu.memory_space<vmem_shared>>)
    %mul3A_105 = arith.constant 640 : i32
    %mul3A_106 = arith.muli %arg1, %mul3A_105 : i32
    %add3A_107 = arith.constant 256 : i32
    %add3A_108 = arith.addi %mul3A_106, %add3A_107 : i32
    %dma_start3A_109 = arith.constant 0 : i32
    %dma_start3A_110 = tpu.memref_slice %arg24[%add3A_108, %dma_start3A_109] : memref<10240x128xf32, #tpu.memory_space<vmem_shared>> -> memref<32x128xf32, #tpu.memory_space<vmem_shared>>
    %dma_start3A_111 = arith.constant 0 : i32
    %dma_start3A_112 = tpu.memref_slice %arg24[%add3A_108, %dma_start3A_111] : memref<10240x128xf32, #tpu.memory_space<vmem_shared>> -> memref<32x128xf32, #tpu.memory_space<vmem_shared>>
    tpu.enqueue_dma source(%arg9 : memref<32x128xf32, #tpu.memory_space<vmem>>) target(%dma_start3A_112 : memref<32x128xf32, #tpu.memory_space<vmem_shared>>) target_semaphore(%arg41 : memref<!tpu.dma_semaphore, #tpu.memory_space<semaphore_mem>>)
    %mul3A_113 = arith.constant 640 : i32
    %mul3A_114 = arith.muli %arg1, %mul3A_113 : i32
    %dma_wait3A_115 = arith.constant 0 : i32
    %dma_wait3A_116 = tpu.memref_slice %arg24[%mul3A_114, %dma_wait3A_115] : memref<10240x128xf32, #tpu.memory_space<vmem_shared>> -> memref<32x128xf32, #tpu.memory_space<vmem_shared>>
    %dma_wait3A_117 = arith.constant 0 : i32
    %dma_wait3A_118 = tpu.memref_slice %arg24[%mul3A_114, %dma_wait3A_117] : memref<10240x128xf32, #tpu.memory_space<vmem_shared>> -> memref<32x128xf32, #tpu.memory_space<vmem_shared>>
    tpu.wait_dma2 semaphore(%arg42 : memref<!tpu.dma_semaphore, #tpu.memory_space<semaphore_mem>>) src(%arg9 : memref<32x128xf32, #tpu.memory_space<vmem>>) dst(%dma_wait3A_118 : memref<32x128xf32, #tpu.memory_space<vmem_shared>>)
    %mul3A_119 = arith.constant 640 : i32
    %mul3A_120 = arith.muli %arg1, %mul3A_119 : i32
    %add3A_121 = arith.constant 288 : i32
    %add3A_122 = arith.addi %mul3A_120, %add3A_121 : i32
    %dma_start3A_123 = arith.constant 0 : i32
    %dma_start3A_124 = tpu.memref_slice %arg24[%add3A_122, %dma_start3A_123] : memref<10240x128xf32, #tpu.memory_space<vmem_shared>> -> memref<32x128xf32, #tpu.memory_space<vmem_shared>>
    %dma_start3A_125 = arith.constant 0 : i32
    %dma_start3A_126 = tpu.memref_slice %arg24[%add3A_122, %dma_start3A_125] : memref<10240x128xf32, #tpu.memory_space<vmem_shared>> -> memref<32x128xf32, #tpu.memory_space<vmem_shared>>
    tpu.enqueue_dma source(%arg9 : memref<32x128xf32, #tpu.memory_space<vmem>>) target(%dma_start3A_126 : memref<32x128xf32, #tpu.memory_space<vmem_shared>>) target_semaphore(%arg42 : memref<!tpu.dma_semaphore, #tpu.memory_space<semaphore_mem>>)
    %mul3A_127 = arith.constant 640 : i32
    %mul3A_128 = arith.muli %arg1, %mul3A_127 : i32
    %dma_wait3A_129 = arith.constant 0 : i32
    %dma_wait3A_130 = tpu.memref_slice %arg24[%mul3A_128, %dma_wait3A_129] : memref<10240x128xf32, #tpu.memory_space<vmem_shared>> -> memref<32x128xf32, #tpu.memory_space<vmem_shared>>
    %dma_wait3A_131 = arith.constant 0 : i32
    %dma_wait3A_132 = tpu.memref_slice %arg24[%mul3A_128, %dma_wait3A_131] : memref<10240x128xf32, #tpu.memory_space<vmem_shared>> -> memref<32x128xf32, #tpu.memory_space<vmem_shared>>
    tpu.wait_dma2 semaphore(%arg43 : memref<!tpu.dma_semaphore, #tpu.memory_space<semaphore_mem>>) src(%arg9 : memref<32x128xf32, #tpu.memory_space<vmem>>) dst(%dma_wait3A_132 : memref<32x128xf32, #tpu.memory_space<vmem_shared>>)
    %mul3A_133 = arith.constant 640 : i32
    %mul3A_134 = arith.muli %arg1, %mul3A_133 : i32
    %add3A_135 = arith.constant 320 : i32
    %add3A_136 = arith.addi %mul3A_134, %add3A_135 : i32
    %dma_start3A_137 = arith.constant 0 : i32
    %dma_start3A_138 = tpu.memref_slice %arg24[%add3A_136, %dma_start3A_137] : memref<10240x128xf32, #tpu.memory_space<vmem_shared>> -> memref<32x128xf32, #tpu.memory_space<vmem_shared>>
    %dma_start3A_139 = arith.constant 0 : i32
    %dma_start3A_140 = tpu.memref_slice %arg24[%add3A_136, %dma_start3A_139] : memref<10240x128xf32, #tpu.memory_space<vmem_shared>> -> memref<32x128xf32, #tpu.memory_space<vmem_shared>>
    tpu.enqueue_dma source(%arg9 : memref<32x128xf32, #tpu.memory_space<vmem>>) target(%dma_start3A_140 : memref<32x128xf32, #tpu.memory_space<vmem_shared>>) target_semaphore(%arg43 : memref<!tpu.dma_semaphore, #tpu.memory_space<semaphore_mem>>)
    %mul3A_141 = arith.constant 640 : i32
    %mul3A_142 = arith.muli %arg1, %mul3A_141 : i32
    %dma_wait3A_143 = arith.constant 0 : i32
    %dma_wait3A_144 = tpu.memref_slice %arg24[%mul3A_142, %dma_wait3A_143] : memref<10240x128xf32, #tpu.memory_space<vmem_shared>> -> memref<32x128xf32, #tpu.memory_space<vmem_shared>>
    %dma_wait3A_145 = arith.constant 0 : i32
    %dma_wait3A_146 = tpu.memref_slice %arg24[%mul3A_142, %dma_wait3A_145] : memref<10240x128xf32, #tpu.memory_space<vmem_shared>> -> memref<32x128xf32, #tpu.memory_space<vmem_shared>>
    tpu.wait_dma2 semaphore(%arg44 : memref<!tpu.dma_semaphore, #tpu.memory_space<semaphore_mem>>) src(%arg9 : memref<32x128xf32, #tpu.memory_space<vmem>>) dst(%dma_wait3A_146 : memref<32x128xf32, #tpu.memory_space<vmem_shared>>)
    %mul3A_147 = arith.constant 640 : i32
    %mul3A_148 = arith.muli %arg1, %mul3A_147 : i32
    %add3A_149 = arith.constant 352 : i32
    %add3A_150 = arith.addi %mul3A_148, %add3A_149 : i32
    %dma_start3A_151 = arith.constant 0 : i32
    %dma_start3A_152 = tpu.memref_slice %arg24[%add3A_150, %dma_start3A_151] : memref<10240x128xf32, #tpu.memory_space<vmem_shared>> -> memref<32x128xf32, #tpu.memory_space<vmem_shared>>
    %dma_start3A_153 = arith.constant 0 : i32
    %dma_start3A_154 = tpu.memref_slice %arg24[%add3A_150, %dma_start3A_153] : memref<10240x128xf32, #tpu.memory_space<vmem_shared>> -> memref<32x128xf32, #tpu.memory_space<vmem_shared>>
    tpu.enqueue_dma source(%arg9 : memref<32x128xf32, #tpu.memory_space<vmem>>) target(%dma_start3A_154 : memref<32x128xf32, #tpu.memory_space<vmem_shared>>) target_semaphore(%arg44 : memref<!tpu.dma_semaphore, #tpu.memory_space<semaphore_mem>>)
    %mul3A_155 = arith.constant 640 : i32
    %mul3A_156 = arith.muli %arg1, %mul3A_155 : i32
    %dma_wait3A_157 = arith.constant 0 : i32
    %dma_wait3A_158 = tpu.memref_slice %arg24[%mul3A_156, %dma_wait3A_157] : memref<10240x128xf32, #tpu.memory_space<vmem_shared>> -> memref<32x128xf32, #tpu.memory_space<vmem_shared>>
    %dma_wait3A_159 = arith.constant 0 : i32
    %dma_wait3A_160 = tpu.memref_slice %arg24[%mul3A_156, %dma_wait3A_159] : memref<10240x128xf32, #tpu.memory_space<vmem_shared>> -> memref<32x128xf32, #tpu.memory_space<vmem_shared>>
    tpu.wait_dma2 semaphore(%arg45 : memref<!tpu.dma_semaphore, #tpu.memory_space<semaphore_mem>>) src(%arg9 : memref<32x128xf32, #tpu.memory_space<vmem>>) dst(%dma_wait3A_160 : memref<32x128xf32, #tpu.memory_space<vmem_shared>>)
    %mul3A_161 = arith.constant 640 : i32
    %mul3A_162 = arith.muli %arg1, %mul3A_161 : i32
    %add3A_163 = arith.constant 384 : i32
    %add3A_164 = arith.addi %mul3A_162, %add3A_163 : i32
    %dma_start3A_165 = arith.constant 0 : i32
    %dma_start3A_166 = tpu.memref_slice %arg24[%add3A_164, %dma_start3A_165] : memref<10240x128xf32, #tpu.memory_space<vmem_shared>> -> memref<32x128xf32, #tpu.memory_space<vmem_shared>>
    %dma_start3A_167 = arith.constant 0 : i32
    %dma_start3A_168 = tpu.memref_slice %arg24[%add3A_164, %dma_start3A_167] : memref<10240x128xf32, #tpu.memory_space<vmem_shared>> -> memref<32x128xf32, #tpu.memory_space<vmem_shared>>
    tpu.enqueue_dma source(%arg9 : memref<32x128xf32, #tpu.memory_space<vmem>>) target(%dma_start3A_168 : memref<32x128xf32, #tpu.memory_space<vmem_shared>>) target_semaphore(%arg45 : memref<!tpu.dma_semaphore, #tpu.memory_space<semaphore_mem>>)
    %mul3A_169 = arith.constant 640 : i32
    %mul3A_170 = arith.muli %arg1, %mul3A_169 : i32
    %dma_wait3A_171 = arith.constant 0 : i32
    %dma_wait3A_172 = tpu.memref_slice %arg24[%mul3A_170, %dma_wait3A_171] : memref<10240x128xf32, #tpu.memory_space<vmem_shared>> -> memref<32x128xf32, #tpu.memory_space<vmem_shared>>
    %dma_wait3A_173 = arith.constant 0 : i32
    %dma_wait3A_174 = tpu.memref_slice %arg24[%mul3A_170, %dma_wait3A_173] : memref<10240x128xf32, #tpu.memory_space<vmem_shared>> -> memref<32x128xf32, #tpu.memory_space<vmem_shared>>
    tpu.wait_dma2 semaphore(%arg46 : memref<!tpu.dma_semaphore, #tpu.memory_space<semaphore_mem>>) src(%arg9 : memref<32x128xf32, #tpu.memory_space<vmem>>) dst(%dma_wait3A_174 : memref<32x128xf32, #tpu.memory_space<vmem_shared>>)
    %mul3A_175 = arith.constant 640 : i32
    %mul3A_176 = arith.muli %arg1, %mul3A_175 : i32
    %add3A_177 = arith.constant 416 : i32
    %add3A_178 = arith.addi %mul3A_176, %add3A_177 : i32
    %dma_start3A_179 = arith.constant 0 : i32
    %dma_start3A_180 = tpu.memref_slice %arg24[%add3A_178, %dma_start3A_179] : memref<10240x128xf32, #tpu.memory_space<vmem_shared>> -> memref<32x128xf32, #tpu.memory_space<vmem_shared>>
    %dma_start3A_181 = arith.constant 0 : i32
    %dma_start3A_182 = tpu.memref_slice %arg24[%add3A_178, %dma_start3A_181] : memref<10240x128xf32, #tpu.memory_space<vmem_shared>> -> memref<32x128xf32, #tpu.memory_space<vmem_shared>>
    tpu.enqueue_dma source(%arg9 : memref<32x128xf32, #tpu.memory_space<vmem>>) target(%dma_start3A_182 : memref<32x128xf32, #tpu.memory_space<vmem_shared>>) target_semaphore(%arg46 : memref<!tpu.dma_semaphore, #tpu.memory_space<semaphore_mem>>)
    %mul3A_183 = arith.constant 640 : i32
    %mul3A_184 = arith.muli %arg1, %mul3A_183 : i32
    %dma_wait3A_185 = arith.constant 0 : i32
    %dma_wait3A_186 = tpu.memref_slice %arg24[%mul3A_184, %dma_wait3A_185] : memref<10240x128xf32, #tpu.memory_space<vmem_shared>> -> memref<32x128xf32, #tpu.memory_space<vmem_shared>>
    %dma_wait3A_187 = arith.constant 0 : i32
    %dma_wait3A_188 = tpu.memref_slice %arg24[%mul3A_184, %dma_wait3A_187] : memref<10240x128xf32, #tpu.memory_space<vmem_shared>> -> memref<32x128xf32, #tpu.memory_space<vmem_shared>>
    tpu.wait_dma2 semaphore(%arg47 : memref<!tpu.dma_semaphore, #tpu.memory_space<semaphore_mem>>) src(%arg9 : memref<32x128xf32, #tpu.memory_space<vmem>>) dst(%dma_wait3A_188 : memref<32x128xf32, #tpu.memory_space<vmem_shared>>)
    %mul3A_189 = arith.constant 640 : i32
    %mul3A_190 = arith.muli %arg1, %mul3A_189 : i32
    %add3A_191 = arith.constant 448 : i32
    %add3A_192 = arith.addi %mul3A_190, %add3A_191 : i32
    %dma_start3A_193 = arith.constant 0 : i32
    %dma_start3A_194 = tpu.memref_slice %arg24[%add3A_192, %dma_start3A_193] : memref<10240x128xf32, #tpu.memory_space<vmem_shared>> -> memref<32x128xf32, #tpu.memory_space<vmem_shared>>
    %dma_start3A_195 = arith.constant 0 : i32
    %dma_start3A_196 = tpu.memref_slice %arg24[%add3A_192, %dma_start3A_195] : memref<10240x128xf32, #tpu.memory_space<vmem_shared>> -> memref<32x128xf32, #tpu.memory_space<vmem_shared>>
    tpu.enqueue_dma source(%arg9 : memref<32x128xf32, #tpu.memory_space<vmem>>) target(%dma_start3A_196 : memref<32x128xf32, #tpu.memory_space<vmem_shared>>) target_semaphore(%arg47 : memref<!tpu.dma_semaphore, #tpu.memory_space<semaphore_mem>>)
    %mul3A_197 = arith.constant 640 : i32
    %mul3A_198 = arith.muli %arg1, %mul3A_197 : i32
    %dma_wait3A_199 = arith.constant 0 : i32
    %dma_wait3A_200 = tpu.memref_slice %arg24[%mul3A_198, %dma_wait3A_199] : memref<10240x128xf32, #tpu.memory_space<vmem_shared>> -> memref<32x128xf32, #tpu.memory_space<vmem_shared>>
    %dma_wait3A_201 = arith.constant 0 : i32
    %dma_wait3A_202 = tpu.memref_slice %arg24[%mul3A_198, %dma_wait3A_201] : memref<10240x128xf32, #tpu.memory_space<vmem_shared>> -> memref<32x128xf32, #tpu.memory_space<vmem_shared>>
    tpu.wait_dma2 semaphore(%arg48 : memref<!tpu.dma_semaphore, #tpu.memory_space<semaphore_mem>>) src(%arg9 : memref<32x128xf32, #tpu.memory_space<vmem>>) dst(%dma_wait3A_202 : memref<32x128xf32, #tpu.memory_space<vmem_shared>>)
    %mul3A_203 = arith.constant 640 : i32
    %mul3A_204 = arith.muli %arg1, %mul3A_203 : i32
    %add3A_205 = arith.constant 480 : i32
    %add3A_206 = arith.addi %mul3A_204, %add3A_205 : i32
    %dma_start3A_207 = arith.constant 0 : i32
    %dma_start3A_208 = tpu.memref_slice %arg24[%add3A_206, %dma_start3A_207] : memref<10240x128xf32, #tpu.memory_space<vmem_shared>> -> memref<32x128xf32, #tpu.memory_space<vmem_shared>>
    %dma_start3A_209 = arith.constant 0 : i32
    %dma_start3A_210 = tpu.memref_slice %arg24[%add3A_206, %dma_start3A_209] : memref<10240x128xf32, #tpu.memory_space<vmem_shared>> -> memref<32x128xf32, #tpu.memory_space<vmem_shared>>
    tpu.enqueue_dma source(%arg9 : memref<32x128xf32, #tpu.memory_space<vmem>>) target(%dma_start3A_210 : memref<32x128xf32, #tpu.memory_space<vmem_shared>>) target_semaphore(%arg48 : memref<!tpu.dma_semaphore, #tpu.memory_space<semaphore_mem>>)
    %mul3A_211 = arith.constant 640 : i32
    %mul3A_212 = arith.muli %arg1, %mul3A_211 : i32
    %dma_wait3A_213 = arith.constant 0 : i32
    %dma_wait3A_214 = tpu.memref_slice %arg24[%mul3A_212, %dma_wait3A_213] : memref<10240x128xf32, #tpu.memory_space<vmem_shared>> -> memref<32x128xf32, #tpu.memory_space<vmem_shared>>
    %dma_wait3A_215 = arith.constant 0 : i32
    %dma_wait3A_216 = tpu.memref_slice %arg24[%mul3A_212, %dma_wait3A_215] : memref<10240x128xf32, #tpu.memory_space<vmem_shared>> -> memref<32x128xf32, #tpu.memory_space<vmem_shared>>
    tpu.wait_dma2 semaphore(%arg41 : memref<!tpu.dma_semaphore, #tpu.memory_space<semaphore_mem>>) src(%arg9 : memref<32x128xf32, #tpu.memory_space<vmem>>) dst(%dma_wait3A_216 : memref<32x128xf32, #tpu.memory_space<vmem_shared>>)
    %mul3A_217 = arith.constant 640 : i32
    %mul3A_218 = arith.muli %arg1, %mul3A_217 : i32
    %add3A_219 = arith.constant 512 : i32
    %add3A_220 = arith.addi %mul3A_218, %add3A_219 : i32
    %dma_start3A_221 = arith.constant 0 : i32
    %dma_start3A_222 = tpu.memref_slice %arg24[%add3A_220, %dma_start3A_221] : memref<10240x128xf32, #tpu.memory_space<vmem_shared>> -> memref<32x128xf32, #tpu.memory_space<vmem_shared>>
    %dma_start3A_223 = arith.constant 0 : i32
    %dma_start3A_224 = tpu.memref_slice %arg24[%add3A_220, %dma_start3A_223] : memref<10240x128xf32, #tpu.memory_space<vmem_shared>> -> memref<32x128xf32, #tpu.memory_space<vmem_shared>>
    tpu.enqueue_dma source(%arg9 : memref<32x128xf32, #tpu.memory_space<vmem>>) target(%dma_start3A_224 : memref<32x128xf32, #tpu.memory_space<vmem_shared>>) target_semaphore(%arg41 : memref<!tpu.dma_semaphore, #tpu.memory_space<semaphore_mem>>)
    %mul3A_225 = arith.constant 640 : i32
    %mul3A_226 = arith.muli %arg1, %mul3A_225 : i32
    %dma_wait3A_227 = arith.constant 0 : i32
    %dma_wait3A_228 = tpu.memref_slice %arg24[%mul3A_226, %dma_wait3A_227] : memref<10240x128xf32, #tpu.memory_space<vmem_shared>> -> memref<32x128xf32, #tpu.memory_space<vmem_shared>>
    %dma_wait3A_229 = arith.constant 0 : i32
    %dma_wait3A_230 = tpu.memref_slice %arg24[%mul3A_226, %dma_wait3A_229] : memref<10240x128xf32, #tpu.memory_space<vmem_shared>> -> memref<32x128xf32, #tpu.memory_space<vmem_shared>>
    tpu.wait_dma2 semaphore(%arg42 : memref<!tpu.dma_semaphore, #tpu.memory_space<semaphore_mem>>) src(%arg9 : memref<32x128xf32, #tpu.memory_space<vmem>>) dst(%dma_wait3A_230 : memref<32x128xf32, #tpu.memory_space<vmem_shared>>)
    %mul3A_231 = arith.constant 640 : i32
    %mul3A_232 = arith.muli %arg1, %mul3A_231 : i32
    %add3A_233 = arith.constant 544 : i32
    %add3A_234 = arith.addi %mul3A_232, %add3A_233 : i32
    %dma_start3A_235 = arith.constant 0 : i32
    %dma_start3A_236 = tpu.memref_slice %arg24[%add3A_234, %dma_start3A_235] : memref<10240x128xf32, #tpu.memory_space<vmem_shared>> -> memref<32x128xf32, #tpu.memory_space<vmem_shared>>
    %dma_start3A_237 = arith.constant 0 : i32
    %dma_start3A_238 = tpu.memref_slice %arg24[%add3A_234, %dma_start3A_237] : memref<10240x128xf32, #tpu.memory_space<vmem_shared>> -> memref<32x128xf32, #tpu.memory_space<vmem_shared>>
    tpu.enqueue_dma source(%arg9 : memref<32x128xf32, #tpu.memory_space<vmem>>) target(%dma_start3A_238 : memref<32x128xf32, #tpu.memory_space<vmem_shared>>) target_semaphore(%arg42 : memref<!tpu.dma_semaphore, #tpu.memory_space<semaphore_mem>>)
    %mul3A_239 = arith.constant 640 : i32
    %mul3A_240 = arith.muli %arg1, %mul3A_239 : i32
    %dma_wait3A_241 = arith.constant 0 : i32
    %dma_wait3A_242 = tpu.memref_slice %arg24[%mul3A_240, %dma_wait3A_241] : memref<10240x128xf32, #tpu.memory_space<vmem_shared>> -> memref<32x128xf32, #tpu.memory_space<vmem_shared>>
    %dma_wait3A_243 = arith.constant 0 : i32
    %dma_wait3A_244 = tpu.memref_slice %arg24[%mul3A_240, %dma_wait3A_243] : memref<10240x128xf32, #tpu.memory_space<vmem_shared>> -> memref<32x128xf32, #tpu.memory_space<vmem_shared>>
    tpu.wait_dma2 semaphore(%arg43 : memref<!tpu.dma_semaphore, #tpu.memory_space<semaphore_mem>>) src(%arg9 : memref<32x128xf32, #tpu.memory_space<vmem>>) dst(%dma_wait3A_244 : memref<32x128xf32, #tpu.memory_space<vmem_shared>>)
    %mul3A_245 = arith.constant 640 : i32
    %mul3A_246 = arith.muli %arg1, %mul3A_245 : i32
    %add3A_247 = arith.constant 576 : i32
    %add3A_248 = arith.addi %mul3A_246, %add3A_247 : i32
    %dma_start3A_249 = arith.constant 0 : i32
    %dma_start3A_250 = tpu.memref_slice %arg24[%add3A_248, %dma_start3A_249] : memref<10240x128xf32, #tpu.memory_space<vmem_shared>> -> memref<32x128xf32, #tpu.memory_space<vmem_shared>>
    %dma_start3A_251 = arith.constant 0 : i32
    %dma_start3A_252 = tpu.memref_slice %arg24[%add3A_248, %dma_start3A_251] : memref<10240x128xf32, #tpu.memory_space<vmem_shared>> -> memref<32x128xf32, #tpu.memory_space<vmem_shared>>
    tpu.enqueue_dma source(%arg9 : memref<32x128xf32, #tpu.memory_space<vmem>>) target(%dma_start3A_252 : memref<32x128xf32, #tpu.memory_space<vmem_shared>>) target_semaphore(%arg43 : memref<!tpu.dma_semaphore, #tpu.memory_space<semaphore_mem>>)
    %mul3A_253 = arith.constant 640 : i32
    %mul3A_254 = arith.muli %arg1, %mul3A_253 : i32
    %dma_wait3A_255 = arith.constant 0 : i32
    %dma_wait3A_256 = tpu.memref_slice %arg24[%mul3A_254, %dma_wait3A_255] : memref<10240x128xf32, #tpu.memory_space<vmem_shared>> -> memref<32x128xf32, #tpu.memory_space<vmem_shared>>
    %dma_wait3A_257 = arith.constant 0 : i32
    %dma_wait3A_258 = tpu.memref_slice %arg24[%mul3A_254, %dma_wait3A_257] : memref<10240x128xf32, #tpu.memory_space<vmem_shared>> -> memref<32x128xf32, #tpu.memory_space<vmem_shared>>
    tpu.wait_dma2 semaphore(%arg44 : memref<!tpu.dma_semaphore, #tpu.memory_space<semaphore_mem>>) src(%arg9 : memref<32x128xf32, #tpu.memory_space<vmem>>) dst(%dma_wait3A_258 : memref<32x128xf32, #tpu.memory_space<vmem_shared>>)
    %mul3A_259 = arith.constant 640 : i32
    %mul3A_260 = arith.muli %arg1, %mul3A_259 : i32
    %add3A_261 = arith.constant 608 : i32
    %add3A_262 = arith.addi %mul3A_260, %add3A_261 : i32
    %dma_start3A_263 = arith.constant 0 : i32
    %dma_start3A_264 = tpu.memref_slice %arg24[%add3A_262, %dma_start3A_263] : memref<10240x128xf32, #tpu.memory_space<vmem_shared>> -> memref<32x128xf32, #tpu.memory_space<vmem_shared>>
    %dma_start3A_265 = arith.constant 0 : i32
    %dma_start3A_266 = tpu.memref_slice %arg24[%add3A_262, %dma_start3A_265] : memref<10240x128xf32, #tpu.memory_space<vmem_shared>> -> memref<32x128xf32, #tpu.memory_space<vmem_shared>>
    tpu.enqueue_dma source(%arg9 : memref<32x128xf32, #tpu.memory_space<vmem>>) target(%dma_start3A_266 : memref<32x128xf32, #tpu.memory_space<vmem_shared>>) target_semaphore(%arg44 : memref<!tpu.dma_semaphore, #tpu.memory_space<semaphore_mem>>)
    %mul3A_267 = arith.constant 640 : i32
    %mul3A_268 = arith.muli %arg1, %mul3A_267 : i32
    %dma_wait3A_269 = arith.constant 0 : i32
    %dma_wait3A_270 = tpu.memref_slice %arg24[%mul3A_268, %dma_wait3A_269] : memref<10240x128xf32, #tpu.memory_space<vmem_shared>> -> memref<32x128xf32, #tpu.memory_space<vmem_shared>>
    %dma_wait3A_271 = arith.constant 0 : i32
    %dma_wait3A_272 = tpu.memref_slice %arg24[%mul3A_268, %dma_wait3A_271] : memref<10240x128xf32, #tpu.memory_space<vmem_shared>> -> memref<32x128xf32, #tpu.memory_space<vmem_shared>>
    tpu.wait_dma2 semaphore(%arg41 : memref<!tpu.dma_semaphore, #tpu.memory_space<semaphore_mem>>) src(%arg9 : memref<32x128xf32, #tpu.memory_space<vmem>>) dst(%dma_wait3A_272 : memref<32x128xf32, #tpu.memory_space<vmem_shared>>)
    %mul3A_273 = arith.constant 640 : i32
    %mul3A_274 = arith.muli %arg1, %mul3A_273 : i32
    %dma_wait3A_275 = arith.constant 0 : i32
    %dma_wait3A_276 = tpu.memref_slice %arg24[%mul3A_274, %dma_wait3A_275] : memref<10240x128xf32, #tpu.memory_space<vmem_shared>> -> memref<32x128xf32, #tpu.memory_space<vmem_shared>>
    %dma_wait3A_277 = arith.constant 0 : i32
    %dma_wait3A_278 = tpu.memref_slice %arg24[%mul3A_274, %dma_wait3A_277] : memref<10240x128xf32, #tpu.memory_space<vmem_shared>> -> memref<32x128xf32, #tpu.memory_space<vmem_shared>>
    tpu.wait_dma2 semaphore(%arg42 : memref<!tpu.dma_semaphore, #tpu.memory_space<semaphore_mem>>) src(%arg9 : memref<32x128xf32, #tpu.memory_space<vmem>>) dst(%dma_wait3A_278 : memref<32x128xf32, #tpu.memory_space<vmem_shared>>)
    %mul3A_279 = arith.constant 640 : i32
    %mul3A_280 = arith.muli %arg1, %mul3A_279 : i32
    %dma_wait3A_281 = arith.constant 0 : i32
    %dma_wait3A_282 = tpu.memref_slice %arg24[%mul3A_280, %dma_wait3A_281] : memref<10240x128xf32, #tpu.memory_space<vmem_shared>> -> memref<32x128xf32, #tpu.memory_space<vmem_shared>>
    %dma_wait3A_283 = arith.constant 0 : i32
    %dma_wait3A_284 = tpu.memref_slice %arg24[%mul3A_280, %dma_wait3A_283] : memref<10240x128xf32, #tpu.memory_space<vmem_shared>> -> memref<32x128xf32, #tpu.memory_space<vmem_shared>>
    tpu.wait_dma2 semaphore(%arg43 : memref<!tpu.dma_semaphore, #tpu.memory_space<semaphore_mem>>) src(%arg9 : memref<32x128xf32, #tpu.memory_space<vmem>>) dst(%dma_wait3A_284 : memref<32x128xf32, #tpu.memory_space<vmem_shared>>)
    %mul3A_285 = arith.constant 640 : i32
    %mul3A_286 = arith.muli %arg1, %mul3A_285 : i32
    %dma_wait3A_287 = arith.constant 0 : i32
    %dma_wait3A_288 = tpu.memref_slice %arg24[%mul3A_286, %dma_wait3A_287] : memref<10240x128xf32, #tpu.memory_space<vmem_shared>> -> memref<32x128xf32, #tpu.memory_space<vmem_shared>>
    %dma_wait3A_289 = arith.constant 0 : i32
    %dma_wait3A_290 = tpu.memref_slice %arg24[%mul3A_286, %dma_wait3A_289] : memref<10240x128xf32, #tpu.memory_space<vmem_shared>> -> memref<32x128xf32, #tpu.memory_space<vmem_shared>>
    tpu.wait_dma2 semaphore(%arg44 : memref<!tpu.dma_semaphore, #tpu.memory_space<semaphore_mem>>) src(%arg9 : memref<32x128xf32, #tpu.memory_space<vmem>>) dst(%dma_wait3A_290 : memref<32x128xf32, #tpu.memory_space<vmem_shared>>)
    %mul3A_291 = arith.constant 640 : i32
    %mul3A_292 = arith.muli %arg1, %mul3A_291 : i32
    %dma_wait3A_293 = arith.constant 0 : i32
    %dma_wait3A_294 = tpu.memref_slice %arg24[%mul3A_292, %dma_wait3A_293] : memref<10240x128xf32, #tpu.memory_space<vmem_shared>> -> memref<32x128xf32, #tpu.memory_space<vmem_shared>>
    %dma_wait3A_295 = arith.constant 0 : i32
    %dma_wait3A_296 = tpu.memref_slice %arg24[%mul3A_292, %dma_wait3A_295] : memref<10240x128xf32, #tpu.memory_space<vmem_shared>> -> memref<32x128xf32, #tpu.memory_space<vmem_shared>>
    tpu.wait_dma2 semaphore(%arg45 : memref<!tpu.dma_semaphore, #tpu.memory_space<semaphore_mem>>) src(%arg9 : memref<32x128xf32, #tpu.memory_space<vmem>>) dst(%dma_wait3A_296 : memref<32x128xf32, #tpu.memory_space<vmem_shared>>)
    %mul3A_297 = arith.constant 640 : i32
    %mul3A_298 = arith.muli %arg1, %mul3A_297 : i32
    %dma_wait3A_299 = arith.constant 0 : i32
    %dma_wait3A_300 = tpu.memref_slice %arg24[%mul3A_298, %dma_wait3A_299] : memref<10240x128xf32, #tpu.memory_space<vmem_shared>> -> memref<32x128xf32, #tpu.memory_space<vmem_shared>>
    %dma_wait3A_301 = arith.constant 0 : i32
    %dma_wait3A_302 = tpu.memref_slice %arg24[%mul3A_298, %dma_wait3A_301] : memref<10240x128xf32, #tpu.memory_space<vmem_shared>> -> memref<32x128xf32, #tpu.memory_space<vmem_shared>>
    tpu.wait_dma2 semaphore(%arg46 : memref<!tpu.dma_semaphore, #tpu.memory_space<semaphore_mem>>) src(%arg9 : memref<32x128xf32, #tpu.memory_space<vmem>>) dst(%dma_wait3A_302 : memref<32x128xf32, #tpu.memory_space<vmem_shared>>)
    %mul3A_303 = arith.constant 640 : i32
    %mul3A_304 = arith.muli %arg1, %mul3A_303 : i32
    %dma_wait3A_305 = arith.constant 0 : i32
    %dma_wait3A_306 = tpu.memref_slice %arg24[%mul3A_304, %dma_wait3A_305] : memref<10240x128xf32, #tpu.memory_space<vmem_shared>> -> memref<32x128xf32, #tpu.memory_space<vmem_shared>>
    %dma_wait3A_307 = arith.constant 0 : i32
    %dma_wait3A_308 = tpu.memref_slice %arg24[%mul3A_304, %dma_wait3A_307] : memref<10240x128xf32, #tpu.memory_space<vmem_shared>> -> memref<32x128xf32, #tpu.memory_space<vmem_shared>>
    tpu.wait_dma2 semaphore(%arg47 : memref<!tpu.dma_semaphore, #tpu.memory_space<semaphore_mem>>) src(%arg9 : memref<32x128xf32, #tpu.memory_space<vmem>>) dst(%dma_wait3A_308 : memref<32x128xf32, #tpu.memory_space<vmem_shared>>)
    %mul3A_309 = arith.constant 640 : i32
    %mul3A_310 = arith.muli %arg1, %mul3A_309 : i32
    %dma_wait3A_311 = arith.constant 0 : i32
    %dma_wait3A_312 = tpu.memref_slice %arg24[%mul3A_310, %dma_wait3A_311] : memref<10240x128xf32, #tpu.memory_space<vmem_shared>> -> memref<32x128xf32, #tpu.memory_space<vmem_shared>>
    %dma_wait3A_313 = arith.constant 0 : i32
    %dma_wait3A_314 = tpu.memref_slice %arg24[%mul3A_310, %dma_wait3A_313] : memref<10240x128xf32, #tpu.memory_space<vmem_shared>> -> memref<32x128xf32, #tpu.memory_space<vmem_shared>>
    tpu.wait_dma2 semaphore(%arg48 : memref<!tpu.dma_semaphore, #tpu.memory_space<semaphore_mem>>) src(%arg9 : memref<32x128xf32, #tpu.memory_space<vmem>>) dst(%dma_wait3A_314 : memref<32x128xf32, #tpu.memory_space<vmem_shared>>)
    %barrier3A = arith.constant 0 : index
    tpu.barrier barrier_id(%barrier3A)
    %dma_wait3A_315 = tpu.memref_slice %arg3[%mul3A_2] : memref<327680xi32, #tpu.memory_space<hbm>> -> memref<10240xi32, #tpu.memory_space<hbm>>
    %dma_wait3A_316 = tpu.memref_slice %arg3[%mul3A_2] : memref<327680xi32, #tpu.memory_space<hbm>> -> memref<10240xi32, #tpu.memory_space<hbm>>
    tpu.wait_dma2 semaphore(%arg49 : memref<!tpu.dma_semaphore, #tpu.memory_space<semaphore_mem>>) src(%dma_wait3A_316 : memref<10240xi32, #tpu.memory_space<hbm>>) dst(%arg7 : memref<10240xi32, #tpu.memory_space<vmem>>)
    %dma_start3A_317 = arith.constant 0 : i32
    %dma_start3A_318 = tpu.memref_slice %arg7[%dma_start3A_317] : memref<10240xi32, #tpu.memory_space<vmem>> -> memref<32xi32, #tpu.memory_space<vmem>>
    %dma_start3A_319 = arith.constant 0 : i32
    %dma_start3A_320 = arith.constant 0 : i32
    %dma_start3A_321 = tpu.memref_slice %arg2[%dma_start3A_319, %dma_start3A_320] : memref<10000x128xf32, #tpu.memory_space<hbm>> -> memref<10000x128xf32, #tpu.memory_space<hbm>>
    tpu.enqueue_indirect_dma source(%dma_start3A_321 : memref<10000x128xf32, #tpu.memory_space<hbm>>) target(%arg9 : memref<32x128xf32, #tpu.memory_space<vmem>>) offsets(%dma_start3A_318 : memref<32xi32, #tpu.memory_space<vmem>>) semaphore(%arg33 : memref<!tpu.dma_semaphore, #tpu.memory_space<semaphore_mem>>)
    %dma_start3A_322 = arith.constant 32 : i32
    %dma_start3A_323 = tpu.memref_slice %arg7[%dma_start3A_322] : memref<10240xi32, #tpu.memory_space<vmem>> -> memref<32xi32, #tpu.memory_space<vmem>>
    %dma_start3A_324 = arith.constant 0 : i32
    %dma_start3A_325 = arith.constant 0 : i32
    %dma_start3A_326 = tpu.memref_slice %arg2[%dma_start3A_324, %dma_start3A_325] : memref<10000x128xf32, #tpu.memory_space<hbm>> -> memref<10000x128xf32, #tpu.memory_space<hbm>>
    tpu.enqueue_indirect_dma source(%dma_start3A_326 : memref<10000x128xf32, #tpu.memory_space<hbm>>) target(%arg11 : memref<32x128xf32, #tpu.memory_space<vmem>>) offsets(%dma_start3A_323 : memref<32xi32, #tpu.memory_space<vmem>>) semaphore(%arg34 : memref<!tpu.dma_semaphore, #tpu.memory_space<semaphore_mem>>)
    %dma_start3A_327 = arith.constant 64 : i32
    %dma_start3A_328 = tpu.memref_slice %arg7[%dma_start3A_327] : memref<10240xi32, #tpu.memory_space<vmem>> -> memref<32xi32, #tpu.memory_space<vmem>>
    %dma_start3A_329 = arith.constant 0 : i32
    %dma_start3A_330 = arith.constant 0 : i32
    %dma_start3A_331 = tpu.memref_slice %arg2[%dma_start3A_329, %dma_start3A_330] : memref<10000x128xf32, #tpu.memory_space<hbm>> -> memref<10000x128xf32, #tpu.memory_space<hbm>>
    tpu.enqueue_indirect_dma source(%dma_start3A_331 : memref<10000x128xf32, #tpu.memory_space<hbm>>) target(%arg13 : memref<32x128xf32, #tpu.memory_space<vmem>>) offsets(%dma_start3A_328 : memref<32xi32, #tpu.memory_space<vmem>>) semaphore(%arg35 : memref<!tpu.dma_semaphore, #tpu.memory_space<semaphore_mem>>)
    %dma_start3A_332 = arith.constant 96 : i32
    %dma_start3A_333 = tpu.memref_slice %arg7[%dma_start3A_332] : memref<10240xi32, #tpu.memory_space<vmem>> -> memref<32xi32, #tpu.memory_space<vmem>>
    %dma_start3A_334 = arith.constant 0 : i32
    %dma_start3A_335 = arith.constant 0 : i32
    %dma_start3A_336 = tpu.memref_slice %arg2[%dma_start3A_334, %dma_start3A_335] : memref<10000x128xf32, #tpu.memory_space<hbm>> -> memref<10000x128xf32, #tpu.memory_space<hbm>>
    tpu.enqueue_indirect_dma source(%dma_start3A_336 : memref<10000x128xf32, #tpu.memory_space<hbm>>) target(%arg15 : memref<32x128xf32, #tpu.memory_space<vmem>>) offsets(%dma_start3A_333 : memref<32xi32, #tpu.memory_space<vmem>>) semaphore(%arg36 : memref<!tpu.dma_semaphore, #tpu.memory_space<semaphore_mem>>)
    %dma_start3A_337 = arith.constant 128 : i32
    %dma_start3A_338 = tpu.memref_slice %arg7[%dma_start3A_337] : memref<10240xi32, #tpu.memory_space<vmem>> -> memref<32xi32, #tpu.memory_space<vmem>>
    %dma_start3A_339 = arith.constant 0 : i32
    %dma_start3A_340 = arith.constant 0 : i32
    %dma_start3A_341 = tpu.memref_slice %arg2[%dma_start3A_339, %dma_start3A_340] : memref<10000x128xf32, #tpu.memory_space<hbm>> -> memref<10000x128xf32, #tpu.memory_space<hbm>>
    tpu.enqueue_indirect_dma source(%dma_start3A_341 : memref<10000x128xf32, #tpu.memory_space<hbm>>) target(%arg17 : memref<32x128xf32, #tpu.memory_space<vmem>>) offsets(%dma_start3A_338 : memref<32xi32, #tpu.memory_space<vmem>>) semaphore(%arg37 : memref<!tpu.dma_semaphore, #tpu.memory_space<semaphore_mem>>)
    %dma_start3A_342 = arith.constant 160 : i32
    %dma_start3A_343 = tpu.memref_slice %arg7[%dma_start3A_342] : memref<10240xi32, #tpu.memory_space<vmem>> -> memref<32xi32, #tpu.memory_space<vmem>>
    %dma_start3A_344 = arith.constant 0 : i32
    %dma_start3A_345 = arith.constant 0 : i32
    %dma_start3A_346 = tpu.memref_slice %arg2[%dma_start3A_344, %dma_start3A_345] : memref<10000x128xf32, #tpu.memory_space<hbm>> -> memref<10000x128xf32, #tpu.memory_space<hbm>>
    tpu.enqueue_indirect_dma source(%dma_start3A_346 : memref<10000x128xf32, #tpu.memory_space<hbm>>) target(%arg19 : memref<32x128xf32, #tpu.memory_space<vmem>>) offsets(%dma_start3A_343 : memref<32xi32, #tpu.memory_space<vmem>>) semaphore(%arg38 : memref<!tpu.dma_semaphore, #tpu.memory_space<semaphore_mem>>)
    %dma_start3A_347 = arith.constant 192 : i32
    %dma_start3A_348 = tpu.memref_slice %arg7[%dma_start3A_347] : memref<10240xi32, #tpu.memory_space<vmem>> -> memref<32xi32, #tpu.memory_space<vmem>>
    %dma_start3A_349 = arith.constant 0 : i32
    %dma_start3A_350 = arith.constant 0 : i32
    %dma_start3A_351 = tpu.memref_slice %arg2[%dma_start3A_349, %dma_start3A_350] : memref<10000x128xf32, #tpu.memory_space<hbm>> -> memref<10000x128xf32, #tpu.memory_space<hbm>>
    tpu.enqueue_indirect_dma source(%dma_start3A_351 : memref<10000x128xf32, #tpu.memory_space<hbm>>) target(%arg21 : memref<32x128xf32, #tpu.memory_space<vmem>>) offsets(%dma_start3A_348 : memref<32xi32, #tpu.memory_space<vmem>>) semaphore(%arg39 : memref<!tpu.dma_semaphore, #tpu.memory_space<semaphore_mem>>)
    %dma_start3A_352 = arith.constant 224 : i32
    %dma_start3A_353 = tpu.memref_slice %arg7[%dma_start3A_352] : memref<10240xi32, #tpu.memory_space<vmem>> -> memref<32xi32, #tpu.memory_space<vmem>>
    %dma_start3A_354 = arith.constant 0 : i32
    %dma_start3A_355 = arith.constant 0 : i32
    %dma_start3A_356 = tpu.memref_slice %arg2[%dma_start3A_354, %dma_start3A_355] : memref<10000x128xf32, #tpu.memory_space<hbm>> -> memref<10000x128xf32, #tpu.memory_space<hbm>>
    tpu.enqueue_indirect_dma source(%dma_start3A_356 : memref<10000x128xf32, #tpu.memory_space<hbm>>) target(%arg23 : memref<32x128xf32, #tpu.memory_space<vmem>>) offsets(%dma_start3A_353 : memref<32xi32, #tpu.memory_space<vmem>>) semaphore(%arg40 : memref<!tpu.dma_semaphore, #tpu.memory_space<semaphore_mem>>)
    %scan3A = arith.constant 0 : i32
    %scan3A_357 = arith.constant 39 : i32
    %scan3A_358 = arith.addi %scan3A, %scan3A_357 : i32
    %scan3A_359 = arith.constant 1 : i32
    scf.for %scan3A_470 = %scan3A to %scan3A_358 step %scan3A_359  : i32 {
      %mul3A_471 = arith.constant 1 : i32
      %mul3A_472 = arith.muli %scan3A_470, %mul3A_471 : i32
      %add3A_473 = arith.constant 0 : i32
      %add3A_474 = arith.addi %add3A_473, %mul3A_472 : i32
      %mul3A_475 = arith.constant 8 : i32
      %mul3A_476 = arith.muli %add3A_474, %mul3A_475 : i32
      %dma_wait3A_477 = arith.constant 0 : i32
      %dma_wait3A_478 = tpu.memref_slice %arg7[%dma_wait3A_477] : memref<10240xi32, #tpu.memory_space<vmem>> -> memref<32xi32, #tpu.memory_space<vmem>>
      %dma_wait3A_479 = arith.constant 0 : i32
      %dma_wait3A_480 = arith.constant 0 : i32
      %dma_wait3A_481 = tpu.memref_slice %arg2[%dma_wait3A_479, %dma_wait3A_480] : memref<10000x128xf32, #tpu.memory_space<hbm>> -> memref<10000x128xf32, #tpu.memory_space<hbm>>
      tpu.wait_indirect_dma semaphore(%arg33 : memref<!tpu.dma_semaphore, #tpu.memory_space<semaphore_mem>>) src(%dma_wait3A_481 : memref<10000x128xf32, #tpu.memory_space<hbm>>) dst(%arg9 : memref<32x128xf32, #tpu.memory_space<vmem>>)
      %dma_wait3A_482 = tpu.memref_slice %arg4[%mul3A_2] : memref<327680xi32, #tpu.memory_space<hbm>> -> memref<32xi32, #tpu.memory_space<hbm>>
      %dma_wait3A_483 = tpu.memref_slice %arg4[%mul3A_2] : memref<327680xi32, #tpu.memory_space<hbm>> -> memref<32xi32, #tpu.memory_space<hbm>>
      tpu.wait_dma2 semaphore(%arg25 : memref<!tpu.dma_semaphore, #tpu.memory_space<semaphore_mem>>) src(%dma_wait3A_483 : memref<32xi32, #tpu.memory_space<hbm>>) dst(%arg8 : memref<32xi32, #tpu.memory_space<vmem>>)
      %dma_start3A_484 = arith.constant 0 : i32
      %dma_start3A_485 = arith.constant 0 : i32
      %dma_start3A_486 = tpu.memref_slice %arg24[%dma_start3A_484, %dma_start3A_485] : memref<10240x128xf32, #tpu.memory_space<vmem_shared>> -> memref<10240x128xf32, #tpu.memory_space<vmem_shared>>
      tpu.enqueue_indirect_dma source(%arg9 : memref<32x128xf32, #tpu.memory_space<vmem>>) target(%dma_start3A_486 : memref<10240x128xf32, #tpu.memory_space<vmem_shared>>) offsets(%arg8 : memref<32xi32, #tpu.memory_space<vmem>>) semaphore(%arg41 : memref<!tpu.dma_semaphore, #tpu.memory_space<semaphore_mem>>) {add = true}
      %dma_wait3A_487 = arith.constant 32 : i32
      %dma_wait3A_488 = tpu.memref_slice %arg7[%dma_wait3A_487] : memref<10240xi32, #tpu.memory_space<vmem>> -> memref<32xi32, #tpu.memory_space<vmem>>
      %dma_wait3A_489 = arith.constant 0 : i32
      %dma_wait3A_490 = arith.constant 0 : i32
      %dma_wait3A_491 = tpu.memref_slice %arg2[%dma_wait3A_489, %dma_wait3A_490] : memref<10000x128xf32, #tpu.memory_space<hbm>> -> memref<10000x128xf32, #tpu.memory_space<hbm>>
      tpu.wait_indirect_dma semaphore(%arg34 : memref<!tpu.dma_semaphore, #tpu.memory_space<semaphore_mem>>) src(%dma_wait3A_491 : memref<10000x128xf32, #tpu.memory_space<hbm>>) dst(%arg11 : memref<32x128xf32, #tpu.memory_space<vmem>>)
      %dma_wait3A_492 = tpu.memref_slice %arg4[%mul3A_2] : memref<327680xi32, #tpu.memory_space<hbm>> -> memref<32xi32, #tpu.memory_space<hbm>>
      %dma_wait3A_493 = tpu.memref_slice %arg4[%mul3A_2] : memref<327680xi32, #tpu.memory_space<hbm>> -> memref<32xi32, #tpu.memory_space<hbm>>
      tpu.wait_dma2 semaphore(%arg26 : memref<!tpu.dma_semaphore, #tpu.memory_space<semaphore_mem>>) src(%dma_wait3A_493 : memref<32xi32, #tpu.memory_space<hbm>>) dst(%arg10 : memref<32xi32, #tpu.memory_space<vmem>>)
      %dma_start3A_494 = arith.constant 0 : i32
      %dma_start3A_495 = arith.constant 0 : i32
      %dma_start3A_496 = tpu.memref_slice %arg24[%dma_start3A_494, %dma_start3A_495] : memref<10240x128xf32, #tpu.memory_space<vmem_shared>> -> memref<10240x128xf32, #tpu.memory_space<vmem_shared>>
      tpu.enqueue_indirect_dma source(%arg11 : memref<32x128xf32, #tpu.memory_space<vmem>>) target(%dma_start3A_496 : memref<10240x128xf32, #tpu.memory_space<vmem_shared>>) offsets(%arg10 : memref<32xi32, #tpu.memory_space<vmem>>) semaphore(%arg42 : memref<!tpu.dma_semaphore, #tpu.memory_space<semaphore_mem>>) {add = true}
      %dma_wait3A_497 = arith.constant 64 : i32
      %dma_wait3A_498 = tpu.memref_slice %arg7[%dma_wait3A_497] : memref<10240xi32, #tpu.memory_space<vmem>> -> memref<32xi32, #tpu.memory_space<vmem>>
      %dma_wait3A_499 = arith.constant 0 : i32
      %dma_wait3A_500 = arith.constant 0 : i32
      %dma_wait3A_501 = tpu.memref_slice %arg2[%dma_wait3A_499, %dma_wait3A_500] : memref<10000x128xf32, #tpu.memory_space<hbm>> -> memref<10000x128xf32, #tpu.memory_space<hbm>>
      tpu.wait_indirect_dma semaphore(%arg35 : memref<!tpu.dma_semaphore, #tpu.memory_space<semaphore_mem>>) src(%dma_wait3A_501 : memref<10000x128xf32, #tpu.memory_space<hbm>>) dst(%arg13 : memref<32x128xf32, #tpu.memory_space<vmem>>)
      %dma_wait3A_502 = tpu.memref_slice %arg4[%mul3A_2] : memref<327680xi32, #tpu.memory_space<hbm>> -> memref<32xi32, #tpu.memory_space<hbm>>
      %dma_wait3A_503 = tpu.memref_slice %arg4[%mul3A_2] : memref<327680xi32, #tpu.memory_space<hbm>> -> memref<32xi32, #tpu.memory_space<hbm>>
      tpu.wait_dma2 semaphore(%arg27 : memref<!tpu.dma_semaphore, #tpu.memory_space<semaphore_mem>>) src(%dma_wait3A_503 : memref<32xi32, #tpu.memory_space<hbm>>) dst(%arg12 : memref<32xi32, #tpu.memory_space<vmem>>)
      %dma_start3A_504 = arith.constant 0 : i32
      %dma_start3A_505 = arith.constant 0 : i32
      %dma_start3A_506 = tpu.memref_slice %arg24[%dma_start3A_504, %dma_start3A_505] : memref<10240x128xf32, #tpu.memory_space<vmem_shared>> -> memref<10240x128xf32, #tpu.memory_space<vmem_shared>>
      tpu.enqueue_indirect_dma source(%arg13 : memref<32x128xf32, #tpu.memory_space<vmem>>) target(%dma_start3A_506 : memref<10240x128xf32, #tpu.memory_space<vmem_shared>>) offsets(%arg12 : memref<32xi32, #tpu.memory_space<vmem>>) semaphore(%arg43 : memref<!tpu.dma_semaphore, #tpu.memory_space<semaphore_mem>>) {add = true}
      %dma_wait3A_507 = arith.constant 96 : i32
      %dma_wait3A_508 = tpu.memref_slice %arg7[%dma_wait3A_507] : memref<10240xi32, #tpu.memory_space<vmem>> -> memref<32xi32, #tpu.memory_space<vmem>>
      %dma_wait3A_509 = arith.constant 0 : i32
      %dma_wait3A_510 = arith.constant 0 : i32
      %dma_wait3A_511 = tpu.memref_slice %arg2[%dma_wait3A_509, %dma_wait3A_510] : memref<10000x128xf32, #tpu.memory_space<hbm>> -> memref<10000x128xf32, #tpu.memory_space<hbm>>
      tpu.wait_indirect_dma semaphore(%arg36 : memref<!tpu.dma_semaphore, #tpu.memory_space<semaphore_mem>>) src(%dma_wait3A_511 : memref<10000x128xf32, #tpu.memory_space<hbm>>) dst(%arg15 : memref<32x128xf32, #tpu.memory_space<vmem>>)
      %dma_wait3A_512 = tpu.memref_slice %arg4[%mul3A_2] : memref<327680xi32, #tpu.memory_space<hbm>> -> memref<32xi32, #tpu.memory_space<hbm>>
      %dma_wait3A_513 = tpu.memref_slice %arg4[%mul3A_2] : memref<327680xi32, #tpu.memory_space<hbm>> -> memref<32xi32, #tpu.memory_space<hbm>>
      tpu.wait_dma2 semaphore(%arg28 : memref<!tpu.dma_semaphore, #tpu.memory_space<semaphore_mem>>) src(%dma_wait3A_513 : memref<32xi32, #tpu.memory_space<hbm>>) dst(%arg14 : memref<32xi32, #tpu.memory_space<vmem>>)
      %dma_start3A_514 = arith.constant 0 : i32
      %dma_start3A_515 = arith.constant 0 : i32
      %dma_start3A_516 = tpu.memref_slice %arg24[%dma_start3A_514, %dma_start3A_515] : memref<10240x128xf32, #tpu.memory_space<vmem_shared>> -> memref<10240x128xf32, #tpu.memory_space<vmem_shared>>
      tpu.enqueue_indirect_dma source(%arg15 : memref<32x128xf32, #tpu.memory_space<vmem>>) target(%dma_start3A_516 : memref<10240x128xf32, #tpu.memory_space<vmem_shared>>) offsets(%arg14 : memref<32xi32, #tpu.memory_space<vmem>>) semaphore(%arg44 : memref<!tpu.dma_semaphore, #tpu.memory_space<semaphore_mem>>) {add = true}
      %dma_wait3A_517 = arith.constant 128 : i32
      %dma_wait3A_518 = tpu.memref_slice %arg7[%dma_wait3A_517] : memref<10240xi32, #tpu.memory_space<vmem>> -> memref<32xi32, #tpu.memory_space<vmem>>
      %dma_wait3A_519 = arith.constant 0 : i32
      %dma_wait3A_520 = arith.constant 0 : i32
      %dma_wait3A_521 = tpu.memref_slice %arg2[%dma_wait3A_519, %dma_wait3A_520] : memref<10000x128xf32, #tpu.memory_space<hbm>> -> memref<10000x128xf32, #tpu.memory_space<hbm>>
      tpu.wait_indirect_dma semaphore(%arg37 : memref<!tpu.dma_semaphore, #tpu.memory_space<semaphore_mem>>) src(%dma_wait3A_521 : memref<10000x128xf32, #tpu.memory_space<hbm>>) dst(%arg17 : memref<32x128xf32, #tpu.memory_space<vmem>>)
      %dma_wait3A_522 = tpu.memref_slice %arg4[%mul3A_2] : memref<327680xi32, #tpu.memory_space<hbm>> -> memref<32xi32, #tpu.memory_space<hbm>>
      %dma_wait3A_523 = tpu.memref_slice %arg4[%mul3A_2] : memref<327680xi32, #tpu.memory_space<hbm>> -> memref<32xi32, #tpu.memory_space<hbm>>
      tpu.wait_dma2 semaphore(%arg29 : memref<!tpu.dma_semaphore, #tpu.memory_space<semaphore_mem>>) src(%dma_wait3A_523 : memref<32xi32, #tpu.memory_space<hbm>>) dst(%arg16 : memref<32xi32, #tpu.memory_space<vmem>>)
      %dma_start3A_524 = arith.constant 0 : i32
      %dma_start3A_525 = arith.constant 0 : i32
      %dma_start3A_526 = tpu.memref_slice %arg24[%dma_start3A_524, %dma_start3A_525] : memref<10240x128xf32, #tpu.memory_space<vmem_shared>> -> memref<10240x128xf32, #tpu.memory_space<vmem_shared>>
      tpu.enqueue_indirect_dma source(%arg17 : memref<32x128xf32, #tpu.memory_space<vmem>>) target(%dma_start3A_526 : memref<10240x128xf32, #tpu.memory_space<vmem_shared>>) offsets(%arg16 : memref<32xi32, #tpu.memory_space<vmem>>) semaphore(%arg45 : memref<!tpu.dma_semaphore, #tpu.memory_space<semaphore_mem>>) {add = true}
      %dma_wait3A_527 = arith.constant 160 : i32
      %dma_wait3A_528 = tpu.memref_slice %arg7[%dma_wait3A_527] : memref<10240xi32, #tpu.memory_space<vmem>> -> memref<32xi32, #tpu.memory_space<vmem>>
      %dma_wait3A_529 = arith.constant 0 : i32
      %dma_wait3A_530 = arith.constant 0 : i32
      %dma_wait3A_531 = tpu.memref_slice %arg2[%dma_wait3A_529, %dma_wait3A_530] : memref<10000x128xf32, #tpu.memory_space<hbm>> -> memref<10000x128xf32, #tpu.memory_space<hbm>>
      tpu.wait_indirect_dma semaphore(%arg38 : memref<!tpu.dma_semaphore, #tpu.memory_space<semaphore_mem>>) src(%dma_wait3A_531 : memref<10000x128xf32, #tpu.memory_space<hbm>>) dst(%arg19 : memref<32x128xf32, #tpu.memory_space<vmem>>)
      %dma_wait3A_532 = tpu.memref_slice %arg4[%mul3A_2] : memref<327680xi32, #tpu.memory_space<hbm>> -> memref<32xi32, #tpu.memory_space<hbm>>
      %dma_wait3A_533 = tpu.memref_slice %arg4[%mul3A_2] : memref<327680xi32, #tpu.memory_space<hbm>> -> memref<32xi32, #tpu.memory_space<hbm>>
      tpu.wait_dma2 semaphore(%arg30 : memref<!tpu.dma_semaphore, #tpu.memory_space<semaphore_mem>>) src(%dma_wait3A_533 : memref<32xi32, #tpu.memory_space<hbm>>) dst(%arg18 : memref<32xi32, #tpu.memory_space<vmem>>)
      %dma_start3A_534 = arith.constant 0 : i32
      %dma_start3A_535 = arith.constant 0 : i32
      %dma_start3A_536 = tpu.memref_slice %arg24[%dma_start3A_534, %dma_start3A_535] : memref<10240x128xf32, #tpu.memory_space<vmem_shared>> -> memref<10240x128xf32, #tpu.memory_space<vmem_shared>>
      tpu.enqueue_indirect_dma source(%arg19 : memref<32x128xf32, #tpu.memory_space<vmem>>) target(%dma_start3A_536 : memref<10240x128xf32, #tpu.memory_space<vmem_shared>>) offsets(%arg18 : memref<32xi32, #tpu.memory_space<vmem>>) semaphore(%arg46 : memref<!tpu.dma_semaphore, #tpu.memory_space<semaphore_mem>>) {add = true}
      %dma_wait3A_537 = arith.constant 192 : i32
      %dma_wait3A_538 = tpu.memref_slice %arg7[%dma_wait3A_537] : memref<10240xi32, #tpu.memory_space<vmem>> -> memref<32xi32, #tpu.memory_space<vmem>>
      %dma_wait3A_539 = arith.constant 0 : i32
      %dma_wait3A_540 = arith.constant 0 : i32
      %dma_wait3A_541 = tpu.memref_slice %arg2[%dma_wait3A_539, %dma_wait3A_540] : memref<10000x128xf32, #tpu.memory_space<hbm>> -> memref<10000x128xf32, #tpu.memory_space<hbm>>
      tpu.wait_indirect_dma semaphore(%arg39 : memref<!tpu.dma_semaphore, #tpu.memory_space<semaphore_mem>>) src(%dma_wait3A_541 : memref<10000x128xf32, #tpu.memory_space<hbm>>) dst(%arg21 : memref<32x128xf32, #tpu.memory_space<vmem>>)
      %dma_wait3A_542 = tpu.memref_slice %arg4[%mul3A_2] : memref<327680xi32, #tpu.memory_space<hbm>> -> memref<32xi32, #tpu.memory_space<hbm>>
      %dma_wait3A_543 = tpu.memref_slice %arg4[%mul3A_2] : memref<327680xi32, #tpu.memory_space<hbm>> -> memref<32xi32, #tpu.memory_space<hbm>>
      tpu.wait_dma2 semaphore(%arg31 : memref<!tpu.dma_semaphore, #tpu.memory_space<semaphore_mem>>) src(%dma_wait3A_543 : memref<32xi32, #tpu.memory_space<hbm>>) dst(%arg20 : memref<32xi32, #tpu.memory_space<vmem>>)
      %dma_start3A_544 = arith.constant 0 : i32
      %dma_start3A_545 = arith.constant 0 : i32
      %dma_start3A_546 = tpu.memref_slice %arg24[%dma_start3A_544, %dma_start3A_545] : memref<10240x128xf32, #tpu.memory_space<vmem_shared>> -> memref<10240x128xf32, #tpu.memory_space<vmem_shared>>
      tpu.enqueue_indirect_dma source(%arg21 : memref<32x128xf32, #tpu.memory_space<vmem>>) target(%dma_start3A_546 : memref<10240x128xf32, #tpu.memory_space<vmem_shared>>) offsets(%arg20 : memref<32xi32, #tpu.memory_space<vmem>>) semaphore(%arg47 : memref<!tpu.dma_semaphore, #tpu.memory_space<semaphore_mem>>) {add = true}
      %dma_wait3A_547 = arith.constant 224 : i32
      %dma_wait3A_548 = tpu.memref_slice %arg7[%dma_wait3A_547] : memref<10240xi32, #tpu.memory_space<vmem>> -> memref<32xi32, #tpu.memory_space<vmem>>
      %dma_wait3A_549 = arith.constant 0 : i32
      %dma_wait3A_550 = arith.constant 0 : i32
      %dma_wait3A_551 = tpu.memref_slice %arg2[%dma_wait3A_549, %dma_wait3A_550] : memref<10000x128xf32, #tpu.memory_space<hbm>> -> memref<10000x128xf32, #tpu.memory_space<hbm>>
      tpu.wait_indirect_dma semaphore(%arg40 : memref<!tpu.dma_semaphore, #tpu.memory_space<semaphore_mem>>) src(%dma_wait3A_551 : memref<10000x128xf32, #tpu.memory_space<hbm>>) dst(%arg23 : memref<32x128xf32, #tpu.memory_space<vmem>>)
      %dma_wait3A_552 = tpu.memref_slice %arg4[%mul3A_2] : memref<327680xi32, #tpu.memory_space<hbm>> -> memref<32xi32, #tpu.memory_space<hbm>>
      %dma_wait3A_553 = tpu.memref_slice %arg4[%mul3A_2] : memref<327680xi32, #tpu.memory_space<hbm>> -> memref<32xi32, #tpu.memory_space<hbm>>
      tpu.wait_dma2 semaphore(%arg32 : memref<!tpu.dma_semaphore, #tpu.memory_space<semaphore_mem>>) src(%dma_wait3A_553 : memref<32xi32, #tpu.memory_space<hbm>>) dst(%arg22 : memref<32xi32, #tpu.memory_space<vmem>>)
      %dma_start3A_554 = arith.constant 0 : i32
      %dma_start3A_555 = arith.constant 0 : i32
      %dma_start3A_556 = tpu.memref_slice %arg24[%dma_start3A_554, %dma_start3A_555] : memref<10240x128xf32, #tpu.memory_space<vmem_shared>> -> memref<10240x128xf32, #tpu.memory_space<vmem_shared>>
      tpu.enqueue_indirect_dma source(%arg23 : memref<32x128xf32, #tpu.memory_space<vmem>>) target(%dma_start3A_556 : memref<10240x128xf32, #tpu.memory_space<vmem_shared>>) offsets(%arg22 : memref<32xi32, #tpu.memory_space<vmem>>) semaphore(%arg48 : memref<!tpu.dma_semaphore, #tpu.memory_space<semaphore_mem>>) {add = true}
      %dma_wait3A_557 = arith.constant 0 : i32
      %dma_wait3A_558 = arith.constant 0 : i32
      %dma_wait3A_559 = tpu.memref_slice %arg24[%dma_wait3A_557, %dma_wait3A_558] : memref<10240x128xf32, #tpu.memory_space<vmem_shared>> -> memref<10240x128xf32, #tpu.memory_space<vmem_shared>>
      tpu.wait_indirect_dma semaphore(%arg41 : memref<!tpu.dma_semaphore, #tpu.memory_space<semaphore_mem>>) src(%arg9 : memref<32x128xf32, #tpu.memory_space<vmem>>) dst(%dma_wait3A_559 : memref<10240x128xf32, #tpu.memory_space<vmem_shared>>)
      %add3A_560 = arith.constant 8 : i32
      %add3A_561 = arith.addi %mul3A_476, %add3A_560 : i32
      %add3A_562 = arith.constant 0 : i32
      %add3A_563 = arith.addi %add3A_561, %add3A_562 : i32
      %mul3A_564 = arith.constant 32 : i32
      %mul3A_565 = arith.muli %add3A_563, %mul3A_564 : i32
      %add3A_566 = arith.addi %mul3A_2, %mul3A_565 : i32
      %dma_start3A_567 = tpu.memref_slice %arg4[%add3A_566] : memref<327680xi32, #tpu.memory_space<hbm>> -> memref<32xi32, #tpu.memory_space<hbm>>
      %dma_start3A_568 = tpu.memref_slice %arg4[%add3A_566] : memref<327680xi32, #tpu.memory_space<hbm>> -> memref<32xi32, #tpu.memory_space<hbm>>
      tpu.enqueue_dma source(%dma_start3A_568 : memref<32xi32, #tpu.memory_space<hbm>>) target(%arg8 : memref<32xi32, #tpu.memory_space<vmem>>) target_semaphore(%arg25 : memref<!tpu.dma_semaphore, #tpu.memory_space<semaphore_mem>>)
      %mul3A_569 = arith.constant 32 : i32
      %mul3A_570 = arith.muli %add3A_563, %mul3A_569 : i32
      %dma_start3A_571 = tpu.memref_slice %arg7[%mul3A_570] : memref<10240xi32, #tpu.memory_space<vmem>> -> memref<32xi32, #tpu.memory_space<vmem>>
      %dma_start3A_572 = arith.constant 0 : i32
      %dma_start3A_573 = arith.constant 0 : i32
      %dma_start3A_574 = tpu.memref_slice %arg2[%dma_start3A_572, %dma_start3A_573] : memref<10000x128xf32, #tpu.memory_space<hbm>> -> memref<10000x128xf32, #tpu.memory_space<hbm>>
      tpu.enqueue_indirect_dma source(%dma_start3A_574 : memref<10000x128xf32, #tpu.memory_space<hbm>>) target(%arg9 : memref<32x128xf32, #tpu.memory_space<vmem>>) offsets(%dma_start3A_571 : memref<32xi32, #tpu.memory_space<vmem>>) semaphore(%arg33 : memref<!tpu.dma_semaphore, #tpu.memory_space<semaphore_mem>>)
      %dma_wait3A_575 = arith.constant 0 : i32
      %dma_wait3A_576 = arith.constant 0 : i32
      %dma_wait3A_577 = tpu.memref_slice %arg24[%dma_wait3A_575, %dma_wait3A_576] : memref<10240x128xf32, #tpu.memory_space<vmem_shared>> -> memref<10240x128xf32, #tpu.memory_space<vmem_shared>>
      tpu.wait_indirect_dma semaphore(%arg42 : memref<!tpu.dma_semaphore, #tpu.memory_space<semaphore_mem>>) src(%arg11 : memref<32x128xf32, #tpu.memory_space<vmem>>) dst(%dma_wait3A_577 : memref<10240x128xf32, #tpu.memory_space<vmem_shared>>)
      %add3A_578 = arith.constant 8 : i32
      %add3A_579 = arith.addi %mul3A_476, %add3A_578 : i32
      %add3A_580 = arith.constant 1 : i32
      %add3A_581 = arith.addi %add3A_579, %add3A_580 : i32
      %mul3A_582 = arith.constant 32 : i32
      %mul3A_583 = arith.muli %add3A_581, %mul3A_582 : i32
      %add3A_584 = arith.addi %mul3A_2, %mul3A_583 : i32
      %dma_start3A_585 = tpu.memref_slice %arg4[%add3A_584] : memref<327680xi32, #tpu.memory_space<hbm>> -> memref<32xi32, #tpu.memory_space<hbm>>
      %dma_start3A_586 = tpu.memref_slice %arg4[%add3A_584] : memref<327680xi32, #tpu.memory_space<hbm>> -> memref<32xi32, #tpu.memory_space<hbm>>
      tpu.enqueue_dma source(%dma_start3A_586 : memref<32xi32, #tpu.memory_space<hbm>>) target(%arg10 : memref<32xi32, #tpu.memory_space<vmem>>) target_semaphore(%arg26 : memref<!tpu.dma_semaphore, #tpu.memory_space<semaphore_mem>>)
      %mul3A_587 = arith.constant 32 : i32
      %mul3A_588 = arith.muli %add3A_581, %mul3A_587 : i32
      %dma_start3A_589 = tpu.memref_slice %arg7[%mul3A_588] : memref<10240xi32, #tpu.memory_space<vmem>> -> memref<32xi32, #tpu.memory_space<vmem>>
      %dma_start3A_590 = arith.constant 0 : i32
      %dma_start3A_591 = arith.constant 0 : i32
      %dma_start3A_592 = tpu.memref_slice %arg2[%dma_start3A_590, %dma_start3A_591] : memref<10000x128xf32, #tpu.memory_space<hbm>> -> memref<10000x128xf32, #tpu.memory_space<hbm>>
      tpu.enqueue_indirect_dma source(%dma_start3A_592 : memref<10000x128xf32, #tpu.memory_space<hbm>>) target(%arg11 : memref<32x128xf32, #tpu.memory_space<vmem>>) offsets(%dma_start3A_589 : memref<32xi32, #tpu.memory_space<vmem>>) semaphore(%arg34 : memref<!tpu.dma_semaphore, #tpu.memory_space<semaphore_mem>>)
      %dma_wait3A_593 = arith.constant 0 : i32
      %dma_wait3A_594 = arith.constant 0 : i32
      %dma_wait3A_595 = tpu.memref_slice %arg24[%dma_wait3A_593, %dma_wait3A_594] : memref<10240x128xf32, #tpu.memory_space<vmem_shared>> -> memref<10240x128xf32, #tpu.memory_space<vmem_shared>>
      tpu.wait_indirect_dma semaphore(%arg43 : memref<!tpu.dma_semaphore, #tpu.memory_space<semaphore_mem>>) src(%arg13 : memref<32x128xf32, #tpu.memory_space<vmem>>) dst(%dma_wait3A_595 : memref<10240x128xf32, #tpu.memory_space<vmem_shared>>)
      %add3A_596 = arith.constant 8 : i32
      %add3A_597 = arith.addi %mul3A_476, %add3A_596 : i32
      %add3A_598 = arith.constant 2 : i32
      %add3A_599 = arith.addi %add3A_597, %add3A_598 : i32
      %mul3A_600 = arith.constant 32 : i32
      %mul3A_601 = arith.muli %add3A_599, %mul3A_600 : i32
      %add3A_602 = arith.addi %mul3A_2, %mul3A_601 : i32
      %dma_start3A_603 = tpu.memref_slice %arg4[%add3A_602] : memref<327680xi32, #tpu.memory_space<hbm>> -> memref<32xi32, #tpu.memory_space<hbm>>
      %dma_start3A_604 = tpu.memref_slice %arg4[%add3A_602] : memref<327680xi32, #tpu.memory_space<hbm>> -> memref<32xi32, #tpu.memory_space<hbm>>
      tpu.enqueue_dma source(%dma_start3A_604 : memref<32xi32, #tpu.memory_space<hbm>>) target(%arg12 : memref<32xi32, #tpu.memory_space<vmem>>) target_semaphore(%arg27 : memref<!tpu.dma_semaphore, #tpu.memory_space<semaphore_mem>>)
      %mul3A_605 = arith.constant 32 : i32
      %mul3A_606 = arith.muli %add3A_599, %mul3A_605 : i32
      %dma_start3A_607 = tpu.memref_slice %arg7[%mul3A_606] : memref<10240xi32, #tpu.memory_space<vmem>> -> memref<32xi32, #tpu.memory_space<vmem>>
      %dma_start3A_608 = arith.constant 0 : i32
      %dma_start3A_609 = arith.constant 0 : i32
      %dma_start3A_610 = tpu.memref_slice %arg2[%dma_start3A_608, %dma_start3A_609] : memref<10000x128xf32, #tpu.memory_space<hbm>> -> memref<10000x128xf32, #tpu.memory_space<hbm>>
      tpu.enqueue_indirect_dma source(%dma_start3A_610 : memref<10000x128xf32, #tpu.memory_space<hbm>>) target(%arg13 : memref<32x128xf32, #tpu.memory_space<vmem>>) offsets(%dma_start3A_607 : memref<32xi32, #tpu.memory_space<vmem>>) semaphore(%arg35 : memref<!tpu.dma_semaphore, #tpu.memory_space<semaphore_mem>>)
      %dma_wait3A_611 = arith.constant 0 : i32
      %dma_wait3A_612 = arith.constant 0 : i32
      %dma_wait3A_613 = tpu.memref_slice %arg24[%dma_wait3A_611, %dma_wait3A_612] : memref<10240x128xf32, #tpu.memory_space<vmem_shared>> -> memref<10240x128xf32, #tpu.memory_space<vmem_shared>>
      tpu.wait_indirect_dma semaphore(%arg44 : memref<!tpu.dma_semaphore, #tpu.memory_space<semaphore_mem>>) src(%arg15 : memref<32x128xf32, #tpu.memory_space<vmem>>) dst(%dma_wait3A_613 : memref<10240x128xf32, #tpu.memory_space<vmem_shared>>)
      %add3A_614 = arith.constant 8 : i32
      %add3A_615 = arith.addi %mul3A_476, %add3A_614 : i32
      %add3A_616 = arith.constant 3 : i32
      %add3A_617 = arith.addi %add3A_615, %add3A_616 : i32
      %mul3A_618 = arith.constant 32 : i32
      %mul3A_619 = arith.muli %add3A_617, %mul3A_618 : i32
      %add3A_620 = arith.addi %mul3A_2, %mul3A_619 : i32
      %dma_start3A_621 = tpu.memref_slice %arg4[%add3A_620] : memref<327680xi32, #tpu.memory_space<hbm>> -> memref<32xi32, #tpu.memory_space<hbm>>
      %dma_start3A_622 = tpu.memref_slice %arg4[%add3A_620] : memref<327680xi32, #tpu.memory_space<hbm>> -> memref<32xi32, #tpu.memory_space<hbm>>
      tpu.enqueue_dma source(%dma_start3A_622 : memref<32xi32, #tpu.memory_space<hbm>>) target(%arg14 : memref<32xi32, #tpu.memory_space<vmem>>) target_semaphore(%arg28 : memref<!tpu.dma_semaphore, #tpu.memory_space<semaphore_mem>>)
      %mul3A_623 = arith.constant 32 : i32
      %mul3A_624 = arith.muli %add3A_617, %mul3A_623 : i32
      %dma_start3A_625 = tpu.memref_slice %arg7[%mul3A_624] : memref<10240xi32, #tpu.memory_space<vmem>> -> memref<32xi32, #tpu.memory_space<vmem>>
      %dma_start3A_626 = arith.constant 0 : i32
      %dma_start3A_627 = arith.constant 0 : i32
      %dma_start3A_628 = tpu.memref_slice %arg2[%dma_start3A_626, %dma_start3A_627] : memref<10000x128xf32, #tpu.memory_space<hbm>> -> memref<10000x128xf32, #tpu.memory_space<hbm>>
      tpu.enqueue_indirect_dma source(%dma_start3A_628 : memref<10000x128xf32, #tpu.memory_space<hbm>>) target(%arg15 : memref<32x128xf32, #tpu.memory_space<vmem>>) offsets(%dma_start3A_625 : memref<32xi32, #tpu.memory_space<vmem>>) semaphore(%arg36 : memref<!tpu.dma_semaphore, #tpu.memory_space<semaphore_mem>>)
      %dma_wait3A_629 = arith.constant 0 : i32
      %dma_wait3A_630 = arith.constant 0 : i32
      %dma_wait3A_631 = tpu.memref_slice %arg24[%dma_wait3A_629, %dma_wait3A_630] : memref<10240x128xf32, #tpu.memory_space<vmem_shared>> -> memref<10240x128xf32, #tpu.memory_space<vmem_shared>>
      tpu.wait_indirect_dma semaphore(%arg45 : memref<!tpu.dma_semaphore, #tpu.memory_space<semaphore_mem>>) src(%arg17 : memref<32x128xf32, #tpu.memory_space<vmem>>) dst(%dma_wait3A_631 : memref<10240x128xf32, #tpu.memory_space<vmem_shared>>)
      %add3A_632 = arith.constant 8 : i32
      %add3A_633 = arith.addi %mul3A_476, %add3A_632 : i32
      %add3A_634 = arith.constant 4 : i32
      %add3A_635 = arith.addi %add3A_633, %add3A_634 : i32
      %mul3A_636 = arith.constant 32 : i32
      %mul3A_637 = arith.muli %add3A_635, %mul3A_636 : i32
      %add3A_638 = arith.addi %mul3A_2, %mul3A_637 : i32
      %dma_start3A_639 = tpu.memref_slice %arg4[%add3A_638] : memref<327680xi32, #tpu.memory_space<hbm>> -> memref<32xi32, #tpu.memory_space<hbm>>
      %dma_start3A_640 = tpu.memref_slice %arg4[%add3A_638] : memref<327680xi32, #tpu.memory_space<hbm>> -> memref<32xi32, #tpu.memory_space<hbm>>
      tpu.enqueue_dma source(%dma_start3A_640 : memref<32xi32, #tpu.memory_space<hbm>>) target(%arg16 : memref<32xi32, #tpu.memory_space<vmem>>) target_semaphore(%arg29 : memref<!tpu.dma_semaphore, #tpu.memory_space<semaphore_mem>>)
      %mul3A_641 = arith.constant 32 : i32
      %mul3A_642 = arith.muli %add3A_635, %mul3A_641 : i32
      %dma_start3A_643 = tpu.memref_slice %arg7[%mul3A_642] : memref<10240xi32, #tpu.memory_space<vmem>> -> memref<32xi32, #tpu.memory_space<vmem>>
      %dma_start3A_644 = arith.constant 0 : i32
      %dma_start3A_645 = arith.constant 0 : i32
      %dma_start3A_646 = tpu.memref_slice %arg2[%dma_start3A_644, %dma_start3A_645] : memref<10000x128xf32, #tpu.memory_space<hbm>> -> memref<10000x128xf32, #tpu.memory_space<hbm>>
      tpu.enqueue_indirect_dma source(%dma_start3A_646 : memref<10000x128xf32, #tpu.memory_space<hbm>>) target(%arg17 : memref<32x128xf32, #tpu.memory_space<vmem>>) offsets(%dma_start3A_643 : memref<32xi32, #tpu.memory_space<vmem>>) semaphore(%arg37 : memref<!tpu.dma_semaphore, #tpu.memory_space<semaphore_mem>>)
      %dma_wait3A_647 = arith.constant 0 : i32
      %dma_wait3A_648 = arith.constant 0 : i32
      %dma_wait3A_649 = tpu.memref_slice %arg24[%dma_wait3A_647, %dma_wait3A_648] : memref<10240x128xf32, #tpu.memory_space<vmem_shared>> -> memref<10240x128xf32, #tpu.memory_space<vmem_shared>>
      tpu.wait_indirect_dma semaphore(%arg46 : memref<!tpu.dma_semaphore, #tpu.memory_space<semaphore_mem>>) src(%arg19 : memref<32x128xf32, #tpu.memory_space<vmem>>) dst(%dma_wait3A_649 : memref<10240x128xf32, #tpu.memory_space<vmem_shared>>)
      %add3A_650 = arith.constant 8 : i32
      %add3A_651 = arith.addi %mul3A_476, %add3A_650 : i32
      %add3A_652 = arith.constant 5 : i32
      %add3A_653 = arith.addi %add3A_651, %add3A_652 : i32
      %mul3A_654 = arith.constant 32 : i32
      %mul3A_655 = arith.muli %add3A_653, %mul3A_654 : i32
      %add3A_656 = arith.addi %mul3A_2, %mul3A_655 : i32
      %dma_start3A_657 = tpu.memref_slice %arg4[%add3A_656] : memref<327680xi32, #tpu.memory_space<hbm>> -> memref<32xi32, #tpu.memory_space<hbm>>
      %dma_start3A_658 = tpu.memref_slice %arg4[%add3A_656] : memref<327680xi32, #tpu.memory_space<hbm>> -> memref<32xi32, #tpu.memory_space<hbm>>
      tpu.enqueue_dma source(%dma_start3A_658 : memref<32xi32, #tpu.memory_space<hbm>>) target(%arg18 : memref<32xi32, #tpu.memory_space<vmem>>) target_semaphore(%arg30 : memref<!tpu.dma_semaphore, #tpu.memory_space<semaphore_mem>>)
      %mul3A_659 = arith.constant 32 : i32
      %mul3A_660 = arith.muli %add3A_653, %mul3A_659 : i32
      %dma_start3A_661 = tpu.memref_slice %arg7[%mul3A_660] : memref<10240xi32, #tpu.memory_space<vmem>> -> memref<32xi32, #tpu.memory_space<vmem>>
      %dma_start3A_662 = arith.constant 0 : i32
      %dma_start3A_663 = arith.constant 0 : i32
      %dma_start3A_664 = tpu.memref_slice %arg2[%dma_start3A_662, %dma_start3A_663] : memref<10000x128xf32, #tpu.memory_space<hbm>> -> memref<10000x128xf32, #tpu.memory_space<hbm>>
      tpu.enqueue_indirect_dma source(%dma_start3A_664 : memref<10000x128xf32, #tpu.memory_space<hbm>>) target(%arg19 : memref<32x128xf32, #tpu.memory_space<vmem>>) offsets(%dma_start3A_661 : memref<32xi32, #tpu.memory_space<vmem>>) semaphore(%arg38 : memref<!tpu.dma_semaphore, #tpu.memory_space<semaphore_mem>>)
      %dma_wait3A_665 = arith.constant 0 : i32
      %dma_wait3A_666 = arith.constant 0 : i32
      %dma_wait3A_667 = tpu.memref_slice %arg24[%dma_wait3A_665, %dma_wait3A_666] : memref<10240x128xf32, #tpu.memory_space<vmem_shared>> -> memref<10240x128xf32, #tpu.memory_space<vmem_shared>>
      tpu.wait_indirect_dma semaphore(%arg47 : memref<!tpu.dma_semaphore, #tpu.memory_space<semaphore_mem>>) src(%arg21 : memref<32x128xf32, #tpu.memory_space<vmem>>) dst(%dma_wait3A_667 : memref<10240x128xf32, #tpu.memory_space<vmem_shared>>)
      %add3A_668 = arith.constant 8 : i32
      %add3A_669 = arith.addi %mul3A_476, %add3A_668 : i32
      %add3A_670 = arith.constant 6 : i32
      %add3A_671 = arith.addi %add3A_669, %add3A_670 : i32
      %mul3A_672 = arith.constant 32 : i32
      %mul3A_673 = arith.muli %add3A_671, %mul3A_672 : i32
      %add3A_674 = arith.addi %mul3A_2, %mul3A_673 : i32
      %dma_start3A_675 = tpu.memref_slice %arg4[%add3A_674] : memref<327680xi32, #tpu.memory_space<hbm>> -> memref<32xi32, #tpu.memory_space<hbm>>
      %dma_start3A_676 = tpu.memref_slice %arg4[%add3A_674] : memref<327680xi32, #tpu.memory_space<hbm>> -> memref<32xi32, #tpu.memory_space<hbm>>
      tpu.enqueue_dma source(%dma_start3A_676 : memref<32xi32, #tpu.memory_space<hbm>>) target(%arg20 : memref<32xi32, #tpu.memory_space<vmem>>) target_semaphore(%arg31 : memref<!tpu.dma_semaphore, #tpu.memory_space<semaphore_mem>>)
      %mul3A_677 = arith.constant 32 : i32
      %mul3A_678 = arith.muli %add3A_671, %mul3A_677 : i32
      %dma_start3A_679 = tpu.memref_slice %arg7[%mul3A_678] : memref<10240xi32, #tpu.memory_space<vmem>> -> memref<32xi32, #tpu.memory_space<vmem>>
      %dma_start3A_680 = arith.constant 0 : i32
      %dma_start3A_681 = arith.constant 0 : i32
      %dma_start3A_682 = tpu.memref_slice %arg2[%dma_start3A_680, %dma_start3A_681] : memref<10000x128xf32, #tpu.memory_space<hbm>> -> memref<10000x128xf32, #tpu.memory_space<hbm>>
      tpu.enqueue_indirect_dma source(%dma_start3A_682 : memref<10000x128xf32, #tpu.memory_space<hbm>>) target(%arg21 : memref<32x128xf32, #tpu.memory_space<vmem>>) offsets(%dma_start3A_679 : memref<32xi32, #tpu.memory_space<vmem>>) semaphore(%arg39 : memref<!tpu.dma_semaphore, #tpu.memory_space<semaphore_mem>>)
      %dma_wait3A_683 = arith.constant 0 : i32
      %dma_wait3A_684 = arith.constant 0 : i32
      %dma_wait3A_685 = tpu.memref_slice %arg24[%dma_wait3A_683, %dma_wait3A_684] : memref<10240x128xf32, #tpu.memory_space<vmem_shared>> -> memref<10240x128xf32, #tpu.memory_space<vmem_shared>>
      tpu.wait_indirect_dma semaphore(%arg48 : memref<!tpu.dma_semaphore, #tpu.memory_space<semaphore_mem>>) src(%arg23 : memref<32x128xf32, #tpu.memory_space<vmem>>) dst(%dma_wait3A_685 : memref<10240x128xf32, #tpu.memory_space<vmem_shared>>)
      %add3A_686 = arith.constant 8 : i32
      %add3A_687 = arith.addi %mul3A_476, %add3A_686 : i32
      %add3A_688 = arith.constant 7 : i32
      %add3A_689 = arith.addi %add3A_687, %add3A_688 : i32
      %mul3A_690 = arith.constant 32 : i32
      %mul3A_691 = arith.muli %add3A_689, %mul3A_690 : i32
      %add3A_692 = arith.addi %mul3A_2, %mul3A_691 : i32
      %dma_start3A_693 = tpu.memref_slice %arg4[%add3A_692] : memref<327680xi32, #tpu.memory_space<hbm>> -> memref<32xi32, #tpu.memory_space<hbm>>
      %dma_start3A_694 = tpu.memref_slice %arg4[%add3A_692] : memref<327680xi32, #tpu.memory_space<hbm>> -> memref<32xi32, #tpu.memory_space<hbm>>
      tpu.enqueue_dma source(%dma_start3A_694 : memref<32xi32, #tpu.memory_space<hbm>>) target(%arg22 : memref<32xi32, #tpu.memory_space<vmem>>) target_semaphore(%arg32 : memref<!tpu.dma_semaphore, #tpu.memory_space<semaphore_mem>>)
      %mul3A_695 = arith.constant 32 : i32
      %mul3A_696 = arith.muli %add3A_689, %mul3A_695 : i32
      %dma_start3A_697 = tpu.memref_slice %arg7[%mul3A_696] : memref<10240xi32, #tpu.memory_space<vmem>> -> memref<32xi32, #tpu.memory_space<vmem>>
      %dma_start3A_698 = arith.constant 0 : i32
      %dma_start3A_699 = arith.constant 0 : i32
      %dma_start3A_700 = tpu.memref_slice %arg2[%dma_start3A_698, %dma_start3A_699] : memref<10000x128xf32, #tpu.memory_space<hbm>> -> memref<10000x128xf32, #tpu.memory_space<hbm>>
      tpu.enqueue_indirect_dma source(%dma_start3A_700 : memref<10000x128xf32, #tpu.memory_space<hbm>>) target(%arg23 : memref<32x128xf32, #tpu.memory_space<vmem>>) offsets(%dma_start3A_697 : memref<32xi32, #tpu.memory_space<vmem>>) semaphore(%arg40 : memref<!tpu.dma_semaphore, #tpu.memory_space<semaphore_mem>>)
    }
    %scan3A_360 = arith.constant 39 : i32
    %dma_wait3A_361 = arith.constant 0 : i32
    %dma_wait3A_362 = tpu.memref_slice %arg7[%dma_wait3A_361] : memref<10240xi32, #tpu.memory_space<vmem>> -> memref<32xi32, #tpu.memory_space<vmem>>
    %dma_wait3A_363 = arith.constant 0 : i32
    %dma_wait3A_364 = arith.constant 0 : i32
    %dma_wait3A_365 = tpu.memref_slice %arg2[%dma_wait3A_363, %dma_wait3A_364] : memref<10000x128xf32, #tpu.memory_space<hbm>> -> memref<10000x128xf32, #tpu.memory_space<hbm>>
    tpu.wait_indirect_dma semaphore(%arg33 : memref<!tpu.dma_semaphore, #tpu.memory_space<semaphore_mem>>) src(%dma_wait3A_365 : memref<10000x128xf32, #tpu.memory_space<hbm>>) dst(%arg9 : memref<32x128xf32, #tpu.memory_space<vmem>>)
    %dma_wait3A_366 = tpu.memref_slice %arg4[%mul3A_2] : memref<327680xi32, #tpu.memory_space<hbm>> -> memref<32xi32, #tpu.memory_space<hbm>>
    %dma_wait3A_367 = tpu.memref_slice %arg4[%mul3A_2] : memref<327680xi32, #tpu.memory_space<hbm>> -> memref<32xi32, #tpu.memory_space<hbm>>
    tpu.wait_dma2 semaphore(%arg25 : memref<!tpu.dma_semaphore, #tpu.memory_space<semaphore_mem>>) src(%dma_wait3A_367 : memref<32xi32, #tpu.memory_space<hbm>>) dst(%arg8 : memref<32xi32, #tpu.memory_space<vmem>>)
    %dma_start3A_368 = arith.constant 0 : i32
    %dma_start3A_369 = arith.constant 0 : i32
    %dma_start3A_370 = tpu.memref_slice %arg24[%dma_start3A_368, %dma_start3A_369] : memref<10240x128xf32, #tpu.memory_space<vmem_shared>> -> memref<10240x128xf32, #tpu.memory_space<vmem_shared>>
    tpu.enqueue_indirect_dma source(%arg9 : memref<32x128xf32, #tpu.memory_space<vmem>>) target(%dma_start3A_370 : memref<10240x128xf32, #tpu.memory_space<vmem_shared>>) offsets(%arg8 : memref<32xi32, #tpu.memory_space<vmem>>) semaphore(%arg41 : memref<!tpu.dma_semaphore, #tpu.memory_space<semaphore_mem>>) {add = true}
    %dma_wait3A_371 = arith.constant 32 : i32
    %dma_wait3A_372 = tpu.memref_slice %arg7[%dma_wait3A_371] : memref<10240xi32, #tpu.memory_space<vmem>> -> memref<32xi32, #tpu.memory_space<vmem>>
    %dma_wait3A_373 = arith.constant 0 : i32
    %dma_wait3A_374 = arith.constant 0 : i32
    %dma_wait3A_375 = tpu.memref_slice %arg2[%dma_wait3A_373, %dma_wait3A_374] : memref<10000x128xf32, #tpu.memory_space<hbm>> -> memref<10000x128xf32, #tpu.memory_space<hbm>>
    tpu.wait_indirect_dma semaphore(%arg34 : memref<!tpu.dma_semaphore, #tpu.memory_space<semaphore_mem>>) src(%dma_wait3A_375 : memref<10000x128xf32, #tpu.memory_space<hbm>>) dst(%arg11 : memref<32x128xf32, #tpu.memory_space<vmem>>)
    %dma_wait3A_376 = tpu.memref_slice %arg4[%mul3A_2] : memref<327680xi32, #tpu.memory_space<hbm>> -> memref<32xi32, #tpu.memory_space<hbm>>
    %dma_wait3A_377 = tpu.memref_slice %arg4[%mul3A_2] : memref<327680xi32, #tpu.memory_space<hbm>> -> memref<32xi32, #tpu.memory_space<hbm>>
    tpu.wait_dma2 semaphore(%arg26 : memref<!tpu.dma_semaphore, #tpu.memory_space<semaphore_mem>>) src(%dma_wait3A_377 : memref<32xi32, #tpu.memory_space<hbm>>) dst(%arg10 : memref<32xi32, #tpu.memory_space<vmem>>)
    %dma_start3A_378 = arith.constant 0 : i32
    %dma_start3A_379 = arith.constant 0 : i32
    %dma_start3A_380 = tpu.memref_slice %arg24[%dma_start3A_378, %dma_start3A_379] : memref<10240x128xf32, #tpu.memory_space<vmem_shared>> -> memref<10240x128xf32, #tpu.memory_space<vmem_shared>>
    tpu.enqueue_indirect_dma source(%arg11 : memref<32x128xf32, #tpu.memory_space<vmem>>) target(%dma_start3A_380 : memref<10240x128xf32, #tpu.memory_space<vmem_shared>>) offsets(%arg10 : memref<32xi32, #tpu.memory_space<vmem>>) semaphore(%arg42 : memref<!tpu.dma_semaphore, #tpu.memory_space<semaphore_mem>>) {add = true}
    %dma_wait3A_381 = arith.constant 64 : i32
    %dma_wait3A_382 = tpu.memref_slice %arg7[%dma_wait3A_381] : memref<10240xi32, #tpu.memory_space<vmem>> -> memref<32xi32, #tpu.memory_space<vmem>>
    %dma_wait3A_383 = arith.constant 0 : i32
    %dma_wait3A_384 = arith.constant 0 : i32
    %dma_wait3A_385 = tpu.memref_slice %arg2[%dma_wait3A_383, %dma_wait3A_384] : memref<10000x128xf32, #tpu.memory_space<hbm>> -> memref<10000x128xf32, #tpu.memory_space<hbm>>
    tpu.wait_indirect_dma semaphore(%arg35 : memref<!tpu.dma_semaphore, #tpu.memory_space<semaphore_mem>>) src(%dma_wait3A_385 : memref<10000x128xf32, #tpu.memory_space<hbm>>) dst(%arg13 : memref<32x128xf32, #tpu.memory_space<vmem>>)
    %dma_wait3A_386 = tpu.memref_slice %arg4[%mul3A_2] : memref<327680xi32, #tpu.memory_space<hbm>> -> memref<32xi32, #tpu.memory_space<hbm>>
    %dma_wait3A_387 = tpu.memref_slice %arg4[%mul3A_2] : memref<327680xi32, #tpu.memory_space<hbm>> -> memref<32xi32, #tpu.memory_space<hbm>>
    tpu.wait_dma2 semaphore(%arg27 : memref<!tpu.dma_semaphore, #tpu.memory_space<semaphore_mem>>) src(%dma_wait3A_387 : memref<32xi32, #tpu.memory_space<hbm>>) dst(%arg12 : memref<32xi32, #tpu.memory_space<vmem>>)
    %dma_start3A_388 = arith.constant 0 : i32
    %dma_start3A_389 = arith.constant 0 : i32
    %dma_start3A_390 = tpu.memref_slice %arg24[%dma_start3A_388, %dma_start3A_389] : memref<10240x128xf32, #tpu.memory_space<vmem_shared>> -> memref<10240x128xf32, #tpu.memory_space<vmem_shared>>
    tpu.enqueue_indirect_dma source(%arg13 : memref<32x128xf32, #tpu.memory_space<vmem>>) target(%dma_start3A_390 : memref<10240x128xf32, #tpu.memory_space<vmem_shared>>) offsets(%arg12 : memref<32xi32, #tpu.memory_space<vmem>>) semaphore(%arg43 : memref<!tpu.dma_semaphore, #tpu.memory_space<semaphore_mem>>) {add = true}
    %dma_wait3A_391 = arith.constant 96 : i32
    %dma_wait3A_392 = tpu.memref_slice %arg7[%dma_wait3A_391] : memref<10240xi32, #tpu.memory_space<vmem>> -> memref<32xi32, #tpu.memory_space<vmem>>
    %dma_wait3A_393 = arith.constant 0 : i32
    %dma_wait3A_394 = arith.constant 0 : i32
    %dma_wait3A_395 = tpu.memref_slice %arg2[%dma_wait3A_393, %dma_wait3A_394] : memref<10000x128xf32, #tpu.memory_space<hbm>> -> memref<10000x128xf32, #tpu.memory_space<hbm>>
    tpu.wait_indirect_dma semaphore(%arg36 : memref<!tpu.dma_semaphore, #tpu.memory_space<semaphore_mem>>) src(%dma_wait3A_395 : memref<10000x128xf32, #tpu.memory_space<hbm>>) dst(%arg15 : memref<32x128xf32, #tpu.memory_space<vmem>>)
    %dma_wait3A_396 = tpu.memref_slice %arg4[%mul3A_2] : memref<327680xi32, #tpu.memory_space<hbm>> -> memref<32xi32, #tpu.memory_space<hbm>>
    %dma_wait3A_397 = tpu.memref_slice %arg4[%mul3A_2] : memref<327680xi32, #tpu.memory_space<hbm>> -> memref<32xi32, #tpu.memory_space<hbm>>
    tpu.wait_dma2 semaphore(%arg28 : memref<!tpu.dma_semaphore, #tpu.memory_space<semaphore_mem>>) src(%dma_wait3A_397 : memref<32xi32, #tpu.memory_space<hbm>>) dst(%arg14 : memref<32xi32, #tpu.memory_space<vmem>>)
    %dma_start3A_398 = arith.constant 0 : i32
    %dma_start3A_399 = arith.constant 0 : i32
    %dma_start3A_400 = tpu.memref_slice %arg24[%dma_start3A_398, %dma_start3A_399] : memref<10240x128xf32, #tpu.memory_space<vmem_shared>> -> memref<10240x128xf32, #tpu.memory_space<vmem_shared>>
    tpu.enqueue_indirect_dma source(%arg15 : memref<32x128xf32, #tpu.memory_space<vmem>>) target(%dma_start3A_400 : memref<10240x128xf32, #tpu.memory_space<vmem_shared>>) offsets(%arg14 : memref<32xi32, #tpu.memory_space<vmem>>) semaphore(%arg44 : memref<!tpu.dma_semaphore, #tpu.memory_space<semaphore_mem>>) {add = true}
    %dma_wait3A_401 = arith.constant 128 : i32
    %dma_wait3A_402 = tpu.memref_slice %arg7[%dma_wait3A_401] : memref<10240xi32, #tpu.memory_space<vmem>> -> memref<32xi32, #tpu.memory_space<vmem>>
    %dma_wait3A_403 = arith.constant 0 : i32
    %dma_wait3A_404 = arith.constant 0 : i32
    %dma_wait3A_405 = tpu.memref_slice %arg2[%dma_wait3A_403, %dma_wait3A_404] : memref<10000x128xf32, #tpu.memory_space<hbm>> -> memref<10000x128xf32, #tpu.memory_space<hbm>>
    tpu.wait_indirect_dma semaphore(%arg37 : memref<!tpu.dma_semaphore, #tpu.memory_space<semaphore_mem>>) src(%dma_wait3A_405 : memref<10000x128xf32, #tpu.memory_space<hbm>>) dst(%arg17 : memref<32x128xf32, #tpu.memory_space<vmem>>)
    %dma_wait3A_406 = tpu.memref_slice %arg4[%mul3A_2] : memref<327680xi32, #tpu.memory_space<hbm>> -> memref<32xi32, #tpu.memory_space<hbm>>
    %dma_wait3A_407 = tpu.memref_slice %arg4[%mul3A_2] : memref<327680xi32, #tpu.memory_space<hbm>> -> memref<32xi32, #tpu.memory_space<hbm>>
    tpu.wait_dma2 semaphore(%arg29 : memref<!tpu.dma_semaphore, #tpu.memory_space<semaphore_mem>>) src(%dma_wait3A_407 : memref<32xi32, #tpu.memory_space<hbm>>) dst(%arg16 : memref<32xi32, #tpu.memory_space<vmem>>)
    %dma_start3A_408 = arith.constant 0 : i32
    %dma_start3A_409 = arith.constant 0 : i32
    %dma_start3A_410 = tpu.memref_slice %arg24[%dma_start3A_408, %dma_start3A_409] : memref<10240x128xf32, #tpu.memory_space<vmem_shared>> -> memref<10240x128xf32, #tpu.memory_space<vmem_shared>>
    tpu.enqueue_indirect_dma source(%arg17 : memref<32x128xf32, #tpu.memory_space<vmem>>) target(%dma_start3A_410 : memref<10240x128xf32, #tpu.memory_space<vmem_shared>>) offsets(%arg16 : memref<32xi32, #tpu.memory_space<vmem>>) semaphore(%arg45 : memref<!tpu.dma_semaphore, #tpu.memory_space<semaphore_mem>>) {add = true}
    %dma_wait3A_411 = arith.constant 160 : i32
    %dma_wait3A_412 = tpu.memref_slice %arg7[%dma_wait3A_411] : memref<10240xi32, #tpu.memory_space<vmem>> -> memref<32xi32, #tpu.memory_space<vmem>>
    %dma_wait3A_413 = arith.constant 0 : i32
    %dma_wait3A_414 = arith.constant 0 : i32
    %dma_wait3A_415 = tpu.memref_slice %arg2[%dma_wait3A_413, %dma_wait3A_414] : memref<10000x128xf32, #tpu.memory_space<hbm>> -> memref<10000x128xf32, #tpu.memory_space<hbm>>
    tpu.wait_indirect_dma semaphore(%arg38 : memref<!tpu.dma_semaphore, #tpu.memory_space<semaphore_mem>>) src(%dma_wait3A_415 : memref<10000x128xf32, #tpu.memory_space<hbm>>) dst(%arg19 : memref<32x128xf32, #tpu.memory_space<vmem>>)
    %dma_wait3A_416 = tpu.memref_slice %arg4[%mul3A_2] : memref<327680xi32, #tpu.memory_space<hbm>> -> memref<32xi32, #tpu.memory_space<hbm>>
    %dma_wait3A_417 = tpu.memref_slice %arg4[%mul3A_2] : memref<327680xi32, #tpu.memory_space<hbm>> -> memref<32xi32, #tpu.memory_space<hbm>>
    tpu.wait_dma2 semaphore(%arg30 : memref<!tpu.dma_semaphore, #tpu.memory_space<semaphore_mem>>) src(%dma_wait3A_417 : memref<32xi32, #tpu.memory_space<hbm>>) dst(%arg18 : memref<32xi32, #tpu.memory_space<vmem>>)
    %dma_start3A_418 = arith.constant 0 : i32
    %dma_start3A_419 = arith.constant 0 : i32
    %dma_start3A_420 = tpu.memref_slice %arg24[%dma_start3A_418, %dma_start3A_419] : memref<10240x128xf32, #tpu.memory_space<vmem_shared>> -> memref<10240x128xf32, #tpu.memory_space<vmem_shared>>
    tpu.enqueue_indirect_dma source(%arg19 : memref<32x128xf32, #tpu.memory_space<vmem>>) target(%dma_start3A_420 : memref<10240x128xf32, #tpu.memory_space<vmem_shared>>) offsets(%arg18 : memref<32xi32, #tpu.memory_space<vmem>>) semaphore(%arg46 : memref<!tpu.dma_semaphore, #tpu.memory_space<semaphore_mem>>) {add = true}
    %dma_wait3A_421 = arith.constant 192 : i32
    %dma_wait3A_422 = tpu.memref_slice %arg7[%dma_wait3A_421] : memref<10240xi32, #tpu.memory_space<vmem>> -> memref<32xi32, #tpu.memory_space<vmem>>
    %dma_wait3A_423 = arith.constant 0 : i32
    %dma_wait3A_424 = arith.constant 0 : i32
    %dma_wait3A_425 = tpu.memref_slice %arg2[%dma_wait3A_423, %dma_wait3A_424] : memref<10000x128xf32, #tpu.memory_space<hbm>> -> memref<10000x128xf32, #tpu.memory_space<hbm>>
    tpu.wait_indirect_dma semaphore(%arg39 : memref<!tpu.dma_semaphore, #tpu.memory_space<semaphore_mem>>) src(%dma_wait3A_425 : memref<10000x128xf32, #tpu.memory_space<hbm>>) dst(%arg21 : memref<32x128xf32, #tpu.memory_space<vmem>>)
    %dma_wait3A_426 = tpu.memref_slice %arg4[%mul3A_2] : memref<327680xi32, #tpu.memory_space<hbm>> -> memref<32xi32, #tpu.memory_space<hbm>>
    %dma_wait3A_427 = tpu.memref_slice %arg4[%mul3A_2] : memref<327680xi32, #tpu.memory_space<hbm>> -> memref<32xi32, #tpu.memory_space<hbm>>
    tpu.wait_dma2 semaphore(%arg31 : memref<!tpu.dma_semaphore, #tpu.memory_space<semaphore_mem>>) src(%dma_wait3A_427 : memref<32xi32, #tpu.memory_space<hbm>>) dst(%arg20 : memref<32xi32, #tpu.memory_space<vmem>>)
    %dma_start3A_428 = arith.constant 0 : i32
    %dma_start3A_429 = arith.constant 0 : i32
    %dma_start3A_430 = tpu.memref_slice %arg24[%dma_start3A_428, %dma_start3A_429] : memref<10240x128xf32, #tpu.memory_space<vmem_shared>> -> memref<10240x128xf32, #tpu.memory_space<vmem_shared>>
    tpu.enqueue_indirect_dma source(%arg21 : memref<32x128xf32, #tpu.memory_space<vmem>>) target(%dma_start3A_430 : memref<10240x128xf32, #tpu.memory_space<vmem_shared>>) offsets(%arg20 : memref<32xi32, #tpu.memory_space<vmem>>) semaphore(%arg47 : memref<!tpu.dma_semaphore, #tpu.memory_space<semaphore_mem>>) {add = true}
    %dma_wait3A_431 = arith.constant 224 : i32
    %dma_wait3A_432 = tpu.memref_slice %arg7[%dma_wait3A_431] : memref<10240xi32, #tpu.memory_space<vmem>> -> memref<32xi32, #tpu.memory_space<vmem>>
    %dma_wait3A_433 = arith.constant 0 : i32
    %dma_wait3A_434 = arith.constant 0 : i32
    %dma_wait3A_435 = tpu.memref_slice %arg2[%dma_wait3A_433, %dma_wait3A_434] : memref<10000x128xf32, #tpu.memory_space<hbm>> -> memref<10000x128xf32, #tpu.memory_space<hbm>>
    tpu.wait_indirect_dma semaphore(%arg40 : memref<!tpu.dma_semaphore, #tpu.memory_space<semaphore_mem>>) src(%dma_wait3A_435 : memref<10000x128xf32, #tpu.memory_space<hbm>>) dst(%arg23 : memref<32x128xf32, #tpu.memory_space<vmem>>)
    %dma_wait3A_436 = tpu.memref_slice %arg4[%mul3A_2] : memref<327680xi32, #tpu.memory_space<hbm>> -> memref<32xi32, #tpu.memory_space<hbm>>
    %dma_wait3A_437 = tpu.memref_slice %arg4[%mul3A_2] : memref<327680xi32, #tpu.memory_space<hbm>> -> memref<32xi32, #tpu.memory_space<hbm>>
    tpu.wait_dma2 semaphore(%arg32 : memref<!tpu.dma_semaphore, #tpu.memory_space<semaphore_mem>>) src(%dma_wait3A_437 : memref<32xi32, #tpu.memory_space<hbm>>) dst(%arg22 : memref<32xi32, #tpu.memory_space<vmem>>)
    %dma_start3A_438 = arith.constant 0 : i32
    %dma_start3A_439 = arith.constant 0 : i32
    %dma_start3A_440 = tpu.memref_slice %arg24[%dma_start3A_438, %dma_start3A_439] : memref<10240x128xf32, #tpu.memory_space<vmem_shared>> -> memref<10240x128xf32, #tpu.memory_space<vmem_shared>>
    tpu.enqueue_indirect_dma source(%arg23 : memref<32x128xf32, #tpu.memory_space<vmem>>) target(%dma_start3A_440 : memref<10240x128xf32, #tpu.memory_space<vmem_shared>>) offsets(%arg22 : memref<32xi32, #tpu.memory_space<vmem>>) semaphore(%arg48 : memref<!tpu.dma_semaphore, #tpu.memory_space<semaphore_mem>>) {add = true}
    %dma_wait3A_441 = arith.constant 0 : i32
    %dma_wait3A_442 = arith.constant 0 : i32
    %dma_wait3A_443 = tpu.memref_slice %arg24[%dma_wait3A_441, %dma_wait3A_442] : memref<10240x128xf32, #tpu.memory_space<vmem_shared>> -> memref<10240x128xf32, #tpu.memory_space<vmem_shared>>
    tpu.wait_indirect_dma semaphore(%arg41 : memref<!tpu.dma_semaphore, #tpu.memory_space<semaphore_mem>>) src(%arg9 : memref<32x128xf32, #tpu.memory_space<vmem>>) dst(%dma_wait3A_443 : memref<10240x128xf32, #tpu.memory_space<vmem_shared>>)
    %dma_wait3A_444 = arith.constant 0 : i32
    %dma_wait3A_445 = arith.constant 0 : i32
    %dma_wait3A_446 = tpu.memref_slice %arg24[%dma_wait3A_444, %dma_wait3A_445] : memref<10240x128xf32, #tpu.memory_space<vmem_shared>> -> memref<10240x128xf32, #tpu.memory_space<vmem_shared>>
    tpu.wait_indirect_dma semaphore(%arg42 : memref<!tpu.dma_semaphore, #tpu.memory_space<semaphore_mem>>) src(%arg11 : memref<32x128xf32, #tpu.memory_space<vmem>>) dst(%dma_wait3A_446 : memref<10240x128xf32, #tpu.memory_space<vmem_shared>>)
    %dma_wait3A_447 = arith.constant 0 : i32
    %dma_wait3A_448 = arith.constant 0 : i32
    %dma_wait3A_449 = tpu.memref_slice %arg24[%dma_wait3A_447, %dma_wait3A_448] : memref<10240x128xf32, #tpu.memory_space<vmem_shared>> -> memref<10240x128xf32, #tpu.memory_space<vmem_shared>>
    tpu.wait_indirect_dma semaphore(%arg43 : memref<!tpu.dma_semaphore, #tpu.memory_space<semaphore_mem>>) src(%arg13 : memref<32x128xf32, #tpu.memory_space<vmem>>) dst(%dma_wait3A_449 : memref<10240x128xf32, #tpu.memory_space<vmem_shared>>)
    %dma_wait3A_450 = arith.constant 0 : i32
    %dma_wait3A_451 = arith.constant 0 : i32
    %dma_wait3A_452 = tpu.memref_slice %arg24[%dma_wait3A_450, %dma_wait3A_451] : memref<10240x128xf32, #tpu.memory_space<vmem_shared>> -> memref<10240x128xf32, #tpu.memory_space<vmem_shared>>
    tpu.wait_indirect_dma semaphore(%arg44 : memref<!tpu.dma_semaphore, #tpu.memory_space<semaphore_mem>>) src(%arg15 : memref<32x128xf32, #tpu.memory_space<vmem>>) dst(%dma_wait3A_452 : memref<10240x128xf32, #tpu.memory_space<vmem_shared>>)
    %dma_wait3A_453 = arith.constant 0 : i32
    %dma_wait3A_454 = arith.constant 0 : i32
    %dma_wait3A_455 = tpu.memref_slice %arg24[%dma_wait3A_453, %dma_wait3A_454] : memref<10240x128xf32, #tpu.memory_space<vmem_shared>> -> memref<10240x128xf32, #tpu.memory_space<vmem_shared>>
    tpu.wait_indirect_dma semaphore(%arg45 : memref<!tpu.dma_semaphore, #tpu.memory_space<semaphore_mem>>) src(%arg17 : memref<32x128xf32, #tpu.memory_space<vmem>>) dst(%dma_wait3A_455 : memref<10240x128xf32, #tpu.memory_space<vmem_shared>>)
    %dma_wait3A_456 = arith.constant 0 : i32
    %dma_wait3A_457 = arith.constant 0 : i32
    %dma_wait3A_458 = tpu.memref_slice %arg24[%dma_wait3A_456, %dma_wait3A_457] : memref<10240x128xf32, #tpu.memory_space<vmem_shared>> -> memref<10240x128xf32, #tpu.memory_space<vmem_shared>>
    tpu.wait_indirect_dma semaphore(%arg46 : memref<!tpu.dma_semaphore, #tpu.memory_space<semaphore_mem>>) src(%arg19 : memref<32x128xf32, #tpu.memory_space<vmem>>) dst(%dma_wait3A_458 : memref<10240x128xf32, #tpu.memory_space<vmem_shared>>)
    %dma_wait3A_459 = arith.constant 0 : i32
    %dma_wait3A_460 = arith.constant 0 : i32
    %dma_wait3A_461 = tpu.memref_slice %arg24[%dma_wait3A_459, %dma_wait3A_460] : memref<10240x128xf32, #tpu.memory_space<vmem_shared>> -> memref<10240x128xf32, #tpu.memory_space<vmem_shared>>
    tpu.wait_indirect_dma semaphore(%arg47 : memref<!tpu.dma_semaphore, #tpu.memory_space<semaphore_mem>>) src(%arg21 : memref<32x128xf32, #tpu.memory_space<vmem>>) dst(%dma_wait3A_461 : memref<10240x128xf32, #tpu.memory_space<vmem_shared>>)
    %dma_wait3A_462 = arith.constant 0 : i32
    %dma_wait3A_463 = arith.constant 0 : i32
    %dma_wait3A_464 = tpu.memref_slice %arg24[%dma_wait3A_462, %dma_wait3A_463] : memref<10240x128xf32, #tpu.memory_space<vmem_shared>> -> memref<10240x128xf32, #tpu.memory_space<vmem_shared>>
    tpu.wait_indirect_dma semaphore(%arg48 : memref<!tpu.dma_semaphore, #tpu.memory_space<semaphore_mem>>) src(%arg23 : memref<32x128xf32, #tpu.memory_space<vmem>>) dst(%dma_wait3A_464 : memref<10240x128xf32, #tpu.memory_space<vmem_shared>>)
    %barrier3A_465 = arith.constant 0 : index
    tpu.barrier barrier_id(%barrier3A_465)
    %mul3A_466 = arith.constant 640 : i32
    %mul3A_467 = arith.muli %arg1, %mul3A_466 : i32
    %mul3A_468 = arith.constant 640 : i32
    %mul3A_469 = arith.muli %arg1, %mul3A_468 : i32
    "tpu.region"() ({
      %run_scoped3A = tpu.sem_alloc : memref<!tpu.dma_semaphore, #tpu.memory_space<semaphore_mem>>
      %dma_start3A_470 = arith.constant 0 : i32
      %dma_start3A_471 = tpu.memref_slice %arg6[%arg0, %mul3A_469, %dma_start3A_470] : memref<2x10240x128xf32, #tpu.memory_space<hbm>> -> memref<1x640x128xf32, #tpu.memory_space<hbm>>
      %dma_start3A_472 = tpu.memref_squeeze %dma_start3A_471 : memref<1x640x128xf32, #tpu.memory_space<hbm>> -> memref<640x128xf32, #tpu.memory_space<hbm>>
      %dma_start3A_473 = arith.constant 0 : i32
      %dma_start3A_474 = tpu.memref_slice %arg24[%mul3A_467, %dma_start3A_473] : memref<10240x128xf32, #tpu.memory_space<vmem_shared>> -> memref<640x128xf32, #tpu.memory_space<vmem_shared>>
      tpu.enqueue_dma source(%dma_start3A_474 : memref<640x128xf32, #tpu.memory_space<vmem_shared>>) target(%dma_start3A_472 : memref<640x128xf32, #tpu.memory_space<hbm>>) target_semaphore(%run_scoped3A : memref<!tpu.dma_semaphore, #tpu.memory_space<semaphore_mem>>)
      %dma_wait3A_475 = arith.constant 0 : i32
      %dma_wait3A_476 = tpu.memref_slice %arg6[%arg0, %mul3A_469, %dma_wait3A_475] : memref<2x10240x128xf32, #tpu.memory_space<hbm>> -> memref<1x640x128xf32, #tpu.memory_space<hbm>>
      %dma_wait3A_477 = tpu.memref_squeeze %dma_wait3A_476 : memref<1x640x128xf32, #tpu.memory_space<hbm>> -> memref<640x128xf32, #tpu.memory_space<hbm>>
      %dma_wait3A_478 = arith.constant 0 : i32
      %dma_wait3A_479 = tpu.memref_slice %arg24[%mul3A_467, %dma_wait3A_478] : memref<10240x128xf32, #tpu.memory_space<vmem_shared>> -> memref<640x128xf32, #tpu.memory_space<vmem_shared>>
      tpu.wait_dma2 semaphore(%run_scoped3A : memref<!tpu.dma_semaphore, #tpu.memory_space<semaphore_mem>>) src(%dma_wait3A_479 : memref<640x128xf32, #tpu.memory_space<vmem_shared>>) dst(%dma_wait3A_477 : memref<640x128xf32, #tpu.memory_space<hbm>>)
      tpu.yield
    }) : () -> ()
    return
  }
}

#map = affine_map<(d0, d1) -> (0, 0)>
#map1 = affine_map<(d0, d1) -> (0)>
#map2 = affine_map<(d0, d1) -> (0, 0, 0)>
module attributes {stable_mosaic.version = 14 : i64} {
  func.func @_sc_segment_sum(%arg0: i32, %arg1: i32, %arg2: memref<10000x128xf32, #tpu.memory_space<hbm>>, %arg3: memref<327680xi32, #tpu.memory_space<hbm>>, %arg4: memref<327680xi32, #tpu.memory_space<hbm>>, %arg5: memref<32x128xf32, #tpu.memory_space<hbm>>, %arg6: memref<2x10240x128xf32, #tpu.memory_space<hbm>>, %arg7: memref<10240xi32, #tpu.memory_space<vmem>>, %arg8: memref<32xi32, #tpu.memory_space<vmem>>, %arg9: memref<32x128xf32, #tpu.memory_space<vmem>>, %arg10: memref<32xi32, #tpu.memory_space<vmem>>, %arg11: memref<32x128xf32, #tpu.memory_space<vmem>>, %arg12: memref<32xi32, #tpu.memory_space<vmem>>, %arg13: memref<32x128xf32, #tpu.memory_space<vmem>>, %arg14: memref<32xi32, #tpu.memory_space<vmem>>, %arg15: memref<32x128xf32, #tpu.memory_space<vmem>>, %arg16: memref<32xi32, #tpu.memory_space<vmem>>, %arg17: memref<32x128xf32, #tpu.memory_space<vmem>>, %arg18: memref<32xi32, #tpu.memory_space<vmem>>, %arg19: memref<32x128xf32, #tpu.memory_space<vmem>>, %arg20: memref<32xi32, #tpu.memory_space<vmem>>, %arg21: memref<32x128xf32, #tpu.memory_space<vmem>>, %arg22: memref<32xi32, #tpu.memory_space<vmem>>, %arg23: memref<32x128xf32, #tpu.memory_space<vmem>>, %arg24: memref<10240x128xf32, #tpu.memory_space<vmem_shared>>, %arg25: memref<!tpu.dma_semaphore, #tpu.memory_space<semaphore_mem>>, %arg26: memref<!tpu.dma_semaphore, #tpu.memory_space<semaphore_mem>>, %arg27: memref<!tpu.dma_semaphore, #tpu.memory_space<semaphore_mem>>, %arg28: memref<!tpu.dma_semaphore, #tpu.memory_space<semaphore_mem>>, %arg29: memref<!tpu.dma_semaphore, #tpu.memory_space<semaphore_mem>>, %arg30: memref<!tpu.dma_semaphore, #tpu.memory_space<semaphore_mem>>, %arg31: memref<!tpu.dma_semaphore, #tpu.memory_space<semaphore_mem>>, %arg32: memref<!tpu.dma_semaphore, #tpu.memory_space<semaphore_mem>>, %arg33: memref<!tpu.dma_semaphore, #tpu.memory_space<semaphore_mem>>, %arg34: memref<!tpu.dma_semaphore, #tpu.memory_space<semaphore_mem>>, %arg35: memref<!tpu.dma_semaphore, #tpu.memory_space<semaphore_mem>>, %arg36: memref<!tpu.dma_semaphore, #tpu.memory_space<semaphore_mem>>, %arg37: memref<!tpu.dma_semaphore, #tpu.memory_space<semaphore_mem>>, %arg38: memref<!tpu.dma_semaphore, #tpu.memory_space<semaphore_mem>>, %arg39: memref<!tpu.dma_semaphore, #tpu.memory_space<semaphore_mem>>, %arg40: memref<!tpu.dma_semaphore, #tpu.memory_space<semaphore_mem>>, %arg41: memref<!tpu.dma_semaphore, #tpu.memory_space<semaphore_mem>>, %arg42: memref<!tpu.dma_semaphore, #tpu.memory_space<semaphore_mem>>, %arg43: memref<!tpu.dma_semaphore, #tpu.memory_space<semaphore_mem>>, %arg44: memref<!tpu.dma_semaphore, #tpu.memory_space<semaphore_mem>>, %arg45: memref<!tpu.dma_semaphore, #tpu.memory_space<semaphore_mem>>, %arg46: memref<!tpu.dma_semaphore, #tpu.memory_space<semaphore_mem>>, %arg47: memref<!tpu.dma_semaphore, #tpu.memory_space<semaphore_mem>>, %arg48: memref<!tpu.dma_semaphore, #tpu.memory_space<semaphore_mem>>, %arg49: memref<!tpu.dma_semaphore, #tpu.memory_space<semaphore_mem>>) attributes {dimension_semantics = [#tpu.dimension_semantics<core_parallel>, #tpu.dimension_semantics<subcore_parallel>], iteration_bounds = array<i64: 2, 16>, scalar_prefetch = 0 : i64, scratch_operands = 43 : i64, tpu.core_type = #tpu.core_type<sc_vector_subcore>, window_params = [{transform_indices = #map}, {transform_indices = #map1}, {transform_indices = #map1}, {transform_indices = #map}, {transform_indices = #map2}]} {
    %mul3A = arith.constant 2 : i32
    %mul3A_0 = arith.muli %arg1, %mul3A : i32
    %add3A = arith.addi %mul3A_0, %arg0 : i32
    %mul3A_1 = arith.constant 10240 : i32
    %mul3A_2 = arith.muli %add3A, %mul3A_1 : i32
    %dma_start3A = tpu.memref_slice %arg3[%mul3A_2] : memref<327680xi32, #tpu.memory_space<hbm>> -> memref<10240xi32, #tpu.memory_space<hbm>>
    %dma_start3A_3 = tpu.memref_slice %arg3[%mul3A_2] : memref<327680xi32, #tpu.memory_space<hbm>> -> memref<10240xi32, #tpu.memory_space<hbm>>
    tpu.enqueue_dma source(%dma_start3A_3 : memref<10240xi32, #tpu.memory_space<hbm>>) target(%arg7 : memref<10240xi32, #tpu.memory_space<vmem>>) target_semaphore(%arg49 : memref<!tpu.dma_semaphore, #tpu.memory_space<semaphore_mem>>)
    %add3A_4 = arith.constant 0 : i32
    %add3A_5 = arith.addi %mul3A_2, %add3A_4 : i32
    %dma_start3A_6 = tpu.memref_slice %arg4[%add3A_5] : memref<327680xi32, #tpu.memory_space<hbm>> -> memref<32xi32, #tpu.memory_space<hbm>>
    %dma_start3A_7 = tpu.memref_slice %arg4[%add3A_5] : memref<327680xi32, #tpu.memory_space<hbm>> -> memref<32xi32, #tpu.memory_space<hbm>>
    tpu.enqueue_dma source(%dma_start3A_7 : memref<32xi32, #tpu.memory_space<hbm>>) target(%arg8 : memref<32xi32, #tpu.memory_space<vmem>>) target_semaphore(%arg25 : memref<!tpu.dma_semaphore, #tpu.memory_space<semaphore_mem>>)
    %add3A_8 = arith.constant 32 : i32
    %add3A_9 = arith.addi %mul3A_2, %add3A_8 : i32
    %dma_start3A_10 = tpu.memref_slice %arg4[%add3A_9] : memref<327680xi32, #tpu.memory_space<hbm>> -> memref<32xi32, #tpu.memory_space<hbm>>
    %dma_start3A_11 = tpu.memref_slice %arg4[%add3A_9] : memref<327680xi32, #tpu.memory_space<hbm>> -> memref<32xi32, #tpu.memory_space<hbm>>
    tpu.enqueue_dma source(%dma_start3A_11 : memref<32xi32, #tpu.memory_space<hbm>>) target(%arg10 : memref<32xi32, #tpu.memory_space<vmem>>) target_semaphore(%arg26 : memref<!tpu.dma_semaphore, #tpu.memory_space<semaphore_mem>>)
    %add3A_12 = arith.constant 64 : i32
    %add3A_13 = arith.addi %mul3A_2, %add3A_12 : i32
    %dma_start3A_14 = tpu.memref_slice %arg4[%add3A_13] : memref<327680xi32, #tpu.memory_space<hbm>> -> memref<32xi32, #tpu.memory_space<hbm>>
    %dma_start3A_15 = tpu.memref_slice %arg4[%add3A_13] : memref<327680xi32, #tpu.memory_space<hbm>> -> memref<32xi32, #tpu.memory_space<hbm>>
    tpu.enqueue_dma source(%dma_start3A_15 : memref<32xi32, #tpu.memory_space<hbm>>) target(%arg12 : memref<32xi32, #tpu.memory_space<vmem>>) target_semaphore(%arg27 : memref<!tpu.dma_semaphore, #tpu.memory_space<semaphore_mem>>)
    %add3A_16 = arith.constant 96 : i32
    %add3A_17 = arith.addi %mul3A_2, %add3A_16 : i32
    %dma_start3A_18 = tpu.memref_slice %arg4[%add3A_17] : memref<327680xi32, #tpu.memory_space<hbm>> -> memref<32xi32, #tpu.memory_space<hbm>>
    %dma_start3A_19 = tpu.memref_slice %arg4[%add3A_17] : memref<327680xi32, #tpu.memory_space<hbm>> -> memref<32xi32, #tpu.memory_space<hbm>>
    tpu.enqueue_dma source(%dma_start3A_19 : memref<32xi32, #tpu.memory_space<hbm>>) target(%arg14 : memref<32xi32, #tpu.memory_space<vmem>>) target_semaphore(%arg28 : memref<!tpu.dma_semaphore, #tpu.memory_space<semaphore_mem>>)
    %add3A_20 = arith.constant 128 : i32
    %add3A_21 = arith.addi %mul3A_2, %add3A_20 : i32
    %dma_start3A_22 = tpu.memref_slice %arg4[%add3A_21] : memref<327680xi32, #tpu.memory_space<hbm>> -> memref<32xi32, #tpu.memory_space<hbm>>
    %dma_start3A_23 = tpu.memref_slice %arg4[%add3A_21] : memref<327680xi32, #tpu.memory_space<hbm>> -> memref<32xi32, #tpu.memory_space<hbm>>
    tpu.enqueue_dma source(%dma_start3A_23 : memref<32xi32, #tpu.memory_space<hbm>>) target(%arg16 : memref<32xi32, #tpu.memory_space<vmem>>) target_semaphore(%arg29 : memref<!tpu.dma_semaphore, #tpu.memory_space<semaphore_mem>>)
    %add3A_24 = arith.constant 160 : i32
    %add3A_25 = arith.addi %mul3A_2, %add3A_24 : i32
    %dma_start3A_26 = tpu.memref_slice %arg4[%add3A_25] : memref<327680xi32, #tpu.memory_space<hbm>> -> memref<32xi32, #tpu.memory_space<hbm>>
    %dma_start3A_27 = tpu.memref_slice %arg4[%add3A_25] : memref<327680xi32, #tpu.memory_space<hbm>> -> memref<32xi32, #tpu.memory_space<hbm>>
    tpu.enqueue_dma source(%dma_start3A_27 : memref<32xi32, #tpu.memory_space<hbm>>) target(%arg18 : memref<32xi32, #tpu.memory_space<vmem>>) target_semaphore(%arg30 : memref<!tpu.dma_semaphore, #tpu.memory_space<semaphore_mem>>)
    %add3A_28 = arith.constant 192 : i32
    %add3A_29 = arith.addi %mul3A_2, %add3A_28 : i32
    %dma_start3A_30 = tpu.memref_slice %arg4[%add3A_29] : memref<327680xi32, #tpu.memory_space<hbm>> -> memref<32xi32, #tpu.memory_space<hbm>>
    %dma_start3A_31 = tpu.memref_slice %arg4[%add3A_29] : memref<327680xi32, #tpu.memory_space<hbm>> -> memref<32xi32, #tpu.memory_space<hbm>>
    tpu.enqueue_dma source(%dma_start3A_31 : memref<32xi32, #tpu.memory_space<hbm>>) target(%arg20 : memref<32xi32, #tpu.memory_space<vmem>>) target_semaphore(%arg31 : memref<!tpu.dma_semaphore, #tpu.memory_space<semaphore_mem>>)
    %add3A_32 = arith.constant 224 : i32
    %add3A_33 = arith.addi %mul3A_2, %add3A_32 : i32
    %dma_start3A_34 = tpu.memref_slice %arg4[%add3A_33] : memref<327680xi32, #tpu.memory_space<hbm>> -> memref<32xi32, #tpu.memory_space<hbm>>
    %dma_start3A_35 = tpu.memref_slice %arg4[%add3A_33] : memref<327680xi32, #tpu.memory_space<hbm>> -> memref<32xi32, #tpu.memory_space<hbm>>
    tpu.enqueue_dma source(%dma_start3A_35 : memref<32xi32, #tpu.memory_space<hbm>>) target(%arg22 : memref<32xi32, #tpu.memory_space<vmem>>) target_semaphore(%arg32 : memref<!tpu.dma_semaphore, #tpu.memory_space<semaphore_mem>>)
    "tpu.region"() ({
      %run_scoped3A = tpu.sem_alloc : memref<!tpu.dma_semaphore, #tpu.memory_space<semaphore_mem>>
      tpu.enqueue_dma source(%arg5 : memref<32x128xf32, #tpu.memory_space<hbm>>) target(%arg9 : memref<32x128xf32, #tpu.memory_space<vmem>>) target_semaphore(%run_scoped3A : memref<!tpu.dma_semaphore, #tpu.memory_space<semaphore_mem>>)
      tpu.wait_dma2 semaphore(%run_scoped3A : memref<!tpu.dma_semaphore, #tpu.memory_space<semaphore_mem>>) src(%arg5 : memref<32x128xf32, #tpu.memory_space<hbm>>) dst(%arg9 : memref<32x128xf32, #tpu.memory_space<vmem>>)
      tpu.yield
    }) : () -> ()
    %mul3A_36 = arith.constant 640 : i32
    %mul3A_37 = arith.muli %arg1, %mul3A_36 : i32
    %add3A_38 = arith.constant 0 : i32
    %add3A_39 = arith.addi %mul3A_37, %add3A_38 : i32
    %dma_start3A_40 = arith.constant 0 : i32
    %dma_start3A_41 = tpu.memref_slice %arg24[%add3A_39, %dma_start3A_40] : memref<10240x128xf32, #tpu.memory_space<vmem_shared>> -> memref<32x128xf32, #tpu.memory_space<vmem_shared>>
    %dma_start3A_42 = arith.constant 0 : i32
    %dma_start3A_43 = tpu.memref_slice %arg24[%add3A_39, %dma_start3A_42] : memref<10240x128xf32, #tpu.memory_space<vmem_shared>> -> memref<32x128xf32, #tpu.memory_space<vmem_shared>>
    tpu.enqueue_dma source(%arg9 : memref<32x128xf32, #tpu.memory_space<vmem>>) target(%dma_start3A_43 : memref<32x128xf32, #tpu.memory_space<vmem_shared>>) target_semaphore(%arg41 : memref<!tpu.dma_semaphore, #tpu.memory_space<semaphore_mem>>)
    %mul3A_44 = arith.constant 640 : i32
    %mul3A_45 = arith.muli %arg1, %mul3A_44 : i32
    %add3A_46 = arith.constant 32 : i32
    %add3A_47 = arith.addi %mul3A_45, %add3A_46 : i32
    %dma_start3A_48 = arith.constant 0 : i32
    %dma_start3A_49 = tpu.memref_slice %arg24[%add3A_47, %dma_start3A_48] : memref<10240x128xf32, #tpu.memory_space<vmem_shared>> -> memref<32x128xf32, #tpu.memory_space<vmem_shared>>
    %dma_start3A_50 = arith.constant 0 : i32
    %dma_start3A_51 = tpu.memref_slice %arg24[%add3A_47, %dma_start3A_50] : memref<10240x128xf32, #tpu.memory_space<vmem_shared>> -> memref<32x128xf32, #tpu.memory_space<vmem_shared>>
    tpu.enqueue_dma source(%arg9 : memref<32x128xf32, #tpu.memory_space<vmem>>) target(%dma_start3A_51 : memref<32x128xf32, #tpu.memory_space<vmem_shared>>) target_semaphore(%arg42 : memref<!tpu.dma_semaphore, #tpu.memory_space<semaphore_mem>>)
    %mul3A_52 = arith.constant 640 : i32
    %mul3A_53 = arith.muli %arg1, %mul3A_52 : i32
    %add3A_54 = arith.constant 64 : i32
    %add3A_55 = arith.addi %mul3A_53, %add3A_54 : i32
    %dma_start3A_56 = arith.constant 0 : i32
    %dma_start3A_57 = tpu.memref_slice %arg24[%add3A_55, %dma_start3A_56] : memref<10240x128xf32, #tpu.memory_space<vmem_shared>> -> memref<32x128xf32, #tpu.memory_space<vmem_shared>>
    %dma_start3A_58 = arith.constant 0 : i32
    %dma_start3A_59 = tpu.memref_slice %arg24[%add3A_55, %dma_start3A_58] : memref<10240x128xf32, #tpu.memory_space<vmem_shared>> -> memref<32x128xf32, #tpu.memory_space<vmem_shared>>
    tpu.enqueue_dma source(%arg9 : memref<32x128xf32, #tpu.memory_space<vmem>>) target(%dma_start3A_59 : memref<32x128xf32, #tpu.memory_space<vmem_shared>>) target_semaphore(%arg43 : memref<!tpu.dma_semaphore, #tpu.memory_space<semaphore_mem>>)
    %mul3A_60 = arith.constant 640 : i32
    %mul3A_61 = arith.muli %arg1, %mul3A_60 : i32
    %add3A_62 = arith.constant 96 : i32
    %add3A_63 = arith.addi %mul3A_61, %add3A_62 : i32
    %dma_start3A_64 = arith.constant 0 : i32
    %dma_start3A_65 = tpu.memref_slice %arg24[%add3A_63, %dma_start3A_64] : memref<10240x128xf32, #tpu.memory_space<vmem_shared>> -> memref<32x128xf32, #tpu.memory_space<vmem_shared>>
    %dma_start3A_66 = arith.constant 0 : i32
    %dma_start3A_67 = tpu.memref_slice %arg24[%add3A_63, %dma_start3A_66] : memref<10240x128xf32, #tpu.memory_space<vmem_shared>> -> memref<32x128xf32, #tpu.memory_space<vmem_shared>>
    tpu.enqueue_dma source(%arg9 : memref<32x128xf32, #tpu.memory_space<vmem>>) target(%dma_start3A_67 : memref<32x128xf32, #tpu.memory_space<vmem_shared>>) target_semaphore(%arg44 : memref<!tpu.dma_semaphore, #tpu.memory_space<semaphore_mem>>)
    %mul3A_68 = arith.constant 640 : i32
    %mul3A_69 = arith.muli %arg1, %mul3A_68 : i32
    %add3A_70 = arith.constant 128 : i32
    %add3A_71 = arith.addi %mul3A_69, %add3A_70 : i32
    %dma_start3A_72 = arith.constant 0 : i32
    %dma_start3A_73 = tpu.memref_slice %arg24[%add3A_71, %dma_start3A_72] : memref<10240x128xf32, #tpu.memory_space<vmem_shared>> -> memref<32x128xf32, #tpu.memory_space<vmem_shared>>
    %dma_start3A_74 = arith.constant 0 : i32
    %dma_start3A_75 = tpu.memref_slice %arg24[%add3A_71, %dma_start3A_74] : memref<10240x128xf32, #tpu.memory_space<vmem_shared>> -> memref<32x128xf32, #tpu.memory_space<vmem_shared>>
    tpu.enqueue_dma source(%arg9 : memref<32x128xf32, #tpu.memory_space<vmem>>) target(%dma_start3A_75 : memref<32x128xf32, #tpu.memory_space<vmem_shared>>) target_semaphore(%arg45 : memref<!tpu.dma_semaphore, #tpu.memory_space<semaphore_mem>>)
    %mul3A_76 = arith.constant 640 : i32
    %mul3A_77 = arith.muli %arg1, %mul3A_76 : i32
    %add3A_78 = arith.constant 160 : i32
    %add3A_79 = arith.addi %mul3A_77, %add3A_78 : i32
    %dma_start3A_80 = arith.constant 0 : i32
    %dma_start3A_81 = tpu.memref_slice %arg24[%add3A_79, %dma_start3A_80] : memref<10240x128xf32, #tpu.memory_space<vmem_shared>> -> memref<32x128xf32, #tpu.memory_space<vmem_shared>>
    %dma_start3A_82 = arith.constant 0 : i32
    %dma_start3A_83 = tpu.memref_slice %arg24[%add3A_79, %dma_start3A_82] : memref<10240x128xf32, #tpu.memory_space<vmem_shared>> -> memref<32x128xf32, #tpu.memory_space<vmem_shared>>
    tpu.enqueue_dma source(%arg9 : memref<32x128xf32, #tpu.memory_space<vmem>>) target(%dma_start3A_83 : memref<32x128xf32, #tpu.memory_space<vmem_shared>>) target_semaphore(%arg46 : memref<!tpu.dma_semaphore, #tpu.memory_space<semaphore_mem>>)
    %mul3A_84 = arith.constant 640 : i32
    %mul3A_85 = arith.muli %arg1, %mul3A_84 : i32
    %add3A_86 = arith.constant 192 : i32
    %add3A_87 = arith.addi %mul3A_85, %add3A_86 : i32
    %dma_start3A_88 = arith.constant 0 : i32
    %dma_start3A_89 = tpu.memref_slice %arg24[%add3A_87, %dma_start3A_88] : memref<10240x128xf32, #tpu.memory_space<vmem_shared>> -> memref<32x128xf32, #tpu.memory_space<vmem_shared>>
    %dma_start3A_90 = arith.constant 0 : i32
    %dma_start3A_91 = tpu.memref_slice %arg24[%add3A_87, %dma_start3A_90] : memref<10240x128xf32, #tpu.memory_space<vmem_shared>> -> memref<32x128xf32, #tpu.memory_space<vmem_shared>>
    tpu.enqueue_dma source(%arg9 : memref<32x128xf32, #tpu.memory_space<vmem>>) target(%dma_start3A_91 : memref<32x128xf32, #tpu.memory_space<vmem_shared>>) target_semaphore(%arg47 : memref<!tpu.dma_semaphore, #tpu.memory_space<semaphore_mem>>)
    %mul3A_92 = arith.constant 640 : i32
    %mul3A_93 = arith.muli %arg1, %mul3A_92 : i32
    %add3A_94 = arith.constant 224 : i32
    %add3A_95 = arith.addi %mul3A_93, %add3A_94 : i32
    %dma_start3A_96 = arith.constant 0 : i32
    %dma_start3A_97 = tpu.memref_slice %arg24[%add3A_95, %dma_start3A_96] : memref<10240x128xf32, #tpu.memory_space<vmem_shared>> -> memref<32x128xf32, #tpu.memory_space<vmem_shared>>
    %dma_start3A_98 = arith.constant 0 : i32
    %dma_start3A_99 = tpu.memref_slice %arg24[%add3A_95, %dma_start3A_98] : memref<10240x128xf32, #tpu.memory_space<vmem_shared>> -> memref<32x128xf32, #tpu.memory_space<vmem_shared>>
    tpu.enqueue_dma source(%arg9 : memref<32x128xf32, #tpu.memory_space<vmem>>) target(%dma_start3A_99 : memref<32x128xf32, #tpu.memory_space<vmem_shared>>) target_semaphore(%arg48 : memref<!tpu.dma_semaphore, #tpu.memory_space<semaphore_mem>>)
    %mul3A_100 = arith.constant 640 : i32
    %mul3A_101 = arith.muli %arg1, %mul3A_100 : i32
    %dma_wait3A = arith.constant 0 : i32
    %dma_wait3A_102 = tpu.memref_slice %arg24[%mul3A_101, %dma_wait3A] : memref<10240x128xf32, #tpu.memory_space<vmem_shared>> -> memref<32x128xf32, #tpu.memory_space<vmem_shared>>
    %dma_wait3A_103 = arith.constant 0 : i32
    %dma_wait3A_104 = tpu.memref_slice %arg24[%mul3A_101, %dma_wait3A_103] : memref<10240x128xf32, #tpu.memory_space<vmem_shared>> -> memref<32x128xf32, #tpu.memory_space<vmem_shared>>
    tpu.wait_dma2 semaphore(%arg41 : memref<!tpu.dma_semaphore, #tpu.memory_space<semaphore_mem>>) src(%arg9 : memref<32x128xf32, #tpu.memory_space<vmem>>) dst(%dma_wait3A_104 : memref<32x128xf32, #tpu.memory_space<vmem_shared>>)
    %mul3A_105 = arith.constant 640 : i32
    %mul3A_106 = arith.muli %arg1, %mul3A_105 : i32
    %add3A_107 = arith.constant 256 : i32
    %add3A_108 = arith.addi %mul3A_106, %add3A_107 : i32
    %dma_start3A_109 = arith.constant 0 : i32
    %dma_start3A_110 = tpu.memref_slice %arg24[%add3A_108, %dma_start3A_109] : memref<10240x128xf32, #tpu.memory_space<vmem_shared>> -> memref<32x128xf32, #tpu.memory_space<vmem_shared>>
    %dma_start3A_111 = arith.constant 0 : i32
    %dma_start3A_112 = tpu.memref_slice %arg24[%add3A_108, %dma_start3A_111] : memref<10240x128xf32, #tpu.memory_space<vmem_shared>> -> memref<32x128xf32, #tpu.memory_space<vmem_shared>>
    tpu.enqueue_dma source(%arg9 : memref<32x128xf32, #tpu.memory_space<vmem>>) target(%dma_start3A_112 : memref<32x128xf32, #tpu.memory_space<vmem_shared>>) target_semaphore(%arg41 : memref<!tpu.dma_semaphore, #tpu.memory_space<semaphore_mem>>)
    %mul3A_113 = arith.constant 640 : i32
    %mul3A_114 = arith.muli %arg1, %mul3A_113 : i32
    %dma_wait3A_115 = arith.constant 0 : i32
    %dma_wait3A_116 = tpu.memref_slice %arg24[%mul3A_114, %dma_wait3A_115] : memref<10240x128xf32, #tpu.memory_space<vmem_shared>> -> memref<32x128xf32, #tpu.memory_space<vmem_shared>>
    %dma_wait3A_117 = arith.constant 0 : i32
    %dma_wait3A_118 = tpu.memref_slice %arg24[%mul3A_114, %dma_wait3A_117] : memref<10240x128xf32, #tpu.memory_space<vmem_shared>> -> memref<32x128xf32, #tpu.memory_space<vmem_shared>>
    tpu.wait_dma2 semaphore(%arg42 : memref<!tpu.dma_semaphore, #tpu.memory_space<semaphore_mem>>) src(%arg9 : memref<32x128xf32, #tpu.memory_space<vmem>>) dst(%dma_wait3A_118 : memref<32x128xf32, #tpu.memory_space<vmem_shared>>)
    %mul3A_119 = arith.constant 640 : i32
    %mul3A_120 = arith.muli %arg1, %mul3A_119 : i32
    %add3A_121 = arith.constant 288 : i32
    %add3A_122 = arith.addi %mul3A_120, %add3A_121 : i32
    %dma_start3A_123 = arith.constant 0 : i32
    %dma_start3A_124 = tpu.memref_slice %arg24[%add3A_122, %dma_start3A_123] : memref<10240x128xf32, #tpu.memory_space<vmem_shared>> -> memref<32x128xf32, #tpu.memory_space<vmem_shared>>
    %dma_start3A_125 = arith.constant 0 : i32
    %dma_start3A_126 = tpu.memref_slice %arg24[%add3A_122, %dma_start3A_125] : memref<10240x128xf32, #tpu.memory_space<vmem_shared>> -> memref<32x128xf32, #tpu.memory_space<vmem_shared>>
    tpu.enqueue_dma source(%arg9 : memref<32x128xf32, #tpu.memory_space<vmem>>) target(%dma_start3A_126 : memref<32x128xf32, #tpu.memory_space<vmem_shared>>) target_semaphore(%arg42 : memref<!tpu.dma_semaphore, #tpu.memory_space<semaphore_mem>>)
    %mul3A_127 = arith.constant 640 : i32
    %mul3A_128 = arith.muli %arg1, %mul3A_127 : i32
    %dma_wait3A_129 = arith.constant 0 : i32
    %dma_wait3A_130 = tpu.memref_slice %arg24[%mul3A_128, %dma_wait3A_129] : memref<10240x128xf32, #tpu.memory_space<vmem_shared>> -> memref<32x128xf32, #tpu.memory_space<vmem_shared>>
    %dma_wait3A_131 = arith.constant 0 : i32
    %dma_wait3A_132 = tpu.memref_slice %arg24[%mul3A_128, %dma_wait3A_131] : memref<10240x128xf32, #tpu.memory_space<vmem_shared>> -> memref<32x128xf32, #tpu.memory_space<vmem_shared>>
    tpu.wait_dma2 semaphore(%arg43 : memref<!tpu.dma_semaphore, #tpu.memory_space<semaphore_mem>>) src(%arg9 : memref<32x128xf32, #tpu.memory_space<vmem>>) dst(%dma_wait3A_132 : memref<32x128xf32, #tpu.memory_space<vmem_shared>>)
    %mul3A_133 = arith.constant 640 : i32
    %mul3A_134 = arith.muli %arg1, %mul3A_133 : i32
    %add3A_135 = arith.constant 320 : i32
    %add3A_136 = arith.addi %mul3A_134, %add3A_135 : i32
    %dma_start3A_137 = arith.constant 0 : i32
    %dma_start3A_138 = tpu.memref_slice %arg24[%add3A_136, %dma_start3A_137] : memref<10240x128xf32, #tpu.memory_space<vmem_shared>> -> memref<32x128xf32, #tpu.memory_space<vmem_shared>>
    %dma_start3A_139 = arith.constant 0 : i32
    %dma_start3A_140 = tpu.memref_slice %arg24[%add3A_136, %dma_start3A_139] : memref<10240x128xf32, #tpu.memory_space<vmem_shared>> -> memref<32x128xf32, #tpu.memory_space<vmem_shared>>
    tpu.enqueue_dma source(%arg9 : memref<32x128xf32, #tpu.memory_space<vmem>>) target(%dma_start3A_140 : memref<32x128xf32, #tpu.memory_space<vmem_shared>>) target_semaphore(%arg43 : memref<!tpu.dma_semaphore, #tpu.memory_space<semaphore_mem>>)
    %mul3A_141 = arith.constant 640 : i32
    %mul3A_142 = arith.muli %arg1, %mul3A_141 : i32
    %dma_wait3A_143 = arith.constant 0 : i32
    %dma_wait3A_144 = tpu.memref_slice %arg24[%mul3A_142, %dma_wait3A_143] : memref<10240x128xf32, #tpu.memory_space<vmem_shared>> -> memref<32x128xf32, #tpu.memory_space<vmem_shared>>
    %dma_wait3A_145 = arith.constant 0 : i32
    %dma_wait3A_146 = tpu.memref_slice %arg24[%mul3A_142, %dma_wait3A_145] : memref<10240x128xf32, #tpu.memory_space<vmem_shared>> -> memref<32x128xf32, #tpu.memory_space<vmem_shared>>
    tpu.wait_dma2 semaphore(%arg44 : memref<!tpu.dma_semaphore, #tpu.memory_space<semaphore_mem>>) src(%arg9 : memref<32x128xf32, #tpu.memory_space<vmem>>) dst(%dma_wait3A_146 : memref<32x128xf32, #tpu.memory_space<vmem_shared>>)
    %mul3A_147 = arith.constant 640 : i32
    %mul3A_148 = arith.muli %arg1, %mul3A_147 : i32
    %add3A_149 = arith.constant 352 : i32
    %add3A_150 = arith.addi %mul3A_148, %add3A_149 : i32
    %dma_start3A_151 = arith.constant 0 : i32
    %dma_start3A_152 = tpu.memref_slice %arg24[%add3A_150, %dma_start3A_151] : memref<10240x128xf32, #tpu.memory_space<vmem_shared>> -> memref<32x128xf32, #tpu.memory_space<vmem_shared>>
    %dma_start3A_153 = arith.constant 0 : i32
    %dma_start3A_154 = tpu.memref_slice %arg24[%add3A_150, %dma_start3A_153] : memref<10240x128xf32, #tpu.memory_space<vmem_shared>> -> memref<32x128xf32, #tpu.memory_space<vmem_shared>>
    tpu.enqueue_dma source(%arg9 : memref<32x128xf32, #tpu.memory_space<vmem>>) target(%dma_start3A_154 : memref<32x128xf32, #tpu.memory_space<vmem_shared>>) target_semaphore(%arg44 : memref<!tpu.dma_semaphore, #tpu.memory_space<semaphore_mem>>)
    %mul3A_155 = arith.constant 640 : i32
    %mul3A_156 = arith.muli %arg1, %mul3A_155 : i32
    %dma_wait3A_157 = arith.constant 0 : i32
    %dma_wait3A_158 = tpu.memref_slice %arg24[%mul3A_156, %dma_wait3A_157] : memref<10240x128xf32, #tpu.memory_space<vmem_shared>> -> memref<32x128xf32, #tpu.memory_space<vmem_shared>>
    %dma_wait3A_159 = arith.constant 0 : i32
    %dma_wait3A_160 = tpu.memref_slice %arg24[%mul3A_156, %dma_wait3A_159] : memref<10240x128xf32, #tpu.memory_space<vmem_shared>> -> memref<32x128xf32, #tpu.memory_space<vmem_shared>>
    tpu.wait_dma2 semaphore(%arg45 : memref<!tpu.dma_semaphore, #tpu.memory_space<semaphore_mem>>) src(%arg9 : memref<32x128xf32, #tpu.memory_space<vmem>>) dst(%dma_wait3A_160 : memref<32x128xf32, #tpu.memory_space<vmem_shared>>)
    %mul3A_161 = arith.constant 640 : i32
    %mul3A_162 = arith.muli %arg1, %mul3A_161 : i32
    %add3A_163 = arith.constant 384 : i32
    %add3A_164 = arith.addi %mul3A_162, %add3A_163 : i32
    %dma_start3A_165 = arith.constant 0 : i32
    %dma_start3A_166 = tpu.memref_slice %arg24[%add3A_164, %dma_start3A_165] : memref<10240x128xf32, #tpu.memory_space<vmem_shared>> -> memref<32x128xf32, #tpu.memory_space<vmem_shared>>
    %dma_start3A_167 = arith.constant 0 : i32
    %dma_start3A_168 = tpu.memref_slice %arg24[%add3A_164, %dma_start3A_167] : memref<10240x128xf32, #tpu.memory_space<vmem_shared>> -> memref<32x128xf32, #tpu.memory_space<vmem_shared>>
    tpu.enqueue_dma source(%arg9 : memref<32x128xf32, #tpu.memory_space<vmem>>) target(%dma_start3A_168 : memref<32x128xf32, #tpu.memory_space<vmem_shared>>) target_semaphore(%arg45 : memref<!tpu.dma_semaphore, #tpu.memory_space<semaphore_mem>>)
    %mul3A_169 = arith.constant 640 : i32
    %mul3A_170 = arith.muli %arg1, %mul3A_169 : i32
    %dma_wait3A_171 = arith.constant 0 : i32
    %dma_wait3A_172 = tpu.memref_slice %arg24[%mul3A_170, %dma_wait3A_171] : memref<10240x128xf32, #tpu.memory_space<vmem_shared>> -> memref<32x128xf32, #tpu.memory_space<vmem_shared>>
    %dma_wait3A_173 = arith.constant 0 : i32
    %dma_wait3A_174 = tpu.memref_slice %arg24[%mul3A_170, %dma_wait3A_173] : memref<10240x128xf32, #tpu.memory_space<vmem_shared>> -> memref<32x128xf32, #tpu.memory_space<vmem_shared>>
    tpu.wait_dma2 semaphore(%arg46 : memref<!tpu.dma_semaphore, #tpu.memory_space<semaphore_mem>>) src(%arg9 : memref<32x128xf32, #tpu.memory_space<vmem>>) dst(%dma_wait3A_174 : memref<32x128xf32, #tpu.memory_space<vmem_shared>>)
    %mul3A_175 = arith.constant 640 : i32
    %mul3A_176 = arith.muli %arg1, %mul3A_175 : i32
    %add3A_177 = arith.constant 416 : i32
    %add3A_178 = arith.addi %mul3A_176, %add3A_177 : i32
    %dma_start3A_179 = arith.constant 0 : i32
    %dma_start3A_180 = tpu.memref_slice %arg24[%add3A_178, %dma_start3A_179] : memref<10240x128xf32, #tpu.memory_space<vmem_shared>> -> memref<32x128xf32, #tpu.memory_space<vmem_shared>>
    %dma_start3A_181 = arith.constant 0 : i32
    %dma_start3A_182 = tpu.memref_slice %arg24[%add3A_178, %dma_start3A_181] : memref<10240x128xf32, #tpu.memory_space<vmem_shared>> -> memref<32x128xf32, #tpu.memory_space<vmem_shared>>
    tpu.enqueue_dma source(%arg9 : memref<32x128xf32, #tpu.memory_space<vmem>>) target(%dma_start3A_182 : memref<32x128xf32, #tpu.memory_space<vmem_shared>>) target_semaphore(%arg46 : memref<!tpu.dma_semaphore, #tpu.memory_space<semaphore_mem>>)
    %mul3A_183 = arith.constant 640 : i32
    %mul3A_184 = arith.muli %arg1, %mul3A_183 : i32
    %dma_wait3A_185 = arith.constant 0 : i32
    %dma_wait3A_186 = tpu.memref_slice %arg24[%mul3A_184, %dma_wait3A_185] : memref<10240x128xf32, #tpu.memory_space<vmem_shared>> -> memref<32x128xf32, #tpu.memory_space<vmem_shared>>
    %dma_wait3A_187 = arith.constant 0 : i32
    %dma_wait3A_188 = tpu.memref_slice %arg24[%mul3A_184, %dma_wait3A_187] : memref<10240x128xf32, #tpu.memory_space<vmem_shared>> -> memref<32x128xf32, #tpu.memory_space<vmem_shared>>
    tpu.wait_dma2 semaphore(%arg47 : memref<!tpu.dma_semaphore, #tpu.memory_space<semaphore_mem>>) src(%arg9 : memref<32x128xf32, #tpu.memory_space<vmem>>) dst(%dma_wait3A_188 : memref<32x128xf32, #tpu.memory_space<vmem_shared>>)
    %mul3A_189 = arith.constant 640 : i32
    %mul3A_190 = arith.muli %arg1, %mul3A_189 : i32
    %add3A_191 = arith.constant 448 : i32
    %add3A_192 = arith.addi %mul3A_190, %add3A_191 : i32
    %dma_start3A_193 = arith.constant 0 : i32
    %dma_start3A_194 = tpu.memref_slice %arg24[%add3A_192, %dma_start3A_193] : memref<10240x128xf32, #tpu.memory_space<vmem_shared>> -> memref<32x128xf32, #tpu.memory_space<vmem_shared>>
    %dma_start3A_195 = arith.constant 0 : i32
    %dma_start3A_196 = tpu.memref_slice %arg24[%add3A_192, %dma_start3A_195] : memref<10240x128xf32, #tpu.memory_space<vmem_shared>> -> memref<32x128xf32, #tpu.memory_space<vmem_shared>>
    tpu.enqueue_dma source(%arg9 : memref<32x128xf32, #tpu.memory_space<vmem>>) target(%dma_start3A_196 : memref<32x128xf32, #tpu.memory_space<vmem_shared>>) target_semaphore(%arg47 : memref<!tpu.dma_semaphore, #tpu.memory_space<semaphore_mem>>)
    %mul3A_197 = arith.constant 640 : i32
    %mul3A_198 = arith.muli %arg1, %mul3A_197 : i32
    %dma_wait3A_199 = arith.constant 0 : i32
    %dma_wait3A_200 = tpu.memref_slice %arg24[%mul3A_198, %dma_wait3A_199] : memref<10240x128xf32, #tpu.memory_space<vmem_shared>> -> memref<32x128xf32, #tpu.memory_space<vmem_shared>>
    %dma_wait3A_201 = arith.constant 0 : i32
    %dma_wait3A_202 = tpu.memref_slice %arg24[%mul3A_198, %dma_wait3A_201] : memref<10240x128xf32, #tpu.memory_space<vmem_shared>> -> memref<32x128xf32, #tpu.memory_space<vmem_shared>>
    tpu.wait_dma2 semaphore(%arg48 : memref<!tpu.dma_semaphore, #tpu.memory_space<semaphore_mem>>) src(%arg9 : memref<32x128xf32, #tpu.memory_space<vmem>>) dst(%dma_wait3A_202 : memref<32x128xf32, #tpu.memory_space<vmem_shared>>)
    %mul3A_203 = arith.constant 640 : i32
    %mul3A_204 = arith.muli %arg1, %mul3A_203 : i32
    %add3A_205 = arith.constant 480 : i32
    %add3A_206 = arith.addi %mul3A_204, %add3A_205 : i32
    %dma_start3A_207 = arith.constant 0 : i32
    %dma_start3A_208 = tpu.memref_slice %arg24[%add3A_206, %dma_start3A_207] : memref<10240x128xf32, #tpu.memory_space<vmem_shared>> -> memref<32x128xf32, #tpu.memory_space<vmem_shared>>
    %dma_start3A_209 = arith.constant 0 : i32
    %dma_start3A_210 = tpu.memref_slice %arg24[%add3A_206, %dma_start3A_209] : memref<10240x128xf32, #tpu.memory_space<vmem_shared>> -> memref<32x128xf32, #tpu.memory_space<vmem_shared>>
    tpu.enqueue_dma source(%arg9 : memref<32x128xf32, #tpu.memory_space<vmem>>) target(%dma_start3A_210 : memref<32x128xf32, #tpu.memory_space<vmem_shared>>) target_semaphore(%arg48 : memref<!tpu.dma_semaphore, #tpu.memory_space<semaphore_mem>>)
    %mul3A_211 = arith.constant 640 : i32
    %mul3A_212 = arith.muli %arg1, %mul3A_211 : i32
    %dma_wait3A_213 = arith.constant 0 : i32
    %dma_wait3A_214 = tpu.memref_slice %arg24[%mul3A_212, %dma_wait3A_213] : memref<10240x128xf32, #tpu.memory_space<vmem_shared>> -> memref<32x128xf32, #tpu.memory_space<vmem_shared>>
    %dma_wait3A_215 = arith.constant 0 : i32
    %dma_wait3A_216 = tpu.memref_slice %arg24[%mul3A_212, %dma_wait3A_215] : memref<10240x128xf32, #tpu.memory_space<vmem_shared>> -> memref<32x128xf32, #tpu.memory_space<vmem_shared>>
    tpu.wait_dma2 semaphore(%arg41 : memref<!tpu.dma_semaphore, #tpu.memory_space<semaphore_mem>>) src(%arg9 : memref<32x128xf32, #tpu.memory_space<vmem>>) dst(%dma_wait3A_216 : memref<32x128xf32, #tpu.memory_space<vmem_shared>>)
    %mul3A_217 = arith.constant 640 : i32
    %mul3A_218 = arith.muli %arg1, %mul3A_217 : i32
    %add3A_219 = arith.constant 512 : i32
    %add3A_220 = arith.addi %mul3A_218, %add3A_219 : i32
    %dma_start3A_221 = arith.constant 0 : i32
    %dma_start3A_222 = tpu.memref_slice %arg24[%add3A_220, %dma_start3A_221] : memref<10240x128xf32, #tpu.memory_space<vmem_shared>> -> memref<32x128xf32, #tpu.memory_space<vmem_shared>>
    %dma_start3A_223 = arith.constant 0 : i32
    %dma_start3A_224 = tpu.memref_slice %arg24[%add3A_220, %dma_start3A_223] : memref<10240x128xf32, #tpu.memory_space<vmem_shared>> -> memref<32x128xf32, #tpu.memory_space<vmem_shared>>
    tpu.enqueue_dma source(%arg9 : memref<32x128xf32, #tpu.memory_space<vmem>>) target(%dma_start3A_224 : memref<32x128xf32, #tpu.memory_space<vmem_shared>>) target_semaphore(%arg41 : memref<!tpu.dma_semaphore, #tpu.memory_space<semaphore_mem>>)
    %mul3A_225 = arith.constant 640 : i32
    %mul3A_226 = arith.muli %arg1, %mul3A_225 : i32
    %dma_wait3A_227 = arith.constant 0 : i32
    %dma_wait3A_228 = tpu.memref_slice %arg24[%mul3A_226, %dma_wait3A_227] : memref<10240x128xf32, #tpu.memory_space<vmem_shared>> -> memref<32x128xf32, #tpu.memory_space<vmem_shared>>
    %dma_wait3A_229 = arith.constant 0 : i32
    %dma_wait3A_230 = tpu.memref_slice %arg24[%mul3A_226, %dma_wait3A_229] : memref<10240x128xf32, #tpu.memory_space<vmem_shared>> -> memref<32x128xf32, #tpu.memory_space<vmem_shared>>
    tpu.wait_dma2 semaphore(%arg42 : memref<!tpu.dma_semaphore, #tpu.memory_space<semaphore_mem>>) src(%arg9 : memref<32x128xf32, #tpu.memory_space<vmem>>) dst(%dma_wait3A_230 : memref<32x128xf32, #tpu.memory_space<vmem_shared>>)
    %mul3A_231 = arith.constant 640 : i32
    %mul3A_232 = arith.muli %arg1, %mul3A_231 : i32
    %add3A_233 = arith.constant 544 : i32
    %add3A_234 = arith.addi %mul3A_232, %add3A_233 : i32
    %dma_start3A_235 = arith.constant 0 : i32
    %dma_start3A_236 = tpu.memref_slice %arg24[%add3A_234, %dma_start3A_235] : memref<10240x128xf32, #tpu.memory_space<vmem_shared>> -> memref<32x128xf32, #tpu.memory_space<vmem_shared>>
    %dma_start3A_237 = arith.constant 0 : i32
    %dma_start3A_238 = tpu.memref_slice %arg24[%add3A_234, %dma_start3A_237] : memref<10240x128xf32, #tpu.memory_space<vmem_shared>> -> memref<32x128xf32, #tpu.memory_space<vmem_shared>>
    tpu.enqueue_dma source(%arg9 : memref<32x128xf32, #tpu.memory_space<vmem>>) target(%dma_start3A_238 : memref<32x128xf32, #tpu.memory_space<vmem_shared>>) target_semaphore(%arg42 : memref<!tpu.dma_semaphore, #tpu.memory_space<semaphore_mem>>)
    %mul3A_239 = arith.constant 640 : i32
    %mul3A_240 = arith.muli %arg1, %mul3A_239 : i32
    %dma_wait3A_241 = arith.constant 0 : i32
    %dma_wait3A_242 = tpu.memref_slice %arg24[%mul3A_240, %dma_wait3A_241] : memref<10240x128xf32, #tpu.memory_space<vmem_shared>> -> memref<32x128xf32, #tpu.memory_space<vmem_shared>>
    %dma_wait3A_243 = arith.constant 0 : i32
    %dma_wait3A_244 = tpu.memref_slice %arg24[%mul3A_240, %dma_wait3A_243] : memref<10240x128xf32, #tpu.memory_space<vmem_shared>> -> memref<32x128xf32, #tpu.memory_space<vmem_shared>>
    tpu.wait_dma2 semaphore(%arg43 : memref<!tpu.dma_semaphore, #tpu.memory_space<semaphore_mem>>) src(%arg9 : memref<32x128xf32, #tpu.memory_space<vmem>>) dst(%dma_wait3A_244 : memref<32x128xf32, #tpu.memory_space<vmem_shared>>)
    %mul3A_245 = arith.constant 640 : i32
    %mul3A_246 = arith.muli %arg1, %mul3A_245 : i32
    %add3A_247 = arith.constant 576 : i32
    %add3A_248 = arith.addi %mul3A_246, %add3A_247 : i32
    %dma_start3A_249 = arith.constant 0 : i32
    %dma_start3A_250 = tpu.memref_slice %arg24[%add3A_248, %dma_start3A_249] : memref<10240x128xf32, #tpu.memory_space<vmem_shared>> -> memref<32x128xf32, #tpu.memory_space<vmem_shared>>
    %dma_start3A_251 = arith.constant 0 : i32
    %dma_start3A_252 = tpu.memref_slice %arg24[%add3A_248, %dma_start3A_251] : memref<10240x128xf32, #tpu.memory_space<vmem_shared>> -> memref<32x128xf32, #tpu.memory_space<vmem_shared>>
    tpu.enqueue_dma source(%arg9 : memref<32x128xf32, #tpu.memory_space<vmem>>) target(%dma_start3A_252 : memref<32x128xf32, #tpu.memory_space<vmem_shared>>) target_semaphore(%arg43 : memref<!tpu.dma_semaphore, #tpu.memory_space<semaphore_mem>>)
    %mul3A_253 = arith.constant 640 : i32
    %mul3A_254 = arith.muli %arg1, %mul3A_253 : i32
    %dma_wait3A_255 = arith.constant 0 : i32
    %dma_wait3A_256 = tpu.memref_slice %arg24[%mul3A_254, %dma_wait3A_255] : memref<10240x128xf32, #tpu.memory_space<vmem_shared>> -> memref<32x128xf32, #tpu.memory_space<vmem_shared>>
    %dma_wait3A_257 = arith.constant 0 : i32
    %dma_wait3A_258 = tpu.memref_slice %arg24[%mul3A_254, %dma_wait3A_257] : memref<10240x128xf32, #tpu.memory_space<vmem_shared>> -> memref<32x128xf32, #tpu.memory_space<vmem_shared>>
    tpu.wait_dma2 semaphore(%arg44 : memref<!tpu.dma_semaphore, #tpu.memory_space<semaphore_mem>>) src(%arg9 : memref<32x128xf32, #tpu.memory_space<vmem>>) dst(%dma_wait3A_258 : memref<32x128xf32, #tpu.memory_space<vmem_shared>>)
    %mul3A_259 = arith.constant 640 : i32
    %mul3A_260 = arith.muli %arg1, %mul3A_259 : i32
    %add3A_261 = arith.constant 608 : i32
    %add3A_262 = arith.addi %mul3A_260, %add3A_261 : i32
    %dma_start3A_263 = arith.constant 0 : i32
    %dma_start3A_264 = tpu.memref_slice %arg24[%add3A_262, %dma_start3A_263] : memref<10240x128xf32, #tpu.memory_space<vmem_shared>> -> memref<32x128xf32, #tpu.memory_space<vmem_shared>>
    %dma_start3A_265 = arith.constant 0 : i32
    %dma_start3A_266 = tpu.memref_slice %arg24[%add3A_262, %dma_start3A_265] : memref<10240x128xf32, #tpu.memory_space<vmem_shared>> -> memref<32x128xf32, #tpu.memory_space<vmem_shared>>
    tpu.enqueue_dma source(%arg9 : memref<32x128xf32, #tpu.memory_space<vmem>>) target(%dma_start3A_266 : memref<32x128xf32, #tpu.memory_space<vmem_shared>>) target_semaphore(%arg44 : memref<!tpu.dma_semaphore, #tpu.memory_space<semaphore_mem>>)
    %mul3A_267 = arith.constant 640 : i32
    %mul3A_268 = arith.muli %arg1, %mul3A_267 : i32
    %dma_wait3A_269 = arith.constant 0 : i32
    %dma_wait3A_270 = tpu.memref_slice %arg24[%mul3A_268, %dma_wait3A_269] : memref<10240x128xf32, #tpu.memory_space<vmem_shared>> -> memref<32x128xf32, #tpu.memory_space<vmem_shared>>
    %dma_wait3A_271 = arith.constant 0 : i32
    %dma_wait3A_272 = tpu.memref_slice %arg24[%mul3A_268, %dma_wait3A_271] : memref<10240x128xf32, #tpu.memory_space<vmem_shared>> -> memref<32x128xf32, #tpu.memory_space<vmem_shared>>
    tpu.wait_dma2 semaphore(%arg41 : memref<!tpu.dma_semaphore, #tpu.memory_space<semaphore_mem>>) src(%arg9 : memref<32x128xf32, #tpu.memory_space<vmem>>) dst(%dma_wait3A_272 : memref<32x128xf32, #tpu.memory_space<vmem_shared>>)
    %mul3A_273 = arith.constant 640 : i32
    %mul3A_274 = arith.muli %arg1, %mul3A_273 : i32
    %dma_wait3A_275 = arith.constant 0 : i32
    %dma_wait3A_276 = tpu.memref_slice %arg24[%mul3A_274, %dma_wait3A_275] : memref<10240x128xf32, #tpu.memory_space<vmem_shared>> -> memref<32x128xf32, #tpu.memory_space<vmem_shared>>
    %dma_wait3A_277 = arith.constant 0 : i32
    %dma_wait3A_278 = tpu.memref_slice %arg24[%mul3A_274, %dma_wait3A_277] : memref<10240x128xf32, #tpu.memory_space<vmem_shared>> -> memref<32x128xf32, #tpu.memory_space<vmem_shared>>
    tpu.wait_dma2 semaphore(%arg42 : memref<!tpu.dma_semaphore, #tpu.memory_space<semaphore_mem>>) src(%arg9 : memref<32x128xf32, #tpu.memory_space<vmem>>) dst(%dma_wait3A_278 : memref<32x128xf32, #tpu.memory_space<vmem_shared>>)
    %mul3A_279 = arith.constant 640 : i32
    %mul3A_280 = arith.muli %arg1, %mul3A_279 : i32
    %dma_wait3A_281 = arith.constant 0 : i32
    %dma_wait3A_282 = tpu.memref_slice %arg24[%mul3A_280, %dma_wait3A_281] : memref<10240x128xf32, #tpu.memory_space<vmem_shared>> -> memref<32x128xf32, #tpu.memory_space<vmem_shared>>
    %dma_wait3A_283 = arith.constant 0 : i32
    %dma_wait3A_284 = tpu.memref_slice %arg24[%mul3A_280, %dma_wait3A_283] : memref<10240x128xf32, #tpu.memory_space<vmem_shared>> -> memref<32x128xf32, #tpu.memory_space<vmem_shared>>
    tpu.wait_dma2 semaphore(%arg43 : memref<!tpu.dma_semaphore, #tpu.memory_space<semaphore_mem>>) src(%arg9 : memref<32x128xf32, #tpu.memory_space<vmem>>) dst(%dma_wait3A_284 : memref<32x128xf32, #tpu.memory_space<vmem_shared>>)
    %mul3A_285 = arith.constant 640 : i32
    %mul3A_286 = arith.muli %arg1, %mul3A_285 : i32
    %dma_wait3A_287 = arith.constant 0 : i32
    %dma_wait3A_288 = tpu.memref_slice %arg24[%mul3A_286, %dma_wait3A_287] : memref<10240x128xf32, #tpu.memory_space<vmem_shared>> -> memref<32x128xf32, #tpu.memory_space<vmem_shared>>
    %dma_wait3A_289 = arith.constant 0 : i32
    %dma_wait3A_290 = tpu.memref_slice %arg24[%mul3A_286, %dma_wait3A_289] : memref<10240x128xf32, #tpu.memory_space<vmem_shared>> -> memref<32x128xf32, #tpu.memory_space<vmem_shared>>
    tpu.wait_dma2 semaphore(%arg44 : memref<!tpu.dma_semaphore, #tpu.memory_space<semaphore_mem>>) src(%arg9 : memref<32x128xf32, #tpu.memory_space<vmem>>) dst(%dma_wait3A_290 : memref<32x128xf32, #tpu.memory_space<vmem_shared>>)
    %mul3A_291 = arith.constant 640 : i32
    %mul3A_292 = arith.muli %arg1, %mul3A_291 : i32
    %dma_wait3A_293 = arith.constant 0 : i32
    %dma_wait3A_294 = tpu.memref_slice %arg24[%mul3A_292, %dma_wait3A_293] : memref<10240x128xf32, #tpu.memory_space<vmem_shared>> -> memref<32x128xf32, #tpu.memory_space<vmem_shared>>
    %dma_wait3A_295 = arith.constant 0 : i32
    %dma_wait3A_296 = tpu.memref_slice %arg24[%mul3A_292, %dma_wait3A_295] : memref<10240x128xf32, #tpu.memory_space<vmem_shared>> -> memref<32x128xf32, #tpu.memory_space<vmem_shared>>
    tpu.wait_dma2 semaphore(%arg45 : memref<!tpu.dma_semaphore, #tpu.memory_space<semaphore_mem>>) src(%arg9 : memref<32x128xf32, #tpu.memory_space<vmem>>) dst(%dma_wait3A_296 : memref<32x128xf32, #tpu.memory_space<vmem_shared>>)
    %mul3A_297 = arith.constant 640 : i32
    %mul3A_298 = arith.muli %arg1, %mul3A_297 : i32
    %dma_wait3A_299 = arith.constant 0 : i32
    %dma_wait3A_300 = tpu.memref_slice %arg24[%mul3A_298, %dma_wait3A_299] : memref<10240x128xf32, #tpu.memory_space<vmem_shared>> -> memref<32x128xf32, #tpu.memory_space<vmem_shared>>
    %dma_wait3A_301 = arith.constant 0 : i32
    %dma_wait3A_302 = tpu.memref_slice %arg24[%mul3A_298, %dma_wait3A_301] : memref<10240x128xf32, #tpu.memory_space<vmem_shared>> -> memref<32x128xf32, #tpu.memory_space<vmem_shared>>
    tpu.wait_dma2 semaphore(%arg46 : memref<!tpu.dma_semaphore, #tpu.memory_space<semaphore_mem>>) src(%arg9 : memref<32x128xf32, #tpu.memory_space<vmem>>) dst(%dma_wait3A_302 : memref<32x128xf32, #tpu.memory_space<vmem_shared>>)
    %mul3A_303 = arith.constant 640 : i32
    %mul3A_304 = arith.muli %arg1, %mul3A_303 : i32
    %dma_wait3A_305 = arith.constant 0 : i32
    %dma_wait3A_306 = tpu.memref_slice %arg24[%mul3A_304, %dma_wait3A_305] : memref<10240x128xf32, #tpu.memory_space<vmem_shared>> -> memref<32x128xf32, #tpu.memory_space<vmem_shared>>
    %dma_wait3A_307 = arith.constant 0 : i32
    %dma_wait3A_308 = tpu.memref_slice %arg24[%mul3A_304, %dma_wait3A_307] : memref<10240x128xf32, #tpu.memory_space<vmem_shared>> -> memref<32x128xf32, #tpu.memory_space<vmem_shared>>
    tpu.wait_dma2 semaphore(%arg47 : memref<!tpu.dma_semaphore, #tpu.memory_space<semaphore_mem>>) src(%arg9 : memref<32x128xf32, #tpu.memory_space<vmem>>) dst(%dma_wait3A_308 : memref<32x128xf32, #tpu.memory_space<vmem_shared>>)
    %mul3A_309 = arith.constant 640 : i32
    %mul3A_310 = arith.muli %arg1, %mul3A_309 : i32
    %dma_wait3A_311 = arith.constant 0 : i32
    %dma_wait3A_312 = tpu.memref_slice %arg24[%mul3A_310, %dma_wait3A_311] : memref<10240x128xf32, #tpu.memory_space<vmem_shared>> -> memref<32x128xf32, #tpu.memory_space<vmem_shared>>
    %dma_wait3A_313 = arith.constant 0 : i32
    %dma_wait3A_314 = tpu.memref_slice %arg24[%mul3A_310, %dma_wait3A_313] : memref<10240x128xf32, #tpu.memory_space<vmem_shared>> -> memref<32x128xf32, #tpu.memory_space<vmem_shared>>
    tpu.wait_dma2 semaphore(%arg48 : memref<!tpu.dma_semaphore, #tpu.memory_space<semaphore_mem>>) src(%arg9 : memref<32x128xf32, #tpu.memory_space<vmem>>) dst(%dma_wait3A_314 : memref<32x128xf32, #tpu.memory_space<vmem_shared>>)
    %barrier3A = arith.constant 0 : index
    tpu.barrier barrier_id(%barrier3A)
    %dma_wait3A_315 = tpu.memref_slice %arg3[%mul3A_2] : memref<327680xi32, #tpu.memory_space<hbm>> -> memref<10240xi32, #tpu.memory_space<hbm>>
    %dma_wait3A_316 = tpu.memref_slice %arg3[%mul3A_2] : memref<327680xi32, #tpu.memory_space<hbm>> -> memref<10240xi32, #tpu.memory_space<hbm>>
    tpu.wait_dma2 semaphore(%arg49 : memref<!tpu.dma_semaphore, #tpu.memory_space<semaphore_mem>>) src(%dma_wait3A_316 : memref<10240xi32, #tpu.memory_space<hbm>>) dst(%arg7 : memref<10240xi32, #tpu.memory_space<vmem>>)
    %dma_start3A_317 = arith.constant 0 : i32
    %dma_start3A_318 = tpu.memref_slice %arg7[%dma_start3A_317] : memref<10240xi32, #tpu.memory_space<vmem>> -> memref<32xi32, #tpu.memory_space<vmem>>
    %dma_start3A_319 = arith.constant 0 : i32
    %dma_start3A_320 = arith.constant 0 : i32
    %dma_start3A_321 = tpu.memref_slice %arg2[%dma_start3A_319, %dma_start3A_320] : memref<10000x128xf32, #tpu.memory_space<hbm>> -> memref<10000x128xf32, #tpu.memory_space<hbm>>
    tpu.enqueue_indirect_dma source(%dma_start3A_321 : memref<10000x128xf32, #tpu.memory_space<hbm>>) target(%arg9 : memref<32x128xf32, #tpu.memory_space<vmem>>) offsets(%dma_start3A_318 : memref<32xi32, #tpu.memory_space<vmem>>) semaphore(%arg33 : memref<!tpu.dma_semaphore, #tpu.memory_space<semaphore_mem>>)
    %dma_start3A_322 = arith.constant 32 : i32
    %dma_start3A_323 = tpu.memref_slice %arg7[%dma_start3A_322] : memref<10240xi32, #tpu.memory_space<vmem>> -> memref<32xi32, #tpu.memory_space<vmem>>
    %dma_start3A_324 = arith.constant 0 : i32
    %dma_start3A_325 = arith.constant 0 : i32
    %dma_start3A_326 = tpu.memref_slice %arg2[%dma_start3A_324, %dma_start3A_325] : memref<10000x128xf32, #tpu.memory_space<hbm>> -> memref<10000x128xf32, #tpu.memory_space<hbm>>
    tpu.enqueue_indirect_dma source(%dma_start3A_326 : memref<10000x128xf32, #tpu.memory_space<hbm>>) target(%arg11 : memref<32x128xf32, #tpu.memory_space<vmem>>) offsets(%dma_start3A_323 : memref<32xi32, #tpu.memory_space<vmem>>) semaphore(%arg34 : memref<!tpu.dma_semaphore, #tpu.memory_space<semaphore_mem>>)
    %dma_start3A_327 = arith.constant 64 : i32
    %dma_start3A_328 = tpu.memref_slice %arg7[%dma_start3A_327] : memref<10240xi32, #tpu.memory_space<vmem>> -> memref<32xi32, #tpu.memory_space<vmem>>
    %dma_start3A_329 = arith.constant 0 : i32
    %dma_start3A_330 = arith.constant 0 : i32
    %dma_start3A_331 = tpu.memref_slice %arg2[%dma_start3A_329, %dma_start3A_330] : memref<10000x128xf32, #tpu.memory_space<hbm>> -> memref<10000x128xf32, #tpu.memory_space<hbm>>
    tpu.enqueue_indirect_dma source(%dma_start3A_331 : memref<10000x128xf32, #tpu.memory_space<hbm>>) target(%arg13 : memref<32x128xf32, #tpu.memory_space<vmem>>) offsets(%dma_start3A_328 : memref<32xi32, #tpu.memory_space<vmem>>) semaphore(%arg35 : memref<!tpu.dma_semaphore, #tpu.memory_space<semaphore_mem>>)
    %dma_start3A_332 = arith.constant 96 : i32
    %dma_start3A_333 = tpu.memref_slice %arg7[%dma_start3A_332] : memref<10240xi32, #tpu.memory_space<vmem>> -> memref<32xi32, #tpu.memory_space<vmem>>
    %dma_start3A_334 = arith.constant 0 : i32
    %dma_start3A_335 = arith.constant 0 : i32
    %dma_start3A_336 = tpu.memref_slice %arg2[%dma_start3A_334, %dma_start3A_335] : memref<10000x128xf32, #tpu.memory_space<hbm>> -> memref<10000x128xf32, #tpu.memory_space<hbm>>
    tpu.enqueue_indirect_dma source(%dma_start3A_336 : memref<10000x128xf32, #tpu.memory_space<hbm>>) target(%arg15 : memref<32x128xf32, #tpu.memory_space<vmem>>) offsets(%dma_start3A_333 : memref<32xi32, #tpu.memory_space<vmem>>) semaphore(%arg36 : memref<!tpu.dma_semaphore, #tpu.memory_space<semaphore_mem>>)
    %dma_start3A_337 = arith.constant 128 : i32
    %dma_start3A_338 = tpu.memref_slice %arg7[%dma_start3A_337] : memref<10240xi32, #tpu.memory_space<vmem>> -> memref<32xi32, #tpu.memory_space<vmem>>
    %dma_start3A_339 = arith.constant 0 : i32
    %dma_start3A_340 = arith.constant 0 : i32
    %dma_start3A_341 = tpu.memref_slice %arg2[%dma_start3A_339, %dma_start3A_340] : memref<10000x128xf32, #tpu.memory_space<hbm>> -> memref<10000x128xf32, #tpu.memory_space<hbm>>
    tpu.enqueue_indirect_dma source(%dma_start3A_341 : memref<10000x128xf32, #tpu.memory_space<hbm>>) target(%arg17 : memref<32x128xf32, #tpu.memory_space<vmem>>) offsets(%dma_start3A_338 : memref<32xi32, #tpu.memory_space<vmem>>) semaphore(%arg37 : memref<!tpu.dma_semaphore, #tpu.memory_space<semaphore_mem>>)
    %dma_start3A_342 = arith.constant 160 : i32
    %dma_start3A_343 = tpu.memref_slice %arg7[%dma_start3A_342] : memref<10240xi32, #tpu.memory_space<vmem>> -> memref<32xi32, #tpu.memory_space<vmem>>
    %dma_start3A_344 = arith.constant 0 : i32
    %dma_start3A_345 = arith.constant 0 : i32
    %dma_start3A_346 = tpu.memref_slice %arg2[%dma_start3A_344, %dma_start3A_345] : memref<10000x128xf32, #tpu.memory_space<hbm>> -> memref<10000x128xf32, #tpu.memory_space<hbm>>
    tpu.enqueue_indirect_dma source(%dma_start3A_346 : memref<10000x128xf32, #tpu.memory_space<hbm>>) target(%arg19 : memref<32x128xf32, #tpu.memory_space<vmem>>) offsets(%dma_start3A_343 : memref<32xi32, #tpu.memory_space<vmem>>) semaphore(%arg38 : memref<!tpu.dma_semaphore, #tpu.memory_space<semaphore_mem>>)
    %dma_start3A_347 = arith.constant 192 : i32
    %dma_start3A_348 = tpu.memref_slice %arg7[%dma_start3A_347] : memref<10240xi32, #tpu.memory_space<vmem>> -> memref<32xi32, #tpu.memory_space<vmem>>
    %dma_start3A_349 = arith.constant 0 : i32
    %dma_start3A_350 = arith.constant 0 : i32
    %dma_start3A_351 = tpu.memref_slice %arg2[%dma_start3A_349, %dma_start3A_350] : memref<10000x128xf32, #tpu.memory_space<hbm>> -> memref<10000x128xf32, #tpu.memory_space<hbm>>
    tpu.enqueue_indirect_dma source(%dma_start3A_351 : memref<10000x128xf32, #tpu.memory_space<hbm>>) target(%arg21 : memref<32x128xf32, #tpu.memory_space<vmem>>) offsets(%dma_start3A_348 : memref<32xi32, #tpu.memory_space<vmem>>) semaphore(%arg39 : memref<!tpu.dma_semaphore, #tpu.memory_space<semaphore_mem>>)
    %dma_start3A_352 = arith.constant 224 : i32
    %dma_start3A_353 = tpu.memref_slice %arg7[%dma_start3A_352] : memref<10240xi32, #tpu.memory_space<vmem>> -> memref<32xi32, #tpu.memory_space<vmem>>
    %dma_start3A_354 = arith.constant 0 : i32
    %dma_start3A_355 = arith.constant 0 : i32
    %dma_start3A_356 = tpu.memref_slice %arg2[%dma_start3A_354, %dma_start3A_355] : memref<10000x128xf32, #tpu.memory_space<hbm>> -> memref<10000x128xf32, #tpu.memory_space<hbm>>
    tpu.enqueue_indirect_dma source(%dma_start3A_356 : memref<10000x128xf32, #tpu.memory_space<hbm>>) target(%arg23 : memref<32x128xf32, #tpu.memory_space<vmem>>) offsets(%dma_start3A_353 : memref<32xi32, #tpu.memory_space<vmem>>) semaphore(%arg40 : memref<!tpu.dma_semaphore, #tpu.memory_space<semaphore_mem>>)
    %scan3A = arith.constant 0 : i32
    %scan3A_357 = arith.constant 39 : i32
    %scan3A_358 = arith.addi %scan3A, %scan3A_357 : i32
    %scan3A_359 = arith.constant 1 : i32
    scf.for %scan3A_470 = %scan3A to %scan3A_358 step %scan3A_359  : i32 {
      %mul3A_471 = arith.constant 1 : i32
      %mul3A_472 = arith.muli %scan3A_470, %mul3A_471 : i32
      %add3A_473 = arith.constant 0 : i32
      %add3A_474 = arith.addi %add3A_473, %mul3A_472 : i32
      %mul3A_475 = arith.constant 8 : i32
      %mul3A_476 = arith.muli %add3A_474, %mul3A_475 : i32
      %dma_wait3A_477 = arith.constant 0 : i32
      %dma_wait3A_478 = tpu.memref_slice %arg7[%dma_wait3A_477] : memref<10240xi32, #tpu.memory_space<vmem>> -> memref<32xi32, #tpu.memory_space<vmem>>
      %dma_wait3A_479 = arith.constant 0 : i32
      %dma_wait3A_480 = arith.constant 0 : i32
      %dma_wait3A_481 = tpu.memref_slice %arg2[%dma_wait3A_479, %dma_wait3A_480] : memref<10000x128xf32, #tpu.memory_space<hbm>> -> memref<10000x128xf32, #tpu.memory_space<hbm>>
      tpu.wait_indirect_dma semaphore(%arg33 : memref<!tpu.dma_semaphore, #tpu.memory_space<semaphore_mem>>) src(%dma_wait3A_481 : memref<10000x128xf32, #tpu.memory_space<hbm>>) dst(%arg9 : memref<32x128xf32, #tpu.memory_space<vmem>>)
      %dma_wait3A_482 = tpu.memref_slice %arg4[%mul3A_2] : memref<327680xi32, #tpu.memory_space<hbm>> -> memref<32xi32, #tpu.memory_space<hbm>>
      %dma_wait3A_483 = tpu.memref_slice %arg4[%mul3A_2] : memref<327680xi32, #tpu.memory_space<hbm>> -> memref<32xi32, #tpu.memory_space<hbm>>
      tpu.wait_dma2 semaphore(%arg25 : memref<!tpu.dma_semaphore, #tpu.memory_space<semaphore_mem>>) src(%dma_wait3A_483 : memref<32xi32, #tpu.memory_space<hbm>>) dst(%arg8 : memref<32xi32, #tpu.memory_space<vmem>>)
      %dma_start3A_484 = arith.constant 0 : i32
      %dma_start3A_485 = arith.constant 0 : i32
      %dma_start3A_486 = tpu.memref_slice %arg24[%dma_start3A_484, %dma_start3A_485] : memref<10240x128xf32, #tpu.memory_space<vmem_shared>> -> memref<10240x128xf32, #tpu.memory_space<vmem_shared>>
      tpu.enqueue_indirect_dma source(%arg9 : memref<32x128xf32, #tpu.memory_space<vmem>>) target(%dma_start3A_486 : memref<10240x128xf32, #tpu.memory_space<vmem_shared>>) offsets(%arg8 : memref<32xi32, #tpu.memory_space<vmem>>) semaphore(%arg41 : memref<!tpu.dma_semaphore, #tpu.memory_space<semaphore_mem>>) {add = true}
      %dma_wait3A_487 = arith.constant 32 : i32
      %dma_wait3A_488 = tpu.memref_slice %arg7[%dma_wait3A_487] : memref<10240xi32, #tpu.memory_space<vmem>> -> memref<32xi32, #tpu.memory_space<vmem>>
      %dma_wait3A_489 = arith.constant 0 : i32
      %dma_wait3A_490 = arith.constant 0 : i32
      %dma_wait3A_491 = tpu.memref_slice %arg2[%dma_wait3A_489, %dma_wait3A_490] : memref<10000x128xf32, #tpu.memory_space<hbm>> -> memref<10000x128xf32, #tpu.memory_space<hbm>>
      tpu.wait_indirect_dma semaphore(%arg34 : memref<!tpu.dma_semaphore, #tpu.memory_space<semaphore_mem>>) src(%dma_wait3A_491 : memref<10000x128xf32, #tpu.memory_space<hbm>>) dst(%arg11 : memref<32x128xf32, #tpu.memory_space<vmem>>)
      %dma_wait3A_492 = tpu.memref_slice %arg4[%mul3A_2] : memref<327680xi32, #tpu.memory_space<hbm>> -> memref<32xi32, #tpu.memory_space<hbm>>
      %dma_wait3A_493 = tpu.memref_slice %arg4[%mul3A_2] : memref<327680xi32, #tpu.memory_space<hbm>> -> memref<32xi32, #tpu.memory_space<hbm>>
      tpu.wait_dma2 semaphore(%arg26 : memref<!tpu.dma_semaphore, #tpu.memory_space<semaphore_mem>>) src(%dma_wait3A_493 : memref<32xi32, #tpu.memory_space<hbm>>) dst(%arg10 : memref<32xi32, #tpu.memory_space<vmem>>)
      %dma_start3A_494 = arith.constant 0 : i32
      %dma_start3A_495 = arith.constant 0 : i32
      %dma_start3A_496 = tpu.memref_slice %arg24[%dma_start3A_494, %dma_start3A_495] : memref<10240x128xf32, #tpu.memory_space<vmem_shared>> -> memref<10240x128xf32, #tpu.memory_space<vmem_shared>>
      tpu.enqueue_indirect_dma source(%arg11 : memref<32x128xf32, #tpu.memory_space<vmem>>) target(%dma_start3A_496 : memref<10240x128xf32, #tpu.memory_space<vmem_shared>>) offsets(%arg10 : memref<32xi32, #tpu.memory_space<vmem>>) semaphore(%arg42 : memref<!tpu.dma_semaphore, #tpu.memory_space<semaphore_mem>>) {add = true}
      %dma_wait3A_497 = arith.constant 64 : i32
      %dma_wait3A_498 = tpu.memref_slice %arg7[%dma_wait3A_497] : memref<10240xi32, #tpu.memory_space<vmem>> -> memref<32xi32, #tpu.memory_space<vmem>>
      %dma_wait3A_499 = arith.constant 0 : i32
      %dma_wait3A_500 = arith.constant 0 : i32
      %dma_wait3A_501 = tpu.memref_slice %arg2[%dma_wait3A_499, %dma_wait3A_500] : memref<10000x128xf32, #tpu.memory_space<hbm>> -> memref<10000x128xf32, #tpu.memory_space<hbm>>
      tpu.wait_indirect_dma semaphore(%arg35 : memref<!tpu.dma_semaphore, #tpu.memory_space<semaphore_mem>>) src(%dma_wait3A_501 : memref<10000x128xf32, #tpu.memory_space<hbm>>) dst(%arg13 : memref<32x128xf32, #tpu.memory_space<vmem>>)
      %dma_wait3A_502 = tpu.memref_slice %arg4[%mul3A_2] : memref<327680xi32, #tpu.memory_space<hbm>> -> memref<32xi32, #tpu.memory_space<hbm>>
      %dma_wait3A_503 = tpu.memref_slice %arg4[%mul3A_2] : memref<327680xi32, #tpu.memory_space<hbm>> -> memref<32xi32, #tpu.memory_space<hbm>>
      tpu.wait_dma2 semaphore(%arg27 : memref<!tpu.dma_semaphore, #tpu.memory_space<semaphore_mem>>) src(%dma_wait3A_503 : memref<32xi32, #tpu.memory_space<hbm>>) dst(%arg12 : memref<32xi32, #tpu.memory_space<vmem>>)
      %dma_start3A_504 = arith.constant 0 : i32
      %dma_start3A_505 = arith.constant 0 : i32
      %dma_start3A_506 = tpu.memref_slice %arg24[%dma_start3A_504, %dma_start3A_505] : memref<10240x128xf32, #tpu.memory_space<vmem_shared>> -> memref<10240x128xf32, #tpu.memory_space<vmem_shared>>
      tpu.enqueue_indirect_dma source(%arg13 : memref<32x128xf32, #tpu.memory_space<vmem>>) target(%dma_start3A_506 : memref<10240x128xf32, #tpu.memory_space<vmem_shared>>) offsets(%arg12 : memref<32xi32, #tpu.memory_space<vmem>>) semaphore(%arg43 : memref<!tpu.dma_semaphore, #tpu.memory_space<semaphore_mem>>) {add = true}
      %dma_wait3A_507 = arith.constant 96 : i32
      %dma_wait3A_508 = tpu.memref_slice %arg7[%dma_wait3A_507] : memref<10240xi32, #tpu.memory_space<vmem>> -> memref<32xi32, #tpu.memory_space<vmem>>
      %dma_wait3A_509 = arith.constant 0 : i32
      %dma_wait3A_510 = arith.constant 0 : i32
      %dma_wait3A_511 = tpu.memref_slice %arg2[%dma_wait3A_509, %dma_wait3A_510] : memref<10000x128xf32, #tpu.memory_space<hbm>> -> memref<10000x128xf32, #tpu.memory_space<hbm>>
      tpu.wait_indirect_dma semaphore(%arg36 : memref<!tpu.dma_semaphore, #tpu.memory_space<semaphore_mem>>) src(%dma_wait3A_511 : memref<10000x128xf32, #tpu.memory_space<hbm>>) dst(%arg15 : memref<32x128xf32, #tpu.memory_space<vmem>>)
      %dma_wait3A_512 = tpu.memref_slice %arg4[%mul3A_2] : memref<327680xi32, #tpu.memory_space<hbm>> -> memref<32xi32, #tpu.memory_space<hbm>>
      %dma_wait3A_513 = tpu.memref_slice %arg4[%mul3A_2] : memref<327680xi32, #tpu.memory_space<hbm>> -> memref<32xi32, #tpu.memory_space<hbm>>
      tpu.wait_dma2 semaphore(%arg28 : memref<!tpu.dma_semaphore, #tpu.memory_space<semaphore_mem>>) src(%dma_wait3A_513 : memref<32xi32, #tpu.memory_space<hbm>>) dst(%arg14 : memref<32xi32, #tpu.memory_space<vmem>>)
      %dma_start3A_514 = arith.constant 0 : i32
      %dma_start3A_515 = arith.constant 0 : i32
      %dma_start3A_516 = tpu.memref_slice %arg24[%dma_start3A_514, %dma_start3A_515] : memref<10240x128xf32, #tpu.memory_space<vmem_shared>> -> memref<10240x128xf32, #tpu.memory_space<vmem_shared>>
      tpu.enqueue_indirect_dma source(%arg15 : memref<32x128xf32, #tpu.memory_space<vmem>>) target(%dma_start3A_516 : memref<10240x128xf32, #tpu.memory_space<vmem_shared>>) offsets(%arg14 : memref<32xi32, #tpu.memory_space<vmem>>) semaphore(%arg44 : memref<!tpu.dma_semaphore, #tpu.memory_space<semaphore_mem>>) {add = true}
      %dma_wait3A_517 = arith.constant 128 : i32
      %dma_wait3A_518 = tpu.memref_slice %arg7[%dma_wait3A_517] : memref<10240xi32, #tpu.memory_space<vmem>> -> memref<32xi32, #tpu.memory_space<vmem>>
      %dma_wait3A_519 = arith.constant 0 : i32
      %dma_wait3A_520 = arith.constant 0 : i32
      %dma_wait3A_521 = tpu.memref_slice %arg2[%dma_wait3A_519, %dma_wait3A_520] : memref<10000x128xf32, #tpu.memory_space<hbm>> -> memref<10000x128xf32, #tpu.memory_space<hbm>>
      tpu.wait_indirect_dma semaphore(%arg37 : memref<!tpu.dma_semaphore, #tpu.memory_space<semaphore_mem>>) src(%dma_wait3A_521 : memref<10000x128xf32, #tpu.memory_space<hbm>>) dst(%arg17 : memref<32x128xf32, #tpu.memory_space<vmem>>)
      %dma_wait3A_522 = tpu.memref_slice %arg4[%mul3A_2] : memref<327680xi32, #tpu.memory_space<hbm>> -> memref<32xi32, #tpu.memory_space<hbm>>
      %dma_wait3A_523 = tpu.memref_slice %arg4[%mul3A_2] : memref<327680xi32, #tpu.memory_space<hbm>> -> memref<32xi32, #tpu.memory_space<hbm>>
      tpu.wait_dma2 semaphore(%arg29 : memref<!tpu.dma_semaphore, #tpu.memory_space<semaphore_mem>>) src(%dma_wait3A_523 : memref<32xi32, #tpu.memory_space<hbm>>) dst(%arg16 : memref<32xi32, #tpu.memory_space<vmem>>)
      %dma_start3A_524 = arith.constant 0 : i32
      %dma_start3A_525 = arith.constant 0 : i32
      %dma_start3A_526 = tpu.memref_slice %arg24[%dma_start3A_524, %dma_start3A_525] : memref<10240x128xf32, #tpu.memory_space<vmem_shared>> -> memref<10240x128xf32, #tpu.memory_space<vmem_shared>>
      tpu.enqueue_indirect_dma source(%arg17 : memref<32x128xf32, #tpu.memory_space<vmem>>) target(%dma_start3A_526 : memref<10240x128xf32, #tpu.memory_space<vmem_shared>>) offsets(%arg16 : memref<32xi32, #tpu.memory_space<vmem>>) semaphore(%arg45 : memref<!tpu.dma_semaphore, #tpu.memory_space<semaphore_mem>>) {add = true}
      %dma_wait3A_527 = arith.constant 160 : i32
      %dma_wait3A_528 = tpu.memref_slice %arg7[%dma_wait3A_527] : memref<10240xi32, #tpu.memory_space<vmem>> -> memref<32xi32, #tpu.memory_space<vmem>>
      %dma_wait3A_529 = arith.constant 0 : i32
      %dma_wait3A_530 = arith.constant 0 : i32
      %dma_wait3A_531 = tpu.memref_slice %arg2[%dma_wait3A_529, %dma_wait3A_530] : memref<10000x128xf32, #tpu.memory_space<hbm>> -> memref<10000x128xf32, #tpu.memory_space<hbm>>
      tpu.wait_indirect_dma semaphore(%arg38 : memref<!tpu.dma_semaphore, #tpu.memory_space<semaphore_mem>>) src(%dma_wait3A_531 : memref<10000x128xf32, #tpu.memory_space<hbm>>) dst(%arg19 : memref<32x128xf32, #tpu.memory_space<vmem>>)
      %dma_wait3A_532 = tpu.memref_slice %arg4[%mul3A_2] : memref<327680xi32, #tpu.memory_space<hbm>> -> memref<32xi32, #tpu.memory_space<hbm>>
      %dma_wait3A_533 = tpu.memref_slice %arg4[%mul3A_2] : memref<327680xi32, #tpu.memory_space<hbm>> -> memref<32xi32, #tpu.memory_space<hbm>>
      tpu.wait_dma2 semaphore(%arg30 : memref<!tpu.dma_semaphore, #tpu.memory_space<semaphore_mem>>) src(%dma_wait3A_533 : memref<32xi32, #tpu.memory_space<hbm>>) dst(%arg18 : memref<32xi32, #tpu.memory_space<vmem>>)
      %dma_start3A_534 = arith.constant 0 : i32
      %dma_start3A_535 = arith.constant 0 : i32
      %dma_start3A_536 = tpu.memref_slice %arg24[%dma_start3A_534, %dma_start3A_535] : memref<10240x128xf32, #tpu.memory_space<vmem_shared>> -> memref<10240x128xf32, #tpu.memory_space<vmem_shared>>
      tpu.enqueue_indirect_dma source(%arg19 : memref<32x128xf32, #tpu.memory_space<vmem>>) target(%dma_start3A_536 : memref<10240x128xf32, #tpu.memory_space<vmem_shared>>) offsets(%arg18 : memref<32xi32, #tpu.memory_space<vmem>>) semaphore(%arg46 : memref<!tpu.dma_semaphore, #tpu.memory_space<semaphore_mem>>) {add = true}
      %dma_wait3A_537 = arith.constant 192 : i32
      %dma_wait3A_538 = tpu.memref_slice %arg7[%dma_wait3A_537] : memref<10240xi32, #tpu.memory_space<vmem>> -> memref<32xi32, #tpu.memory_space<vmem>>
      %dma_wait3A_539 = arith.constant 0 : i32
      %dma_wait3A_540 = arith.constant 0 : i32
      %dma_wait3A_541 = tpu.memref_slice %arg2[%dma_wait3A_539, %dma_wait3A_540] : memref<10000x128xf32, #tpu.memory_space<hbm>> -> memref<10000x128xf32, #tpu.memory_space<hbm>>
      tpu.wait_indirect_dma semaphore(%arg39 : memref<!tpu.dma_semaphore, #tpu.memory_space<semaphore_mem>>) src(%dma_wait3A_541 : memref<10000x128xf32, #tpu.memory_space<hbm>>) dst(%arg21 : memref<32x128xf32, #tpu.memory_space<vmem>>)
      %dma_wait3A_542 = tpu.memref_slice %arg4[%mul3A_2] : memref<327680xi32, #tpu.memory_space<hbm>> -> memref<32xi32, #tpu.memory_space<hbm>>
      %dma_wait3A_543 = tpu.memref_slice %arg4[%mul3A_2] : memref<327680xi32, #tpu.memory_space<hbm>> -> memref<32xi32, #tpu.memory_space<hbm>>
      tpu.wait_dma2 semaphore(%arg31 : memref<!tpu.dma_semaphore, #tpu.memory_space<semaphore_mem>>) src(%dma_wait3A_543 : memref<32xi32, #tpu.memory_space<hbm>>) dst(%arg20 : memref<32xi32, #tpu.memory_space<vmem>>)
      %dma_start3A_544 = arith.constant 0 : i32
      %dma_start3A_545 = arith.constant 0 : i32
      %dma_start3A_546 = tpu.memref_slice %arg24[%dma_start3A_544, %dma_start3A_545] : memref<10240x128xf32, #tpu.memory_space<vmem_shared>> -> memref<10240x128xf32, #tpu.memory_space<vmem_shared>>
      tpu.enqueue_indirect_dma source(%arg21 : memref<32x128xf32, #tpu.memory_space<vmem>>) target(%dma_start3A_546 : memref<10240x128xf32, #tpu.memory_space<vmem_shared>>) offsets(%arg20 : memref<32xi32, #tpu.memory_space<vmem>>) semaphore(%arg47 : memref<!tpu.dma_semaphore, #tpu.memory_space<semaphore_mem>>) {add = true}
      %dma_wait3A_547 = arith.constant 224 : i32
      %dma_wait3A_548 = tpu.memref_slice %arg7[%dma_wait3A_547] : memref<10240xi32, #tpu.memory_space<vmem>> -> memref<32xi32, #tpu.memory_space<vmem>>
      %dma_wait3A_549 = arith.constant 0 : i32
      %dma_wait3A_550 = arith.constant 0 : i32
      %dma_wait3A_551 = tpu.memref_slice %arg2[%dma_wait3A_549, %dma_wait3A_550] : memref<10000x128xf32, #tpu.memory_space<hbm>> -> memref<10000x128xf32, #tpu.memory_space<hbm>>
      tpu.wait_indirect_dma semaphore(%arg40 : memref<!tpu.dma_semaphore, #tpu.memory_space<semaphore_mem>>) src(%dma_wait3A_551 : memref<10000x128xf32, #tpu.memory_space<hbm>>) dst(%arg23 : memref<32x128xf32, #tpu.memory_space<vmem>>)
      %dma_wait3A_552 = tpu.memref_slice %arg4[%mul3A_2] : memref<327680xi32, #tpu.memory_space<hbm>> -> memref<32xi32, #tpu.memory_space<hbm>>
      %dma_wait3A_553 = tpu.memref_slice %arg4[%mul3A_2] : memref<327680xi32, #tpu.memory_space<hbm>> -> memref<32xi32, #tpu.memory_space<hbm>>
      tpu.wait_dma2 semaphore(%arg32 : memref<!tpu.dma_semaphore, #tpu.memory_space<semaphore_mem>>) src(%dma_wait3A_553 : memref<32xi32, #tpu.memory_space<hbm>>) dst(%arg22 : memref<32xi32, #tpu.memory_space<vmem>>)
      %dma_start3A_554 = arith.constant 0 : i32
      %dma_start3A_555 = arith.constant 0 : i32
      %dma_start3A_556 = tpu.memref_slice %arg24[%dma_start3A_554, %dma_start3A_555] : memref<10240x128xf32, #tpu.memory_space<vmem_shared>> -> memref<10240x128xf32, #tpu.memory_space<vmem_shared>>
      tpu.enqueue_indirect_dma source(%arg23 : memref<32x128xf32, #tpu.memory_space<vmem>>) target(%dma_start3A_556 : memref<10240x128xf32, #tpu.memory_space<vmem_shared>>) offsets(%arg22 : memref<32xi32, #tpu.memory_space<vmem>>) semaphore(%arg48 : memref<!tpu.dma_semaphore, #tpu.memory_space<semaphore_mem>>) {add = true}
      %dma_wait3A_557 = arith.constant 0 : i32
      %dma_wait3A_558 = arith.constant 0 : i32
      %dma_wait3A_559 = tpu.memref_slice %arg24[%dma_wait3A_557, %dma_wait3A_558] : memref<10240x128xf32, #tpu.memory_space<vmem_shared>> -> memref<10240x128xf32, #tpu.memory_space<vmem_shared>>
      tpu.wait_indirect_dma semaphore(%arg41 : memref<!tpu.dma_semaphore, #tpu.memory_space<semaphore_mem>>) src(%arg9 : memref<32x128xf32, #tpu.memory_space<vmem>>) dst(%dma_wait3A_559 : memref<10240x128xf32, #tpu.memory_space<vmem_shared>>)
      %add3A_560 = arith.constant 8 : i32
      %add3A_561 = arith.addi %mul3A_476, %add3A_560 : i32
      %add3A_562 = arith.constant 0 : i32
      %add3A_563 = arith.addi %add3A_561, %add3A_562 : i32
      %mul3A_564 = arith.constant 32 : i32
      %mul3A_565 = arith.muli %add3A_563, %mul3A_564 : i32
      %add3A_566 = arith.addi %mul3A_2, %mul3A_565 : i32
      %dma_start3A_567 = tpu.memref_slice %arg4[%add3A_566] : memref<327680xi32, #tpu.memory_space<hbm>> -> memref<32xi32, #tpu.memory_space<hbm>>
      %dma_start3A_568 = tpu.memref_slice %arg4[%add3A_566] : memref<327680xi32, #tpu.memory_space<hbm>> -> memref<32xi32, #tpu.memory_space<hbm>>
      tpu.enqueue_dma source(%dma_start3A_568 : memref<32xi32, #tpu.memory_space<hbm>>) target(%arg8 : memref<32xi32, #tpu.memory_space<vmem>>) target_semaphore(%arg25 : memref<!tpu.dma_semaphore, #tpu.memory_space<semaphore_mem>>)
      %mul3A_569 = arith.constant 32 : i32
      %mul3A_570 = arith.muli %add3A_563, %mul3A_569 : i32
      %dma_start3A_571 = tpu.memref_slice %arg7[%mul3A_570] : memref<10240xi32, #tpu.memory_space<vmem>> -> memref<32xi32, #tpu.memory_space<vmem>>
      %dma_start3A_572 = arith.constant 0 : i32
      %dma_start3A_573 = arith.constant 0 : i32
      %dma_start3A_574 = tpu.memref_slice %arg2[%dma_start3A_572, %dma_start3A_573] : memref<10000x128xf32, #tpu.memory_space<hbm>> -> memref<10000x128xf32, #tpu.memory_space<hbm>>
      tpu.enqueue_indirect_dma source(%dma_start3A_574 : memref<10000x128xf32, #tpu.memory_space<hbm>>) target(%arg9 : memref<32x128xf32, #tpu.memory_space<vmem>>) offsets(%dma_start3A_571 : memref<32xi32, #tpu.memory_space<vmem>>) semaphore(%arg33 : memref<!tpu.dma_semaphore, #tpu.memory_space<semaphore_mem>>)
      %dma_wait3A_575 = arith.constant 0 : i32
      %dma_wait3A_576 = arith.constant 0 : i32
      %dma_wait3A_577 = tpu.memref_slice %arg24[%dma_wait3A_575, %dma_wait3A_576] : memref<10240x128xf32, #tpu.memory_space<vmem_shared>> -> memref<10240x128xf32, #tpu.memory_space<vmem_shared>>
      tpu.wait_indirect_dma semaphore(%arg42 : memref<!tpu.dma_semaphore, #tpu.memory_space<semaphore_mem>>) src(%arg11 : memref<32x128xf32, #tpu.memory_space<vmem>>) dst(%dma_wait3A_577 : memref<10240x128xf32, #tpu.memory_space<vmem_shared>>)
      %add3A_578 = arith.constant 8 : i32
      %add3A_579 = arith.addi %mul3A_476, %add3A_578 : i32
      %add3A_580 = arith.constant 1 : i32
      %add3A_581 = arith.addi %add3A_579, %add3A_580 : i32
      %mul3A_582 = arith.constant 32 : i32
      %mul3A_583 = arith.muli %add3A_581, %mul3A_582 : i32
      %add3A_584 = arith.addi %mul3A_2, %mul3A_583 : i32
      %dma_start3A_585 = tpu.memref_slice %arg4[%add3A_584] : memref<327680xi32, #tpu.memory_space<hbm>> -> memref<32xi32, #tpu.memory_space<hbm>>
      %dma_start3A_586 = tpu.memref_slice %arg4[%add3A_584] : memref<327680xi32, #tpu.memory_space<hbm>> -> memref<32xi32, #tpu.memory_space<hbm>>
      tpu.enqueue_dma source(%dma_start3A_586 : memref<32xi32, #tpu.memory_space<hbm>>) target(%arg10 : memref<32xi32, #tpu.memory_space<vmem>>) target_semaphore(%arg26 : memref<!tpu.dma_semaphore, #tpu.memory_space<semaphore_mem>>)
      %mul3A_587 = arith.constant 32 : i32
      %mul3A_588 = arith.muli %add3A_581, %mul3A_587 : i32
      %dma_start3A_589 = tpu.memref_slice %arg7[%mul3A_588] : memref<10240xi32, #tpu.memory_space<vmem>> -> memref<32xi32, #tpu.memory_space<vmem>>
      %dma_start3A_590 = arith.constant 0 : i32
      %dma_start3A_591 = arith.constant 0 : i32
      %dma_start3A_592 = tpu.memref_slice %arg2[%dma_start3A_590, %dma_start3A_591] : memref<10000x128xf32, #tpu.memory_space<hbm>> -> memref<10000x128xf32, #tpu.memory_space<hbm>>
      tpu.enqueue_indirect_dma source(%dma_start3A_592 : memref<10000x128xf32, #tpu.memory_space<hbm>>) target(%arg11 : memref<32x128xf32, #tpu.memory_space<vmem>>) offsets(%dma_start3A_589 : memref<32xi32, #tpu.memory_space<vmem>>) semaphore(%arg34 : memref<!tpu.dma_semaphore, #tpu.memory_space<semaphore_mem>>)
      %dma_wait3A_593 = arith.constant 0 : i32
      %dma_wait3A_594 = arith.constant 0 : i32
      %dma_wait3A_595 = tpu.memref_slice %arg24[%dma_wait3A_593, %dma_wait3A_594] : memref<10240x128xf32, #tpu.memory_space<vmem_shared>> -> memref<10240x128xf32, #tpu.memory_space<vmem_shared>>
      tpu.wait_indirect_dma semaphore(%arg43 : memref<!tpu.dma_semaphore, #tpu.memory_space<semaphore_mem>>) src(%arg13 : memref<32x128xf32, #tpu.memory_space<vmem>>) dst(%dma_wait3A_595 : memref<10240x128xf32, #tpu.memory_space<vmem_shared>>)
      %add3A_596 = arith.constant 8 : i32
      %add3A_597 = arith.addi %mul3A_476, %add3A_596 : i32
      %add3A_598 = arith.constant 2 : i32
      %add3A_599 = arith.addi %add3A_597, %add3A_598 : i32
      %mul3A_600 = arith.constant 32 : i32
      %mul3A_601 = arith.muli %add3A_599, %mul3A_600 : i32
      %add3A_602 = arith.addi %mul3A_2, %mul3A_601 : i32
      %dma_start3A_603 = tpu.memref_slice %arg4[%add3A_602] : memref<327680xi32, #tpu.memory_space<hbm>> -> memref<32xi32, #tpu.memory_space<hbm>>
      %dma_start3A_604 = tpu.memref_slice %arg4[%add3A_602] : memref<327680xi32, #tpu.memory_space<hbm>> -> memref<32xi32, #tpu.memory_space<hbm>>
      tpu.enqueue_dma source(%dma_start3A_604 : memref<32xi32, #tpu.memory_space<hbm>>) target(%arg12 : memref<32xi32, #tpu.memory_space<vmem>>) target_semaphore(%arg27 : memref<!tpu.dma_semaphore, #tpu.memory_space<semaphore_mem>>)
      %mul3A_605 = arith.constant 32 : i32
      %mul3A_606 = arith.muli %add3A_599, %mul3A_605 : i32
      %dma_start3A_607 = tpu.memref_slice %arg7[%mul3A_606] : memref<10240xi32, #tpu.memory_space<vmem>> -> memref<32xi32, #tpu.memory_space<vmem>>
      %dma_start3A_608 = arith.constant 0 : i32
      %dma_start3A_609 = arith.constant 0 : i32
      %dma_start3A_610 = tpu.memref_slice %arg2[%dma_start3A_608, %dma_start3A_609] : memref<10000x128xf32, #tpu.memory_space<hbm>> -> memref<10000x128xf32, #tpu.memory_space<hbm>>
      tpu.enqueue_indirect_dma source(%dma_start3A_610 : memref<10000x128xf32, #tpu.memory_space<hbm>>) target(%arg13 : memref<32x128xf32, #tpu.memory_space<vmem>>) offsets(%dma_start3A_607 : memref<32xi32, #tpu.memory_space<vmem>>) semaphore(%arg35 : memref<!tpu.dma_semaphore, #tpu.memory_space<semaphore_mem>>)
      %dma_wait3A_611 = arith.constant 0 : i32
      %dma_wait3A_612 = arith.constant 0 : i32
      %dma_wait3A_613 = tpu.memref_slice %arg24[%dma_wait3A_611, %dma_wait3A_612] : memref<10240x128xf32, #tpu.memory_space<vmem_shared>> -> memref<10240x128xf32, #tpu.memory_space<vmem_shared>>
      tpu.wait_indirect_dma semaphore(%arg44 : memref<!tpu.dma_semaphore, #tpu.memory_space<semaphore_mem>>) src(%arg15 : memref<32x128xf32, #tpu.memory_space<vmem>>) dst(%dma_wait3A_613 : memref<10240x128xf32, #tpu.memory_space<vmem_shared>>)
      %add3A_614 = arith.constant 8 : i32
      %add3A_615 = arith.addi %mul3A_476, %add3A_614 : i32
      %add3A_616 = arith.constant 3 : i32
      %add3A_617 = arith.addi %add3A_615, %add3A_616 : i32
      %mul3A_618 = arith.constant 32 : i32
      %mul3A_619 = arith.muli %add3A_617, %mul3A_618 : i32
      %add3A_620 = arith.addi %mul3A_2, %mul3A_619 : i32
      %dma_start3A_621 = tpu.memref_slice %arg4[%add3A_620] : memref<327680xi32, #tpu.memory_space<hbm>> -> memref<32xi32, #tpu.memory_space<hbm>>
      %dma_start3A_622 = tpu.memref_slice %arg4[%add3A_620] : memref<327680xi32, #tpu.memory_space<hbm>> -> memref<32xi32, #tpu.memory_space<hbm>>
      tpu.enqueue_dma source(%dma_start3A_622 : memref<32xi32, #tpu.memory_space<hbm>>) target(%arg14 : memref<32xi32, #tpu.memory_space<vmem>>) target_semaphore(%arg28 : memref<!tpu.dma_semaphore, #tpu.memory_space<semaphore_mem>>)
      %mul3A_623 = arith.constant 32 : i32
      %mul3A_624 = arith.muli %add3A_617, %mul3A_623 : i32
      %dma_start3A_625 = tpu.memref_slice %arg7[%mul3A_624] : memref<10240xi32, #tpu.memory_space<vmem>> -> memref<32xi32, #tpu.memory_space<vmem>>
      %dma_start3A_626 = arith.constant 0 : i32
      %dma_start3A_627 = arith.constant 0 : i32
      %dma_start3A_628 = tpu.memref_slice %arg2[%dma_start3A_626, %dma_start3A_627] : memref<10000x128xf32, #tpu.memory_space<hbm>> -> memref<10000x128xf32, #tpu.memory_space<hbm>>
      tpu.enqueue_indirect_dma source(%dma_start3A_628 : memref<10000x128xf32, #tpu.memory_space<hbm>>) target(%arg15 : memref<32x128xf32, #tpu.memory_space<vmem>>) offsets(%dma_start3A_625 : memref<32xi32, #tpu.memory_space<vmem>>) semaphore(%arg36 : memref<!tpu.dma_semaphore, #tpu.memory_space<semaphore_mem>>)
      %dma_wait3A_629 = arith.constant 0 : i32
      %dma_wait3A_630 = arith.constant 0 : i32
      %dma_wait3A_631 = tpu.memref_slice %arg24[%dma_wait3A_629, %dma_wait3A_630] : memref<10240x128xf32, #tpu.memory_space<vmem_shared>> -> memref<10240x128xf32, #tpu.memory_space<vmem_shared>>
      tpu.wait_indirect_dma semaphore(%arg45 : memref<!tpu.dma_semaphore, #tpu.memory_space<semaphore_mem>>) src(%arg17 : memref<32x128xf32, #tpu.memory_space<vmem>>) dst(%dma_wait3A_631 : memref<10240x128xf32, #tpu.memory_space<vmem_shared>>)
      %add3A_632 = arith.constant 8 : i32
      %add3A_633 = arith.addi %mul3A_476, %add3A_632 : i32
      %add3A_634 = arith.constant 4 : i32
      %add3A_635 = arith.addi %add3A_633, %add3A_634 : i32
      %mul3A_636 = arith.constant 32 : i32
      %mul3A_637 = arith.muli %add3A_635, %mul3A_636 : i32
      %add3A_638 = arith.addi %mul3A_2, %mul3A_637 : i32
      %dma_start3A_639 = tpu.memref_slice %arg4[%add3A_638] : memref<327680xi32, #tpu.memory_space<hbm>> -> memref<32xi32, #tpu.memory_space<hbm>>
      %dma_start3A_640 = tpu.memref_slice %arg4[%add3A_638] : memref<327680xi32, #tpu.memory_space<hbm>> -> memref<32xi32, #tpu.memory_space<hbm>>
      tpu.enqueue_dma source(%dma_start3A_640 : memref<32xi32, #tpu.memory_space<hbm>>) target(%arg16 : memref<32xi32, #tpu.memory_space<vmem>>) target_semaphore(%arg29 : memref<!tpu.dma_semaphore, #tpu.memory_space<semaphore_mem>>)
      %mul3A_641 = arith.constant 32 : i32
      %mul3A_642 = arith.muli %add3A_635, %mul3A_641 : i32
      %dma_start3A_643 = tpu.memref_slice %arg7[%mul3A_642] : memref<10240xi32, #tpu.memory_space<vmem>> -> memref<32xi32, #tpu.memory_space<vmem>>
      %dma_start3A_644 = arith.constant 0 : i32
      %dma_start3A_645 = arith.constant 0 : i32
      %dma_start3A_646 = tpu.memref_slice %arg2[%dma_start3A_644, %dma_start3A_645] : memref<10000x128xf32, #tpu.memory_space<hbm>> -> memref<10000x128xf32, #tpu.memory_space<hbm>>
      tpu.enqueue_indirect_dma source(%dma_start3A_646 : memref<10000x128xf32, #tpu.memory_space<hbm>>) target(%arg17 : memref<32x128xf32, #tpu.memory_space<vmem>>) offsets(%dma_start3A_643 : memref<32xi32, #tpu.memory_space<vmem>>) semaphore(%arg37 : memref<!tpu.dma_semaphore, #tpu.memory_space<semaphore_mem>>)
      %dma_wait3A_647 = arith.constant 0 : i32
      %dma_wait3A_648 = arith.constant 0 : i32
      %dma_wait3A_649 = tpu.memref_slice %arg24[%dma_wait3A_647, %dma_wait3A_648] : memref<10240x128xf32, #tpu.memory_space<vmem_shared>> -> memref<10240x128xf32, #tpu.memory_space<vmem_shared>>
      tpu.wait_indirect_dma semaphore(%arg46 : memref<!tpu.dma_semaphore, #tpu.memory_space<semaphore_mem>>) src(%arg19 : memref<32x128xf32, #tpu.memory_space<vmem>>) dst(%dma_wait3A_649 : memref<10240x128xf32, #tpu.memory_space<vmem_shared>>)
      %add3A_650 = arith.constant 8 : i32
      %add3A_651 = arith.addi %mul3A_476, %add3A_650 : i32
      %add3A_652 = arith.constant 5 : i32
      %add3A_653 = arith.addi %add3A_651, %add3A_652 : i32
      %mul3A_654 = arith.constant 32 : i32
      %mul3A_655 = arith.muli %add3A_653, %mul3A_654 : i32
      %add3A_656 = arith.addi %mul3A_2, %mul3A_655 : i32
      %dma_start3A_657 = tpu.memref_slice %arg4[%add3A_656] : memref<327680xi32, #tpu.memory_space<hbm>> -> memref<32xi32, #tpu.memory_space<hbm>>
      %dma_start3A_658 = tpu.memref_slice %arg4[%add3A_656] : memref<327680xi32, #tpu.memory_space<hbm>> -> memref<32xi32, #tpu.memory_space<hbm>>
      tpu.enqueue_dma source(%dma_start3A_658 : memref<32xi32, #tpu.memory_space<hbm>>) target(%arg18 : memref<32xi32, #tpu.memory_space<vmem>>) target_semaphore(%arg30 : memref<!tpu.dma_semaphore, #tpu.memory_space<semaphore_mem>>)
      %mul3A_659 = arith.constant 32 : i32
      %mul3A_660 = arith.muli %add3A_653, %mul3A_659 : i32
      %dma_start3A_661 = tpu.memref_slice %arg7[%mul3A_660] : memref<10240xi32, #tpu.memory_space<vmem>> -> memref<32xi32, #tpu.memory_space<vmem>>
      %dma_start3A_662 = arith.constant 0 : i32
      %dma_start3A_663 = arith.constant 0 : i32
      %dma_start3A_664 = tpu.memref_slice %arg2[%dma_start3A_662, %dma_start3A_663] : memref<10000x128xf32, #tpu.memory_space<hbm>> -> memref<10000x128xf32, #tpu.memory_space<hbm>>
      tpu.enqueue_indirect_dma source(%dma_start3A_664 : memref<10000x128xf32, #tpu.memory_space<hbm>>) target(%arg19 : memref<32x128xf32, #tpu.memory_space<vmem>>) offsets(%dma_start3A_661 : memref<32xi32, #tpu.memory_space<vmem>>) semaphore(%arg38 : memref<!tpu.dma_semaphore, #tpu.memory_space<semaphore_mem>>)
      %dma_wait3A_665 = arith.constant 0 : i32
      %dma_wait3A_666 = arith.constant 0 : i32
      %dma_wait3A_667 = tpu.memref_slice %arg24[%dma_wait3A_665, %dma_wait3A_666] : memref<10240x128xf32, #tpu.memory_space<vmem_shared>> -> memref<10240x128xf32, #tpu.memory_space<vmem_shared>>
      tpu.wait_indirect_dma semaphore(%arg47 : memref<!tpu.dma_semaphore, #tpu.memory_space<semaphore_mem>>) src(%arg21 : memref<32x128xf32, #tpu.memory_space<vmem>>) dst(%dma_wait3A_667 : memref<10240x128xf32, #tpu.memory_space<vmem_shared>>)
      %add3A_668 = arith.constant 8 : i32
      %add3A_669 = arith.addi %mul3A_476, %add3A_668 : i32
      %add3A_670 = arith.constant 6 : i32
      %add3A_671 = arith.addi %add3A_669, %add3A_670 : i32
      %mul3A_672 = arith.constant 32 : i32
      %mul3A_673 = arith.muli %add3A_671, %mul3A_672 : i32
      %add3A_674 = arith.addi %mul3A_2, %mul3A_673 : i32
      %dma_start3A_675 = tpu.memref_slice %arg4[%add3A_674] : memref<327680xi32, #tpu.memory_space<hbm>> -> memref<32xi32, #tpu.memory_space<hbm>>
      %dma_start3A_676 = tpu.memref_slice %arg4[%add3A_674] : memref<327680xi32, #tpu.memory_space<hbm>> -> memref<32xi32, #tpu.memory_space<hbm>>
      tpu.enqueue_dma source(%dma_start3A_676 : memref<32xi32, #tpu.memory_space<hbm>>) target(%arg20 : memref<32xi32, #tpu.memory_space<vmem>>) target_semaphore(%arg31 : memref<!tpu.dma_semaphore, #tpu.memory_space<semaphore_mem>>)
      %mul3A_677 = arith.constant 32 : i32
      %mul3A_678 = arith.muli %add3A_671, %mul3A_677 : i32
      %dma_start3A_679 = tpu.memref_slice %arg7[%mul3A_678] : memref<10240xi32, #tpu.memory_space<vmem>> -> memref<32xi32, #tpu.memory_space<vmem>>
      %dma_start3A_680 = arith.constant 0 : i32
      %dma_start3A_681 = arith.constant 0 : i32
      %dma_start3A_682 = tpu.memref_slice %arg2[%dma_start3A_680, %dma_start3A_681] : memref<10000x128xf32, #tpu.memory_space<hbm>> -> memref<10000x128xf32, #tpu.memory_space<hbm>>
      tpu.enqueue_indirect_dma source(%dma_start3A_682 : memref<10000x128xf32, #tpu.memory_space<hbm>>) target(%arg21 : memref<32x128xf32, #tpu.memory_space<vmem>>) offsets(%dma_start3A_679 : memref<32xi32, #tpu.memory_space<vmem>>) semaphore(%arg39 : memref<!tpu.dma_semaphore, #tpu.memory_space<semaphore_mem>>)
      %dma_wait3A_683 = arith.constant 0 : i32
      %dma_wait3A_684 = arith.constant 0 : i32
      %dma_wait3A_685 = tpu.memref_slice %arg24[%dma_wait3A_683, %dma_wait3A_684] : memref<10240x128xf32, #tpu.memory_space<vmem_shared>> -> memref<10240x128xf32, #tpu.memory_space<vmem_shared>>
      tpu.wait_indirect_dma semaphore(%arg48 : memref<!tpu.dma_semaphore, #tpu.memory_space<semaphore_mem>>) src(%arg23 : memref<32x128xf32, #tpu.memory_space<vmem>>) dst(%dma_wait3A_685 : memref<10240x128xf32, #tpu.memory_space<vmem_shared>>)
      %add3A_686 = arith.constant 8 : i32
      %add3A_687 = arith.addi %mul3A_476, %add3A_686 : i32
      %add3A_688 = arith.constant 7 : i32
      %add3A_689 = arith.addi %add3A_687, %add3A_688 : i32
      %mul3A_690 = arith.constant 32 : i32
      %mul3A_691 = arith.muli %add3A_689, %mul3A_690 : i32
      %add3A_692 = arith.addi %mul3A_2, %mul3A_691 : i32
      %dma_start3A_693 = tpu.memref_slice %arg4[%add3A_692] : memref<327680xi32, #tpu.memory_space<hbm>> -> memref<32xi32, #tpu.memory_space<hbm>>
      %dma_start3A_694 = tpu.memref_slice %arg4[%add3A_692] : memref<327680xi32, #tpu.memory_space<hbm>> -> memref<32xi32, #tpu.memory_space<hbm>>
      tpu.enqueue_dma source(%dma_start3A_694 : memref<32xi32, #tpu.memory_space<hbm>>) target(%arg22 : memref<32xi32, #tpu.memory_space<vmem>>) target_semaphore(%arg32 : memref<!tpu.dma_semaphore, #tpu.memory_space<semaphore_mem>>)
      %mul3A_695 = arith.constant 32 : i32
      %mul3A_696 = arith.muli %add3A_689, %mul3A_695 : i32
      %dma_start3A_697 = tpu.memref_slice %arg7[%mul3A_696] : memref<10240xi32, #tpu.memory_space<vmem>> -> memref<32xi32, #tpu.memory_space<vmem>>
      %dma_start3A_698 = arith.constant 0 : i32
      %dma_start3A_699 = arith.constant 0 : i32
      %dma_start3A_700 = tpu.memref_slice %arg2[%dma_start3A_698, %dma_start3A_699] : memref<10000x128xf32, #tpu.memory_space<hbm>> -> memref<10000x128xf32, #tpu.memory_space<hbm>>
      tpu.enqueue_indirect_dma source(%dma_start3A_700 : memref<10000x128xf32, #tpu.memory_space<hbm>>) target(%arg23 : memref<32x128xf32, #tpu.memory_space<vmem>>) offsets(%dma_start3A_697 : memref<32xi32, #tpu.memory_space<vmem>>) semaphore(%arg40 : memref<!tpu.dma_semaphore, #tpu.memory_space<semaphore_mem>>)
    }
    %scan3A_360 = arith.constant 39 : i32
    %dma_wait3A_361 = arith.constant 0 : i32
    %dma_wait3A_362 = tpu.memref_slice %arg7[%dma_wait3A_361] : memref<10240xi32, #tpu.memory_space<vmem>> -> memref<32xi32, #tpu.memory_space<vmem>>
    %dma_wait3A_363 = arith.constant 0 : i32
    %dma_wait3A_364 = arith.constant 0 : i32
    %dma_wait3A_365 = tpu.memref_slice %arg2[%dma_wait3A_363, %dma_wait3A_364] : memref<10000x128xf32, #tpu.memory_space<hbm>> -> memref<10000x128xf32, #tpu.memory_space<hbm>>
    tpu.wait_indirect_dma semaphore(%arg33 : memref<!tpu.dma_semaphore, #tpu.memory_space<semaphore_mem>>) src(%dma_wait3A_365 : memref<10000x128xf32, #tpu.memory_space<hbm>>) dst(%arg9 : memref<32x128xf32, #tpu.memory_space<vmem>>)
    %dma_wait3A_366 = tpu.memref_slice %arg4[%mul3A_2] : memref<327680xi32, #tpu.memory_space<hbm>> -> memref<32xi32, #tpu.memory_space<hbm>>
    %dma_wait3A_367 = tpu.memref_slice %arg4[%mul3A_2] : memref<327680xi32, #tpu.memory_space<hbm>> -> memref<32xi32, #tpu.memory_space<hbm>>
    tpu.wait_dma2 semaphore(%arg25 : memref<!tpu.dma_semaphore, #tpu.memory_space<semaphore_mem>>) src(%dma_wait3A_367 : memref<32xi32, #tpu.memory_space<hbm>>) dst(%arg8 : memref<32xi32, #tpu.memory_space<vmem>>)
    %dma_start3A_368 = arith.constant 0 : i32
    %dma_start3A_369 = arith.constant 0 : i32
    %dma_start3A_370 = tpu.memref_slice %arg24[%dma_start3A_368, %dma_start3A_369] : memref<10240x128xf32, #tpu.memory_space<vmem_shared>> -> memref<10240x128xf32, #tpu.memory_space<vmem_shared>>
    tpu.enqueue_indirect_dma source(%arg9 : memref<32x128xf32, #tpu.memory_space<vmem>>) target(%dma_start3A_370 : memref<10240x128xf32, #tpu.memory_space<vmem_shared>>) offsets(%arg8 : memref<32xi32, #tpu.memory_space<vmem>>) semaphore(%arg41 : memref<!tpu.dma_semaphore, #tpu.memory_space<semaphore_mem>>) {add = true}
    %dma_wait3A_371 = arith.constant 32 : i32
    %dma_wait3A_372 = tpu.memref_slice %arg7[%dma_wait3A_371] : memref<10240xi32, #tpu.memory_space<vmem>> -> memref<32xi32, #tpu.memory_space<vmem>>
    %dma_wait3A_373 = arith.constant 0 : i32
    %dma_wait3A_374 = arith.constant 0 : i32
    %dma_wait3A_375 = tpu.memref_slice %arg2[%dma_wait3A_373, %dma_wait3A_374] : memref<10000x128xf32, #tpu.memory_space<hbm>> -> memref<10000x128xf32, #tpu.memory_space<hbm>>
    tpu.wait_indirect_dma semaphore(%arg34 : memref<!tpu.dma_semaphore, #tpu.memory_space<semaphore_mem>>) src(%dma_wait3A_375 : memref<10000x128xf32, #tpu.memory_space<hbm>>) dst(%arg11 : memref<32x128xf32, #tpu.memory_space<vmem>>)
    %dma_wait3A_376 = tpu.memref_slice %arg4[%mul3A_2] : memref<327680xi32, #tpu.memory_space<hbm>> -> memref<32xi32, #tpu.memory_space<hbm>>
    %dma_wait3A_377 = tpu.memref_slice %arg4[%mul3A_2] : memref<327680xi32, #tpu.memory_space<hbm>> -> memref<32xi32, #tpu.memory_space<hbm>>
    tpu.wait_dma2 semaphore(%arg26 : memref<!tpu.dma_semaphore, #tpu.memory_space<semaphore_mem>>) src(%dma_wait3A_377 : memref<32xi32, #tpu.memory_space<hbm>>) dst(%arg10 : memref<32xi32, #tpu.memory_space<vmem>>)
    %dma_start3A_378 = arith.constant 0 : i32
    %dma_start3A_379 = arith.constant 0 : i32
    %dma_start3A_380 = tpu.memref_slice %arg24[%dma_start3A_378, %dma_start3A_379] : memref<10240x128xf32, #tpu.memory_space<vmem_shared>> -> memref<10240x128xf32, #tpu.memory_space<vmem_shared>>
    tpu.enqueue_indirect_dma source(%arg11 : memref<32x128xf32, #tpu.memory_space<vmem>>) target(%dma_start3A_380 : memref<10240x128xf32, #tpu.memory_space<vmem_shared>>) offsets(%arg10 : memref<32xi32, #tpu.memory_space<vmem>>) semaphore(%arg42 : memref<!tpu.dma_semaphore, #tpu.memory_space<semaphore_mem>>) {add = true}
    %dma_wait3A_381 = arith.constant 64 : i32
    %dma_wait3A_382 = tpu.memref_slice %arg7[%dma_wait3A_381] : memref<10240xi32, #tpu.memory_space<vmem>> -> memref<32xi32, #tpu.memory_space<vmem>>
    %dma_wait3A_383 = arith.constant 0 : i32
    %dma_wait3A_384 = arith.constant 0 : i32
    %dma_wait3A_385 = tpu.memref_slice %arg2[%dma_wait3A_383, %dma_wait3A_384] : memref<10000x128xf32, #tpu.memory_space<hbm>> -> memref<10000x128xf32, #tpu.memory_space<hbm>>
    tpu.wait_indirect_dma semaphore(%arg35 : memref<!tpu.dma_semaphore, #tpu.memory_space<semaphore_mem>>) src(%dma_wait3A_385 : memref<10000x128xf32, #tpu.memory_space<hbm>>) dst(%arg13 : memref<32x128xf32, #tpu.memory_space<vmem>>)
    %dma_wait3A_386 = tpu.memref_slice %arg4[%mul3A_2] : memref<327680xi32, #tpu.memory_space<hbm>> -> memref<32xi32, #tpu.memory_space<hbm>>
    %dma_wait3A_387 = tpu.memref_slice %arg4[%mul3A_2] : memref<327680xi32, #tpu.memory_space<hbm>> -> memref<32xi32, #tpu.memory_space<hbm>>
    tpu.wait_dma2 semaphore(%arg27 : memref<!tpu.dma_semaphore, #tpu.memory_space<semaphore_mem>>) src(%dma_wait3A_387 : memref<32xi32, #tpu.memory_space<hbm>>) dst(%arg12 : memref<32xi32, #tpu.memory_space<vmem>>)
    %dma_start3A_388 = arith.constant 0 : i32
    %dma_start3A_389 = arith.constant 0 : i32
    %dma_start3A_390 = tpu.memref_slice %arg24[%dma_start3A_388, %dma_start3A_389] : memref<10240x128xf32, #tpu.memory_space<vmem_shared>> -> memref<10240x128xf32, #tpu.memory_space<vmem_shared>>
    tpu.enqueue_indirect_dma source(%arg13 : memref<32x128xf32, #tpu.memory_space<vmem>>) target(%dma_start3A_390 : memref<10240x128xf32, #tpu.memory_space<vmem_shared>>) offsets(%arg12 : memref<32xi32, #tpu.memory_space<vmem>>) semaphore(%arg43 : memref<!tpu.dma_semaphore, #tpu.memory_space<semaphore_mem>>) {add = true}
    %dma_wait3A_391 = arith.constant 96 : i32
    %dma_wait3A_392 = tpu.memref_slice %arg7[%dma_wait3A_391] : memref<10240xi32, #tpu.memory_space<vmem>> -> memref<32xi32, #tpu.memory_space<vmem>>
    %dma_wait3A_393 = arith.constant 0 : i32
    %dma_wait3A_394 = arith.constant 0 : i32
    %dma_wait3A_395 = tpu.memref_slice %arg2[%dma_wait3A_393, %dma_wait3A_394] : memref<10000x128xf32, #tpu.memory_space<hbm>> -> memref<10000x128xf32, #tpu.memory_space<hbm>>
    tpu.wait_indirect_dma semaphore(%arg36 : memref<!tpu.dma_semaphore, #tpu.memory_space<semaphore_mem>>) src(%dma_wait3A_395 : memref<10000x128xf32, #tpu.memory_space<hbm>>) dst(%arg15 : memref<32x128xf32, #tpu.memory_space<vmem>>)
    %dma_wait3A_396 = tpu.memref_slice %arg4[%mul3A_2] : memref<327680xi32, #tpu.memory_space<hbm>> -> memref<32xi32, #tpu.memory_space<hbm>>
    %dma_wait3A_397 = tpu.memref_slice %arg4[%mul3A_2] : memref<327680xi32, #tpu.memory_space<hbm>> -> memref<32xi32, #tpu.memory_space<hbm>>
    tpu.wait_dma2 semaphore(%arg28 : memref<!tpu.dma_semaphore, #tpu.memory_space<semaphore_mem>>) src(%dma_wait3A_397 : memref<32xi32, #tpu.memory_space<hbm>>) dst(%arg14 : memref<32xi32, #tpu.memory_space<vmem>>)
    %dma_start3A_398 = arith.constant 0 : i32
    %dma_start3A_399 = arith.constant 0 : i32
    %dma_start3A_400 = tpu.memref_slice %arg24[%dma_start3A_398, %dma_start3A_399] : memref<10240x128xf32, #tpu.memory_space<vmem_shared>> -> memref<10240x128xf32, #tpu.memory_space<vmem_shared>>
    tpu.enqueue_indirect_dma source(%arg15 : memref<32x128xf32, #tpu.memory_space<vmem>>) target(%dma_start3A_400 : memref<10240x128xf32, #tpu.memory_space<vmem_shared>>) offsets(%arg14 : memref<32xi32, #tpu.memory_space<vmem>>) semaphore(%arg44 : memref<!tpu.dma_semaphore, #tpu.memory_space<semaphore_mem>>) {add = true}
    %dma_wait3A_401 = arith.constant 128 : i32
    %dma_wait3A_402 = tpu.memref_slice %arg7[%dma_wait3A_401] : memref<10240xi32, #tpu.memory_space<vmem>> -> memref<32xi32, #tpu.memory_space<vmem>>
    %dma_wait3A_403 = arith.constant 0 : i32
    %dma_wait3A_404 = arith.constant 0 : i32
    %dma_wait3A_405 = tpu.memref_slice %arg2[%dma_wait3A_403, %dma_wait3A_404] : memref<10000x128xf32, #tpu.memory_space<hbm>> -> memref<10000x128xf32, #tpu.memory_space<hbm>>
    tpu.wait_indirect_dma semaphore(%arg37 : memref<!tpu.dma_semaphore, #tpu.memory_space<semaphore_mem>>) src(%dma_wait3A_405 : memref<10000x128xf32, #tpu.memory_space<hbm>>) dst(%arg17 : memref<32x128xf32, #tpu.memory_space<vmem>>)
    %dma_wait3A_406 = tpu.memref_slice %arg4[%mul3A_2] : memref<327680xi32, #tpu.memory_space<hbm>> -> memref<32xi32, #tpu.memory_space<hbm>>
    %dma_wait3A_407 = tpu.memref_slice %arg4[%mul3A_2] : memref<327680xi32, #tpu.memory_space<hbm>> -> memref<32xi32, #tpu.memory_space<hbm>>
    tpu.wait_dma2 semaphore(%arg29 : memref<!tpu.dma_semaphore, #tpu.memory_space<semaphore_mem>>) src(%dma_wait3A_407 : memref<32xi32, #tpu.memory_space<hbm>>) dst(%arg16 : memref<32xi32, #tpu.memory_space<vmem>>)
    %dma_start3A_408 = arith.constant 0 : i32
    %dma_start3A_409 = arith.constant 0 : i32
    %dma_start3A_410 = tpu.memref_slice %arg24[%dma_start3A_408, %dma_start3A_409] : memref<10240x128xf32, #tpu.memory_space<vmem_shared>> -> memref<10240x128xf32, #tpu.memory_space<vmem_shared>>
    tpu.enqueue_indirect_dma source(%arg17 : memref<32x128xf32, #tpu.memory_space<vmem>>) target(%dma_start3A_410 : memref<10240x128xf32, #tpu.memory_space<vmem_shared>>) offsets(%arg16 : memref<32xi32, #tpu.memory_space<vmem>>) semaphore(%arg45 : memref<!tpu.dma_semaphore, #tpu.memory_space<semaphore_mem>>) {add = true}
    %dma_wait3A_411 = arith.constant 160 : i32
    %dma_wait3A_412 = tpu.memref_slice %arg7[%dma_wait3A_411] : memref<10240xi32, #tpu.memory_space<vmem>> -> memref<32xi32, #tpu.memory_space<vmem>>
    %dma_wait3A_413 = arith.constant 0 : i32
    %dma_wait3A_414 = arith.constant 0 : i32
    %dma_wait3A_415 = tpu.memref_slice %arg2[%dma_wait3A_413, %dma_wait3A_414] : memref<10000x128xf32, #tpu.memory_space<hbm>> -> memref<10000x128xf32, #tpu.memory_space<hbm>>
    tpu.wait_indirect_dma semaphore(%arg38 : memref<!tpu.dma_semaphore, #tpu.memory_space<semaphore_mem>>) src(%dma_wait3A_415 : memref<10000x128xf32, #tpu.memory_space<hbm>>) dst(%arg19 : memref<32x128xf32, #tpu.memory_space<vmem>>)
    %dma_wait3A_416 = tpu.memref_slice %arg4[%mul3A_2] : memref<327680xi32, #tpu.memory_space<hbm>> -> memref<32xi32, #tpu.memory_space<hbm>>
    %dma_wait3A_417 = tpu.memref_slice %arg4[%mul3A_2] : memref<327680xi32, #tpu.memory_space<hbm>> -> memref<32xi32, #tpu.memory_space<hbm>>
    tpu.wait_dma2 semaphore(%arg30 : memref<!tpu.dma_semaphore, #tpu.memory_space<semaphore_mem>>) src(%dma_wait3A_417 : memref<32xi32, #tpu.memory_space<hbm>>) dst(%arg18 : memref<32xi32, #tpu.memory_space<vmem>>)
    %dma_start3A_418 = arith.constant 0 : i32
    %dma_start3A_419 = arith.constant 0 : i32
    %dma_start3A_420 = tpu.memref_slice %arg24[%dma_start3A_418, %dma_start3A_419] : memref<10240x128xf32, #tpu.memory_space<vmem_shared>> -> memref<10240x128xf32, #tpu.memory_space<vmem_shared>>
    tpu.enqueue_indirect_dma source(%arg19 : memref<32x128xf32, #tpu.memory_space<vmem>>) target(%dma_start3A_420 : memref<10240x128xf32, #tpu.memory_space<vmem_shared>>) offsets(%arg18 : memref<32xi32, #tpu.memory_space<vmem>>) semaphore(%arg46 : memref<!tpu.dma_semaphore, #tpu.memory_space<semaphore_mem>>) {add = true}
    %dma_wait3A_421 = arith.constant 192 : i32
    %dma_wait3A_422 = tpu.memref_slice %arg7[%dma_wait3A_421] : memref<10240xi32, #tpu.memory_space<vmem>> -> memref<32xi32, #tpu.memory_space<vmem>>
    %dma_wait3A_423 = arith.constant 0 : i32
    %dma_wait3A_424 = arith.constant 0 : i32
    %dma_wait3A_425 = tpu.memref_slice %arg2[%dma_wait3A_423, %dma_wait3A_424] : memref<10000x128xf32, #tpu.memory_space<hbm>> -> memref<10000x128xf32, #tpu.memory_space<hbm>>
    tpu.wait_indirect_dma semaphore(%arg39 : memref<!tpu.dma_semaphore, #tpu.memory_space<semaphore_mem>>) src(%dma_wait3A_425 : memref<10000x128xf32, #tpu.memory_space<hbm>>) dst(%arg21 : memref<32x128xf32, #tpu.memory_space<vmem>>)
    %dma_wait3A_426 = tpu.memref_slice %arg4[%mul3A_2] : memref<327680xi32, #tpu.memory_space<hbm>> -> memref<32xi32, #tpu.memory_space<hbm>>
    %dma_wait3A_427 = tpu.memref_slice %arg4[%mul3A_2] : memref<327680xi32, #tpu.memory_space<hbm>> -> memref<32xi32, #tpu.memory_space<hbm>>
    tpu.wait_dma2 semaphore(%arg31 : memref<!tpu.dma_semaphore, #tpu.memory_space<semaphore_mem>>) src(%dma_wait3A_427 : memref<32xi32, #tpu.memory_space<hbm>>) dst(%arg20 : memref<32xi32, #tpu.memory_space<vmem>>)
    %dma_start3A_428 = arith.constant 0 : i32
    %dma_start3A_429 = arith.constant 0 : i32
    %dma_start3A_430 = tpu.memref_slice %arg24[%dma_start3A_428, %dma_start3A_429] : memref<10240x128xf32, #tpu.memory_space<vmem_shared>> -> memref<10240x128xf32, #tpu.memory_space<vmem_shared>>
    tpu.enqueue_indirect_dma source(%arg21 : memref<32x128xf32, #tpu.memory_space<vmem>>) target(%dma_start3A_430 : memref<10240x128xf32, #tpu.memory_space<vmem_shared>>) offsets(%arg20 : memref<32xi32, #tpu.memory_space<vmem>>) semaphore(%arg47 : memref<!tpu.dma_semaphore, #tpu.memory_space<semaphore_mem>>) {add = true}
    %dma_wait3A_431 = arith.constant 224 : i32
    %dma_wait3A_432 = tpu.memref_slice %arg7[%dma_wait3A_431] : memref<10240xi32, #tpu.memory_space<vmem>> -> memref<32xi32, #tpu.memory_space<vmem>>
    %dma_wait3A_433 = arith.constant 0 : i32
    %dma_wait3A_434 = arith.constant 0 : i32
    %dma_wait3A_435 = tpu.memref_slice %arg2[%dma_wait3A_433, %dma_wait3A_434] : memref<10000x128xf32, #tpu.memory_space<hbm>> -> memref<10000x128xf32, #tpu.memory_space<hbm>>
    tpu.wait_indirect_dma semaphore(%arg40 : memref<!tpu.dma_semaphore, #tpu.memory_space<semaphore_mem>>) src(%dma_wait3A_435 : memref<10000x128xf32, #tpu.memory_space<hbm>>) dst(%arg23 : memref<32x128xf32, #tpu.memory_space<vmem>>)
    %dma_wait3A_436 = tpu.memref_slice %arg4[%mul3A_2] : memref<327680xi32, #tpu.memory_space<hbm>> -> memref<32xi32, #tpu.memory_space<hbm>>
    %dma_wait3A_437 = tpu.memref_slice %arg4[%mul3A_2] : memref<327680xi32, #tpu.memory_space<hbm>> -> memref<32xi32, #tpu.memory_space<hbm>>
    tpu.wait_dma2 semaphore(%arg32 : memref<!tpu.dma_semaphore, #tpu.memory_space<semaphore_mem>>) src(%dma_wait3A_437 : memref<32xi32, #tpu.memory_space<hbm>>) dst(%arg22 : memref<32xi32, #tpu.memory_space<vmem>>)
    %dma_start3A_438 = arith.constant 0 : i32
    %dma_start3A_439 = arith.constant 0 : i32
    %dma_start3A_440 = tpu.memref_slice %arg24[%dma_start3A_438, %dma_start3A_439] : memref<10240x128xf32, #tpu.memory_space<vmem_shared>> -> memref<10240x128xf32, #tpu.memory_space<vmem_shared>>
    tpu.enqueue_indirect_dma source(%arg23 : memref<32x128xf32, #tpu.memory_space<vmem>>) target(%dma_start3A_440 : memref<10240x128xf32, #tpu.memory_space<vmem_shared>>) offsets(%arg22 : memref<32xi32, #tpu.memory_space<vmem>>) semaphore(%arg48 : memref<!tpu.dma_semaphore, #tpu.memory_space<semaphore_mem>>) {add = true}
    %dma_wait3A_441 = arith.constant 0 : i32
    %dma_wait3A_442 = arith.constant 0 : i32
    %dma_wait3A_443 = tpu.memref_slice %arg24[%dma_wait3A_441, %dma_wait3A_442] : memref<10240x128xf32, #tpu.memory_space<vmem_shared>> -> memref<10240x128xf32, #tpu.memory_space<vmem_shared>>
    tpu.wait_indirect_dma semaphore(%arg41 : memref<!tpu.dma_semaphore, #tpu.memory_space<semaphore_mem>>) src(%arg9 : memref<32x128xf32, #tpu.memory_space<vmem>>) dst(%dma_wait3A_443 : memref<10240x128xf32, #tpu.memory_space<vmem_shared>>)
    %dma_wait3A_444 = arith.constant 0 : i32
    %dma_wait3A_445 = arith.constant 0 : i32
    %dma_wait3A_446 = tpu.memref_slice %arg24[%dma_wait3A_444, %dma_wait3A_445] : memref<10240x128xf32, #tpu.memory_space<vmem_shared>> -> memref<10240x128xf32, #tpu.memory_space<vmem_shared>>
    tpu.wait_indirect_dma semaphore(%arg42 : memref<!tpu.dma_semaphore, #tpu.memory_space<semaphore_mem>>) src(%arg11 : memref<32x128xf32, #tpu.memory_space<vmem>>) dst(%dma_wait3A_446 : memref<10240x128xf32, #tpu.memory_space<vmem_shared>>)
    %dma_wait3A_447 = arith.constant 0 : i32
    %dma_wait3A_448 = arith.constant 0 : i32
    %dma_wait3A_449 = tpu.memref_slice %arg24[%dma_wait3A_447, %dma_wait3A_448] : memref<10240x128xf32, #tpu.memory_space<vmem_shared>> -> memref<10240x128xf32, #tpu.memory_space<vmem_shared>>
    tpu.wait_indirect_dma semaphore(%arg43 : memref<!tpu.dma_semaphore, #tpu.memory_space<semaphore_mem>>) src(%arg13 : memref<32x128xf32, #tpu.memory_space<vmem>>) dst(%dma_wait3A_449 : memref<10240x128xf32, #tpu.memory_space<vmem_shared>>)
    %dma_wait3A_450 = arith.constant 0 : i32
    %dma_wait3A_451 = arith.constant 0 : i32
    %dma_wait3A_452 = tpu.memref_slice %arg24[%dma_wait3A_450, %dma_wait3A_451] : memref<10240x128xf32, #tpu.memory_space<vmem_shared>> -> memref<10240x128xf32, #tpu.memory_space<vmem_shared>>
    tpu.wait_indirect_dma semaphore(%arg44 : memref<!tpu.dma_semaphore, #tpu.memory_space<semaphore_mem>>) src(%arg15 : memref<32x128xf32, #tpu.memory_space<vmem>>) dst(%dma_wait3A_452 : memref<10240x128xf32, #tpu.memory_space<vmem_shared>>)
    %dma_wait3A_453 = arith.constant 0 : i32
    %dma_wait3A_454 = arith.constant 0 : i32
    %dma_wait3A_455 = tpu.memref_slice %arg24[%dma_wait3A_453, %dma_wait3A_454] : memref<10240x128xf32, #tpu.memory_space<vmem_shared>> -> memref<10240x128xf32, #tpu.memory_space<vmem_shared>>
    tpu.wait_indirect_dma semaphore(%arg45 : memref<!tpu.dma_semaphore, #tpu.memory_space<semaphore_mem>>) src(%arg17 : memref<32x128xf32, #tpu.memory_space<vmem>>) dst(%dma_wait3A_455 : memref<10240x128xf32, #tpu.memory_space<vmem_shared>>)
    %dma_wait3A_456 = arith.constant 0 : i32
    %dma_wait3A_457 = arith.constant 0 : i32
    %dma_wait3A_458 = tpu.memref_slice %arg24[%dma_wait3A_456, %dma_wait3A_457] : memref<10240x128xf32, #tpu.memory_space<vmem_shared>> -> memref<10240x128xf32, #tpu.memory_space<vmem_shared>>
    tpu.wait_indirect_dma semaphore(%arg46 : memref<!tpu.dma_semaphore, #tpu.memory_space<semaphore_mem>>) src(%arg19 : memref<32x128xf32, #tpu.memory_space<vmem>>) dst(%dma_wait3A_458 : memref<10240x128xf32, #tpu.memory_space<vmem_shared>>)
    %dma_wait3A_459 = arith.constant 0 : i32
    %dma_wait3A_460 = arith.constant 0 : i32
    %dma_wait3A_461 = tpu.memref_slice %arg24[%dma_wait3A_459, %dma_wait3A_460] : memref<10240x128xf32, #tpu.memory_space<vmem_shared>> -> memref<10240x128xf32, #tpu.memory_space<vmem_shared>>
    tpu.wait_indirect_dma semaphore(%arg47 : memref<!tpu.dma_semaphore, #tpu.memory_space<semaphore_mem>>) src(%arg21 : memref<32x128xf32, #tpu.memory_space<vmem>>) dst(%dma_wait3A_461 : memref<10240x128xf32, #tpu.memory_space<vmem_shared>>)
    %dma_wait3A_462 = arith.constant 0 : i32
    %dma_wait3A_463 = arith.constant 0 : i32
    %dma_wait3A_464 = tpu.memref_slice %arg24[%dma_wait3A_462, %dma_wait3A_463] : memref<10240x128xf32, #tpu.memory_space<vmem_shared>> -> memref<10240x128xf32, #tpu.memory_space<vmem_shared>>
    tpu.wait_indirect_dma semaphore(%arg48 : memref<!tpu.dma_semaphore, #tpu.memory_space<semaphore_mem>>) src(%arg23 : memref<32x128xf32, #tpu.memory_space<vmem>>) dst(%dma_wait3A_464 : memref<10240x128xf32, #tpu.memory_space<vmem_shared>>)
    %barrier3A_465 = arith.constant 0 : index
    tpu.barrier barrier_id(%barrier3A_465)
    %mul3A_466 = arith.constant 640 : i32
    %mul3A_467 = arith.muli %arg1, %mul3A_466 : i32
    %mul3A_468 = arith.constant 640 : i32
    %mul3A_469 = arith.muli %arg1, %mul3A_468 : i32
    "tpu.region"() ({
      %run_scoped3A = tpu.sem_alloc : memref<!tpu.dma_semaphore, #tpu.memory_space<semaphore_mem>>
      %dma_start3A_470 = arith.constant 0 : i32
      %dma_start3A_471 = tpu.memref_slice %arg6[%arg0, %mul3A_469, %dma_start3A_470] : memref<2x10240x128xf32, #tpu.memory_space<hbm>> -> memref<1x640x128xf32, #tpu.memory_space<hbm>>
      %dma_start3A_472 = tpu.memref_squeeze %dma_start3A_471 : memref<1x640x128xf32, #tpu.memory_space<hbm>> -> memref<640x128xf32, #tpu.memory_space<hbm>>
      %dma_start3A_473 = arith.constant 0 : i32
      %dma_start3A_474 = tpu.memref_slice %arg24[%mul3A_467, %dma_start3A_473] : memref<10240x128xf32, #tpu.memory_space<vmem_shared>> -> memref<640x128xf32, #tpu.memory_space<vmem_shared>>
      tpu.enqueue_dma source(%dma_start3A_474 : memref<640x128xf32, #tpu.memory_space<vmem_shared>>) target(%dma_start3A_472 : memref<640x128xf32, #tpu.memory_space<hbm>>) target_semaphore(%run_scoped3A : memref<!tpu.dma_semaphore, #tpu.memory_space<semaphore_mem>>)
      %dma_wait3A_475 = arith.constant 0 : i32
      %dma_wait3A_476 = tpu.memref_slice %arg6[%arg0, %mul3A_469, %dma_wait3A_475] : memref<2x10240x128xf32, #tpu.memory_space<hbm>> -> memref<1x640x128xf32, #tpu.memory_space<hbm>>
      %dma_wait3A_477 = tpu.memref_squeeze %dma_wait3A_476 : memref<1x640x128xf32, #tpu.memory_space<hbm>> -> memref<640x128xf32, #tpu.memory_space<hbm>>
      %dma_wait3A_478 = arith.constant 0 : i32
      %dma_wait3A_479 = tpu.memref_slice %arg24[%mul3A_467, %dma_wait3A_478] : memref<10240x128xf32, #tpu.memory_space<vmem_shared>> -> memref<640x128xf32, #tpu.memory_space<vmem_shared>>
      tpu.wait_dma2 semaphore(%run_scoped3A : memref<!tpu.dma_semaphore, #tpu.memory_space<semaphore_mem>>) src(%dma_wait3A_479 : memref<640x128xf32, #tpu.memory_space<vmem_shared>>) dst(%dma_wait3A_477 : memref<640x128xf32, #tpu.memory_space<hbm>>)
      tpu.yield
    }) : () -> ()
    return
  }
}

module attributes {stable_mosaic.version = 14 : i64} {
  func.func @body(%arg0: i32, %arg1: memref<2000x128xf32, #tpu.memory_space<vmem>>, %arg2: memref<128x128xf32, #tpu.memory_space<vmem>>, %arg3: memref<128x128xf32, #tpu.memory_space<vmem>>, %arg4: memref<1x128xf32, #tpu.memory_space<vmem>>, %arg5: memref<2000x128xf32, #tpu.memory_space<vmem>>, %arg6: memref<2000x128xf32, #tpu.memory_space<vmem>>) attributes {dimension_semantics = [#tpu.dimension_semantics<arbitrary>], iteration_bounds = array<i64: 5>, scalar_prefetch = 0 : i64, scratch_operands = 0 : i64, tpu.core_type = #tpu.core_type<tc>, window_params = [{transform_indices = @transform_0, window_bounds = array<i64: 2000, 128>}, {pipeline_mode = #tpu.pipeline_mode<synchronous>, transform_indices = @transform_1, window_bounds = array<i64: 128, 128>}, {pipeline_mode = #tpu.pipeline_mode<synchronous>, transform_indices = @transform_2, window_bounds = array<i64: 128, 128>}, {pipeline_mode = #tpu.pipeline_mode<synchronous>, transform_indices = @transform_3, window_bounds = array<i64: 1, 128>}, {transform_indices = @transform_4, window_bounds = array<i64: 2000, 128>}, {transform_indices = @transform_5, window_bounds = array<i64: 2000, 128>}]} {
    %get3A = arith.constant 0 : index
    %get3A_0 = arith.constant 0 : index
    %get3A_1 = vector.load %arg1[%get3A, %get3A_0] : memref<2000x128xf32, #tpu.memory_space<vmem>>, vector<2000x128xf32>
    %get3A_2 = arith.constant 0 : index
    %get3A_3 = arith.constant 0 : index
    %get3A_4 = vector.load %arg2[%get3A_2, %get3A_3] : memref<128x128xf32, #tpu.memory_space<vmem>>, vector<128x128xf32>
    %dot_general3A = arith.constant dense<0.000000e+00> : vector<2000x128xf32>
    %dot_general3A_5 = tpu.matmul %get3A_1, %get3A_4, %dot_general3A {dimension_numbers = #tpu.dot_dimension_numbers<[1], [0], [0], [1], [0, 0, 1, 1], [], []>, transpose_lhs_hint = false} : vector<2000x128xf32>, vector<128x128xf32>, vector<2000x128xf32> -> vector<2000x128xf32>
    %swap3A = arith.constant 0 : index
    %swap3A_6 = arith.constant 0 : index
    %swap3A_7 = vector.load %arg5[%swap3A, %swap3A_6] : memref<2000x128xf32, #tpu.memory_space<vmem>>, vector<2000x128xf32>
    tpu.vector_store %arg5[%swap3A, %swap3A_6], %dot_general3A_5 {strides = array<i32>} : memref<2000x128xf32, #tpu.memory_space<vmem>>, vector<2000x128xf32>,
    %get3A_8 = arith.constant 0 : index
    %get3A_9 = arith.constant 0 : index
    %get3A_10 = vector.load %arg3[%get3A_8, %get3A_9] : memref<128x128xf32, #tpu.memory_space<vmem>>, vector<128x128xf32>
    %dot_general3A_11 = arith.constant dense<0.000000e+00> : vector<2000x128xf32>
    %dot_general3A_12 = tpu.matmul %get3A_1, %get3A_10, %dot_general3A_11 {dimension_numbers = #tpu.dot_dimension_numbers<[1], [0], [0], [1], [0, 0, 1, 1], [], []>, transpose_lhs_hint = false} : vector<2000x128xf32>, vector<128x128xf32>, vector<2000x128xf32> -> vector<2000x128xf32>
    %get3A_13 = arith.constant 0 : index
    %get3A_14 = arith.constant 0 : index
    %get3A_15 = vector.load %arg4[%get3A_13, %get3A_14] : memref<1x128xf32, #tpu.memory_space<vmem>>, vector<1x128xf32>
    %add3A = vector.broadcast %get3A_15 : vector<1x128xf32> to vector<2000x128xf32>
    %add3A_16 = arith.addf %dot_general3A_12, %add3A : vector<2000x128xf32>
    %swap3A_17 = arith.constant 0 : index
    %swap3A_18 = arith.constant 0 : index
    %swap3A_19 = vector.load %arg6[%swap3A_17, %swap3A_18] : memref<2000x128xf32, #tpu.memory_space<vmem>>, vector<2000x128xf32>
    tpu.vector_store %arg6[%swap3A_17, %swap3A_18], %add3A_16 {strides = array<i32>} : memref<2000x128xf32, #tpu.memory_space<vmem>>, vector<2000x128xf32>,
    return
  }
  func.func @transform_0(%arg0: i32) -> (i32, i32) {
    %c0_i32 = arith.constant 0 : i32
    %c0_i32_0 = arith.constant 0 : i32
    return %arg0, %c0_i32 : i32, i32
  }
  func.func @transform_1(%arg0: i32) -> (i32, i32) {
    %c0_i32 = arith.constant 0 : i32
    %c0_i32_0 = arith.constant 0 : i32
    %c0_i32_1 = arith.constant 0 : i32
    return %c0_i32, %c0_i32_0 : i32, i32
  }
  func.func @transform_2(%arg0: i32) -> (i32, i32) {
    %c0_i32 = arith.constant 0 : i32
    %c0_i32_0 = arith.constant 0 : i32
    %c0_i32_1 = arith.constant 0 : i32
    return %c0_i32, %c0_i32_0 : i32, i32
  }
  func.func @transform_3(%arg0: i32) -> (i32, i32) {
    %c0_i32 = arith.constant 0 : i32
    %c0_i32_0 = arith.constant 0 : i32
    %c0_i32_1 = arith.constant 0 : i32
    return %c0_i32, %c0_i32_0 : i32, i32
  }
  func.func @transform_4(%arg0: i32) -> (i32, i32) {
    %c0_i32 = arith.constant 0 : i32
    %c0_i32_0 = arith.constant 0 : i32
    return %arg0, %c0_i32 : i32, i32
  }
  func.func @transform_5(%arg0: i32) -> (i32, i32) {
    %c0_i32 = arith.constant 0 : i32
    %c0_i32_0 = arith.constant 0 : i32
    return %arg0, %c0_i32 : i32, i32
  }
}

module attributes {stable_mosaic.version = 14 : i64} {
  func.func @body(%arg0: i32, %arg1: memref<2x2000x128xf32, #tpu.memory_space<vmem>>, %arg2: memref<2000x128xf32, #tpu.memory_space<vmem>>, %arg3: memref<128x128xf32, #tpu.memory_space<vmem>>, %arg4: memref<128x128xf32, #tpu.memory_space<vmem>>, %arg5: memref<1x128xf32, #tpu.memory_space<vmem>>, %arg6: memref<2000x128xf32, #tpu.memory_space<vmem>>, %arg7: memref<2000x128xf32, #tpu.memory_space<vmem>>) attributes {dimension_semantics = [#tpu.dimension_semantics<arbitrary>], iteration_bounds = array<i64: 5>, scalar_prefetch = 0 : i64, scratch_operands = 0 : i64, tpu.core_type = #tpu.core_type<tc>, window_params = [{transform_indices = @transform_0, window_bounds = array<i64: 2, 2000, 128>}, {transform_indices = @transform_1, window_bounds = array<i64: 2000, 128>}, {pipeline_mode = #tpu.pipeline_mode<synchronous>, transform_indices = @transform_2, window_bounds = array<i64: 128, 128>}, {pipeline_mode = #tpu.pipeline_mode<synchronous>, transform_indices = @transform_3, window_bounds = array<i64: 128, 128>}, {pipeline_mode = #tpu.pipeline_mode<synchronous>, transform_indices = @transform_4, window_bounds = array<i64: 1, 128>}, {transform_indices = @transform_5, window_bounds = array<i64: 2000, 128>}, {transform_indices = @transform_6, window_bounds = array<i64: 2000, 128>}]} {
    %get3A = arith.constant 0 : index
    %get3A_0 = arith.constant 0 : index
    %get3A_1 = arith.constant 0 : index
    %get3A_2 = vector.load %arg1[%get3A, %get3A_0, %get3A_1] : memref<2x2000x128xf32, #tpu.memory_space<vmem>>, vector<1x2000x128xf32>
    %get3A_3 = vector.shape_cast %get3A_2 : vector<1x2000x128xf32> to vector<2000x128xf32>
    %get3A_4 = arith.constant 1 : index
    %get3A_5 = arith.constant 0 : index
    %get3A_6 = arith.constant 0 : index
    %get3A_7 = vector.load %arg1[%get3A_4, %get3A_5, %get3A_6] : memref<2x2000x128xf32, #tpu.memory_space<vmem>>, vector<1x2000x128xf32>
    %get3A_8 = vector.shape_cast %get3A_7 : vector<1x2000x128xf32> to vector<2000x128xf32>
    %add3A = arith.addf %get3A_3, %get3A_8 : vector<2000x128xf32>
    %get3A_9 = arith.constant 0 : index
    %get3A_10 = arith.constant 0 : index
    %get3A_11 = vector.load %arg2[%get3A_9, %get3A_10] : memref<2000x128xf32, #tpu.memory_space<vmem>>, vector<2000x128xf32>
    %add3A_12 = arith.addf %add3A, %get3A_11 : vector<2000x128xf32>
    %max3A = arith.constant 0.000000e+00 : f32
    %max3A_13 = vector.broadcast %max3A : f32 to vector<2000x128xf32>
    %max3A_14 = arith.maximumf %add3A_12, %max3A_13 : vector<2000x128xf32>
    %get3A_15 = arith.constant 0 : index
    %get3A_16 = arith.constant 0 : index
    %get3A_17 = vector.load %arg3[%get3A_15, %get3A_16] : memref<128x128xf32, #tpu.memory_space<vmem>>, vector<128x128xf32>
    %dot_general3A = arith.constant dense<0.000000e+00> : vector<2000x128xf32>
    %dot_general3A_18 = tpu.matmul %max3A_14, %get3A_17, %dot_general3A {dimension_numbers = #tpu.dot_dimension_numbers<[1], [0], [0], [1], [0, 0, 1, 1], [], []>, transpose_lhs_hint = false} : vector<2000x128xf32>, vector<128x128xf32>, vector<2000x128xf32> -> vector<2000x128xf32>
    %swap3A = arith.constant 0 : index
    %swap3A_19 = arith.constant 0 : index
    %swap3A_20 = vector.load %arg6[%swap3A, %swap3A_19] : memref<2000x128xf32, #tpu.memory_space<vmem>>, vector<2000x128xf32>
    tpu.vector_store %arg6[%swap3A, %swap3A_19], %dot_general3A_18 {strides = array<i32>} : memref<2000x128xf32, #tpu.memory_space<vmem>>, vector<2000x128xf32>,
    %get3A_21 = arith.constant 0 : index
    %get3A_22 = arith.constant 0 : index
    %get3A_23 = vector.load %arg4[%get3A_21, %get3A_22] : memref<128x128xf32, #tpu.memory_space<vmem>>, vector<128x128xf32>
    %dot_general3A_24 = arith.constant dense<0.000000e+00> : vector<2000x128xf32>
    %dot_general3A_25 = tpu.matmul %max3A_14, %get3A_23, %dot_general3A_24 {dimension_numbers = #tpu.dot_dimension_numbers<[1], [0], [0], [1], [0, 0, 1, 1], [], []>, transpose_lhs_hint = false} : vector<2000x128xf32>, vector<128x128xf32>, vector<2000x128xf32> -> vector<2000x128xf32>
    %get3A_26 = arith.constant 0 : index
    %get3A_27 = arith.constant 0 : index
    %get3A_28 = vector.load %arg5[%get3A_26, %get3A_27] : memref<1x128xf32, #tpu.memory_space<vmem>>, vector<1x128xf32>
    %add3A_29 = vector.broadcast %get3A_28 : vector<1x128xf32> to vector<2000x128xf32>
    %add3A_30 = arith.addf %dot_general3A_25, %add3A_29 : vector<2000x128xf32>
    %swap3A_31 = arith.constant 0 : index
    %swap3A_32 = arith.constant 0 : index
    %swap3A_33 = vector.load %arg7[%swap3A_31, %swap3A_32] : memref<2000x128xf32, #tpu.memory_space<vmem>>, vector<2000x128xf32>
    tpu.vector_store %arg7[%swap3A_31, %swap3A_32], %add3A_30 {strides = array<i32>} : memref<2000x128xf32, #tpu.memory_space<vmem>>, vector<2000x128xf32>,
    return
  }
  func.func @transform_0(%arg0: i32) -> (i32, i32, i32) {
    %c0_i32 = arith.constant 0 : i32
    %c0_i32_0 = arith.constant 0 : i32
    %c0_i32_1 = arith.constant 0 : i32
    return %c0_i32, %arg0, %c0_i32_0 : i32, i32, i32
  }
  func.func @transform_1(%arg0: i32) -> (i32, i32) {
    %c0_i32 = arith.constant 0 : i32
    %c0_i32_0 = arith.constant 0 : i32
    return %arg0, %c0_i32 : i32, i32
  }
  func.func @transform_2(%arg0: i32) -> (i32, i32) {
    %c0_i32 = arith.constant 0 : i32
    %c0_i32_0 = arith.constant 0 : i32
    %c0_i32_1 = arith.constant 0 : i32
    return %c0_i32, %c0_i32_0 : i32, i32
  }
  func.func @transform_3(%arg0: i32) -> (i32, i32) {
    %c0_i32 = arith.constant 0 : i32
    %c0_i32_0 = arith.constant 0 : i32
    %c0_i32_1 = arith.constant 0 : i32
    return %c0_i32, %c0_i32_0 : i32, i32
  }
  func.func @transform_4(%arg0: i32) -> (i32, i32) {
    %c0_i32 = arith.constant 0 : i32
    %c0_i32_0 = arith.constant 0 : i32
    %c0_i32_1 = arith.constant 0 : i32
    return %c0_i32, %c0_i32_0 : i32, i32
  }
  func.func @transform_5(%arg0: i32) -> (i32, i32) {
    %c0_i32 = arith.constant 0 : i32
    %c0_i32_0 = arith.constant 0 : i32
    return %arg0, %c0_i32 : i32, i32
  }
  func.func @transform_6(%arg0: i32) -> (i32, i32) {
    %c0_i32 = arith.constant 0 : i32
    %c0_i32_0 = arith.constant 0 : i32
    return %arg0, %c0_i32 : i32, i32
  }
}

module attributes {stable_mosaic.version = 14 : i64} {
  func.func @body(%arg0: i32, %arg1: memref<2x2000x128xf32, #tpu.memory_space<vmem>>, %arg2: memref<2000x128xf32, #tpu.memory_space<vmem>>, %arg3: memref<128x128xf32, #tpu.memory_space<vmem>>, %arg4: memref<1x128xf32, #tpu.memory_space<vmem>>, %arg5: memref<2000x128xf32, #tpu.memory_space<vmem>>) attributes {dimension_semantics = [#tpu.dimension_semantics<arbitrary>], iteration_bounds = array<i64: 5>, scalar_prefetch = 0 : i64, scratch_operands = 0 : i64, tpu.core_type = #tpu.core_type<tc>, window_params = [{transform_indices = @transform_0, window_bounds = array<i64: 2, 2000, 128>}, {transform_indices = @transform_1, window_bounds = array<i64: 2000, 128>}, {pipeline_mode = #tpu.pipeline_mode<synchronous>, transform_indices = @transform_2, window_bounds = array<i64: 128, 128>}, {pipeline_mode = #tpu.pipeline_mode<synchronous>, transform_indices = @transform_3, window_bounds = array<i64: 1, 128>}, {transform_indices = @transform_4, window_bounds = array<i64: 2000, 128>}]} {
    %get3A = arith.constant 0 : index
    %get3A_0 = arith.constant 0 : index
    %get3A_1 = arith.constant 0 : index
    %get3A_2 = vector.load %arg1[%get3A, %get3A_0, %get3A_1] : memref<2x2000x128xf32, #tpu.memory_space<vmem>>, vector<1x2000x128xf32>
    %get3A_3 = vector.shape_cast %get3A_2 : vector<1x2000x128xf32> to vector<2000x128xf32>
    %get3A_4 = arith.constant 1 : index
    %get3A_5 = arith.constant 0 : index
    %get3A_6 = arith.constant 0 : index
    %get3A_7 = vector.load %arg1[%get3A_4, %get3A_5, %get3A_6] : memref<2x2000x128xf32, #tpu.memory_space<vmem>>, vector<1x2000x128xf32>
    %get3A_8 = vector.shape_cast %get3A_7 : vector<1x2000x128xf32> to vector<2000x128xf32>
    %add3A = arith.addf %get3A_3, %get3A_8 : vector<2000x128xf32>
    %get3A_9 = arith.constant 0 : index
    %get3A_10 = arith.constant 0 : index
    %get3A_11 = vector.load %arg2[%get3A_9, %get3A_10] : memref<2000x128xf32, #tpu.memory_space<vmem>>, vector<2000x128xf32>
    %add3A_12 = arith.addf %add3A, %get3A_11 : vector<2000x128xf32>
    %max3A = arith.constant 0.000000e+00 : f32
    %max3A_13 = vector.broadcast %max3A : f32 to vector<2000x128xf32>
    %max3A_14 = arith.maximumf %add3A_12, %max3A_13 : vector<2000x128xf32>
    %get3A_15 = arith.constant 0 : index
    %get3A_16 = arith.constant 0 : index
    %get3A_17 = vector.load %arg3[%get3A_15, %get3A_16] : memref<128x128xf32, #tpu.memory_space<vmem>>, vector<128x128xf32>
    %dot_general3A = arith.constant dense<0.000000e+00> : vector<2000x128xf32>
    %dot_general3A_18 = tpu.matmul %max3A_14, %get3A_17, %dot_general3A {dimension_numbers = #tpu.dot_dimension_numbers<[1], [0], [0], [1], [0, 0, 1, 1], [], []>, transpose_lhs_hint = false} : vector<2000x128xf32>, vector<128x128xf32>, vector<2000x128xf32> -> vector<2000x128xf32>
    %get3A_19 = arith.constant 0 : index
    %get3A_20 = arith.constant 0 : index
    %get3A_21 = vector.load %arg4[%get3A_19, %get3A_20] : memref<1x128xf32, #tpu.memory_space<vmem>>, vector<1x128xf32>
    %add3A_22 = vector.broadcast %get3A_21 : vector<1x128xf32> to vector<2000x128xf32>
    %add3A_23 = arith.addf %dot_general3A_18, %add3A_22 : vector<2000x128xf32>
    %swap3A = arith.constant 0 : index
    %swap3A_24 = arith.constant 0 : index
    %swap3A_25 = vector.load %arg5[%swap3A, %swap3A_24] : memref<2000x128xf32, #tpu.memory_space<vmem>>, vector<2000x128xf32>
    tpu.vector_store %arg5[%swap3A, %swap3A_24], %add3A_23 {strides = array<i32>} : memref<2000x128xf32, #tpu.memory_space<vmem>>, vector<2000x128xf32>,
    return
  }
  func.func @transform_0(%arg0: i32) -> (i32, i32, i32) {
    %c0_i32 = arith.constant 0 : i32
    %c0_i32_0 = arith.constant 0 : i32
    %c0_i32_1 = arith.constant 0 : i32
    return %c0_i32, %arg0, %c0_i32_0 : i32, i32, i32
  }
  func.func @transform_1(%arg0: i32) -> (i32, i32) {
    %c0_i32 = arith.constant 0 : i32
    %c0_i32_0 = arith.constant 0 : i32
    return %arg0, %c0_i32 : i32, i32
  }
  func.func @transform_2(%arg0: i32) -> (i32, i32) {
    %c0_i32 = arith.constant 0 : i32
    %c0_i32_0 = arith.constant 0 : i32
    %c0_i32_1 = arith.constant 0 : i32
    return %c0_i32, %c0_i32_0 : i32, i32
  }
  func.func @transform_3(%arg0: i32) -> (i32, i32) {
    %c0_i32 = arith.constant 0 : i32
    %c0_i32_0 = arith.constant 0 : i32
    %c0_i32_1 = arith.constant 0 : i32
    return %c0_i32, %c0_i32_0 : i32, i32
  }
  func.func @transform_4(%arg0: i32) -> (i32, i32) {
    %c0_i32 = arith.constant 0 : i32
    %c0_i32_0 = arith.constant 0 : i32
    return %arg0, %c0_i32 : i32, i32
  }
}

</mosaic_0001>

<sc_bundles>
// kernel: kernel.10.cloned.1.call-start
scs
__scs_entry_jumppad:
0x0: {  	(pc) =	sbr.rel $0x88, $3  }
0x1: {  	(tag) =	ssettag $0x0;
	lr =	simm.s32 $0x1  }
0x2: {  	[smem:$0x3F90] =	sst lr;
	_ =	strace $0xD0000000  }
0x3: {  	_ = 	snop  }
0x4: {  	_ = 	snop  }
0x5: {  	_ = 	snop  }
0x6: {  	_ = 	snop  }
0x7: {  	_ = 	snop  }
__scs_overlays_trampoline_lowered:
0x8: {  	[smem:$0x3F9F] =	sst s0  }
0x9: {  	[smem:$0x3FA0] =	sst s1  }
0xa: {  	[smem:$0x3FA1] =	sst s2  }
0xb: {  	[smem:$0x3FA2] =	sst s3  }
0xc: {  	[smem:$0x3FA3] =	sst s4  }
0xd: {  	[smem:$0x3FA4] =	sst s5  }
0xe: {  	[smem:$0x3FA5] =	sst s6  }
0xf: {  	[smem:$0x3FA6] =	sst s7  }
0x10: {  	[smem:$0x3FA7] =	sst s8  }
0x11: {  	[smem:$0x3FA8] =	sst s9;
	s0 =	simm.s32 @!p0 $0x0  }
0x12: {  	s1 =	sld [smem:$0x3F8E];
	s0 =	simm.s32 @p0 $0x1  }
0x13: {  	[smem:$0x3FA9] =	sst s0;
	s0 =	simm.s32 @!p1 $0x0  }
0x14: {  	s2 =	sld [smem:$0x3F8D];
	s0 =	simm.s32 @p1 $0x1  }
0x15: {  	[smem:$0x3FAA] =	sst s0;
	s0 =	simm.s32 @!p2 $0x0  }
0x16: {  	s3 =	sld [smem:$0x3FDB];
	s0 =	simm.s32 @p2 $0x1  }
0x17: {  	s4 =	simm.s32 $0x1BF5;
	[smem:$0x3FAC] =	sst s0  }
0x18: {  	s0 =	sld [smem:$0x3F8F];
	_ =	swait.ge [sflag:s4], $0x0  }
0x19: {  	s7 =	sld [smem:$0x3F90]  }
0x1a: {  	s8 =	sadd.s32 $0xFFFFE003, lr  }
0x1b: {  	s9 =	sadd.s32 $0xFFFFFEF7, lr;
	s5 =	simm.s32 $0xFFFFFFFF;
	p2 =	slt.u32 s8, $0xFFFFF086  }
0x1c: {  	p1 =	slt.u32 s9, $0xF7A;
	s5 =	simm.s32 @!p2 $0x0  }
0x1d: {  	s5 =	simm.s32 @p1 $0x1;
	p0 =	seq.s32 s7, s2  }
0x1e: {  	s7 =	smul.u32 @!p0 $0xF7A, s2;
	p2 =	seq.s32 @!p0 s5, $0x0  }
0x1f: {  	s9 =	smul.u32 $0xF7A, s1;
	s8 =	simm.s32 @!p0 $0x1BF5;
	p2 =	por !p2, p0  }
0x20: {  	[sflag:s8] =	ssyncset.s32 @!p0 $0xFFFFF086;
	s6 =	sadd.s32 @!p0 s3, s7;
	s7 =	simm.s32 @!p0 $0x108  }
0x21: {  	s3 =	sadd.s32 s3, s9;
	s6 =	sadd.s32 @!p0 $0x88, s6;
	s7 =	simm.s32 @p2 $0x1082  }
0x22: {  	[simem:s7], [sflag:s8] =	dma.local @!p0 [hbm:s6], $0xF7A  }
0x23: {  	s9 =	sor.u32 $0xD0000000, s2;
	s6 =	simm.s32 $0x108;
	_ =	swait.ge @!p0 [sflag:s8], $0x0  }
0x24: {  	s3 =	sadd.s32 $0x88, s3;
	s6 =	simm.s32 @!p1 $0x1082;
	[sflag:s4] =	ssyncset.s32 $0xFFFFF086  }
0x25: {  	[simem:s6], [sflag:s4] =	dma.local [hbm:s3], $0xF7A  }
0x26: {  	[smem:$0x3F90] =	sst s1;
	(tag) =	ssettag s2;
	_ =	strace s9  }
0x27: {  	s1 =	sld [smem:$0x3FA0]  }
0x28: {  	s2 =	sld [smem:$0x3FA1]  }
0x29: {  	s4 =	sld [smem:$0x3FA3]  }
0x2a: {  	p0 =	seq.s32 s5, $0x0;
	s5 =	sld [smem:$0x3FA4]  }
0x2b: {  	s6 =	sld [smem:$0x3FA5]  }
0x2c: {  	s7 =	sld [smem:$0x3FA6]  }
0x2d: {  	s3 =	simm.s32 $0x108;
	s8 =	sld [smem:$0x3FA7]  }
0x2e: {  	s3 =	simm.s32 @!p0 $0x1082;
	s9 =	sld [smem:$0x3FA8]  }
0x2f: {  	lr =	sadd.s32 s0, s3;
	s0 =	sld [smem:$0x3F9F]  }
0x30: {  	s3 =	sld [smem:$0x3FA2]  }
0x31: {  	[smem:$0x3FAB] =	sst s10  }
0x32: {  	s10 =	sld [smem:$0x3FA9];
	_ =	sdelay $0x3  }
0x33: {  	p0 =	seq.s32 s10, $0x1;
	s10 =	sld [smem:$0x3FAB];
	_ =	sdelay $0x3  }
0x34: {  	[smem:$0x3FAB] =	sst s10  }
0x35: {  	s10 =	sld [smem:$0x3FAA];
	_ =	sdelay $0x3  }
0x36: {  	p1 =	seq.s32 s10, $0x1;
	s10 =	sld [smem:$0x3FAB];
	_ =	sdelay $0x3  }
0x37: {  	[smem:$0x3FAB] =	sst s10  }
0x38: {  	s10 =	sld [smem:$0x3FAC]  }
0x39: {  	_ = 	snop;
	(pc) =	sbr.ind lr, $3  }
0x3a: {  	_ = 	snop  }
0x3b: {  	_ = 	snop  }
0x3c: {  	p2 =	seq.s32 s10, $0x1;
	s10 =	sld [smem:$0x3FAB]  }
0x3d: {  	_ =	shalt  }
0x3e: {  	_ =	shalt  }
0x3f: {  	_ =	shalt  }
0x40: {  	_ =	shalt  }
0x41: {  	_ =	shalt  }
0x42: {  	_ =	shalt  }
0x43: {  	_ =	shalt  }
0x44: {  	_ =	shalt  }
0x45: {  	_ =	shalt  }
0x46: {  	_ =	shalt  }
0x47: {  	_ =	shalt  }
0x48: {  	_ =	shalt  }
0x49: {  	_ =	shalt  }
0x4a: {  	_ =	shalt  }
0x4b: {  	_ =	shalt  }
0x4c: {  	_ =	shalt  }
0x4d: {  	_ =	shalt  }
0x4e: {  	_ =	shalt  }
0x4f: {  	_ =	shalt  }
0x50: {  	_ =	shalt  }
0x51: {  	_ =	shalt  }
0x52: {  	_ =	shalt  }
0x53: {  	_ =	shalt  }
0x54: {  	_ =	shalt  }
0x55: {  	_ =	shalt  }
0x56: {  	_ =	shalt  }
0x57: {  	_ =	shalt  }
0x58: {  	_ =	shalt  }
0x59: {  	_ =	shalt  }
0x5a: {  	_ =	shalt  }
0x5b: {  	_ =	shalt  }
0x5c: {  	_ =	shalt  }
0x5d: {  	_ =	shalt  }
0x5e: {  	_ =	shalt  }
0x5f: {  	_ =	shalt  }
0x60: {  	_ =	shalt  }
0x61: {  	_ =	shalt  }
0x62: {  	_ =	shalt  }
0x63: {  	_ =	shalt  }
0x64: {  	_ =	shalt  }
0x65: {  	_ =	shalt  }
0x66: {  	_ =	shalt  }
0x67: {  	_ =	shalt  }
0x68: {  	_ =	shalt  }
0x69: {  	_ =	shalt  }
0x6a: {  	_ =	shalt  }
0x6b: {  	_ =	shalt  }
0x6c: {  	_ =	shalt  }
0x6d: {  	_ =	shalt  }
0x6e: {  	_ =	shalt  }
0x6f: {  	_ =	shalt  }
0x70: {  	_ =	shalt  }
0x71: {  	_ =	shalt  }
0x72: {  	_ =	shalt  }
0x73: {  	_ =	shalt  }
0x74: {  	_ =	shalt  }
0x75: {  	_ =	shalt  }
0x76: {  	_ =	shalt  }
0x77: {  	_ =	shalt  }
0x78: {  	_ =	shalt  }
0x79: {  	_ =	shalt  }
0x7a: {  	_ =	shalt  }
0x7b: {  	_ =	shalt  }
0x7c: {  	_ =	shalt  }
0x7d: {  	_ =	shalt  }
0x7e: {  	_ =	shalt  }
0x7f: {  	_ =	shalt  }
0x80: {  	_ =	shalt  }
0x81: {  	_ =	shalt  }
0x82: {  	_ =	shalt  }
0x83: {  	_ =	shalt  }
0x84: {  	_ =	shalt  }
0x85: {  	_ =	shalt  }
0x86: {  	_ =	shalt  }
0x87: {  	_ =	shalt  }
.Lfunc_end0:
.L_simem_size_0:
called_computation.1_lowered:
.L_overlay_start_0:
0x88: {  	s2 =	sld [smem:$0x3FD9]  }
0x89: {  	s3 =	sld [smem:$0x3FFE];
	_ =	sdelay $0x1  }
0x8a: {  	s1 =	srdreg.scid  }
0x8b: {  	s0 =	sand.u32 $0x1, s1  }
0x8c: {  	s17 =	sshll.u32 s0, $0xA;
	s2 =	sadd.s32 s3, s2  }
0x8d: {  	s2 =	sadd.s32 s2, s17  }
0x8e: {  	[smem:$0x3FB7] =	sst s2  }
0x8f: {  	_ = 	snop  }
0x90: {  	s2 =	sld [smem:$0x3FD0];
	(tm) =	ssettm $0x1  }
0x91: {  	s18 =	sld [smem:$0x3FFB];
	_ =	sdelay $0x3  }
0x92: {  	_ =	strace s18  }
0x93: {  	s3 =	sld [smem:$0x3FFC];
	_ =	sdelay $0x3  }
0x94: {  	_ =	strace s3  }
0x95: {  	s3 =	sld [smem:$0x3FFD];
	_ =	sdelay $0x3  }
0x96: {  	_ =	strace s3  }
0x97: {  	_ =	strace $0x8FFFFFFF  }
0x98: {  	s19 =	sld [smem:$0x3FDB];
	_ =	sdelay $0x1  }
0x99: {  	s4 =	simm.s32 $_scs_section_size  }
0x9a: {  	s5 =	simm.s32 $_size__tile_overlayer_lowered;
	s6 =	simm.s32 $_tile_overlayer_lowered  }
0x9b: {  	s22 =	simm.s32 $0x1BFF;
	s21 =	sshll.u32 s6, $0x1;
	s3 =	sadd.s32 s4, s19  }
0x9c: {  	s7 =	simm.s32 $0x0;
	s20 =	sshll.u32 s5, $0x1;
	s5 =	sadd.s32 s21, s3  }
0x9d: {  	[timem:s7], [sflag:s22] =	dma.local [hbm:s5], s20  }
0x9e: {  	_ =	swait.ge [sflag:s22], s20  }
0x9f: {  	s4 =	ssub.s32 $0x0, s20;
	[sflag:s22] =	ssyncset.done $0x0  }
0xa0: {  	[sflag:s22] =	ssyncadd.s32 s4;
	_ =	sdelay $0x1  }
0xa1: {  	s23 =	simm.s32 $0x1B8B  }
0xa2: {  	_ =	swait.ge [sflag:s23], $0x1  }
0xa3: {  	[sflag:s23] =	ssyncset.done $0x0  }
0xa4: {  	s25 =	simm.s32 $0x1B8E;
	s24 =	sld [smem:$0x3FFE];
	[sflag:s23] =	ssyncadd.s32 $0xFFFFFFFF  }
0xa5: {  	s26 =	simm.s32 $execute0_lowered;
	[smem:$0x3FD2] =	sst s25  }
0xa6: {  	s5 =	sshll.u32 s26, $0x1;
	_ =	strace $0x80000049;
	[dreg:$0x1] =	wrdreg $0xFFFFFFFF  }
0xa7: {  	s28 =	simm.s32 $_size_execute0_lowered;
	s3 =	sadd.s32 s3, s5;
	[dreg:$0x0] =	wrdreg $0x0  }
0xa8: {  	s5 =	sshll.u32 s28, $0x1;
	[dreg:$0x2] =	wrdreg s3  }
0xa9: {  	[dreg:$0x3] =	wrdreg s5  }
0xaa: {  	[dreg:$0x4] =	wrdreg $0xC0  }
0xab: {  	_ =	task [dreg:s7], $0x5FFFF  }
0xac: {  	[dreg:$0x1] =	wrdreg $0xFFFFFFFF  }
0xad: {  	[dreg:$0x0] =	wrdreg $0x60  }
0xae: {  	[dreg:$0x2] =	wrdreg s2  }
0xaf: {  	[dreg:$0x3] =	wrdreg s24  }
0xb0: {  	[dreg:$0x4] =	wrdreg $0xAC000  }
0xb1: {  	[dreg:$0x5] =	wrdreg $0x9  }
0xb2: {  	_ =	task.clear_ibuf [dreg:s7], $0x6FFFF;
	_ =	strace $0x90000049  }
0xb3: {  	s29 =	simm.s32 $0x9;
	_ =	strace $0x8000004B  }
0xb4: {  	_ =	swait.ge [sflag:s29], $0x1  }
0xb5: {  	[sflag:s29] =	ssyncadd.s32 $0xFFFFFFFF  }
0xb6: {  	_ =	strace $0x9000004B  }
0xb7: {  	_ =	sfence  }
0xb8: {  	s30 =	sld [smem:$0x0];
	_ =	sdelay $0x2  }
0xb9: {  	s31 =	sshll.u32 s1, $0xD;
	s1 =	sshrl.u32 s1, $0x2  }
0xba: {  	s3 =	sand.u32 $0x4000, s31;
	s1 =	sadd.s32 s1, s30  }
0xbb: {  	s0 =	sor.u32 s3, s0;
	s1 =	sshll.u32 s1, $0x11  }
0xbc: {  	s0 =	sor.u32 s1, s0  }
0xbd: {  	s0 =	sadd.s32 $0x8F2B, s0  }
0xbe: {  	[sflag:s0] =	ssyncadd.remote.s32 $0x1  }
0xbf: {  	_ =	sfence.sel $0xFFFF  }
0xc0: {  	[dreg:$0x0] =	wrdreg $0xFFFFFFFF;
	(pc) =	sbr.abs _section_cstart, $3  }
0xc1: {  	[dreg:$0x1] =	wrdreg $0xFFFFFFFF  }
0xc2: {  	_ =	task.clear_ibuf [dreg:s7], $0x2FFFF;
	_ =	strace $0x9FFFFFFF  }
0xc3: {  	(tm) =	ssettm $0x7FFFFFFF  }
tec
execute0_lowered:
.L_overlay_start_1:
0x0: {  	(tag) =	ssettag $0x1  }
0x1: {  	s0 =	srdreg.scid  }
0x2: {  	s9 =	stileid.u32;
	s2 =	rddreg [dreg:$0x0]  }
0x3: {  	s5 =	rddreg [dreg:$0x1];
	s7 =	smul.u32 $0x14000, s9  }
0x4: {  	s3 =	rddreg [dreg:$0x2];
	s0 =	sand.u32 $0x1, s0;
	s12 =	smul.u32 $0x5000, s9  }
0x5: {  	s4 =	simm.s32 $0x0;
	s1 =	sshll.u32 s9, $0x1;
	s6 =	smul.u32 $0x140000, s0  }
0x6: {  	s1 =	sor.u32 s0, s1;
	s29 =	ssub.s32 $0x2, s0;
	s0 =	smul.u32 $0x2800, s0  }
0x7: {  	[smem:$0x7FF] =	sst s4;
	s1 =	smul.u32 $0x2800, s1  }
0x8: {  	s10 =	sadd.s32 $0x20200, s5;
	s11 =	sadd.s32 $0x2A200, s5;
	_ =	strace $0x8000004A  }
0x9: {  	[dreg:$0xd] =	wrdreg s11;
	s0 =	sadd.s32 s0, s12;
	s1 =	sshrl.u32 s1, $0x3  }
0xa: {  	[dreg:$0xc] =	wrdreg s10;
	s22 =	sor.u32 $0x1A0, s0;
	s10 =	sadd.s32 s10, s1  }
0xb: {  	s24 =	sor.u32 $0x180, s0;
	s23 =	sshrl.u32 s22, $0x3;
	[dreg:$0xe] =	wrdreg s10  }
0xc: {  	s26 =	sor.u32 $0x160, s0;
	s25 =	sshrl.u32 s24, $0x3;
	[dreg:$0x5] =	wrdreg s23  }
0xd: {  	s8 =	sadd.s32 s1, s5;
	s28 =	sshrl.u32 s26, $0x3;
	[dreg:$0x6] =	wrdreg s25  }
0xe: {  	s31 =	smul.u32 $0x50000, s9;
	s8 =	sadd.s32 $0x16200, s8;
	[dreg:$0x7] =	wrdreg s28  }
0xf: {  	s30 =	sshrl.u32 s29, $0x1;
	s11 =	sadd.s32 $0x4, s10;
	[dreg:$0xf] =	wrdreg s8  }
0x10: {  	s6 =	sadd.s32 s7, s6;
	s13 =	sadd.s32 $0x8, s10;
	[dreg:$0x10] =	wrdreg s11  }
0x11: {  	s6 =	sshrl.u32 s6, $0x3;
	s14 =	sadd.s32 $0xC, s10;
	[dreg:$0x11] =	wrdreg s13  }
0x12: {  	s5 =	sadd.s32 s6, s5;
	s15 =	sadd.s32 $0x10, s10;
	[dreg:$0x12] =	wrdreg s14  }
0x13: {  	s6 =	ssub.s32 s29, s30;
	s16 =	sadd.s32 $0x14, s10;
	[dreg:$0x13] =	wrdreg s15  }
0x14: {  	s1 =	sshrl.u32 s31, $0x2;
	s17 =	sadd.s32 $0x18, s10;
	[dreg:$0x14] =	wrdreg s16  }
0x15: {  	s29 =	sor.u32 $0x140, s0;
	s18 =	sadd.s32 $0x1C, s10;
	[dreg:$0x15] =	wrdreg s17  }
0x16: {  	s31 =	sor.u32 $0x120, s0;
	s30 =	sshrl.u32 s29, $0x3;
	[dreg:$0x17] =	wrdreg s18  }
0x17: {  	s20 =	sor.u32 $0x1C0, s0;
	s10 =	sshrl.u32 s31, $0x3;
	[dreg:$0x8] =	wrdreg s30  }
0x18: {  	s11 =	sadd.s32 s1, s3;
	s1 =	sshrl.u32 s20, $0x3;
	[dreg:$0x9] =	wrdreg s10  }
0x19: {  	s17 =	sadd.s32 $0x2A400, s5;
	[dreg:$0x4] =	wrdreg s1  }
0x1a: {  	s18 =	smax.u32 s6, $0x1;
	[dreg:$0x1f] =	wrdreg s17  }
0x1b: {  	[smem:$0x7F1] =	sst s18  }
0x1c: {  	s19 =	sadd.s32 $0x1000, s11;
	[dreg:$0x16] =	wrdreg s11  }
0x1d: {  	s21 =	sadd.s32 $0x2000, s11;
	[dreg:$0x18] =	wrdreg s19  }
0x1e: {  	s9 =	sadd.s32 $0x3000, s11;
	[dreg:$0x19] =	wrdreg s21  }
0x1f: {  	s12 =	sadd.s32 $0x4000, s11;
	[dreg:$0x1a] =	wrdreg s9  }
0x20: {  	s13 =	sor.u32 $0x100, s0;
	s14 =	sadd.s32 $0x5000, s11;
	[dreg:$0x1b] =	wrdreg s12  }
0x21: {  	s1 =	sshrl.u32 s13, $0x3;
	[dreg:$0x1c] =	wrdreg s14  }
0x22: {  	s0 =	sor.u32 $0x1E0, s0;
	s15 =	sadd.s32 $0x6000, s11;
	[dreg:$0xa] =	wrdreg s1  }
0x23: {  	s0 =	sshrl.u32 s0, $0x3;
	[dreg:$0x1d] =	wrdreg s15  }
0x24: {  	s16 =	sadd.s32 $0x7000, s11;
	[dreg:$0xb] =	wrdreg s0  }
0x25: {  	s20 =	sadd.s32 $0x9000, s11;
	[dreg:$0x1e] =	wrdreg s16  }
0x26: {  	s22 =	sadd.s32 $0xB000, s11;
	[smem:$0x7F3] =	sst s20  }
0x27: {  	s23 =	sadd.s32 $0xC000, s11;
	[smem:$0x7F5] =	sst s22  }
0x28: {  	s24 =	sadd.s32 $0xD000, s11;
	[smem:$0x7F6] =	sst s23  }
0x29: {  	s25 =	sadd.s32 $0xE000, s11;
	[smem:$0x7F7] =	sst s24  }
0x2a: {  	s26 =	sadd.s32 $0xF000, s11;
	[smem:$0x7F8] =	sst s25  }
0x2b: {  	s7 =	simm.s32 $0x0;
	s28 =	sadd.s32 $0x10000, s11;
	[smem:$0x7F9] =	sst s26  }
0x2c: {  	s5 =	simm.s32 $0x1A;
	s29 =	sadd.s32 $0x11000, s11;
	[smem:$0x7FA] =	sst s28  }
0x2d: {  	s6 =	simm.s32 $0xF;
	s30 =	sadd.s32 $0x12000, s11;
	[smem:$0x7FB] =	sst s29  }
0x2e: {  	s8 =	simm.s32 $0x7;
	s31 =	sadd.s32 $0x13000, s11;
	[smem:$0x7FC] =	sst s30  }
0x2f: {  	s10 =	simm.s32 $0x8;
	s19 =	sadd.s32 $0x8000, s11;
	[smem:$0x7FD] =	sst s31  }
0x30: {  	s21 =	sadd.s32 $0xA000, s11;
	s0 =	simm.s32 $0x20;
	[smem:$0x7F2] =	sst s19  }
0x31: {  	s9 =	simm.s32 $0x10;
	[smem:$0x7F4] =	sst s21;
	s21 =	simm.s32 $0x6  }
.LBB2_1:
0x32: {  	[smem:$0x7F0] =	sst s7  }
0x33: {  	s1 =	rddreg [dreg:$0xf]  }
0x34: {  	[tilespmem:s4], [sflag:$0x19] =	stream.linear.gather [hbm4b:s1+s4], $0x2800, $0x38;
	[tilespmem:$0x1EC00] =	vst v63  }
0x35: {  	s30 =	rddreg [dreg:$0xe];
	s31 =	simm.s32 $0x2800  }
0x36: {  	[tilespmem:s31], [sflag:$0x1] =	stream.linear.gather [hbm4b:s30+s4], $0x20, $0x38;
	[tilespmem:$0x1EC00] =	vst v63  }
0x37: {  	s7 =	rddreg [dreg:$0x10];
	s12 =	simm.s32 $0x3880  }
0x38: {  	[tilespmem:s12], [sflag:$0x2] =	stream.linear.gather [hbm4b:s7+s4], $0x20, $0x38;
	[tilespmem:$0x1EC00] =	vst v63  }
0x39: {  	s13 =	rddreg [dreg:$0x11];
	s14 =	simm.s32 $0x4900  }
0x3a: {  	[tilespmem:s14], [sflag:$0x3] =	stream.linear.gather [hbm4b:s13+s4], $0x20, $0x38;
	[tilespmem:$0x1EC00] =	vst v63  }
0x3b: {  	s15 =	rddreg [dreg:$0x12];
	s18 =	simm.s32 $0x5980  }
0x3c: {  	[tilespmem:s18], [sflag:$0x4] =	stream.linear.gather [hbm4b:s15+s4], $0x20, $0x38;
	[tilespmem:$0x1EC00] =	vst v63  }
0x3d: {  	s19 =	rddreg [dreg:$0x13];
	s20 =	simm.s32 $0x6A00  }
0x3e: {  	[tilespmem:s20], [sflag:$0x5] =	stream.linear.gather [hbm4b:s19+s4], $0x20, $0x38;
	[tilespmem:$0x1EC00] =	vst v63  }
0x3f: {  	s22 =	rddreg [dreg:$0x14];
	s23 =	simm.s32 $0x7A80  }
0x40: {  	[tilespmem:s23], [sflag:$0x6] =	stream.linear.gather [hbm4b:s22+s4], $0x20, $0x38;
	[tilespmem:$0x1EC00] =	vst v63  }
0x41: {  	s24 =	rddreg [dreg:$0x15];
	s25 =	simm.s32 $0x8B00  }
0x42: {  	[tilespmem:s25], [sflag:$0x7] =	stream.linear.gather [hbm4b:s24+s4], $0x20, $0x38;
	[tilespmem:$0x1EC00] =	vst v63  }
0x43: {  	s26 =	rddreg [dreg:$0x17];
	s28 =	simm.s32 $0x9B80  }
0x44: {  	[tilespmem:s28], [sflag:$0x8] =	stream.linear.gather [hbm4b:s26+s4], $0x20, $0x38;
	[tilespmem:$0x1EC00] =	vst v63  }
0x45: {  	s29 =	rddreg [dreg:$0xd];
	s22 =	simm.s32 $0x2880  }
0x46: {  	[tilespmem:s22], [sflag:$0x1A] =	stream.linear.gather [hbm4b:s29+s4], $0x1000, $0x38;
	[tilespmem:$0x1EC00] =	vst v63  }
0x47: {  	_ =	swait.ge [sflag:s5], $0x1000  }
0x48: {  	[sflag:s5] =	ssyncset.done $0x0  }
0x49: {  	[sflag:s5] =	ssyncadd.s32 $0xFFFFF000  }
0x4a: {  	[spmem:s11] =	stream.linear.scatter [tilespmem:s22], [sflag:$0x11], $0x1000, $0x38;
	[tilespmem:$0x1EC00] =	vst v63  }
0x4b: {  	s31 =	rddreg [dreg:$0x18]  }
0x4c: {  	[spmem:s31] =	stream.linear.scatter [tilespmem:s22], [sflag:$0x12], $0x1000, $0x38;
	[tilespmem:$0x1EC00] =	vst v63  }
0x4d: {  	s5 =	rddreg [dreg:$0x19]  }
0x4e: {  	[spmem:s5] =	stream.linear.scatter [tilespmem:s22], [sflag:$0x13], $0x1000, $0x38;
	[tilespmem:$0x1EC00] =	vst v63  }
0x4f: {  	s7 =	rddreg [dreg:$0x1a]  }
0x50: {  	[spmem:s7] =	stream.linear.scatter [tilespmem:s22], [sflag:$0x14], $0x1000, $0x38;
	[tilespmem:$0x1EC00] =	vst v63  }
0x51: {  	s11 =	rddreg [dreg:$0x1b]  }
0x52: {  	[spmem:s11] =	stream.linear.scatter [tilespmem:s22], [sflag:$0x15], $0x1000, $0x38;
	[tilespmem:$0x1EC00] =	vst v63  }
0x53: {  	s12 =	rddreg [dreg:$0x1c]  }
0x54: {  	[spmem:s12] =	stream.linear.scatter [tilespmem:s22], [sflag:$0x16], $0x1000, $0x38;
	[tilespmem:$0x1EC00] =	vst v63  }
0x55: {  	s13 =	rddreg [dreg:$0x1d]  }
0x56: {  	[spmem:s13] =	stream.linear.scatter [tilespmem:s22], [sflag:$0x17], $0x1000, $0x38;
	[tilespmem:$0x1EC00] =	vst v63  }
0x57: {  	s14 =	rddreg [dreg:$0x1e];
	s5 =	simm.s32 $0x11  }
0x58: {  	[spmem:s14] =	stream.linear.scatter [tilespmem:s22], [sflag:$0x18], $0x1000, $0x38;
	[tilespmem:$0x1EC00] =	vst v63  }
0x59: {  	_ =	swait.ge [sflag:s5], $0x1000  }
0x5a: {  	s15 =	sld [smem:$0x7F2]  }
0x5b: {  	[sflag:s5] =	ssyncset.done $0x0  }
0x5c: {  	s11 =	simm.s32 $0x12;
	[sflag:s5] =	ssyncadd.s32 $0xFFFFF000  }
0x5d: {  	[spmem:s15] =	stream.linear.scatter [tilespmem:s22], [sflag:$0x11], $0x1000, $0x38;
	[tilespmem:$0x1EC00] =	vst v63  }
0x5e: {  	_ =	swait.ge [sflag:s11], $0x1000  }
0x5f: {  	s18 =	sld [smem:$0x7F3]  }
0x60: {  	[sflag:s11] =	ssyncset.done $0x0  }
0x61: {  	s12 =	simm.s32 $0x13;
	[sflag:s11] =	ssyncadd.s32 $0xFFFFF000  }
0x62: {  	[spmem:s18] =	stream.linear.scatter [tilespmem:s22], [sflag:$0x12], $0x1000, $0x38;
	[tilespmem:$0x1EC00] =	vst v63  }
0x63: {  	_ =	swait.ge [sflag:s12], $0x1000  }
0x64: {  	s19 =	sld [smem:$0x7F4]  }
0x65: {  	[sflag:s12] =	ssyncset.done $0x0  }
0x66: {  	s31 =	simm.s32 $0x14;
	[sflag:s12] =	ssyncadd.s32 $0xFFFFF000  }
0x67: {  	[spmem:s19] =	stream.linear.scatter [tilespmem:s22], [sflag:$0x13], $0x1000, $0x38;
	[tilespmem:$0x1EC00] =	vst v63  }
0x68: {  	_ =	swait.ge [sflag:s31], $0x1000  }
0x69: {  	s20 =	sld [smem:$0x7F5]  }
0x6a: {  	[sflag:s31] =	ssyncset.done $0x0  }
0x6b: {  	s15 =	simm.s32 $0x15;
	[sflag:s31] =	ssyncadd.s32 $0xFFFFF000  }
0x6c: {  	[spmem:s20] =	stream.linear.scatter [tilespmem:s22], [sflag:$0x14], $0x1000, $0x38;
	[tilespmem:$0x1EC00] =	vst v63  }
0x6d: {  	_ =	swait.ge [sflag:s15], $0x1000  }
0x6e: {  	s23 =	sld [smem:$0x7F6]  }
0x6f: {  	[sflag:s15] =	ssyncset.done $0x0  }
0x70: {  	[sflag:s15] =	ssyncadd.s32 $0xFFFFF000  }
0x71: {  	[spmem:s23] =	stream.linear.scatter [tilespmem:s22], [sflag:$0x15], $0x1000, $0x38;
	[tilespmem:$0x1EC00] =	vst v63  }
0x72: {  	s23 =	simm.s32 $0x16  }
0x73: {  	_ =	swait.ge [sflag:s23], $0x1000  }
0x74: {  	s24 =	sld [smem:$0x7F7]  }
0x75: {  	[sflag:s23] =	ssyncset.done $0x0  }
0x76: {  	[sflag:s23] =	ssyncadd.s32 $0xFFFFF000  }
0x77: {  	[spmem:s24] =	stream.linear.scatter [tilespmem:s22], [sflag:$0x16], $0x1000, $0x38;
	[tilespmem:$0x1EC00] =	vst v63  }
0x78: {  	s24 =	simm.s32 $0x17  }
0x79: {  	_ =	swait.ge [sflag:s24], $0x1000  }
0x7a: {  	s25 =	sld [smem:$0x7F8]  }
0x7b: {  	[sflag:s24] =	ssyncset.done $0x0  }
0x7c: {  	[sflag:s24] =	ssyncadd.s32 $0xFFFFF000  }
0x7d: {  	[spmem:s25] =	stream.linear.scatter [tilespmem:s22], [sflag:$0x17], $0x1000, $0x38;
	[tilespmem:$0x1EC00] =	vst v63  }
0x7e: {  	s25 =	simm.s32 $0x18  }
0x7f: {  	_ =	swait.ge [sflag:s25], $0x1000  }
0x80: {  	s26 =	sld [smem:$0x7F9]  }
0x81: {  	[sflag:s25] =	ssyncset.done $0x0  }
0x82: {  	[sflag:s25] =	ssyncadd.s32 $0xFFFFF000  }
0x83: {  	[spmem:s26] =	stream.linear.scatter [tilespmem:s22], [sflag:$0x18], $0x1000, $0x38;
	[tilespmem:$0x1EC00] =	vst v63  }
0x84: {  	_ =	swait.ge [sflag:s5], $0x1000  }
0x85: {  	s28 =	sld [smem:$0x7FA]  }
0x86: {  	[sflag:s5] =	ssyncset.done $0x0  }
0x87: {  	[sflag:s5] =	ssyncadd.s32 $0xFFFFF000  }
0x88: {  	[spmem:s28] =	stream.linear.scatter [tilespmem:s22], [sflag:$0x11], $0x1000, $0x38;
	[tilespmem:$0x1EC00] =	vst v63  }
0x89: {  	_ =	swait.ge [sflag:s11], $0x1000  }
0x8a: {  	s29 =	sld [smem:$0x7FB]  }
0x8b: {  	[sflag:s11] =	ssyncset.done $0x0  }
0x8c: {  	[sflag:s11] =	ssyncadd.s32 $0xFFFFF000  }
0x8d: {  	[spmem:s29] =	stream.linear.scatter [tilespmem:s22], [sflag:$0x12], $0x1000, $0x38;
	[tilespmem:$0x1EC00] =	vst v63  }
0x8e: {  	_ =	swait.ge [sflag:s12], $0x1000  }
0x8f: {  	s7 =	sld [smem:$0x7FC]  }
0x90: {  	[sflag:s12] =	ssyncset.done $0x0  }
0x91: {  	[sflag:s12] =	ssyncadd.s32 $0xFFFFF000  }
0x92: {  	[spmem:s7] =	stream.linear.scatter [tilespmem:s22], [sflag:$0x13], $0x1000, $0x38;
	[tilespmem:$0x1EC00] =	vst v63  }
0x93: {  	_ =	swait.ge [sflag:s31], $0x1000  }
0x94: {  	s13 =	sld [smem:$0x7FD]  }
0x95: {  	[sflag:s31] =	ssyncset.done $0x0  }
0x96: {  	[sflag:s31] =	ssyncadd.s32 $0xFFFFF000  }
0x97: {  	[spmem:s13] =	stream.linear.scatter [tilespmem:s22], [sflag:$0x14], $0x1000, $0x38;
	[tilespmem:$0x1EC00] =	vst v63  }
0x98: {  	_ =	swait.ge [sflag:s5], $0x1000  }
0x99: {  	[sflag:s5] =	ssyncset.done $0x0  }
0x9a: {  	[sflag:s5] =	ssyncadd.s32 $0xFFFFF000  }
0x9b: {  	_ =	swait.ge [sflag:s11], $0x1000  }
0x9c: {  	[sflag:s11] =	ssyncset.done $0x0  }
0x9d: {  	[sflag:s11] =	ssyncadd.s32 $0xFFFFF000  }
0x9e: {  	_ =	swait.ge [sflag:s12], $0x1000  }
0x9f: {  	[sflag:s12] =	ssyncset.done $0x0  }
0xa0: {  	[sflag:s12] =	ssyncadd.s32 $0xFFFFF000  }
0xa1: {  	_ =	swait.ge [sflag:s31], $0x1000  }
0xa2: {  	[sflag:s31] =	ssyncset.done $0x0  }
0xa3: {  	[sflag:s31] =	ssyncadd.s32 $0xFFFFF000  }
0xa4: {  	_ =	swait.ge [sflag:s15], $0x1000  }
0xa5: {  	[sflag:s15] =	ssyncset.done $0x0  }
0xa6: {  	[sflag:s15] =	ssyncadd.s32 $0xFFFFF000  }
0xa7: {  	_ =	swait.ge [sflag:s23], $0x1000  }
0xa8: {  	[sflag:s23] =	ssyncset.done $0x0  }
0xa9: {  	[sflag:s23] =	ssyncadd.s32 $0xFFFFF000  }
0xaa: {  	_ =	swait.ge [sflag:s24], $0x1000  }
0xab: {  	[sflag:s24] =	ssyncset.done $0x0  }
0xac: {  	[sflag:s24] =	ssyncadd.s32 $0xFFFFF000  }
0xad: {  	_ =	swait.ge [sflag:s25], $0x1000  }
0xae: {  	[sflag:s25] =	ssyncset.done $0x0  }
0xaf: {  	[sflag:s25] =	ssyncadd.s32 $0xFFFFF000  }
0xb0: {  	s14 =	simm.s32 $0x19;
	[bflag:$0x0] =	sbarrier.arrive $0xFFFF  }
0xb1: {  	_ =	swait.ge [sflag:s14], $0x2800  }
0xb2: {  	[sflag:s14] =	ssyncset.done $0x0  }
0xb3: {  	[sflag:s14] =	ssyncadd.s32 $0xFFFFD800  }
0xb4: {  	[tilespmem:s22], [sflag:$0x9] =	stream.indirect.gather [hbm4b:s2+s0], $0x80, s4, s0, $0xb8;
	[tilespmem:$0x1EC00] =	vst v63  }
0xb5: {  	s13 =	simm.s32 $0x3900  }
0xb6: {  	[tilespmem:s13], [sflag:$0xA] =	stream.indirect.gather [hbm4b:s2+s0], $0x80, s0, s0, $0xb8;
	[tilespmem:$0x1EC00] =	vst v63  }
0xb7: {  	s18 =	simm.s32 $0x40;
	s14 =	simm.s32 $0x4980  }
0xb8: {  	[tilespmem:s14], [sflag:$0xB] =	stream.indirect.gather [hbm4b:s2+s0], $0x80, s18, s0, $0xb8;
	[tilespmem:$0x1EC00] =	vst v63  }
0xb9: {  	s19 =	simm.s32 $0x60;
	s18 =	simm.s32 $0x5A00  }
0xba: {  	[tilespmem:s18], [sflag:$0xC] =	stream.indirect.gather [hbm4b:s2+s0], $0x80, s19, s0, $0xb8;
	[tilespmem:$0x1EC00] =	vst v63  }
0xbb: {  	s20 =	simm.s32 $0x80;
	s19 =	simm.s32 $0x6A80  }
0xbc: {  	[tilespmem:s19], [sflag:$0xD] =	stream.indirect.gather [hbm4b:s2+s0], $0x80, s20, s0, $0xb8;
	[tilespmem:$0x1EC00] =	vst v63  }
0xbd: {  	s26 =	simm.s32 $0xA0;
	s20 =	simm.s32 $0x7B00  }
0xbe: {  	[tilespmem:s20], [sflag:$0xE] =	stream.indirect.gather [hbm4b:s2+s0], $0x80, s26, s0, $0xb8;
	[tilespmem:$0x1EC00] =	vst v63  }
0xbf: {  	s28 =	simm.s32 $0xC0;
	s26 =	simm.s32 $0x8B80  }
0xc0: {  	[tilespmem:s26], [sflag:$0xF] =	stream.indirect.gather [hbm4b:s2+s0], $0x80, s28, s0, $0xb8;
	[tilespmem:$0x1EC00] =	vst v63  }
0xc1: {  	s29 =	simm.s32 $0xE0;
	s7 =	simm.s32 $0x9C00;
	s28 =	simm.s32 $0x9  }
0xc2: {  	[tilespmem:s7], [sflag:$0x10] =	stream.indirect.gather [hbm4b:s2+s0], $0x80, s29, s0, $0xb8;
	[tilespmem:$0x1EC00] =	vst v63  }
0xc3: {  	_ =	swait.ge [sflag:s28], $0x1000  }
0xc4: {  	[sflag:s28] =	ssyncset.done $0x0  }
0xc5: {  	s29 =	simm.s32 $0x1;
	[sflag:s28] =	ssyncadd.s32 $0xFFFFF000  }
0xc6: {  	_ =	swait.ge [sflag:s29], $0x20  }
0xc7: {  	[sflag:s29] =	ssyncset.done $0x0  }
0xc8: {  	s16 =	simm.s32 $0x2800;
	[sflag:s29] =	ssyncadd.s32 $0xFFFFFFE0  }
0xc9: {  	[spmem:s3] =	stream.indirect.scatter.add.f32 [tilespmem:s22], [sflag:$0x11], $0x80, s16, s0, $0xb8;
	[tilespmem:$0x1EC00] =	vst v63  }
0xca: {  	s16 =	simm.s32 $0xA  }
0xcb: {  	_ =	swait.ge [sflag:s16], $0x1000  }
0xcc: {  	[sflag:s16] =	ssyncset.done $0x0  }
0xcd: {  	s29 =	simm.s32 $0x2;
	[sflag:s16] =	ssyncadd.s32 $0xFFFFF000  }
0xce: {  	_ =	swait.ge [sflag:s29], $0x20  }
0xcf: {  	[sflag:s29] =	ssyncset.done $0x0  }
0xd0: {  	s17 =	simm.s32 $0x3880;
	s16 =	simm.s32 $0xB;
	[sflag:s29] =	ssyncadd.s32 $0xFFFFFFE0  }
0xd1: {  	[spmem:s3] =	stream.indirect.scatter.add.f32 [tilespmem:s13], [sflag:$0x12], $0x80, s17, s0, $0xb8;
	[tilespmem:$0x1EC00] =	vst v63  }
0xd2: {  	_ =	swait.ge [sflag:s16], $0x1000  }
0xd3: {  	[sflag:s16] =	ssyncset.done $0x0  }
0xd4: {  	s17 =	simm.s32 $0x3;
	[sflag:s16] =	ssyncadd.s32 $0xFFFFF000  }
0xd5: {  	_ =	swait.ge [sflag:s17], $0x20  }
0xd6: {  	[sflag:s17] =	ssyncset.done $0x0  }
0xd7: {  	s30 =	simm.s32 $0x4900;
	s16 =	simm.s32 $0xC;
	[sflag:s17] =	ssyncadd.s32 $0xFFFFFFE0  }
0xd8: {  	[spmem:s3] =	stream.indirect.scatter.add.f32 [tilespmem:s14], [sflag:$0x13], $0x80, s30, s0, $0xb8;
	[tilespmem:$0x1EC00] =	vst v63  }
0xd9: {  	_ =	swait.ge [sflag:s16], $0x1000  }
0xda: {  	[sflag:s16] =	ssyncset.done $0x0  }
0xdb: {  	s17 =	simm.s32 $0x4;
	[sflag:s16] =	ssyncadd.s32 $0xFFFFF000  }
0xdc: {  	_ =	swait.ge [sflag:s17], $0x20  }
0xdd: {  	[sflag:s17] =	ssyncset.done $0x0  }
0xde: {  	s16 =	simm.s32 $0x5980;
	[sflag:s17] =	ssyncadd.s32 $0xFFFFFFE0;
	s17 =	simm.s32 $0xD  }
0xdf: {  	[spmem:s3] =	stream.indirect.scatter.add.f32 [tilespmem:s18], [sflag:$0x14], $0x80, s16, s0, $0xb8;
	[tilespmem:$0x1EC00] =	vst v63  }
0xe0: {  	_ =	swait.ge [sflag:s17], $0x1000  }
0xe1: {  	[sflag:s17] =	ssyncset.done $0x0  }
0xe2: {  	s16 =	simm.s32 $0x5;
	[sflag:s17] =	ssyncadd.s32 $0xFFFFF000  }
0xe3: {  	_ =	swait.ge [sflag:s16], $0x20  }
0xe4: {  	[sflag:s16] =	ssyncset.done $0x0  }
0xe5: {  	s17 =	simm.s32 $0x6A00;
	[sflag:s16] =	ssyncadd.s32 $0xFFFFFFE0;
	s16 =	simm.s32 $0xE  }
0xe6: {  	[spmem:s3] =	stream.indirect.scatter.add.f32 [tilespmem:s19], [sflag:$0x15], $0x80, s17, s0, $0xb8;
	[tilespmem:$0x1EC00] =	vst v63  }
0xe7: {  	_ =	swait.ge [sflag:s16], $0x1000  }
0xe8: {  	[sflag:s16] =	ssyncset.done $0x0  }
0xe9: {  	[sflag:s16] =	ssyncadd.s32 $0xFFFFF000  }
0xea: {  	_ =	swait.ge [sflag:s21], $0x20  }
0xeb: {  	[sflag:s21] =	ssyncset.done $0x0  }
0xec: {  	s17 =	simm.s32 $0x7A80;
	[sflag:s21] =	ssyncadd.s32 $0xFFFFFFE0  }
0xed: {  	[spmem:s3] =	stream.indirect.scatter.add.f32 [tilespmem:s20], [sflag:$0x16], $0x80, s17, s0, $0xb8;
	[tilespmem:$0x1EC00] =	vst v63  }
0xee: {  	_ =	swait.ge [sflag:s6], $0x1000  }
0xef: {  	[sflag:s6] =	ssyncset.done $0x0  }
0xf0: {  	[sflag:s6] =	ssyncadd.s32 $0xFFFFF000  }
0xf1: {  	_ =	swait.ge [sflag:s8], $0x20  }
0xf2: {  	[sflag:s8] =	ssyncset.done $0x0  }
0xf3: {  	s16 =	simm.s32 $0x8B00;
	[sflag:s8] =	ssyncadd.s32 $0xFFFFFFE0  }
0xf4: {  	[spmem:s3] =	stream.indirect.scatter.add.f32 [tilespmem:s26], [sflag:$0x17], $0x80, s16, s0, $0xb8;
	[tilespmem:$0x1EC00] =	vst v63  }
0xf5: {  	_ =	swait.ge [sflag:s9], $0x1000  }
0xf6: {  	[sflag:s9] =	ssyncset.done $0x0  }
0xf7: {  	[sflag:s9] =	ssyncadd.s32 $0xFFFFF000  }
0xf8: {  	_ =	swait.ge [sflag:s10], $0x20  }
0xf9: {  	[sflag:s10] =	ssyncset.done $0x0  }
0xfa: {  	s17 =	simm.s32 $0x9B80;
	[sflag:s10] =	ssyncadd.s32 $0xFFFFFFE0  }
0xfb: {  	[spmem:s3] =	stream.indirect.scatter.add.f32 [tilespmem:s7], [sflag:$0x18], $0x80, s17, s0, $0xb8;
	[tilespmem:$0x1EC00] =	vst v63  }
0xfc: {  	_ =	swait.ge [sflag:s5], $0x1000  }
0xfd: {  	s1 =	rddreg [dreg:$0xa]  }
0xfe: {  	[sflag:s5] =	ssyncset.done $0x0;
	s7 =	rddreg [dreg:$0xc]  }
0xff: {  	s28 =	simm.s32 $0x2800;
	[sflag:s5] =	ssyncadd.s32 $0xFFFFF000;
	s1 =	sadd.s32 s7, s1  }
0x100: {  	[tilespmem:s28], [sflag:$0x1] =	stream.linear.gather [hbm4b:s1+s4], $0x20, $0x38;
	[tilespmem:$0x1EC00] =	vst v63  }
0x101: {  	s5 =	simm.s32 $0x100  }
0x102: {  	[tilespmem:s22], [sflag:$0x9] =	stream.indirect.gather [hbm4b:s2+s0], $0x80, s5, s0, $0xb8;
	[tilespmem:$0x1EC00] =	vst v63  }
0x103: {  	_ =	swait.ge [sflag:s11], $0x1000  }
0x104: {  	s22 =	rddreg [dreg:$0x9];
	[sflag:s11] =	ssyncset.done $0x0  }
0x105: {  	s29 =	simm.s32 $0x3880;
	[sflag:s11] =	ssyncadd.s32 $0xFFFFF000;
	s1 =	sadd.s32 s7, s22  }
0x106: {  	[tilespmem:s29], [sflag:$0x2] =	stream.linear.gather [hbm4b:s1+s4], $0x20, $0x38;
	[tilespmem:$0x1EC00] =	vst v63  }
0x107: {  	s28 =	simm.s32 $0x120  }
0x108: {  	[tilespmem:s13], [sflag:$0xA] =	stream.indirect.gather [hbm4b:s2+s0], $0x80, s28, s0, $0xb8;
	[tilespmem:$0x1EC00] =	vst v63  }
0x109: {  	_ =	swait.ge [sflag:s12], $0x1000  }
0x10a: {  	s29 =	rddreg [dreg:$0x8];
	[sflag:s12] =	ssyncset.done $0x0  }
0x10b: {  	s30 =	simm.s32 $0x4900;
	[sflag:s12] =	ssyncadd.s32 $0xFFFFF000;
	s1 =	sadd.s32 s7, s29  }
0x10c: {  	[tilespmem:s30], [sflag:$0x3] =	stream.linear.gather [hbm4b:s1+s4], $0x20, $0x38;
	[tilespmem:$0x1EC00] =	vst v63  }
0x10d: {  	s5 =	simm.s32 $0x140  }
0x10e: {  	[tilespmem:s14], [sflag:$0xB] =	stream.indirect.gather [hbm4b:s2+s0], $0x80, s5, s0, $0xb8;
	[tilespmem:$0x1EC00] =	vst v63  }
0x10f: {  	_ =	swait.ge [sflag:s31], $0x1000  }
0x110: {  	s11 =	rddreg [dreg:$0x7];
	[sflag:s31] =	ssyncset.done $0x0  }
0x111: {  	s12 =	simm.s32 $0x5980;
	[sflag:s31] =	ssyncadd.s32 $0xFFFFF000;
	s1 =	sadd.s32 s7, s11  }
0x112: {  	[tilespmem:s12], [sflag:$0x4] =	stream.linear.gather [hbm4b:s1+s4], $0x20, $0x38;
	[tilespmem:$0x1EC00] =	vst v63  }
0x113: {  	s13 =	simm.s32 $0x160  }
0x114: {  	[tilespmem:s18], [sflag:$0xC] =	stream.indirect.gather [hbm4b:s2+s0], $0x80, s13, s0, $0xb8;
	[tilespmem:$0x1EC00] =	vst v63  }
0x115: {  	_ =	swait.ge [sflag:s15], $0x1000  }
0x116: {  	s14 =	rddreg [dreg:$0x6];
	[sflag:s15] =	ssyncset.done $0x0  }
0x117: {  	[sflag:s15] =	ssyncadd.s32 $0xFFFFF000;
	s1 =	sadd.s32 s7, s14;
	s15 =	simm.s32 $0x6A00  }
0x118: {  	[tilespmem:s15], [sflag:$0x5] =	stream.linear.gather [hbm4b:s1+s4], $0x20, $0x38;
	[tilespmem:$0x1EC00] =	vst v63  }
0x119: {  	s18 =	simm.s32 $0x180  }
0x11a: {  	[tilespmem:s19], [sflag:$0xD] =	stream.indirect.gather [hbm4b:s2+s0], $0x80, s18, s0, $0xb8;
	[tilespmem:$0x1EC00] =	vst v63  }
0x11b: {  	_ =	swait.ge [sflag:s23], $0x1000  }
0x11c: {  	s22 =	rddreg [dreg:$0x5];
	[sflag:s23] =	ssyncset.done $0x0  }
0x11d: {  	[sflag:s23] =	ssyncadd.s32 $0xFFFFF000;
	s1 =	sadd.s32 s7, s22;
	s23 =	simm.s32 $0x7A80  }
0x11e: {  	[tilespmem:s23], [sflag:$0x6] =	stream.linear.gather [hbm4b:s1+s4], $0x20, $0x38;
	[tilespmem:$0x1EC00] =	vst v63  }
0x11f: {  	s28 =	simm.s32 $0x1A0  }
0x120: {  	[tilespmem:s20], [sflag:$0xE] =	stream.indirect.gather [hbm4b:s2+s0], $0x80, s28, s0, $0xb8;
	[tilespmem:$0x1EC00] =	vst v63  }
0x121: {  	_ =	swait.ge [sflag:s24], $0x1000  }
0x122: {  	s29 =	rddreg [dreg:$0x4];
	[sflag:s24] =	ssyncset.done $0x0  }
0x123: {  	[sflag:s24] =	ssyncadd.s32 $0xFFFFF000;
	s1 =	sadd.s32 s7, s29  }
0x124: {  	[tilespmem:s16], [sflag:$0x7] =	stream.linear.gather [hbm4b:s1+s4], $0x20, $0x38;
	[tilespmem:$0x1EC00] =	vst v63  }
0x125: {  	s30 =	simm.s32 $0x1C0  }
0x126: {  	[tilespmem:s26], [sflag:$0xF] =	stream.indirect.gather [hbm4b:s2+s0], $0x80, s30, s0, $0xb8;
	[tilespmem:$0x1EC00] =	vst v63  }
0x127: {  	_ =	swait.ge [sflag:s25], $0x1000  }
0x128: {  	s31 =	rddreg [dreg:$0xb];
	[sflag:s25] =	ssyncset.done $0x0  }
0x129: {  	[sflag:s25] =	ssyncadd.s32 $0xFFFFF000;
	s1 =	sadd.s32 s7, s31  }
0x12a: {  	[tilespmem:s17], [sflag:$0x8] =	stream.linear.gather [hbm4b:s1+s4], $0x20, $0x38;
	[tilespmem:$0x1EC00] =	vst v63  }
0x12b: {  	s11 =	simm.s32 $0x400;
	s7 =	sadd.s32 $0x20, s7;
	s1 =	simm.s32 $0x1E0  }
.LBB2_2:
0x12c: {  	s5 =	simm.s32 $0x9C00;
	s12 =	simm.s32 $0x9  }
0x12d: {  	[tilespmem:s5], [sflag:$0x10] =	stream.indirect.gather [hbm4b:s2+s0], $0x80, s1, s0, $0xb8;
	[tilespmem:$0x1EC00] =	vst v63  }
0x12e: {  	_ =	swait.ge [sflag:s12], $0x1000  }
0x12f: {  	[sflag:s12] =	ssyncset.done $0x0  }
0x130: {  	s15 =	simm.s32 $0x1;
	[sflag:s12] =	ssyncadd.s32 $0xFFFFF000  }
0x131: {  	_ =	swait.ge [sflag:s15], $0x20  }
0x132: {  	s25 =	simm.s32 $0x2800;
	[sflag:s15] =	ssyncset.done $0x0  }
0x133: {  	s13 =	simm.s32 $0xA;
	s12 =	simm.s32 $0x2880;
	[sflag:s15] =	ssyncadd.s32 $0xFFFFFFE0  }
0x134: {  	[spmem:s3] =	stream.indirect.scatter.add.f32 [tilespmem:s12], [sflag:$0x11], $0x80, s25, s0, $0xb8;
	[tilespmem:$0x1EC00] =	vst v63  }
0x135: {  	_ =	swait.ge [sflag:s13], $0x1000  }
0x136: {  	[sflag:s13] =	ssyncset.done $0x0  }
0x137: {  	s16 =	simm.s32 $0x2;
	[sflag:s13] =	ssyncadd.s32 $0xFFFFF000  }
0x138: {  	_ =	swait.ge [sflag:s16], $0x20  }
0x139: {  	s26 =	simm.s32 $0x3880;
	[sflag:s16] =	ssyncset.done $0x0  }
0x13a: {  	s14 =	simm.s32 $0xB;
	s13 =	simm.s32 $0x3900;
	[sflag:s16] =	ssyncadd.s32 $0xFFFFFFE0  }
0x13b: {  	[spmem:s3] =	stream.indirect.scatter.add.f32 [tilespmem:s13], [sflag:$0x12], $0x80, s26, s0, $0xb8;
	[tilespmem:$0x1EC00] =	vst v63  }
0x13c: {  	_ =	swait.ge [sflag:s14], $0x1000  }
0x13d: {  	[sflag:s14] =	ssyncset.done $0x0  }
0x13e: {  	s17 =	simm.s32 $0x3;
	[sflag:s14] =	ssyncadd.s32 $0xFFFFF000  }
0x13f: {  	_ =	swait.ge [sflag:s17], $0x20  }
0x140: {  	s28 =	simm.s32 $0x4900;
	[sflag:s17] =	ssyncset.done $0x0  }
0x141: {  	s18 =	simm.s32 $0xC;
	s16 =	simm.s32 $0x4980;
	[sflag:s17] =	ssyncadd.s32 $0xFFFFFFE0  }
0x142: {  	[spmem:s3] =	stream.indirect.scatter.add.f32 [tilespmem:s16], [sflag:$0x13], $0x80, s28, s0, $0xb8;
	[tilespmem:$0x1EC00] =	vst v63  }
0x143: {  	_ =	swait.ge [sflag:s18], $0x1000  }
0x144: {  	[sflag:s18] =	ssyncset.done $0x0  }
0x145: {  	s19 =	simm.s32 $0x4;
	[sflag:s18] =	ssyncadd.s32 $0xFFFFF000  }
0x146: {  	_ =	swait.ge [sflag:s19], $0x20  }
0x147: {  	s29 =	simm.s32 $0x5980;
	[sflag:s19] =	ssyncset.done $0x0  }
0x148: {  	s20 =	simm.s32 $0xD;
	s17 =	simm.s32 $0x5A00;
	[sflag:s19] =	ssyncadd.s32 $0xFFFFFFE0  }
0x149: {  	[spmem:s3] =	stream.indirect.scatter.add.f32 [tilespmem:s17], [sflag:$0x14], $0x80, s29, s0, $0xb8;
	[tilespmem:$0x1EC00] =	vst v63  }
0x14a: {  	_ =	swait.ge [sflag:s20], $0x1000  }
0x14b: {  	[sflag:s20] =	ssyncset.done $0x0  }
0x14c: {  	s22 =	simm.s32 $0x5;
	[sflag:s20] =	ssyncadd.s32 $0xFFFFF000  }
0x14d: {  	_ =	swait.ge [sflag:s22], $0x20  }
0x14e: {  	s30 =	simm.s32 $0x6A00;
	[sflag:s22] =	ssyncset.done $0x0  }
0x14f: {  	s23 =	simm.s32 $0xE;
	s18 =	simm.s32 $0x6A80;
	[sflag:s22] =	ssyncadd.s32 $0xFFFFFFE0  }
0x150: {  	[spmem:s3] =	stream.indirect.scatter.add.f32 [tilespmem:s18], [sflag:$0x15], $0x80, s30, s0, $0xb8;
	[tilespmem:$0x1EC00] =	vst v63  }
0x151: {  	_ =	swait.ge [sflag:s23], $0x1000  }
0x152: {  	[sflag:s23] =	ssyncset.done $0x0  }
0x153: {  	[sflag:s23] =	ssyncadd.s32 $0xFFFFF000  }
0x154: {  	_ =	swait.ge [sflag:s21], $0x20  }
0x155: {  	[sflag:s21] =	ssyncset.done $0x0  }
0x156: {  	s31 =	simm.s32 $0x7A80;
	s19 =	simm.s32 $0x7B00;
	[sflag:s21] =	ssyncadd.s32 $0xFFFFFFE0  }
0x157: {  	[spmem:s3] =	stream.indirect.scatter.add.f32 [tilespmem:s19], [sflag:$0x16], $0x80, s31, s0, $0xb8;
	[tilespmem:$0x1EC00] =	vst v63  }
0x158: {  	_ =	swait.ge [sflag:s6], $0x1000  }
0x159: {  	[sflag:s6] =	ssyncset.done $0x0  }
0x15a: {  	[sflag:s6] =	ssyncadd.s32 $0xFFFFF000  }
0x15b: {  	_ =	swait.ge [sflag:s8], $0x20  }
0x15c: {  	[sflag:s8] =	ssyncset.done $0x0  }
0x15d: {  	s15 =	simm.s32 $0x8B00;
	s20 =	simm.s32 $0x8B80;
	[sflag:s8] =	ssyncadd.s32 $0xFFFFFFE0  }
0x15e: {  	[spmem:s3] =	stream.indirect.scatter.add.f32 [tilespmem:s20], [sflag:$0x17], $0x80, s15, s0, $0xb8;
	[tilespmem:$0x1EC00] =	vst v63  }
0x15f: {  	_ =	swait.ge [sflag:s9], $0x1000  }
0x160: {  	[sflag:s9] =	ssyncset.done $0x0  }
0x161: {  	[sflag:s9] =	ssyncadd.s32 $0xFFFFF000  }
0x162: {  	_ =	swait.ge [sflag:s10], $0x20  }
0x163: {  	[sflag:s10] =	ssyncset.done $0x0  }
0x164: {  	s24 =	simm.s32 $0x11;
	s22 =	simm.s32 $0x9B80;
	[sflag:s10] =	ssyncadd.s32 $0xFFFFFFE0  }
0x165: {  	[spmem:s3] =	stream.indirect.scatter.add.f32 [tilespmem:s5], [sflag:$0x18], $0x80, s22, s0, $0xb8;
	[tilespmem:$0x1EC00] =	vst v63  }
0x166: {  	_ =	swait.ge [sflag:s24], $0x1000  }
0x167: {  	s1 =	smov.u32 s11;
	s23 =	rddreg [dreg:$0xa];
	[sflag:s24] =	ssyncset.done $0x0  }
0x168: {  	s1 =	sshra.s32 s1, $0x2;
	[sflag:s24] =	ssyncadd.s32 $0xFFFFF000;
	s23 =	sadd.s32 s7, s23  }
0x169: {  	[tilespmem:s25], [sflag:$0x1] =	stream.linear.gather [hbm4b:s23+s4], $0x20, $0x38;
	[tilespmem:$0x1EC00] =	vst v63  }
0x16a: {  	s14 =	sadd.s32 $0x100, s1;
	s23 =	simm.s32 $0x12  }
0x16b: {  	[tilespmem:s12], [sflag:$0x9] =	stream.indirect.gather [hbm4b:s2+s0], $0x80, s14, s0, $0xb8;
	[tilespmem:$0x1EC00] =	vst v63  }
0x16c: {  	_ =	swait.ge [sflag:s23], $0x1000  }
0x16d: {  	s25 =	rddreg [dreg:$0x9];
	[sflag:s23] =	ssyncset.done $0x0  }
0x16e: {  	[sflag:s23] =	ssyncadd.s32 $0xFFFFF000;
	s23 =	sadd.s32 s7, s25  }
0x16f: {  	[tilespmem:s26], [sflag:$0x2] =	stream.linear.gather [hbm4b:s23+s4], $0x20, $0x38;
	[tilespmem:$0x1EC00] =	vst v63  }
0x170: {  	s12 =	sadd.s32 $0x120, s1;
	s23 =	simm.s32 $0x13  }
0x171: {  	[tilespmem:s13], [sflag:$0xA] =	stream.indirect.gather [hbm4b:s2+s0], $0x80, s12, s0, $0xb8;
	[tilespmem:$0x1EC00] =	vst v63  }
0x172: {  	_ =	swait.ge [sflag:s23], $0x1000  }
0x173: {  	s26 =	rddreg [dreg:$0x8];
	[sflag:s23] =	ssyncset.done $0x0  }
0x174: {  	[sflag:s23] =	ssyncadd.s32 $0xFFFFF000;
	s23 =	sadd.s32 s7, s26  }
0x175: {  	[tilespmem:s28], [sflag:$0x3] =	stream.linear.gather [hbm4b:s23+s4], $0x20, $0x38;
	[tilespmem:$0x1EC00] =	vst v63  }
0x176: {  	s12 =	sadd.s32 $0x140, s1;
	s23 =	simm.s32 $0x14  }
0x177: {  	[tilespmem:s16], [sflag:$0xB] =	stream.indirect.gather [hbm4b:s2+s0], $0x80, s12, s0, $0xb8;
	[tilespmem:$0x1EC00] =	vst v63  }
0x178: {  	_ =	swait.ge [sflag:s23], $0x1000  }
0x179: {  	s16 =	rddreg [dreg:$0x7];
	[sflag:s23] =	ssyncset.done $0x0  }
0x17a: {  	[sflag:s23] =	ssyncadd.s32 $0xFFFFF000;
	s23 =	sadd.s32 s7, s16  }
0x17b: {  	[tilespmem:s29], [sflag:$0x4] =	stream.linear.gather [hbm4b:s23+s4], $0x20, $0x38;
	[tilespmem:$0x1EC00] =	vst v63  }
0x17c: {  	s12 =	sadd.s32 $0x160, s1;
	s23 =	simm.s32 $0x15  }
0x17d: {  	[tilespmem:s17], [sflag:$0xC] =	stream.indirect.gather [hbm4b:s2+s0], $0x80, s12, s0, $0xb8;
	[tilespmem:$0x1EC00] =	vst v63  }
0x17e: {  	_ =	swait.ge [sflag:s23], $0x1000  }
0x17f: {  	p0 =	sne.s32 s11, $0x9800;
	s17 =	rddreg [dreg:$0x6];
	[sflag:s23] =	ssyncset.done $0x0  }
0x180: {  	s11 =	sadd.s32 $0x400, s11;
	[sflag:s23] =	ssyncadd.s32 $0xFFFFF000;
	s23 =	sadd.s32 s7, s17  }
0x181: {  	[tilespmem:s30], [sflag:$0x5] =	stream.linear.gather [hbm4b:s23+s4], $0x20, $0x38;
	[tilespmem:$0x1EC00] =	vst v63  }
0x182: {  	s5 =	simm.s32 $0x2880;
	s12 =	sadd.s32 $0x180, s1;
	s23 =	simm.s32 $0x16  }
0x183: {  	[tilespmem:s18], [sflag:$0xD] =	stream.indirect.gather [hbm4b:s2+s0], $0x80, s12, s0, $0xb8;
	[tilespmem:$0x1EC00] =	vst v63  }
0x184: {  	s24 =	simm.s32 $0x2800;
	s14 =	simm.s32 $0x3900;
	_ =	swait.ge [sflag:s23], $0x1000  }
0x185: {  	s25 =	simm.s32 $0x3880;
	s18 =	rddreg [dreg:$0x5];
	[sflag:s23] =	ssyncset.done $0x0  }
0x186: {  	s13 =	simm.s32 $0x4980;
	[sflag:s23] =	ssyncadd.s32 $0xFFFFF000;
	s23 =	sadd.s32 s7, s18  }
0x187: {  	[tilespmem:s31], [sflag:$0x6] =	stream.linear.gather [hbm4b:s23+s4], $0x20, $0x38;
	[tilespmem:$0x1EC00] =	vst v63  }
0x188: {  	s26 =	simm.s32 $0x4900;
	s12 =	sadd.s32 $0x1A0, s1;
	s23 =	simm.s32 $0x17  }
0x189: {  	[tilespmem:s19], [sflag:$0xE] =	stream.indirect.gather [hbm4b:s2+s0], $0x80, s12, s0, $0xb8;
	[tilespmem:$0x1EC00] =	vst v63  }
0x18a: {  	s28 =	simm.s32 $0x5980;
	s16 =	simm.s32 $0x5A00;
	_ =	swait.ge [sflag:s23], $0x1000  }
0x18b: {  	s29 =	simm.s32 $0x6A00;
	s19 =	rddreg [dreg:$0x4];
	[sflag:s23] =	ssyncset.done $0x0  }
0x18c: {  	s17 =	simm.s32 $0x6A80;
	[sflag:s23] =	ssyncadd.s32 $0xFFFFF000;
	s23 =	sadd.s32 s7, s19  }
0x18d: {  	[tilespmem:s15], [sflag:$0x7] =	stream.linear.gather [hbm4b:s23+s4], $0x20, $0x38;
	[tilespmem:$0x1EC00] =	vst v63  }
0x18e: {  	s30 =	simm.s32 $0x7A80;
	s12 =	sadd.s32 $0x1C0, s1;
	s15 =	simm.s32 $0x18  }
0x18f: {  	[tilespmem:s20], [sflag:$0xF] =	stream.indirect.gather [hbm4b:s2+s0], $0x80, s12, s0, $0xb8;
	[tilespmem:$0x1EC00] =	vst v63  }
.Ltmp0:
0x190: {  	s18 =	simm.s32 $0x7B00;
	_ =	swait.ge [sflag:s15], $0x1000;
	(pc) =	sbr.rel @p0 .LBB2_2-.Ltmp0, $4  }
0x191: {  	s31 =	simm.s32 $0x8B00;
	s1 =	sadd.s32 $0x1E0, s1;
	[sflag:s15] =	ssyncset.done $0x0  }
0x192: {  	s19 =	simm.s32 $0x8B80;
	s20 =	rddreg [dreg:$0xb];
	[sflag:s15] =	ssyncadd.s32 $0xFFFFF000  }
0x193: {  	s23 =	sadd.s32 s7, s20;
	s15 =	simm.s32 $0x9B80;
	s7 =	sadd.s32 $0x20, s7  }
0x194: {  	[tilespmem:s22], [sflag:$0x8] =	stream.linear.gather [hbm4b:s23+s4], $0x20, $0x38;
	[tilespmem:$0x1EC00] =	vst v63  }
0x195: {  	s7 =	simm.s32 $0x9C00;
	s20 =	simm.s32 $0x9  }
0x196: {  	[tilespmem:s7], [sflag:$0x10] =	stream.indirect.gather [hbm4b:s2+s0], $0x80, s1, s0, $0xb8;
	[tilespmem:$0x1EC00] =	vst v63  }
0x197: {  	_ =	swait.ge [sflag:s20], $0x1000  }
0x198: {  	[sflag:s20] =	ssyncset.done $0x0  }
0x199: {  	s22 =	simm.s32 $0x1;
	[sflag:s20] =	ssyncadd.s32 $0xFFFFF000  }
0x19a: {  	_ =	swait.ge [sflag:s22], $0x20  }
0x19b: {  	[sflag:s22] =	ssyncset.done $0x0  }
0x19c: {  	s23 =	simm.s32 $0xA;
	[sflag:s22] =	ssyncadd.s32 $0xFFFFFFE0  }
0x19d: {  	[spmem:s3] =	stream.indirect.scatter.add.f32 [tilespmem:s5], [sflag:$0x11], $0x80, s24, s0, $0xb8;
	[tilespmem:$0x1EC00] =	vst v63  }
0x19e: {  	_ =	swait.ge [sflag:s23], $0x1000  }
0x19f: {  	[sflag:s23] =	ssyncset.done $0x0  }
0x1a0: {  	s24 =	simm.s32 $0x2;
	[sflag:s23] =	ssyncadd.s32 $0xFFFFF000  }
0x1a1: {  	_ =	swait.ge [sflag:s24], $0x20  }
0x1a2: {  	[sflag:s24] =	ssyncset.done $0x0  }
0x1a3: {  	s5 =	simm.s32 $0xB;
	[sflag:s24] =	ssyncadd.s32 $0xFFFFFFE0  }
0x1a4: {  	[spmem:s3] =	stream.indirect.scatter.add.f32 [tilespmem:s14], [sflag:$0x12], $0x80, s25, s0, $0xb8;
	[tilespmem:$0x1EC00] =	vst v63  }
0x1a5: {  	_ =	swait.ge [sflag:s5], $0x1000  }
0x1a6: {  	[sflag:s5] =	ssyncset.done $0x0  }
0x1a7: {  	s11 =	simm.s32 $0x3;
	[sflag:s5] =	ssyncadd.s32 $0xFFFFF000  }
0x1a8: {  	_ =	swait.ge [sflag:s11], $0x20  }
0x1a9: {  	[sflag:s11] =	ssyncset.done $0x0  }
0x1aa: {  	s12 =	simm.s32 $0xC;
	[sflag:s11] =	ssyncadd.s32 $0xFFFFFFE0  }
0x1ab: {  	[spmem:s3] =	stream.indirect.scatter.add.f32 [tilespmem:s13], [sflag:$0x13], $0x80, s26, s0, $0xb8;
	[tilespmem:$0x1EC00] =	vst v63  }
0x1ac: {  	_ =	swait.ge [sflag:s12], $0x1000  }
0x1ad: {  	[sflag:s12] =	ssyncset.done $0x0  }
0x1ae: {  	s13 =	simm.s32 $0x4;
	[sflag:s12] =	ssyncadd.s32 $0xFFFFF000  }
0x1af: {  	_ =	swait.ge [sflag:s13], $0x20  }
0x1b0: {  	[sflag:s13] =	ssyncset.done $0x0  }
0x1b1: {  	s14 =	simm.s32 $0xD;
	[sflag:s13] =	ssyncadd.s32 $0xFFFFFFE0  }
0x1b2: {  	[spmem:s3] =	stream.indirect.scatter.add.f32 [tilespmem:s16], [sflag:$0x14], $0x80, s28, s0, $0xb8;
	[tilespmem:$0x1EC00] =	vst v63  }
0x1b3: {  	_ =	swait.ge [sflag:s14], $0x1000  }
0x1b4: {  	[sflag:s14] =	ssyncset.done $0x0  }
0x1b5: {  	s16 =	simm.s32 $0x5;
	[sflag:s14] =	ssyncadd.s32 $0xFFFFF000  }
0x1b6: {  	_ =	swait.ge [sflag:s16], $0x20  }
0x1b7: {  	[sflag:s16] =	ssyncset.done $0x0  }
0x1b8: {  	[sflag:s16] =	ssyncadd.s32 $0xFFFFFFE0  }
0x1b9: {  	[spmem:s3] =	stream.indirect.scatter.add.f32 [tilespmem:s17], [sflag:$0x15], $0x80, s29, s0, $0xb8;
	[tilespmem:$0x1EC00] =	vst v63  }
0x1ba: {  	s17 =	simm.s32 $0xE  }
0x1bb: {  	_ =	swait.ge [sflag:s17], $0x1000  }
0x1bc: {  	[sflag:s17] =	ssyncset.done $0x0  }
0x1bd: {  	[sflag:s17] =	ssyncadd.s32 $0xFFFFF000  }
0x1be: {  	_ =	swait.ge [sflag:s21], $0x20  }
0x1bf: {  	[sflag:s21] =	ssyncset.done $0x0  }
0x1c0: {  	[sflag:s21] =	ssyncadd.s32 $0xFFFFFFE0  }
0x1c1: {  	[spmem:s3] =	stream.indirect.scatter.add.f32 [tilespmem:s18], [sflag:$0x16], $0x80, s30, s0, $0xb8;
	[tilespmem:$0x1EC00] =	vst v63  }
0x1c2: {  	_ =	swait.ge [sflag:s6], $0x1000  }
0x1c3: {  	[sflag:s6] =	ssyncset.done $0x0  }
0x1c4: {  	[sflag:s6] =	ssyncadd.s32 $0xFFFFF000  }
0x1c5: {  	_ =	swait.ge [sflag:s8], $0x20  }
0x1c6: {  	[sflag:s8] =	ssyncset.done $0x0  }
0x1c7: {  	[sflag:s8] =	ssyncadd.s32 $0xFFFFFFE0  }
0x1c8: {  	[spmem:s3] =	stream.indirect.scatter.add.f32 [tilespmem:s19], [sflag:$0x17], $0x80, s31, s0, $0xb8;
	[tilespmem:$0x1EC00] =	vst v63  }
0x1c9: {  	_ =	swait.ge [sflag:s9], $0x1000  }
0x1ca: {  	[sflag:s9] =	ssyncset.done $0x0  }
0x1cb: {  	[sflag:s9] =	ssyncadd.s32 $0xFFFFF000  }
0x1cc: {  	_ =	swait.ge [sflag:s10], $0x20  }
0x1cd: {  	[sflag:s10] =	ssyncset.done $0x0  }
0x1ce: {  	s18 =	simm.s32 $0x11;
	[sflag:s10] =	ssyncadd.s32 $0xFFFFFFE0  }
0x1cf: {  	[spmem:s3] =	stream.indirect.scatter.add.f32 [tilespmem:s7], [sflag:$0x18], $0x80, s15, s0, $0xb8;
	[tilespmem:$0x1EC00] =	vst v63  }
0x1d0: {  	_ =	swait.ge [sflag:s18], $0x1000  }
0x1d1: {  	[sflag:s18] =	ssyncset.done $0x0  }
0x1d2: {  	s19 =	simm.s32 $0x12;
	[sflag:s18] =	ssyncadd.s32 $0xFFFFF000  }
0x1d3: {  	_ =	swait.ge [sflag:s19], $0x1000  }
0x1d4: {  	[sflag:s19] =	ssyncset.done $0x0  }
0x1d5: {  	s20 =	simm.s32 $0x13;
	[sflag:s19] =	ssyncadd.s32 $0xFFFFF000  }
0x1d6: {  	_ =	swait.ge [sflag:s20], $0x1000  }
0x1d7: {  	[sflag:s20] =	ssyncset.done $0x0  }
0x1d8: {  	s22 =	simm.s32 $0x14;
	[sflag:s20] =	ssyncadd.s32 $0xFFFFF000  }
0x1d9: {  	_ =	swait.ge [sflag:s22], $0x1000  }
0x1da: {  	[sflag:s22] =	ssyncset.done $0x0  }
0x1db: {  	s23 =	simm.s32 $0x15;
	[sflag:s22] =	ssyncadd.s32 $0xFFFFF000  }
0x1dc: {  	_ =	swait.ge [sflag:s23], $0x1000  }
0x1dd: {  	[sflag:s23] =	ssyncset.done $0x0  }
0x1de: {  	s24 =	simm.s32 $0x16;
	[sflag:s23] =	ssyncadd.s32 $0xFFFFF000  }
0x1df: {  	_ =	swait.ge [sflag:s24], $0x1000  }
0x1e0: {  	[sflag:s24] =	ssyncset.done $0x0  }
0x1e1: {  	s25 =	simm.s32 $0x17;
	[sflag:s24] =	ssyncadd.s32 $0xFFFFF000  }
0x1e2: {  	_ =	swait.ge [sflag:s25], $0x1000  }
0x1e3: {  	[sflag:s25] =	ssyncset.done $0x0  }
0x1e4: {  	s26 =	simm.s32 $0x18;
	[sflag:s25] =	ssyncadd.s32 $0xFFFFF000  }
0x1e5: {  	_ =	swait.ge [sflag:s26], $0x1000  }
0x1e6: {  	[sflag:s26] =	ssyncset.done $0x0  }
0x1e7: {  	[sflag:s26] =	ssyncadd.s32 $0xFFFFF000  }
0x1e8: {  	s28 =	stileid.u32;
	[bflag:$0x0] =	sbarrier.arrive $0xFFFF  }
0x1e9: {  	s5 =	simm.s32 $0x1A;
	s1 =	sshll.u32 s28, $0x6;
	s11 =	rddreg [dreg:$0x16]  }
0x1ea: {  	s1 =	sor.u32 $0x1C1A, s1;
	s23 =	rddreg [dreg:$0x1f];
	s29 =	sshrl.u32 s11, $0x3  }
0x1eb: {  	[hbm:s23], [sflag:s1] =	dma.local [spmem:s29], $0x2800  }
0x1ec: {  	_ =	swait.ge [sflag:s5], $0x2800  }
0x1ed: {  	s30 =	sld [smem:$0x7F0]  }
0x1ee: {  	s31 =	sld [smem:$0x7F1];
	_ =	sdelay $0x1  }
0x1ef: {  	s7 =	sadd.s32 $0x1, s30  }
0x1f0: {  	p0 =	sne.s32 s7, s31  }
.Ltmp1:
0x1f1: {  	_ = 	snop;
	(pc) =	sbr.rel @p0 .LBB2_1-.Ltmp1, $3  }
0x1f2: {  	_ =	sdelay $0x1  }
0x1f3: {  	[sflag:s5] =	ssyncset.done $0x0  }
0x1f4: {  	[sflag:s5] =	ssyncadd.s32 $0xFFFFD800  }
0x1f5: {  	_ =	sfence.sel $0x180000  }
0x1f6: {  	[bflag:$0x0] =	sbarrier.arrive $0xFFFF  }
0x1f7: {  	_ =	strace $0x9000004A  }
0x1f8: {  	s0 =	stileid.u32;
	[bflag:$0x2] =	sbarrier.arrive $0xFFFF  }
0x1f9: {  	p0 =	sne.s32 s0, $0x0;
	s0 =	rddreg [dreg:$0x3]  }
0x1fa: {  	s0 =	sadd.s32 @!p0 $0x100000, s0  }
0x1fb: {  	[sflag:s0] =	ssyncadd.tile.s32 @!p0 $0x1;
	_ =	shalt  }
.Lfunc_end2:
_tile_overlayer_lowered:
.L_overlay_start_2:
0x1fc: {  	(tag) =	ssettag $0x2  }
0x1fd: {  	s0 =	rddreg [dreg:$0x0];
	s2 =	stileid.u32  }
0x1fe: {  	s1 =	rddreg [dreg:$0x1];
	p0 =	sne.s32 s2, $0x0  }
0x1ff: {  	s3 =	rddreg [dreg:$0x2];
	[bflag:$0x3] =	sbarrier.arrive $0xFFFF;
	s2 =	simm.s32 @!p0 $0x1C1A  }
0x200: {  	[timem:s3], [sflag:s2] =	dma.local @!p0 [hbm:s0], s1  }
0x201: {  	s0 =	simm.s32 @!p0 $0x1A  }
0x202: {  	_ =	swait.ge @!p0 [sflag:s0], s1  }
0x203: {  	s1 =	ssub.s32 @!p0 $0x0, s1;
	[sflag:s0] =	ssyncset.done @!p0 $0x0  }
0x204: {  	[sflag:s0] =	ssyncadd.s32 @!p0 s1  }
0x205: {  	[bflag:$0x3] =	sbarrier.arrive $0xFFFF  }
0x206: {  	_ =	shalt  }

// kernel: kernel.7.cloned.1.call-start
scs
__scs_entry_jumppad:
0x0: {  	(pc) =	sbr.rel $0x88, $3  }
0x1: {  	(tag) =	ssettag $0x0;
	lr =	simm.s32 $0x1  }
0x2: {  	[smem:$0x3F90] =	sst lr;
	_ =	strace $0xD0000000  }
0x3: {  	_ = 	snop  }
0x4: {  	_ = 	snop  }
0x5: {  	_ = 	snop  }
0x6: {  	_ = 	snop  }
0x7: {  	_ = 	snop  }
__scs_overlays_trampoline_lowered:
0x8: {  	[smem:$0x3F9F] =	sst s0  }
0x9: {  	[smem:$0x3FA0] =	sst s1  }
0xa: {  	[smem:$0x3FA1] =	sst s2  }
0xb: {  	[smem:$0x3FA2] =	sst s3  }
0xc: {  	[smem:$0x3FA3] =	sst s4  }
0xd: {  	[smem:$0x3FA4] =	sst s5  }
0xe: {  	[smem:$0x3FA5] =	sst s6  }
0xf: {  	[smem:$0x3FA6] =	sst s7  }
0x10: {  	[smem:$0x3FA7] =	sst s8  }
0x11: {  	[smem:$0x3FA8] =	sst s9;
	s0 =	simm.s32 @!p0 $0x0  }
0x12: {  	s1 =	sld [smem:$0x3F8E];
	s0 =	simm.s32 @p0 $0x1  }
0x13: {  	[smem:$0x3FA9] =	sst s0;
	s0 =	simm.s32 @!p1 $0x0  }
0x14: {  	s2 =	sld [smem:$0x3F8D];
	s0 =	simm.s32 @p1 $0x1  }
0x15: {  	[smem:$0x3FAA] =	sst s0;
	s0 =	simm.s32 @!p2 $0x0  }
0x16: {  	s3 =	sld [smem:$0x3FDB];
	s0 =	simm.s32 @p2 $0x1  }
0x17: {  	s4 =	simm.s32 $0x1BF5;
	[smem:$0x3FAC] =	sst s0  }
0x18: {  	s0 =	sld [smem:$0x3F8F];
	_ =	swait.ge [sflag:s4], $0x0  }
0x19: {  	s7 =	sld [smem:$0x3F90]  }
0x1a: {  	s8 =	sadd.s32 $0xFFFFE003, lr  }
0x1b: {  	s9 =	sadd.s32 $0xFFFFFEF7, lr;
	s5 =	simm.s32 $0xFFFFFFFF;
	p2 =	slt.u32 s8, $0xFFFFF086  }
0x1c: {  	p1 =	slt.u32 s9, $0xF7A;
	s5 =	simm.s32 @!p2 $0x0  }
0x1d: {  	s5 =	simm.s32 @p1 $0x1;
	p0 =	seq.s32 s7, s2  }
0x1e: {  	s7 =	smul.u32 @!p0 $0xF7A, s2;
	p2 =	seq.s32 @!p0 s5, $0x0  }
0x1f: {  	s9 =	smul.u32 $0xF7A, s1;
	s8 =	simm.s32 @!p0 $0x1BF5;
	p2 =	por !p2, p0  }
0x20: {  	[sflag:s8] =	ssyncset.s32 @!p0 $0xFFFFF086;
	s6 =	sadd.s32 @!p0 s3, s7;
	s7 =	simm.s32 @!p0 $0x108  }
0x21: {  	s3 =	sadd.s32 s3, s9;
	s6 =	sadd.s32 @!p0 $0x88, s6;
	s7 =	simm.s32 @p2 $0x1082  }
0x22: {  	[simem:s7], [sflag:s8] =	dma.local @!p0 [hbm:s6], $0xF7A  }
0x23: {  	s9 =	sor.u32 $0xD0000000, s2;
	s6 =	simm.s32 $0x108;
	_ =	swait.ge @!p0 [sflag:s8], $0x0  }
0x24: {  	s3 =	sadd.s32 $0x88, s3;
	s6 =	simm.s32 @!p1 $0x1082;
	[sflag:s4] =	ssyncset.s32 $0xFFFFF086  }
0x25: {  	[simem:s6], [sflag:s4] =	dma.local [hbm:s3], $0xF7A  }
0x26: {  	[smem:$0x3F90] =	sst s1;
	(tag) =	ssettag s2;
	_ =	strace s9  }
0x27: {  	s1 =	sld [smem:$0x3FA0]  }
0x28: {  	s2 =	sld [smem:$0x3FA1]  }
0x29: {  	s4 =	sld [smem:$0x3FA3]  }
0x2a: {  	p0 =	seq.s32 s5, $0x0;
	s5 =	sld [smem:$0x3FA4]  }
0x2b: {  	s6 =	sld [smem:$0x3FA5]  }
0x2c: {  	s7 =	sld [smem:$0x3FA6]  }
0x2d: {  	s3 =	simm.s32 $0x108;
	s8 =	sld [smem:$0x3FA7]  }
0x2e: {  	s3 =	simm.s32 @!p0 $0x1082;
	s9 =	sld [smem:$0x3FA8]  }
0x2f: {  	lr =	sadd.s32 s0, s3;
	s0 =	sld [smem:$0x3F9F]  }
0x30: {  	s3 =	sld [smem:$0x3FA2]  }
0x31: {  	[smem:$0x3FAB] =	sst s10  }
0x32: {  	s10 =	sld [smem:$0x3FA9];
	_ =	sdelay $0x3  }
0x33: {  	p0 =	seq.s32 s10, $0x1;
	s10 =	sld [smem:$0x3FAB];
	_ =	sdelay $0x3  }
0x34: {  	[smem:$0x3FAB] =	sst s10  }
0x35: {  	s10 =	sld [smem:$0x3FAA];
	_ =	sdelay $0x3  }
0x36: {  	p1 =	seq.s32 s10, $0x1;
	s10 =	sld [smem:$0x3FAB];
	_ =	sdelay $0x3  }
0x37: {  	[smem:$0x3FAB] =	sst s10  }
0x38: {  	s10 =	sld [smem:$0x3FAC]  }
0x39: {  	_ = 	snop;
	(pc) =	sbr.ind lr, $3  }
0x3a: {  	_ = 	snop  }
0x3b: {  	_ = 	snop  }
0x3c: {  	p2 =	seq.s32 s10, $0x1;
	s10 =	sld [smem:$0x3FAB]  }
0x3d: {  	_ =	shalt  }
0x3e: {  	_ =	shalt  }
0x3f: {  	_ =	shalt  }
0x40: {  	_ =	shalt  }
0x41: {  	_ =	shalt  }
0x42: {  	_ =	shalt  }
0x43: {  	_ =	shalt  }
0x44: {  	_ =	shalt  }
0x45: {  	_ =	shalt  }
0x46: {  	_ =	shalt  }
0x47: {  	_ =	shalt  }
0x48: {  	_ =	shalt  }
0x49: {  	_ =	shalt  }
0x4a: {  	_ =	shalt  }
0x4b: {  	_ =	shalt  }
0x4c: {  	_ =	shalt  }
0x4d: {  	_ =	shalt  }
0x4e: {  	_ =	shalt  }
0x4f: {  	_ =	shalt  }
0x50: {  	_ =	shalt  }
0x51: {  	_ =	shalt  }
0x52: {  	_ =	shalt  }
0x53: {  	_ =	shalt  }
0x54: {  	_ =	shalt  }
0x55: {  	_ =	shalt  }
0x56: {  	_ =	shalt  }
0x57: {  	_ =	shalt  }
0x58: {  	_ =	shalt  }
0x59: {  	_ =	shalt  }
0x5a: {  	_ =	shalt  }
0x5b: {  	_ =	shalt  }
0x5c: {  	_ =	shalt  }
0x5d: {  	_ =	shalt  }
0x5e: {  	_ =	shalt  }
0x5f: {  	_ =	shalt  }
0x60: {  	_ =	shalt  }
0x61: {  	_ =	shalt  }
0x62: {  	_ =	shalt  }
0x63: {  	_ =	shalt  }
0x64: {  	_ =	shalt  }
0x65: {  	_ =	shalt  }
0x66: {  	_ =	shalt  }
0x67: {  	_ =	shalt  }
0x68: {  	_ =	shalt  }
0x69: {  	_ =	shalt  }
0x6a: {  	_ =	shalt  }
0x6b: {  	_ =	shalt  }
0x6c: {  	_ =	shalt  }
0x6d: {  	_ =	shalt  }
0x6e: {  	_ =	shalt  }
0x6f: {  	_ =	shalt  }
0x70: {  	_ =	shalt  }
0x71: {  	_ =	shalt  }
0x72: {  	_ =	shalt  }
0x73: {  	_ =	shalt  }
0x74: {  	_ =	shalt  }
0x75: {  	_ =	shalt  }
0x76: {  	_ =	shalt  }
0x77: {  	_ =	shalt  }
0x78: {  	_ =	shalt  }
0x79: {  	_ =	shalt  }
0x7a: {  	_ =	shalt  }
0x7b: {  	_ =	shalt  }
0x7c: {  	_ =	shalt  }
0x7d: {  	_ =	shalt  }
0x7e: {  	_ =	shalt  }
0x7f: {  	_ =	shalt  }
0x80: {  	_ =	shalt  }
0x81: {  	_ =	shalt  }
0x82: {  	_ =	shalt  }
0x83: {  	_ =	shalt  }
0x84: {  	_ =	shalt  }
0x85: {  	_ =	shalt  }
0x86: {  	_ =	shalt  }
0x87: {  	_ =	shalt  }
.Lfunc_end0:
.L_simem_size_0:
called_computation_lowered:
.L_overlay_start_0:
0x88: {  	s2 =	sld [smem:$0x3FD9]  }
0x89: {  	s3 =	sld [smem:$0x3FFE];
	_ =	sdelay $0x1  }
0x8a: {  	s1 =	srdreg.scid  }
0x8b: {  	s0 =	sand.u32 $0x1, s1  }
0x8c: {  	s17 =	sshll.u32 s0, $0xA;
	s2 =	sadd.s32 s3, s2  }
0x8d: {  	s2 =	sadd.s32 s2, s17  }
0x8e: {  	[smem:$0x3FB7] =	sst s2  }
0x8f: {  	_ = 	snop  }
0x90: {  	s2 =	sld [smem:$0x3FD0];
	(tm) =	ssettm $0x1  }
0x91: {  	s18 =	sld [smem:$0x3FFB];
	_ =	sdelay $0x3  }
0x92: {  	_ =	strace s18  }
0x93: {  	s3 =	sld [smem:$0x3FFC];
	_ =	sdelay $0x3  }
0x94: {  	_ =	strace s3  }
0x95: {  	s3 =	sld [smem:$0x3FFD];
	_ =	sdelay $0x3  }
0x96: {  	_ =	strace s3  }
0x97: {  	_ =	strace $0x8FFFFFFF  }
0x98: {  	s19 =	sld [smem:$0x3FDB];
	_ =	sdelay $0x1  }
0x99: {  	s4 =	simm.s32 $_scs_section_size  }
0x9a: {  	s5 =	simm.s32 $_size__tile_overlayer_lowered;
	s6 =	simm.s32 $_tile_overlayer_lowered  }
0x9b: {  	s22 =	simm.s32 $0x1BFF;
	s21 =	sshll.u32 s6, $0x1;
	s3 =	sadd.s32 s4, s19  }
0x9c: {  	s7 =	simm.s32 $0x0;
	s20 =	sshll.u32 s5, $0x1;
	s5 =	sadd.s32 s21, s3  }
0x9d: {  	[timem:s7], [sflag:s22] =	dma.local [hbm:s5], s20  }
0x9e: {  	_ =	swait.ge [sflag:s22], s20  }
0x9f: {  	s4 =	ssub.s32 $0x0, s20;
	[sflag:s22] =	ssyncset.done $0x0  }
0xa0: {  	[sflag:s22] =	ssyncadd.s32 s4;
	_ =	sdelay $0x1  }
0xa1: {  	s23 =	simm.s32 $0x1B8B  }
0xa2: {  	_ =	swait.ge [sflag:s23], $0x1  }
0xa3: {  	[sflag:s23] =	ssyncset.done $0x0  }
0xa4: {  	s25 =	simm.s32 $0x1B8E;
	s24 =	sld [smem:$0x3FFE];
	[sflag:s23] =	ssyncadd.s32 $0xFFFFFFFF  }
0xa5: {  	s26 =	simm.s32 $execute0_lowered;
	[smem:$0x3FD2] =	sst s25  }
0xa6: {  	s5 =	sshll.u32 s26, $0x1;
	_ =	strace $0x80000046;
	[dreg:$0x1] =	wrdreg $0xFFFFFFFF  }
0xa7: {  	s28 =	simm.s32 $_size_execute0_lowered;
	s3 =	sadd.s32 s3, s5;
	[dreg:$0x0] =	wrdreg $0x0  }
0xa8: {  	s5 =	sshll.u32 s28, $0x1;
	[dreg:$0x2] =	wrdreg s3  }
0xa9: {  	[dreg:$0x3] =	wrdreg s5  }
0xaa: {  	[dreg:$0x4] =	wrdreg $0xC0  }
0xab: {  	_ =	task [dreg:s7], $0x5FFFF  }
0xac: {  	[dreg:$0x1] =	wrdreg $0xFFFFFFFF  }
0xad: {  	[dreg:$0x0] =	wrdreg $0x60  }
0xae: {  	[dreg:$0x2] =	wrdreg s2  }
0xaf: {  	[dreg:$0x3] =	wrdreg s24  }
0xb0: {  	[dreg:$0x4] =	wrdreg $0xAC000  }
0xb1: {  	[dreg:$0x5] =	wrdreg $0x9  }
0xb2: {  	_ =	task.clear_ibuf [dreg:s7], $0x6FFFF;
	_ =	strace $0x90000046  }
0xb3: {  	s29 =	simm.s32 $0x9;
	_ =	strace $0x80000048  }
0xb4: {  	_ =	swait.ge [sflag:s29], $0x1  }
0xb5: {  	[sflag:s29] =	ssyncadd.s32 $0xFFFFFFFF  }
0xb6: {  	_ =	strace $0x90000048  }
0xb7: {  	_ =	sfence  }
0xb8: {  	s30 =	sld [smem:$0x0];
	_ =	sdelay $0x2  }
0xb9: {  	s31 =	sshll.u32 s1, $0xD;
	s1 =	sshrl.u32 s1, $0x2  }
0xba: {  	s3 =	sand.u32 $0x4000, s31;
	s1 =	sadd.s32 s1, s30  }
0xbb: {  	s0 =	sor.u32 s3, s0;
	s1 =	sshll.u32 s1, $0x11  }
0xbc: {  	s0 =	sor.u32 s1, s0  }
0xbd: {  	s0 =	sadd.s32 $0x8F2B, s0  }
0xbe: {  	[sflag:s0] =	ssyncadd.remote.s32 $0x1  }
0xbf: {  	_ =	sfence.sel $0xFFFF  }
0xc0: {  	[dreg:$0x0] =	wrdreg $0xFFFFFFFF;
	(pc) =	sbr.abs _section_cstart, $3  }
0xc1: {  	[dreg:$0x1] =	wrdreg $0xFFFFFFFF  }
0xc2: {  	_ =	task.clear_ibuf [dreg:s7], $0x2FFFF;
	_ =	strace $0x9FFFFFFF  }
0xc3: {  	(tm) =	ssettm $0x7FFFFFFF  }
tec
execute0_lowered:
.L_overlay_start_1:
0x0: {  	(tag) =	ssettag $0x1  }
0x1: {  	s0 =	srdreg.scid  }
0x2: {  	s9 =	stileid.u32;
	s2 =	rddreg [dreg:$0x0]  }
0x3: {  	s5 =	rddreg [dreg:$0x1];
	s7 =	smul.u32 $0x14000, s9  }
0x4: {  	s3 =	rddreg [dreg:$0x2];
	s0 =	sand.u32 $0x1, s0;
	s12 =	smul.u32 $0x5000, s9  }
0x5: {  	s4 =	simm.s32 $0x0;
	s1 =	sshll.u32 s9, $0x1;
	s6 =	smul.u32 $0x140000, s0  }
0x6: {  	s1 =	sor.u32 s0, s1;
	s29 =	ssub.s32 $0x2, s0;
	s0 =	smul.u32 $0x2800, s0  }
0x7: {  	[smem:$0x7FF] =	sst s4;
	s1 =	smul.u32 $0x2800, s1  }
0x8: {  	s10 =	sadd.s32 $0xC200, s5;
	s11 =	sadd.s32 $0x2A200, s5;
	_ =	strace $0x80000047  }
0x9: {  	[dreg:$0xd] =	wrdreg s11;
	s0 =	sadd.s32 s0, s12;
	s1 =	sshrl.u32 s1, $0x3  }
0xa: {  	[dreg:$0xc] =	wrdreg s10;
	s22 =	sor.u32 $0x1A0, s0;
	s10 =	sadd.s32 s10, s1  }
0xb: {  	s24 =	sor.u32 $0x180, s0;
	s23 =	sshrl.u32 s22, $0x3;
	[dreg:$0xe] =	wrdreg s10  }
0xc: {  	s26 =	sor.u32 $0x160, s0;
	s25 =	sshrl.u32 s24, $0x3;
	[dreg:$0x5] =	wrdreg s23  }
0xd: {  	s8 =	sadd.s32 s1, s5;
	s28 =	sshrl.u32 s26, $0x3;
	[dreg:$0x6] =	wrdreg s25  }
0xe: {  	s31 =	smul.u32 $0x50000, s9;
	s8 =	sadd.s32 $0x2200, s8;
	[dreg:$0x7] =	wrdreg s28  }
0xf: {  	s30 =	sshrl.u32 s29, $0x1;
	s11 =	sadd.s32 $0x4, s10;
	[dreg:$0xf] =	wrdreg s8  }
0x10: {  	s6 =	sadd.s32 s7, s6;
	s13 =	sadd.s32 $0x8, s10;
	[dreg:$0x10] =	wrdreg s11  }
0x11: {  	s6 =	sshrl.u32 s6, $0x3;
	s14 =	sadd.s32 $0xC, s10;
	[dreg:$0x11] =	wrdreg s13  }
0x12: {  	s5 =	sadd.s32 s6, s5;
	s15 =	sadd.s32 $0x10, s10;
	[dreg:$0x12] =	wrdreg s14  }
0x13: {  	s6 =	ssub.s32 s29, s30;
	s16 =	sadd.s32 $0x14, s10;
	[dreg:$0x13] =	wrdreg s15  }
0x14: {  	s1 =	sshrl.u32 s31, $0x2;
	s17 =	sadd.s32 $0x18, s10;
	[dreg:$0x14] =	wrdreg s16  }
0x15: {  	s29 =	sor.u32 $0x140, s0;
	s18 =	sadd.s32 $0x1C, s10;
	[dreg:$0x15] =	wrdreg s17  }
0x16: {  	s31 =	sor.u32 $0x120, s0;
	s30 =	sshrl.u32 s29, $0x3;
	[dreg:$0x17] =	wrdreg s18  }
0x17: {  	s20 =	sor.u32 $0x1C0, s0;
	s10 =	sshrl.u32 s31, $0x3;
	[dreg:$0x8] =	wrdreg s30  }
0x18: {  	s11 =	sadd.s32 s1, s3;
	s1 =	sshrl.u32 s20, $0x3;
	[dreg:$0x9] =	wrdreg s10  }
0x19: {  	s17 =	sadd.s32 $0x2A400, s5;
	[dreg:$0x4] =	wrdreg s1  }
0x1a: {  	s18 =	smax.u32 s6, $0x1;
	[dreg:$0x1f] =	wrdreg s17  }
0x1b: {  	[smem:$0x7F1] =	sst s18  }
0x1c: {  	s19 =	sadd.s32 $0x1000, s11;
	[dreg:$0x16] =	wrdreg s11  }
0x1d: {  	s21 =	sadd.s32 $0x2000, s11;
	[dreg:$0x18] =	wrdreg s19  }
0x1e: {  	s9 =	sadd.s32 $0x3000, s11;
	[dreg:$0x19] =	wrdreg s21  }
0x1f: {  	s12 =	sadd.s32 $0x4000, s11;
	[dreg:$0x1a] =	wrdreg s9  }
0x20: {  	s13 =	sor.u32 $0x100, s0;
	s14 =	sadd.s32 $0x5000, s11;
	[dreg:$0x1b] =	wrdreg s12  }
0x21: {  	s1 =	sshrl.u32 s13, $0x3;
	[dreg:$0x1c] =	wrdreg s14  }
0x22: {  	s0 =	sor.u32 $0x1E0, s0;
	s15 =	sadd.s32 $0x6000, s11;
	[dreg:$0xa] =	wrdreg s1  }
0x23: {  	s0 =	sshrl.u32 s0, $0x3;
	[dreg:$0x1d] =	wrdreg s15  }
0x24: {  	s16 =	sadd.s32 $0x7000, s11;
	[dreg:$0xb] =	wrdreg s0  }
0x25: {  	s20 =	sadd.s32 $0x9000, s11;
	[dreg:$0x1e] =	wrdreg s16  }
0x26: {  	s22 =	sadd.s32 $0xB000, s11;
	[smem:$0x7F3] =	sst s20  }
0x27: {  	s23 =	sadd.s32 $0xC000, s11;
	[smem:$0x7F5] =	sst s22  }
0x28: {  	s24 =	sadd.s32 $0xD000, s11;
	[smem:$0x7F6] =	sst s23  }
0x29: {  	s25 =	sadd.s32 $0xE000, s11;
	[smem:$0x7F7] =	sst s24  }
0x2a: {  	s26 =	sadd.s32 $0xF000, s11;
	[smem:$0x7F8] =	sst s25  }
0x2b: {  	s7 =	simm.s32 $0x0;
	s28 =	sadd.s32 $0x10000, s11;
	[smem:$0x7F9] =	sst s26  }
0x2c: {  	s5 =	simm.s32 $0x1A;
	s29 =	sadd.s32 $0x11000, s11;
	[smem:$0x7FA] =	sst s28  }
0x2d: {  	s6 =	simm.s32 $0xF;
	s30 =	sadd.s32 $0x12000, s11;
	[smem:$0x7FB] =	sst s29  }
0x2e: {  	s8 =	simm.s32 $0x7;
	s31 =	sadd.s32 $0x13000, s11;
	[smem:$0x7FC] =	sst s30  }
0x2f: {  	s10 =	simm.s32 $0x8;
	s19 =	sadd.s32 $0x8000, s11;
	[smem:$0x7FD] =	sst s31  }
0x30: {  	s21 =	sadd.s32 $0xA000, s11;
	s0 =	simm.s32 $0x20;
	[smem:$0x7F2] =	sst s19  }
0x31: {  	s9 =	simm.s32 $0x10;
	[smem:$0x7F4] =	sst s21;
	s21 =	simm.s32 $0x6  }
.LBB2_1:
0x32: {  	[smem:$0x7F0] =	sst s7  }
0x33: {  	s1 =	rddreg [dreg:$0xf]  }
0x34: {  	[tilespmem:s4], [sflag:$0x19] =	stream.linear.gather [hbm4b:s1+s4], $0x2800, $0x38;
	[tilespmem:$0x1EC00] =	vst v63  }
0x35: {  	s30 =	rddreg [dreg:$0xe];
	s31 =	simm.s32 $0x2800  }
0x36: {  	[tilespmem:s31], [sflag:$0x1] =	stream.linear.gather [hbm4b:s30+s4], $0x20, $0x38;
	[tilespmem:$0x1EC00] =	vst v63  }
0x37: {  	s7 =	rddreg [dreg:$0x10];
	s12 =	simm.s32 $0x3880  }
0x38: {  	[tilespmem:s12], [sflag:$0x2] =	stream.linear.gather [hbm4b:s7+s4], $0x20, $0x38;
	[tilespmem:$0x1EC00] =	vst v63  }
0x39: {  	s13 =	rddreg [dreg:$0x11];
	s14 =	simm.s32 $0x4900  }
0x3a: {  	[tilespmem:s14], [sflag:$0x3] =	stream.linear.gather [hbm4b:s13+s4], $0x20, $0x38;
	[tilespmem:$0x1EC00] =	vst v63  }
0x3b: {  	s15 =	rddreg [dreg:$0x12];
	s18 =	simm.s32 $0x5980  }
0x3c: {  	[tilespmem:s18], [sflag:$0x4] =	stream.linear.gather [hbm4b:s15+s4], $0x20, $0x38;
	[tilespmem:$0x1EC00] =	vst v63  }
0x3d: {  	s19 =	rddreg [dreg:$0x13];
	s20 =	simm.s32 $0x6A00  }
0x3e: {  	[tilespmem:s20], [sflag:$0x5] =	stream.linear.gather [hbm4b:s19+s4], $0x20, $0x38;
	[tilespmem:$0x1EC00] =	vst v63  }
0x3f: {  	s22 =	rddreg [dreg:$0x14];
	s23 =	simm.s32 $0x7A80  }
0x40: {  	[tilespmem:s23], [sflag:$0x6] =	stream.linear.gather [hbm4b:s22+s4], $0x20, $0x38;
	[tilespmem:$0x1EC00] =	vst v63  }
0x41: {  	s24 =	rddreg [dreg:$0x15];
	s25 =	simm.s32 $0x8B00  }
0x42: {  	[tilespmem:s25], [sflag:$0x7] =	stream.linear.gather [hbm4b:s24+s4], $0x20, $0x38;
	[tilespmem:$0x1EC00] =	vst v63  }
0x43: {  	s26 =	rddreg [dreg:$0x17];
	s28 =	simm.s32 $0x9B80  }
0x44: {  	[tilespmem:s28], [sflag:$0x8] =	stream.linear.gather [hbm4b:s26+s4], $0x20, $0x38;
	[tilespmem:$0x1EC00] =	vst v63  }
0x45: {  	s29 =	rddreg [dreg:$0xd];
	s22 =	simm.s32 $0x2880  }
0x46: {  	[tilespmem:s22], [sflag:$0x1A] =	stream.linear.gather [hbm4b:s29+s4], $0x1000, $0x38;
	[tilespmem:$0x1EC00] =	vst v63  }
0x47: {  	_ =	swait.ge [sflag:s5], $0x1000  }
0x48: {  	[sflag:s5] =	ssyncset.done $0x0  }
0x49: {  	[sflag:s5] =	ssyncadd.s32 $0xFFFFF000  }
0x4a: {  	[spmem:s11] =	stream.linear.scatter [tilespmem:s22], [sflag:$0x11], $0x1000, $0x38;
	[tilespmem:$0x1EC00] =	vst v63  }
0x4b: {  	s31 =	rddreg [dreg:$0x18]  }
0x4c: {  	[spmem:s31] =	stream.linear.scatter [tilespmem:s22], [sflag:$0x12], $0x1000, $0x38;
	[tilespmem:$0x1EC00] =	vst v63  }
0x4d: {  	s5 =	rddreg [dreg:$0x19]  }
0x4e: {  	[spmem:s5] =	stream.linear.scatter [tilespmem:s22], [sflag:$0x13], $0x1000, $0x38;
	[tilespmem:$0x1EC00] =	vst v63  }
0x4f: {  	s7 =	rddreg [dreg:$0x1a]  }
0x50: {  	[spmem:s7] =	stream.linear.scatter [tilespmem:s22], [sflag:$0x14], $0x1000, $0x38;
	[tilespmem:$0x1EC00] =	vst v63  }
0x51: {  	s11 =	rddreg [dreg:$0x1b]  }
0x52: {  	[spmem:s11] =	stream.linear.scatter [tilespmem:s22], [sflag:$0x15], $0x1000, $0x38;
	[tilespmem:$0x1EC00] =	vst v63  }
0x53: {  	s12 =	rddreg [dreg:$0x1c]  }
0x54: {  	[spmem:s12] =	stream.linear.scatter [tilespmem:s22], [sflag:$0x16], $0x1000, $0x38;
	[tilespmem:$0x1EC00] =	vst v63  }
0x55: {  	s13 =	rddreg [dreg:$0x1d]  }
0x56: {  	[spmem:s13] =	stream.linear.scatter [tilespmem:s22], [sflag:$0x17], $0x1000, $0x38;
	[tilespmem:$0x1EC00] =	vst v63  }
0x57: {  	s14 =	rddreg [dreg:$0x1e];
	s5 =	simm.s32 $0x11  }
0x58: {  	[spmem:s14] =	stream.linear.scatter [tilespmem:s22], [sflag:$0x18], $0x1000, $0x38;
	[tilespmem:$0x1EC00] =	vst v63  }
0x59: {  	_ =	swait.ge [sflag:s5], $0x1000  }
0x5a: {  	s15 =	sld [smem:$0x7F2]  }
0x5b: {  	[sflag:s5] =	ssyncset.done $0x0  }
0x5c: {  	s11 =	simm.s32 $0x12;
	[sflag:s5] =	ssyncadd.s32 $0xFFFFF000  }
0x5d: {  	[spmem:s15] =	stream.linear.scatter [tilespmem:s22], [sflag:$0x11], $0x1000, $0x38;
	[tilespmem:$0x1EC00] =	vst v63  }
0x5e: {  	_ =	swait.ge [sflag:s11], $0x1000  }
0x5f: {  	s18 =	sld [smem:$0x7F3]  }
0x60: {  	[sflag:s11] =	ssyncset.done $0x0  }
0x61: {  	s12 =	simm.s32 $0x13;
	[sflag:s11] =	ssyncadd.s32 $0xFFFFF000  }
0x62: {  	[spmem:s18] =	stream.linear.scatter [tilespmem:s22], [sflag:$0x12], $0x1000, $0x38;
	[tilespmem:$0x1EC00] =	vst v63  }
0x63: {  	_ =	swait.ge [sflag:s12], $0x1000  }
0x64: {  	s19 =	sld [smem:$0x7F4]  }
0x65: {  	[sflag:s12] =	ssyncset.done $0x0  }
0x66: {  	s31 =	simm.s32 $0x14;
	[sflag:s12] =	ssyncadd.s32 $0xFFFFF000  }
0x67: {  	[spmem:s19] =	stream.linear.scatter [tilespmem:s22], [sflag:$0x13], $0x1000, $0x38;
	[tilespmem:$0x1EC00] =	vst v63  }
0x68: {  	_ =	swait.ge [sflag:s31], $0x1000  }
0x69: {  	s20 =	sld [smem:$0x7F5]  }
0x6a: {  	[sflag:s31] =	ssyncset.done $0x0  }
0x6b: {  	s15 =	simm.s32 $0x15;
	[sflag:s31] =	ssyncadd.s32 $0xFFFFF000  }
0x6c: {  	[spmem:s20] =	stream.linear.scatter [tilespmem:s22], [sflag:$0x14], $0x1000, $0x38;
	[tilespmem:$0x1EC00] =	vst v63  }
0x6d: {  	_ =	swait.ge [sflag:s15], $0x1000  }
0x6e: {  	s23 =	sld [smem:$0x7F6]  }
0x6f: {  	[sflag:s15] =	ssyncset.done $0x0  }
0x70: {  	[sflag:s15] =	ssyncadd.s32 $0xFFFFF000  }
0x71: {  	[spmem:s23] =	stream.linear.scatter [tilespmem:s22], [sflag:$0x15], $0x1000, $0x38;
	[tilespmem:$0x1EC00] =	vst v63  }
0x72: {  	s23 =	simm.s32 $0x16  }
0x73: {  	_ =	swait.ge [sflag:s23], $0x1000  }
0x74: {  	s24 =	sld [smem:$0x7F7]  }
0x75: {  	[sflag:s23] =	ssyncset.done $0x0  }
0x76: {  	[sflag:s23] =	ssyncadd.s32 $0xFFFFF000  }
0x77: {  	[spmem:s24] =	stream.linear.scatter [tilespmem:s22], [sflag:$0x16], $0x1000, $0x38;
	[tilespmem:$0x1EC00] =	vst v63  }
0x78: {  	s24 =	simm.s32 $0x17  }
0x79: {  	_ =	swait.ge [sflag:s24], $0x1000  }
0x7a: {  	s25 =	sld [smem:$0x7F8]  }
0x7b: {  	[sflag:s24] =	ssyncset.done $0x0  }
0x7c: {  	[sflag:s24] =	ssyncadd.s32 $0xFFFFF000  }
0x7d: {  	[spmem:s25] =	stream.linear.scatter [tilespmem:s22], [sflag:$0x17], $0x1000, $0x38;
	[tilespmem:$0x1EC00] =	vst v63  }
0x7e: {  	s25 =	simm.s32 $0x18  }
0x7f: {  	_ =	swait.ge [sflag:s25], $0x1000  }
0x80: {  	s26 =	sld [smem:$0x7F9]  }
0x81: {  	[sflag:s25] =	ssyncset.done $0x0  }
0x82: {  	[sflag:s25] =	ssyncadd.s32 $0xFFFFF000  }
0x83: {  	[spmem:s26] =	stream.linear.scatter [tilespmem:s22], [sflag:$0x18], $0x1000, $0x38;
	[tilespmem:$0x1EC00] =	vst v63  }
0x84: {  	_ =	swait.ge [sflag:s5], $0x1000  }
0x85: {  	s28 =	sld [smem:$0x7FA]  }
0x86: {  	[sflag:s5] =	ssyncset.done $0x0  }
0x87: {  	[sflag:s5] =	ssyncadd.s32 $0xFFFFF000  }
0x88: {  	[spmem:s28] =	stream.linear.scatter [tilespmem:s22], [sflag:$0x11], $0x1000, $0x38;
	[tilespmem:$0x1EC00] =	vst v63  }
0x89: {  	_ =	swait.ge [sflag:s11], $0x1000  }
0x8a: {  	s29 =	sld [smem:$0x7FB]  }
0x8b: {  	[sflag:s11] =	ssyncset.done $0x0  }
0x8c: {  	[sflag:s11] =	ssyncadd.s32 $0xFFFFF000  }
0x8d: {  	[spmem:s29] =	stream.linear.scatter [tilespmem:s22], [sflag:$0x12], $0x1000, $0x38;
	[tilespmem:$0x1EC00] =	vst v63  }
0x8e: {  	_ =	swait.ge [sflag:s12], $0x1000  }
0x8f: {  	s7 =	sld [smem:$0x7FC]  }
0x90: {  	[sflag:s12] =	ssyncset.done $0x0  }
0x91: {  	[sflag:s12] =	ssyncadd.s32 $0xFFFFF000  }
0x92: {  	[spmem:s7] =	stream.linear.scatter [tilespmem:s22], [sflag:$0x13], $0x1000, $0x38;
	[tilespmem:$0x1EC00] =	vst v63  }
0x93: {  	_ =	swait.ge [sflag:s31], $0x1000  }
0x94: {  	s13 =	sld [smem:$0x7FD]  }
0x95: {  	[sflag:s31] =	ssyncset.done $0x0  }
0x96: {  	[sflag:s31] =	ssyncadd.s32 $0xFFFFF000  }
0x97: {  	[spmem:s13] =	stream.linear.scatter [tilespmem:s22], [sflag:$0x14], $0x1000, $0x38;
	[tilespmem:$0x1EC00] =	vst v63  }
0x98: {  	_ =	swait.ge [sflag:s5], $0x1000  }
0x99: {  	[sflag:s5] =	ssyncset.done $0x0  }
0x9a: {  	[sflag:s5] =	ssyncadd.s32 $0xFFFFF000  }
0x9b: {  	_ =	swait.ge [sflag:s11], $0x1000  }
0x9c: {  	[sflag:s11] =	ssyncset.done $0x0  }
0x9d: {  	[sflag:s11] =	ssyncadd.s32 $0xFFFFF000  }
0x9e: {  	_ =	swait.ge [sflag:s12], $0x1000  }
0x9f: {  	[sflag:s12] =	ssyncset.done $0x0  }
0xa0: {  	[sflag:s12] =	ssyncadd.s32 $0xFFFFF000  }
0xa1: {  	_ =	swait.ge [sflag:s31], $0x1000  }
0xa2: {  	[sflag:s31] =	ssyncset.done $0x0  }
0xa3: {  	[sflag:s31] =	ssyncadd.s32 $0xFFFFF000  }
0xa4: {  	_ =	swait.ge [sflag:s15], $0x1000  }
0xa5: {  	[sflag:s15] =	ssyncset.done $0x0  }
0xa6: {  	[sflag:s15] =	ssyncadd.s32 $0xFFFFF000  }
0xa7: {  	_ =	swait.ge [sflag:s23], $0x1000  }
0xa8: {  	[sflag:s23] =	ssyncset.done $0x0  }
0xa9: {  	[sflag:s23] =	ssyncadd.s32 $0xFFFFF000  }
0xaa: {  	_ =	swait.ge [sflag:s24], $0x1000  }
0xab: {  	[sflag:s24] =	ssyncset.done $0x0  }
0xac: {  	[sflag:s24] =	ssyncadd.s32 $0xFFFFF000  }
0xad: {  	_ =	swait.ge [sflag:s25], $0x1000  }
0xae: {  	[sflag:s25] =	ssyncset.done $0x0  }
0xaf: {  	[sflag:s25] =	ssyncadd.s32 $0xFFFFF000  }
0xb0: {  	s14 =	simm.s32 $0x19;
	[bflag:$0x0] =	sbarrier.arrive $0xFFFF  }
0xb1: {  	_ =	swait.ge [sflag:s14], $0x2800  }
0xb2: {  	[sflag:s14] =	ssyncset.done $0x0  }
0xb3: {  	[sflag:s14] =	ssyncadd.s32 $0xFFFFD800  }
0xb4: {  	[tilespmem:s22], [sflag:$0x9] =	stream.indirect.gather [hbm4b:s2+s0], $0x80, s4, s0, $0xb8;
	[tilespmem:$0x1EC00] =	vst v63  }
0xb5: {  	s13 =	simm.s32 $0x3900  }
0xb6: {  	[tilespmem:s13], [sflag:$0xA] =	stream.indirect.gather [hbm4b:s2+s0], $0x80, s0, s0, $0xb8;
	[tilespmem:$0x1EC00] =	vst v63  }
0xb7: {  	s18 =	simm.s32 $0x40;
	s14 =	simm.s32 $0x4980  }
0xb8: {  	[tilespmem:s14], [sflag:$0xB] =	stream.indirect.gather [hbm4b:s2+s0], $0x80, s18, s0, $0xb8;
	[tilespmem:$0x1EC00] =	vst v63  }
0xb9: {  	s19 =	simm.s32 $0x60;
	s18 =	simm.s32 $0x5A00  }
0xba: {  	[tilespmem:s18], [sflag:$0xC] =	stream.indirect.gather [hbm4b:s2+s0], $0x80, s19, s0, $0xb8;
	[tilespmem:$0x1EC00] =	vst v63  }
0xbb: {  	s20 =	simm.s32 $0x80;
	s19 =	simm.s32 $0x6A80  }
0xbc: {  	[tilespmem:s19], [sflag:$0xD] =	stream.indirect.gather [hbm4b:s2+s0], $0x80, s20, s0, $0xb8;
	[tilespmem:$0x1EC00] =	vst v63  }
0xbd: {  	s26 =	simm.s32 $0xA0;
	s20 =	simm.s32 $0x7B00  }
0xbe: {  	[tilespmem:s20], [sflag:$0xE] =	stream.indirect.gather [hbm4b:s2+s0], $0x80, s26, s0, $0xb8;
	[tilespmem:$0x1EC00] =	vst v63  }
0xbf: {  	s28 =	simm.s32 $0xC0;
	s26 =	simm.s32 $0x8B80  }
0xc0: {  	[tilespmem:s26], [sflag:$0xF] =	stream.indirect.gather [hbm4b:s2+s0], $0x80, s28, s0, $0xb8;
	[tilespmem:$0x1EC00] =	vst v63  }
0xc1: {  	s29 =	simm.s32 $0xE0;
	s7 =	simm.s32 $0x9C00;
	s28 =	simm.s32 $0x9  }
0xc2: {  	[tilespmem:s7], [sflag:$0x10] =	stream.indirect.gather [hbm4b:s2+s0], $0x80, s29, s0, $0xb8;
	[tilespmem:$0x1EC00] =	vst v63  }
0xc3: {  	_ =	swait.ge [sflag:s28], $0x1000  }
0xc4: {  	[sflag:s28] =	ssyncset.done $0x0  }
0xc5: {  	s29 =	simm.s32 $0x1;
	[sflag:s28] =	ssyncadd.s32 $0xFFFFF000  }
0xc6: {  	_ =	swait.ge [sflag:s29], $0x20  }
0xc7: {  	[sflag:s29] =	ssyncset.done $0x0  }
0xc8: {  	s16 =	simm.s32 $0x2800;
	[sflag:s29] =	ssyncadd.s32 $0xFFFFFFE0  }
0xc9: {  	[spmem:s3] =	stream.indirect.scatter.add.f32 [tilespmem:s22], [sflag:$0x11], $0x80, s16, s0, $0xb8;
	[tilespmem:$0x1EC00] =	vst v63  }
0xca: {  	s16 =	simm.s32 $0xA  }
0xcb: {  	_ =	swait.ge [sflag:s16], $0x1000  }
0xcc: {  	[sflag:s16] =	ssyncset.done $0x0  }
0xcd: {  	s29 =	simm.s32 $0x2;
	[sflag:s16] =	ssyncadd.s32 $0xFFFFF000  }
0xce: {  	_ =	swait.ge [sflag:s29], $0x20  }
0xcf: {  	[sflag:s29] =	ssyncset.done $0x0  }
0xd0: {  	s17 =	simm.s32 $0x3880;
	s16 =	simm.s32 $0xB;
	[sflag:s29] =	ssyncadd.s32 $0xFFFFFFE0  }
0xd1: {  	[spmem:s3] =	stream.indirect.scatter.add.f32 [tilespmem:s13], [sflag:$0x12], $0x80, s17, s0, $0xb8;
	[tilespmem:$0x1EC00] =	vst v63  }
0xd2: {  	_ =	swait.ge [sflag:s16], $0x1000  }
0xd3: {  	[sflag:s16] =	ssyncset.done $0x0  }
0xd4: {  	s17 =	simm.s32 $0x3;
	[sflag:s16] =	ssyncadd.s32 $0xFFFFF000  }
0xd5: {  	_ =	swait.ge [sflag:s17], $0x20  }
0xd6: {  	[sflag:s17] =	ssyncset.done $0x0  }
0xd7: {  	s30 =	simm.s32 $0x4900;
	s16 =	simm.s32 $0xC;
	[sflag:s17] =	ssyncadd.s32 $0xFFFFFFE0  }
0xd8: {  	[spmem:s3] =	stream.indirect.scatter.add.f32 [tilespmem:s14], [sflag:$0x13], $0x80, s30, s0, $0xb8;
	[tilespmem:$0x1EC00] =	vst v63  }
0xd9: {  	_ =	swait.ge [sflag:s16], $0x1000  }
0xda: {  	[sflag:s16] =	ssyncset.done $0x0  }
0xdb: {  	s17 =	simm.s32 $0x4;
	[sflag:s16] =	ssyncadd.s32 $0xFFFFF000  }
0xdc: {  	_ =	swait.ge [sflag:s17], $0x20  }
0xdd: {  	[sflag:s17] =	ssyncset.done $0x0  }
0xde: {  	s16 =	simm.s32 $0x5980;
	[sflag:s17] =	ssyncadd.s32 $0xFFFFFFE0;
	s17 =	simm.s32 $0xD  }
0xdf: {  	[spmem:s3] =	stream.indirect.scatter.add.f32 [tilespmem:s18], [sflag:$0x14], $0x80, s16, s0, $0xb8;
	[tilespmem:$0x1EC00] =	vst v63  }
0xe0: {  	_ =	swait.ge [sflag:s17], $0x1000  }
0xe1: {  	[sflag:s17] =	ssyncset.done $0x0  }
0xe2: {  	s16 =	simm.s32 $0x5;
	[sflag:s17] =	ssyncadd.s32 $0xFFFFF000  }
0xe3: {  	_ =	swait.ge [sflag:s16], $0x20  }
0xe4: {  	[sflag:s16] =	ssyncset.done $0x0  }
0xe5: {  	s17 =	simm.s32 $0x6A00;
	[sflag:s16] =	ssyncadd.s32 $0xFFFFFFE0;
	s16 =	simm.s32 $0xE  }
0xe6: {  	[spmem:s3] =	stream.indirect.scatter.add.f32 [tilespmem:s19], [sflag:$0x15], $0x80, s17, s0, $0xb8;
	[tilespmem:$0x1EC00] =	vst v63  }
0xe7: {  	_ =	swait.ge [sflag:s16], $0x1000  }
0xe8: {  	[sflag:s16] =	ssyncset.done $0x0  }
0xe9: {  	[sflag:s16] =	ssyncadd.s32 $0xFFFFF000  }
0xea: {  	_ =	swait.ge [sflag:s21], $0x20  }
0xeb: {  	[sflag:s21] =	ssyncset.done $0x0  }
0xec: {  	s17 =	simm.s32 $0x7A80;
	[sflag:s21] =	ssyncadd.s32 $0xFFFFFFE0  }
0xed: {  	[spmem:s3] =	stream.indirect.scatter.add.f32 [tilespmem:s20], [sflag:$0x16], $0x80, s17, s0, $0xb8;
	[tilespmem:$0x1EC00] =	vst v63  }
0xee: {  	_ =	swait.ge [sflag:s6], $0x1000  }
0xef: {  	[sflag:s6] =	ssyncset.done $0x0  }
0xf0: {  	[sflag:s6] =	ssyncadd.s32 $0xFFFFF000  }
0xf1: {  	_ =	swait.ge [sflag:s8], $0x20  }
0xf2: {  	[sflag:s8] =	ssyncset.done $0x0  }
0xf3: {  	s16 =	simm.s32 $0x8B00;
	[sflag:s8] =	ssyncadd.s32 $0xFFFFFFE0  }
0xf4: {  	[spmem:s3] =	stream.indirect.scatter.add.f32 [tilespmem:s26], [sflag:$0x17], $0x80, s16, s0, $0xb8;
	[tilespmem:$0x1EC00] =	vst v63  }
0xf5: {  	_ =	swait.ge [sflag:s9], $0x1000  }
0xf6: {  	[sflag:s9] =	ssyncset.done $0x0  }
0xf7: {  	[sflag:s9] =	ssyncadd.s32 $0xFFFFF000  }
0xf8: {  	_ =	swait.ge [sflag:s10], $0x20  }
0xf9: {  	[sflag:s10] =	ssyncset.done $0x0  }
0xfa: {  	s17 =	simm.s32 $0x9B80;
	[sflag:s10] =	ssyncadd.s32 $0xFFFFFFE0  }
0xfb: {  	[spmem:s3] =	stream.indirect.scatter.add.f32 [tilespmem:s7], [sflag:$0x18], $0x80, s17, s0, $0xb8;
	[tilespmem:$0x1EC00] =	vst v63  }
0xfc: {  	_ =	swait.ge [sflag:s5], $0x1000  }
0xfd: {  	s1 =	rddreg [dreg:$0xa]  }
0xfe: {  	[sflag:s5] =	ssyncset.done $0x0;
	s7 =	rddreg [dreg:$0xc]  }
0xff: {  	s28 =	simm.s32 $0x2800;
	[sflag:s5] =	ssyncadd.s32 $0xFFFFF000;
	s1 =	sadd.s32 s7, s1  }
0x100: {  	[tilespmem:s28], [sflag:$0x1] =	stream.linear.gather [hbm4b:s1+s4], $0x20, $0x38;
	[tilespmem:$0x1EC00] =	vst v63  }
0x101: {  	s5 =	simm.s32 $0x100  }
0x102: {  	[tilespmem:s22], [sflag:$0x9] =	stream.indirect.gather [hbm4b:s2+s0], $0x80, s5, s0, $0xb8;
	[tilespmem:$0x1EC00] =	vst v63  }
0x103: {  	_ =	swait.ge [sflag:s11], $0x1000  }
0x104: {  	s22 =	rddreg [dreg:$0x9];
	[sflag:s11] =	ssyncset.done $0x0  }
0x105: {  	s29 =	simm.s32 $0x3880;
	[sflag:s11] =	ssyncadd.s32 $0xFFFFF000;
	s1 =	sadd.s32 s7, s22  }
0x106: {  	[tilespmem:s29], [sflag:$0x2] =	stream.linear.gather [hbm4b:s1+s4], $0x20, $0x38;
	[tilespmem:$0x1EC00] =	vst v63  }
0x107: {  	s28 =	simm.s32 $0x120  }
0x108: {  	[tilespmem:s13], [sflag:$0xA] =	stream.indirect.gather [hbm4b:s2+s0], $0x80, s28, s0, $0xb8;
	[tilespmem:$0x1EC00] =	vst v63  }
0x109: {  	_ =	swait.ge [sflag:s12], $0x1000  }
0x10a: {  	s29 =	rddreg [dreg:$0x8];
	[sflag:s12] =	ssyncset.done $0x0  }
0x10b: {  	s30 =	simm.s32 $0x4900;
	[sflag:s12] =	ssyncadd.s32 $0xFFFFF000;
	s1 =	sadd.s32 s7, s29  }
0x10c: {  	[tilespmem:s30], [sflag:$0x3] =	stream.linear.gather [hbm4b:s1+s4], $0x20, $0x38;
	[tilespmem:$0x1EC00] =	vst v63  }
0x10d: {  	s5 =	simm.s32 $0x140  }
0x10e: {  	[tilespmem:s14], [sflag:$0xB] =	stream.indirect.gather [hbm4b:s2+s0], $0x80, s5, s0, $0xb8;
	[tilespmem:$0x1EC00] =	vst v63  }
0x10f: {  	_ =	swait.ge [sflag:s31], $0x1000  }
0x110: {  	s11 =	rddreg [dreg:$0x7];
	[sflag:s31] =	ssyncset.done $0x0  }
0x111: {  	s12 =	simm.s32 $0x5980;
	[sflag:s31] =	ssyncadd.s32 $0xFFFFF000;
	s1 =	sadd.s32 s7, s11  }
0x112: {  	[tilespmem:s12], [sflag:$0x4] =	stream.linear.gather [hbm4b:s1+s4], $0x20, $0x38;
	[tilespmem:$0x1EC00] =	vst v63  }
0x113: {  	s13 =	simm.s32 $0x160  }
0x114: {  	[tilespmem:s18], [sflag:$0xC] =	stream.indirect.gather [hbm4b:s2+s0], $0x80, s13, s0, $0xb8;
	[tilespmem:$0x1EC00] =	vst v63  }
0x115: {  	_ =	swait.ge [sflag:s15], $0x1000  }
0x116: {  	s14 =	rddreg [dreg:$0x6];
	[sflag:s15] =	ssyncset.done $0x0  }
0x117: {  	[sflag:s15] =	ssyncadd.s32 $0xFFFFF000;
	s1 =	sadd.s32 s7, s14;
	s15 =	simm.s32 $0x6A00  }
0x118: {  	[tilespmem:s15], [sflag:$0x5] =	stream.linear.gather [hbm4b:s1+s4], $0x20, $0x38;
	[tilespmem:$0x1EC00] =	vst v63  }
0x119: {  	s18 =	simm.s32 $0x180  }
0x11a: {  	[tilespmem:s19], [sflag:$0xD] =	stream.indirect.gather [hbm4b:s2+s0], $0x80, s18, s0, $0xb8;
	[tilespmem:$0x1EC00] =	vst v63  }
0x11b: {  	_ =	swait.ge [sflag:s23], $0x1000  }
0x11c: {  	s22 =	rddreg [dreg:$0x5];
	[sflag:s23] =	ssyncset.done $0x0  }
0x11d: {  	[sflag:s23] =	ssyncadd.s32 $0xFFFFF000;
	s1 =	sadd.s32 s7, s22;
	s23 =	simm.s32 $0x7A80  }
0x11e: {  	[tilespmem:s23], [sflag:$0x6] =	stream.linear.gather [hbm4b:s1+s4], $0x20, $0x38;
	[tilespmem:$0x1EC00] =	vst v63  }
0x11f: {  	s28 =	simm.s32 $0x1A0  }
0x120: {  	[tilespmem:s20], [sflag:$0xE] =	stream.indirect.gather [hbm4b:s2+s0], $0x80, s28, s0, $0xb8;
	[tilespmem:$0x1EC00] =	vst v63  }
0x121: {  	_ =	swait.ge [sflag:s24], $0x1000  }
0x122: {  	s29 =	rddreg [dreg:$0x4];
	[sflag:s24] =	ssyncset.done $0x0  }
0x123: {  	[sflag:s24] =	ssyncadd.s32 $0xFFFFF000;
	s1 =	sadd.s32 s7, s29  }
0x124: {  	[tilespmem:s16], [sflag:$0x7] =	stream.linear.gather [hbm4b:s1+s4], $0x20, $0x38;
	[tilespmem:$0x1EC00] =	vst v63  }
0x125: {  	s30 =	simm.s32 $0x1C0  }
0x126: {  	[tilespmem:s26], [sflag:$0xF] =	stream.indirect.gather [hbm4b:s2+s0], $0x80, s30, s0, $0xb8;
	[tilespmem:$0x1EC00] =	vst v63  }
0x127: {  	_ =	swait.ge [sflag:s25], $0x1000  }
0x128: {  	s31 =	rddreg [dreg:$0xb];
	[sflag:s25] =	ssyncset.done $0x0  }
0x129: {  	[sflag:s25] =	ssyncadd.s32 $0xFFFFF000;
	s1 =	sadd.s32 s7, s31  }
0x12a: {  	[tilespmem:s17], [sflag:$0x8] =	stream.linear.gather [hbm4b:s1+s4], $0x20, $0x38;
	[tilespmem:$0x1EC00] =	vst v63  }
0x12b: {  	s11 =	simm.s32 $0x400;
	s7 =	sadd.s32 $0x20, s7;
	s1 =	simm.s32 $0x1E0  }
.LBB2_2:
0x12c: {  	s5 =	simm.s32 $0x9C00;
	s12 =	simm.s32 $0x9  }
0x12d: {  	[tilespmem:s5], [sflag:$0x10] =	stream.indirect.gather [hbm4b:s2+s0], $0x80, s1, s0, $0xb8;
	[tilespmem:$0x1EC00] =	vst v63  }
0x12e: {  	_ =	swait.ge [sflag:s12], $0x1000  }
0x12f: {  	[sflag:s12] =	ssyncset.done $0x0  }
0x130: {  	s15 =	simm.s32 $0x1;
	[sflag:s12] =	ssyncadd.s32 $0xFFFFF000  }
0x131: {  	_ =	swait.ge [sflag:s15], $0x20  }
0x132: {  	s25 =	simm.s32 $0x2800;
	[sflag:s15] =	ssyncset.done $0x0  }
0x133: {  	s13 =	simm.s32 $0xA;
	s12 =	simm.s32 $0x2880;
	[sflag:s15] =	ssyncadd.s32 $0xFFFFFFE0  }
0x134: {  	[spmem:s3] =	stream.indirect.scatter.add.f32 [tilespmem:s12], [sflag:$0x11], $0x80, s25, s0, $0xb8;
	[tilespmem:$0x1EC00] =	vst v63  }
0x135: {  	_ =	swait.ge [sflag:s13], $0x1000  }
0x136: {  	[sflag:s13] =	ssyncset.done $0x0  }
0x137: {  	s16 =	simm.s32 $0x2;
	[sflag:s13] =	ssyncadd.s32 $0xFFFFF000  }
0x138: {  	_ =	swait.ge [sflag:s16], $0x20  }
0x139: {  	s26 =	simm.s32 $0x3880;
	[sflag:s16] =	ssyncset.done $0x0  }
0x13a: {  	s14 =	simm.s32 $0xB;
	s13 =	simm.s32 $0x3900;
	[sflag:s16] =	ssyncadd.s32 $0xFFFFFFE0  }
0x13b: {  	[spmem:s3] =	stream.indirect.scatter.add.f32 [tilespmem:s13], [sflag:$0x12], $0x80, s26, s0, $0xb8;
	[tilespmem:$0x1EC00] =	vst v63  }
0x13c: {  	_ =	swait.ge [sflag:s14], $0x1000  }
0x13d: {  	[sflag:s14] =	ssyncset.done $0x0  }
0x13e: {  	s17 =	simm.s32 $0x3;
	[sflag:s14] =	ssyncadd.s32 $0xFFFFF000  }
0x13f: {  	_ =	swait.ge [sflag:s17], $0x20  }
0x140: {  	s28 =	simm.s32 $0x4900;
	[sflag:s17] =	ssyncset.done $0x0  }
0x141: {  	s18 =	simm.s32 $0xC;
	s16 =	simm.s32 $0x4980;
	[sflag:s17] =	ssyncadd.s32 $0xFFFFFFE0  }
0x142: {  	[spmem:s3] =	stream.indirect.scatter.add.f32 [tilespmem:s16], [sflag:$0x13], $0x80, s28, s0, $0xb8;
	[tilespmem:$0x1EC00] =	vst v63  }
0x143: {  	_ =	swait.ge [sflag:s18], $0x1000  }
0x144: {  	[sflag:s18] =	ssyncset.done $0x0  }
0x145: {  	s19 =	simm.s32 $0x4;
	[sflag:s18] =	ssyncadd.s32 $0xFFFFF000  }
0x146: {  	_ =	swait.ge [sflag:s19], $0x20  }
0x147: {  	s29 =	simm.s32 $0x5980;
	[sflag:s19] =	ssyncset.done $0x0  }
0x148: {  	s20 =	simm.s32 $0xD;
	s17 =	simm.s32 $0x5A00;
	[sflag:s19] =	ssyncadd.s32 $0xFFFFFFE0  }
0x149: {  	[spmem:s3] =	stream.indirect.scatter.add.f32 [tilespmem:s17], [sflag:$0x14], $0x80, s29, s0, $0xb8;
	[tilespmem:$0x1EC00] =	vst v63  }
0x14a: {  	_ =	swait.ge [sflag:s20], $0x1000  }
0x14b: {  	[sflag:s20] =	ssyncset.done $0x0  }
0x14c: {  	s22 =	simm.s32 $0x5;
	[sflag:s20] =	ssyncadd.s32 $0xFFFFF000  }
0x14d: {  	_ =	swait.ge [sflag:s22], $0x20  }
0x14e: {  	s30 =	simm.s32 $0x6A00;
	[sflag:s22] =	ssyncset.done $0x0  }
0x14f: {  	s23 =	simm.s32 $0xE;
	s18 =	simm.s32 $0x6A80;
	[sflag:s22] =	ssyncadd.s32 $0xFFFFFFE0  }
0x150: {  	[spmem:s3] =	stream.indirect.scatter.add.f32 [tilespmem:s18], [sflag:$0x15], $0x80, s30, s0, $0xb8;
	[tilespmem:$0x1EC00] =	vst v63  }
0x151: {  	_ =	swait.ge [sflag:s23], $0x1000  }
0x152: {  	[sflag:s23] =	ssyncset.done $0x0  }
0x153: {  	[sflag:s23] =	ssyncadd.s32 $0xFFFFF000  }
0x154: {  	_ =	swait.ge [sflag:s21], $0x20  }
0x155: {  	[sflag:s21] =	ssyncset.done $0x0  }
0x156: {  	s31 =	simm.s32 $0x7A80;
	s19 =	simm.s32 $0x7B00;
	[sflag:s21] =	ssyncadd.s32 $0xFFFFFFE0  }
0x157: {  	[spmem:s3] =	stream.indirect.scatter.add.f32 [tilespmem:s19], [sflag:$0x16], $0x80, s31, s0, $0xb8;
	[tilespmem:$0x1EC00] =	vst v63  }
0x158: {  	_ =	swait.ge [sflag:s6], $0x1000  }
0x159: {  	[sflag:s6] =	ssyncset.done $0x0  }
0x15a: {  	[sflag:s6] =	ssyncadd.s32 $0xFFFFF000  }
0x15b: {  	_ =	swait.ge [sflag:s8], $0x20  }
0x15c: {  	[sflag:s8] =	ssyncset.done $0x0  }
0x15d: {  	s15 =	simm.s32 $0x8B00;
	s20 =	simm.s32 $0x8B80;
	[sflag:s8] =	ssyncadd.s32 $0xFFFFFFE0  }
0x15e: {  	[spmem:s3] =	stream.indirect.scatter.add.f32 [tilespmem:s20], [sflag:$0x17], $0x80, s15, s0, $0xb8;
	[tilespmem:$0x1EC00] =	vst v63  }
0x15f: {  	_ =	swait.ge [sflag:s9], $0x1000  }
0x160: {  	[sflag:s9] =	ssyncset.done $0x0  }
0x161: {  	[sflag:s9] =	ssyncadd.s32 $0xFFFFF000  }
0x162: {  	_ =	swait.ge [sflag:s10], $0x20  }
0x163: {  	[sflag:s10] =	ssyncset.done $0x0  }
0x164: {  	s24 =	simm.s32 $0x11;
	s22 =	simm.s32 $0x9B80;
	[sflag:s10] =	ssyncadd.s32 $0xFFFFFFE0  }
0x165: {  	[spmem:s3] =	stream.indirect.scatter.add.f32 [tilespmem:s5], [sflag:$0x18], $0x80, s22, s0, $0xb8;
	[tilespmem:$0x1EC00] =	vst v63  }
0x166: {  	_ =	swait.ge [sflag:s24], $0x1000  }
0x167: {  	s1 =	smov.u32 s11;
	s23 =	rddreg [dreg:$0xa];
	[sflag:s24] =	ssyncset.done $0x0  }
0x168: {  	s1 =	sshra.s32 s1, $0x2;
	[sflag:s24] =	ssyncadd.s32 $0xFFFFF000;
	s23 =	sadd.s32 s7, s23  }
0x169: {  	[tilespmem:s25], [sflag:$0x1] =	stream.linear.gather [hbm4b:s23+s4], $0x20, $0x38;
	[tilespmem:$0x1EC00] =	vst v63  }
0x16a: {  	s14 =	sadd.s32 $0x100, s1;
	s23 =	simm.s32 $0x12  }
0x16b: {  	[tilespmem:s12], [sflag:$0x9] =	stream.indirect.gather [hbm4b:s2+s0], $0x80, s14, s0, $0xb8;
	[tilespmem:$0x1EC00] =	vst v63  }
0x16c: {  	_ =	swait.ge [sflag:s23], $0x1000  }
0x16d: {  	s25 =	rddreg [dreg:$0x9];
	[sflag:s23] =	ssyncset.done $0x0  }
0x16e: {  	[sflag:s23] =	ssyncadd.s32 $0xFFFFF000;
	s23 =	sadd.s32 s7, s25  }
0x16f: {  	[tilespmem:s26], [sflag:$0x2] =	stream.linear.gather [hbm4b:s23+s4], $0x20, $0x38;
	[tilespmem:$0x1EC00] =	vst v63  }
0x170: {  	s12 =	sadd.s32 $0x120, s1;
	s23 =	simm.s32 $0x13  }
0x171: {  	[tilespmem:s13], [sflag:$0xA] =	stream.indirect.gather [hbm4b:s2+s0], $0x80, s12, s0, $0xb8;
	[tilespmem:$0x1EC00] =	vst v63  }
0x172: {  	_ =	swait.ge [sflag:s23], $0x1000  }
0x173: {  	s26 =	rddreg [dreg:$0x8];
	[sflag:s23] =	ssyncset.done $0x0  }
0x174: {  	[sflag:s23] =	ssyncadd.s32 $0xFFFFF000;
	s23 =	sadd.s32 s7, s26  }
0x175: {  	[tilespmem:s28], [sflag:$0x3] =	stream.linear.gather [hbm4b:s23+s4], $0x20, $0x38;
	[tilespmem:$0x1EC00] =	vst v63  }
0x176: {  	s12 =	sadd.s32 $0x140, s1;
	s23 =	simm.s32 $0x14  }
0x177: {  	[tilespmem:s16], [sflag:$0xB] =	stream.indirect.gather [hbm4b:s2+s0], $0x80, s12, s0, $0xb8;
	[tilespmem:$0x1EC00] =	vst v63  }
0x178: {  	_ =	swait.ge [sflag:s23], $0x1000  }
0x179: {  	s16 =	rddreg [dreg:$0x7];
	[sflag:s23] =	ssyncset.done $0x0  }
0x17a: {  	[sflag:s23] =	ssyncadd.s32 $0xFFFFF000;
	s23 =	sadd.s32 s7, s16  }
0x17b: {  	[tilespmem:s29], [sflag:$0x4] =	stream.linear.gather [hbm4b:s23+s4], $0x20, $0x38;
	[tilespmem:$0x1EC00] =	vst v63  }
0x17c: {  	s12 =	sadd.s32 $0x160, s1;
	s23 =	simm.s32 $0x15  }
0x17d: {  	[tilespmem:s17], [sflag:$0xC] =	stream.indirect.gather [hbm4b:s2+s0], $0x80, s12, s0, $0xb8;
	[tilespmem:$0x1EC00] =	vst v63  }
0x17e: {  	_ =	swait.ge [sflag:s23], $0x1000  }
0x17f: {  	p0 =	sne.s32 s11, $0x9800;
	s17 =	rddreg [dreg:$0x6];
	[sflag:s23] =	ssyncset.done $0x0  }
0x180: {  	s11 =	sadd.s32 $0x400, s11;
	[sflag:s23] =	ssyncadd.s32 $0xFFFFF000;
	s23 =	sadd.s32 s7, s17  }
0x181: {  	[tilespmem:s30], [sflag:$0x5] =	stream.linear.gather [hbm4b:s23+s4], $0x20, $0x38;
	[tilespmem:$0x1EC00] =	vst v63  }
0x182: {  	s5 =	simm.s32 $0x2880;
	s12 =	sadd.s32 $0x180, s1;
	s23 =	simm.s32 $0x16  }
0x183: {  	[tilespmem:s18], [sflag:$0xD] =	stream.indirect.gather [hbm4b:s2+s0], $0x80, s12, s0, $0xb8;
	[tilespmem:$0x1EC00] =	vst v63  }
0x184: {  	s24 =	simm.s32 $0x2800;
	s14 =	simm.s32 $0x3900;
	_ =	swait.ge [sflag:s23], $0x1000  }
0x185: {  	s25 =	simm.s32 $0x3880;
	s18 =	rddreg [dreg:$0x5];
	[sflag:s23] =	ssyncset.done $0x0  }
0x186: {  	s13 =	simm.s32 $0x4980;
	[sflag:s23] =	ssyncadd.s32 $0xFFFFF000;
	s23 =	sadd.s32 s7, s18  }
0x187: {  	[tilespmem:s31], [sflag:$0x6] =	stream.linear.gather [hbm4b:s23+s4], $0x20, $0x38;
	[tilespmem:$0x1EC00] =	vst v63  }
0x188: {  	s26 =	simm.s32 $0x4900;
	s12 =	sadd.s32 $0x1A0, s1;
	s23 =	simm.s32 $0x17  }
0x189: {  	[tilespmem:s19], [sflag:$0xE] =	stream.indirect.gather [hbm4b:s2+s0], $0x80, s12, s0, $0xb8;
	[tilespmem:$0x1EC00] =	vst v63  }
0x18a: {  	s28 =	simm.s32 $0x5980;
	s16 =	simm.s32 $0x5A00;
	_ =	swait.ge [sflag:s23], $0x1000  }
0x18b: {  	s29 =	simm.s32 $0x6A00;
	s19 =	rddreg [dreg:$0x4];
	[sflag:s23] =	ssyncset.done $0x0  }
0x18c: {  	s17 =	simm.s32 $0x6A80;
	[sflag:s23] =	ssyncadd.s32 $0xFFFFF000;
	s23 =	sadd.s32 s7, s19  }
0x18d: {  	[tilespmem:s15], [sflag:$0x7] =	stream.linear.gather [hbm4b:s23+s4], $0x20, $0x38;
	[tilespmem:$0x1EC00] =	vst v63  }
0x18e: {  	s30 =	simm.s32 $0x7A80;
	s12 =	sadd.s32 $0x1C0, s1;
	s15 =	simm.s32 $0x18  }
0x18f: {  	[tilespmem:s20], [sflag:$0xF] =	stream.indirect.gather [hbm4b:s2+s0], $0x80, s12, s0, $0xb8;
	[tilespmem:$0x1EC00] =	vst v63  }
.Ltmp0:
0x190: {  	s18 =	simm.s32 $0x7B00;
	_ =	swait.ge [sflag:s15], $0x1000;
	(pc) =	sbr.rel @p0 .LBB2_2-.Ltmp0, $4  }
0x191: {  	s31 =	simm.s32 $0x8B00;
	s1 =	sadd.s32 $0x1E0, s1;
	[sflag:s15] =	ssyncset.done $0x0  }
0x192: {  	s19 =	simm.s32 $0x8B80;
	s20 =	rddreg [dreg:$0xb];
	[sflag:s15] =	ssyncadd.s32 $0xFFFFF000  }
0x193: {  	s23 =	sadd.s32 s7, s20;
	s15 =	simm.s32 $0x9B80;
	s7 =	sadd.s32 $0x20, s7  }
0x194: {  	[tilespmem:s22], [sflag:$0x8] =	stream.linear.gather [hbm4b:s23+s4], $0x20, $0x38;
	[tilespmem:$0x1EC00] =	vst v63  }
0x195: {  	s7 =	simm.s32 $0x9C00;
	s20 =	simm.s32 $0x9  }
0x196: {  	[tilespmem:s7], [sflag:$0x10] =	stream.indirect.gather [hbm4b:s2+s0], $0x80, s1, s0, $0xb8;
	[tilespmem:$0x1EC00] =	vst v63  }
0x197: {  	_ =	swait.ge [sflag:s20], $0x1000  }
0x198: {  	[sflag:s20] =	ssyncset.done $0x0  }
0x199: {  	s22 =	simm.s32 $0x1;
	[sflag:s20] =	ssyncadd.s32 $0xFFFFF000  }
0x19a: {  	_ =	swait.ge [sflag:s22], $0x20  }
0x19b: {  	[sflag:s22] =	ssyncset.done $0x0  }
0x19c: {  	s23 =	simm.s32 $0xA;
	[sflag:s22] =	ssyncadd.s32 $0xFFFFFFE0  }
0x19d: {  	[spmem:s3] =	stream.indirect.scatter.add.f32 [tilespmem:s5], [sflag:$0x11], $0x80, s24, s0, $0xb8;
	[tilespmem:$0x1EC00] =	vst v63  }
0x19e: {  	_ =	swait.ge [sflag:s23], $0x1000  }
0x19f: {  	[sflag:s23] =	ssyncset.done $0x0  }
0x1a0: {  	s24 =	simm.s32 $0x2;
	[sflag:s23] =	ssyncadd.s32 $0xFFFFF000  }
0x1a1: {  	_ =	swait.ge [sflag:s24], $0x20  }
0x1a2: {  	[sflag:s24] =	ssyncset.done $0x0  }
0x1a3: {  	s5 =	simm.s32 $0xB;
	[sflag:s24] =	ssyncadd.s32 $0xFFFFFFE0  }
0x1a4: {  	[spmem:s3] =	stream.indirect.scatter.add.f32 [tilespmem:s14], [sflag:$0x12], $0x80, s25, s0, $0xb8;
	[tilespmem:$0x1EC00] =	vst v63  }
0x1a5: {  	_ =	swait.ge [sflag:s5], $0x1000  }
0x1a6: {  	[sflag:s5] =	ssyncset.done $0x0  }
0x1a7: {  	s11 =	simm.s32 $0x3;
	[sflag:s5] =	ssyncadd.s32 $0xFFFFF000  }
0x1a8: {  	_ =	swait.ge [sflag:s11], $0x20  }
0x1a9: {  	[sflag:s11] =	ssyncset.done $0x0  }
0x1aa: {  	s12 =	simm.s32 $0xC;
	[sflag:s11] =	ssyncadd.s32 $0xFFFFFFE0  }
0x1ab: {  	[spmem:s3] =	stream.indirect.scatter.add.f32 [tilespmem:s13], [sflag:$0x13], $0x80, s26, s0, $0xb8;
	[tilespmem:$0x1EC00] =	vst v63  }
0x1ac: {  	_ =	swait.ge [sflag:s12], $0x1000  }
0x1ad: {  	[sflag:s12] =	ssyncset.done $0x0  }
0x1ae: {  	s13 =	simm.s32 $0x4;
	[sflag:s12] =	ssyncadd.s32 $0xFFFFF000  }
0x1af: {  	_ =	swait.ge [sflag:s13], $0x20  }
0x1b0: {  	[sflag:s13] =	ssyncset.done $0x0  }
0x1b1: {  	s14 =	simm.s32 $0xD;
	[sflag:s13] =	ssyncadd.s32 $0xFFFFFFE0  }
0x1b2: {  	[spmem:s3] =	stream.indirect.scatter.add.f32 [tilespmem:s16], [sflag:$0x14], $0x80, s28, s0, $0xb8;
	[tilespmem:$0x1EC00] =	vst v63  }
0x1b3: {  	_ =	swait.ge [sflag:s14], $0x1000  }
0x1b4: {  	[sflag:s14] =	ssyncset.done $0x0  }
0x1b5: {  	s16 =	simm.s32 $0x5;
	[sflag:s14] =	ssyncadd.s32 $0xFFFFF000  }
0x1b6: {  	_ =	swait.ge [sflag:s16], $0x20  }
0x1b7: {  	[sflag:s16] =	ssyncset.done $0x0  }
0x1b8: {  	[sflag:s16] =	ssyncadd.s32 $0xFFFFFFE0  }
0x1b9: {  	[spmem:s3] =	stream.indirect.scatter.add.f32 [tilespmem:s17], [sflag:$0x15], $0x80, s29, s0, $0xb8;
	[tilespmem:$0x1EC00] =	vst v63  }
0x1ba: {  	s17 =	simm.s32 $0xE  }
0x1bb: {  	_ =	swait.ge [sflag:s17], $0x1000  }
0x1bc: {  	[sflag:s17] =	ssyncset.done $0x0  }
0x1bd: {  	[sflag:s17] =	ssyncadd.s32 $0xFFFFF000  }
0x1be: {  	_ =	swait.ge [sflag:s21], $0x20  }
0x1bf: {  	[sflag:s21] =	ssyncset.done $0x0  }
0x1c0: {  	[sflag:s21] =	ssyncadd.s32 $0xFFFFFFE0  }
0x1c1: {  	[spmem:s3] =	stream.indirect.scatter.add.f32 [tilespmem:s18], [sflag:$0x16], $0x80, s30, s0, $0xb8;
	[tilespmem:$0x1EC00] =	vst v63  }
0x1c2: {  	_ =	swait.ge [sflag:s6], $0x1000  }
0x1c3: {  	[sflag:s6] =	ssyncset.done $0x0  }
0x1c4: {  	[sflag:s6] =	ssyncadd.s32 $0xFFFFF000  }
0x1c5: {  	_ =	swait.ge [sflag:s8], $0x20  }
0x1c6: {  	[sflag:s8] =	ssyncset.done $0x0  }
0x1c7: {  	[sflag:s8] =	ssyncadd.s32 $0xFFFFFFE0  }
0x1c8: {  	[spmem:s3] =	stream.indirect.scatter.add.f32 [tilespmem:s19], [sflag:$0x17], $0x80, s31, s0, $0xb8;
	[tilespmem:$0x1EC00] =	vst v63  }
0x1c9: {  	_ =	swait.ge [sflag:s9], $0x1000  }
0x1ca: {  	[sflag:s9] =	ssyncset.done $0x0  }
0x1cb: {  	[sflag:s9] =	ssyncadd.s32 $0xFFFFF000  }
0x1cc: {  	_ =	swait.ge [sflag:s10], $0x20  }
0x1cd: {  	[sflag:s10] =	ssyncset.done $0x0  }
0x1ce: {  	s18 =	simm.s32 $0x11;
	[sflag:s10] =	ssyncadd.s32 $0xFFFFFFE0  }
0x1cf: {  	[spmem:s3] =	stream.indirect.scatter.add.f32 [tilespmem:s7], [sflag:$0x18], $0x80, s15, s0, $0xb8;
	[tilespmem:$0x1EC00] =	vst v63  }
0x1d0: {  	_ =	swait.ge [sflag:s18], $0x1000  }
0x1d1: {  	[sflag:s18] =	ssyncset.done $0x0  }
0x1d2: {  	s19 =	simm.s32 $0x12;
	[sflag:s18] =	ssyncadd.s32 $0xFFFFF000  }
0x1d3: {  	_ =	swait.ge [sflag:s19], $0x1000  }
0x1d4: {  	[sflag:s19] =	ssyncset.done $0x0  }
0x1d5: {  	s20 =	simm.s32 $0x13;
	[sflag:s19] =	ssyncadd.s32 $0xFFFFF000  }
0x1d6: {  	_ =	swait.ge [sflag:s20], $0x1000  }
0x1d7: {  	[sflag:s20] =	ssyncset.done $0x0  }
0x1d8: {  	s22 =	simm.s32 $0x14;
	[sflag:s20] =	ssyncadd.s32 $0xFFFFF000  }
0x1d9: {  	_ =	swait.ge [sflag:s22], $0x1000  }
0x1da: {  	[sflag:s22] =	ssyncset.done $0x0  }
0x1db: {  	s23 =	simm.s32 $0x15;
	[sflag:s22] =	ssyncadd.s32 $0xFFFFF000  }
0x1dc: {  	_ =	swait.ge [sflag:s23], $0x1000  }
0x1dd: {  	[sflag:s23] =	ssyncset.done $0x0  }
0x1de: {  	s24 =	simm.s32 $0x16;
	[sflag:s23] =	ssyncadd.s32 $0xFFFFF000  }
0x1df: {  	_ =	swait.ge [sflag:s24], $0x1000  }
0x1e0: {  	[sflag:s24] =	ssyncset.done $0x0  }
0x1e1: {  	s25 =	simm.s32 $0x17;
	[sflag:s24] =	ssyncadd.s32 $0xFFFFF000  }
0x1e2: {  	_ =	swait.ge [sflag:s25], $0x1000  }
0x1e3: {  	[sflag:s25] =	ssyncset.done $0x0  }
0x1e4: {  	s26 =	simm.s32 $0x18;
	[sflag:s25] =	ssyncadd.s32 $0xFFFFF000  }
0x1e5: {  	_ =	swait.ge [sflag:s26], $0x1000  }
0x1e6: {  	[sflag:s26] =	ssyncset.done $0x0  }
0x1e7: {  	[sflag:s26] =	ssyncadd.s32 $0xFFFFF000  }
0x1e8: {  	s28 =	stileid.u32;
	[bflag:$0x0] =	sbarrier.arrive $0xFFFF  }
0x1e9: {  	s5 =	simm.s32 $0x1A;
	s1 =	sshll.u32 s28, $0x6;
	s11 =	rddreg [dreg:$0x16]  }
0x1ea: {  	s1 =	sor.u32 $0x1C1A, s1;
	s23 =	rddreg [dreg:$0x1f];
	s29 =	sshrl.u32 s11, $0x3  }
0x1eb: {  	[hbm:s23], [sflag:s1] =	dma.local [spmem:s29], $0x2800  }
0x1ec: {  	_ =	swait.ge [sflag:s5], $0x2800  }
0x1ed: {  	s30 =	sld [smem:$0x7F0]  }
0x1ee: {  	s31 =	sld [smem:$0x7F1];
	_ =	sdelay $0x1  }
0x1ef: {  	s7 =	sadd.s32 $0x1, s30  }
0x1f0: {  	p0 =	sne.s32 s7, s31  }
.Ltmp1:
0x1f1: {  	_ = 	snop;
	(pc) =	sbr.rel @p0 .LBB2_1-.Ltmp1, $3  }
0x1f2: {  	_ =	sdelay $0x1  }
0x1f3: {  	[sflag:s5] =	ssyncset.done $0x0  }
0x1f4: {  	[sflag:s5] =	ssyncadd.s32 $0xFFFFD800  }
0x1f5: {  	_ =	sfence.sel $0x180000  }
0x1f6: {  	[bflag:$0x0] =	sbarrier.arrive $0xFFFF  }
0x1f7: {  	_ =	strace $0x90000047  }
0x1f8: {  	s0 =	stileid.u32;
	[bflag:$0x2] =	sbarrier.arrive $0xFFFF  }
0x1f9: {  	p0 =	sne.s32 s0, $0x0;
	s0 =	rddreg [dreg:$0x3]  }
0x1fa: {  	s0 =	sadd.s32 @!p0 $0x100000, s0  }
0x1fb: {  	[sflag:s0] =	ssyncadd.tile.s32 @!p0 $0x1;
	_ =	shalt  }
.Lfunc_end2:
_tile_overlayer_lowered:
.L_overlay_start_2:
0x1fc: {  	(tag) =	ssettag $0x2  }
0x1fd: {  	s0 =	rddreg [dreg:$0x0];
	s2 =	stileid.u32  }
0x1fe: {  	s1 =	rddreg [dreg:$0x1];
	p0 =	sne.s32 s2, $0x0  }
0x1ff: {  	s3 =	rddreg [dreg:$0x2];
	[bflag:$0x3] =	sbarrier.arrive $0xFFFF;
	s2 =	simm.s32 @!p0 $0x1C1A  }
0x200: {  	[timem:s3], [sflag:s2] =	dma.local @!p0 [hbm:s0], s1  }
0x201: {  	s0 =	simm.s32 @!p0 $0x1A  }
0x202: {  	_ =	swait.ge @!p0 [sflag:s0], s1  }
0x203: {  	s1 =	ssub.s32 @!p0 $0x0, s1;
	[sflag:s0] =	ssyncset.done @!p0 $0x0  }
0x204: {  	[sflag:s0] =	ssyncadd.s32 @!p0 s1  }
0x205: {  	[bflag:$0x3] =	sbarrier.arrive $0xFFFF  }
0x206: {  	_ =	shalt  }

</sc_bundles>
